<compile_context>
chip_gen: v7x
topology: tpu7x:2x2x1
jax: 0.10.2.dev20260603
libtpu: 0.0.44.dev20260713+nightly
codegen_flags: <defaults>
</compile_context>

<pallas_src>
import functools

import jax
import jax.numpy as jnp
from jax import lax
from jax.experimental import pallas as pl
from jax.experimental.pallas import tpu as pltpu
from jax.experimental.pallas import tpu_sc as plsc

N = 10000
E = 320000
D_IN = 128
DIM = 32
NUM_CLASSES = 40
BN_EPS = 1e-5

NUM_CORES = 2
NUM_SUBCORES = 16
NUM_WORKERS = NUM_CORES * NUM_SUBCORES

EB = 256
EROWS = E // EB
NBAT_FULL = 40
NBAT_LAST = EROWS - 31 * NBAT_FULL
ACC_ROWS = N + 112
ZROWS = ACC_ROWS // NUM_SUBCORES

NB = 2000



def _make_segsum():
    mesh = plsc.VectorSubcoreMesh(core_axis_name="c", subcore_axis_name="s")

    nbuf = 8

    @functools.partial(
        pl.kernel,
        out_type=jax.ShapeDtypeStruct((NUM_CORES, ACC_ROWS, DIM), jnp.float32),
        mesh=mesh,
        compiler_params=pltpu.CompilerParams(use_tc_tiling_on_sc=False),
        scratch_types=(
            [pltpu.VMEM((NBAT_FULL, EB), jnp.int32)] * 2
            + [pltpu.VMEM((EB, DIM), jnp.float32)] * nbuf
            + [pltpu.VMEM_SHARED((ACC_ROWS, DIM), jnp.float32)]
            + [pltpu.VMEM_SHARED((ACC_ROWS, DIM), jnp.float32)]
            + [pltpu.SemaphoreType.DMA] * (2 * nbuf)
        ),
    )
    def segsum(u_hbm, ei_hbm, out_hbm, src_v, dst_v, *rest):
        rows = rest[:nbuf]
        acc_sh = rest[nbuf]
        u_sh = rest[nbuf + 1]
        gs = rest[nbuf + 2:nbuf + 2 + nbuf]
        ss = rest[nbuf + 2 + nbuf:]
        cid = lax.axis_index("c")
        sid = lax.axis_index("s")
        wid = cid * NUM_SUBCORES + sid
        nbat = jnp.where(wid == NUM_WORKERS - 1, NBAT_LAST, NBAT_FULL)
        row_base = wid * NBAT_FULL

        pltpu.async_copy(u_hbm.at[pl.ds(sid * ZROWS, ZROWS)],
                         u_sh.at[pl.ds(sid * ZROWS, ZROWS)], gs[0])

        zb = rows[0]

        @pl.loop(0, EB)
        def _(r):
            zb[r, pl.ds(0, 16)] = jnp.zeros((16,), jnp.float32)
            zb[r, pl.ds(16, 16)] = jnp.zeros((16,), jnp.float32)

        @pl.when(wid == NUM_WORKERS - 1)
        def _():
            pltpu.sync_copy(ei_hbm.at[0].at[pl.ds(row_base, NBAT_LAST)],
                            src_v.at[pl.ds(0, NBAT_LAST)])
            pltpu.sync_copy(ei_hbm.at[1].at[pl.ds(row_base, NBAT_LAST)],
                            dst_v.at[pl.ds(0, NBAT_LAST)])

        @pl.when(wid != NUM_WORKERS - 1)
        def _():
            pltpu.sync_copy(ei_hbm.at[0].at[pl.ds(row_base, NBAT_FULL)], src_v)
            pltpu.sync_copy(ei_hbm.at[1].at[pl.ds(row_base, NBAT_FULL)], dst_v)

        for c in range(ZROWS // EB):
            pltpu.async_copy(zb, acc_sh.at[pl.ds(sid * ZROWS + c * EB, EB)],
                             ss[c])
        pltpu.async_copy(
            zb.at[pl.ds(0, ZROWS % EB)],
            acc_sh.at[pl.ds(sid * ZROWS + (ZROWS // EB) * EB, ZROWS % EB)],
            ss[ZROWS // EB])
        for c in range(ZROWS // EB):
            pltpu.make_async_copy(
                zb, acc_sh.at[pl.ds(sid * ZROWS + c * EB, EB)], ss[c]).wait()
        pltpu.make_async_copy(
            zb.at[pl.ds(0, ZROWS % EB)],
            acc_sh.at[pl.ds(sid * ZROWS + (ZROWS // EB) * EB, ZROWS % EB)],
            ss[ZROWS // EB]).wait()
        pltpu.make_async_copy(u_hbm.at[pl.ds(sid * ZROWS, ZROWS)],
                              u_sh.at[pl.ds(sid * ZROWS, ZROWS)], gs[0]).wait()
        plsc.subcore_barrier()

        def gather_start(j, b):
            pltpu.async_copy(u_sh.at[src_v.at[j]], rows[b], gs[b])

        def gather_wait(j, b):
            pltpu.make_async_copy(u_sh.at[src_v.at[j]], rows[b], gs[b]).wait()

        def scat_start(j, b):
            pltpu.async_copy(rows[b], acc_sh.at[dst_v.at[j]], ss[b], add=True)

        def scat_wait(j, b):
            pltpu.make_async_copy(rows[b], acc_sh.at[dst_v.at[j]],
                                  ss[b]).wait()

        nsteps = nbat // nbuf
        nring = nsteps * nbuf

        for b in range(nbuf // 2):
            gather_start(b, b)

        @pl.loop(0, nsteps)
        def _(p):
            j0 = p * nbuf
            for b in range(nbuf):
                j = j0 + b
                gather_wait(j, b)
                scat_start(j, b)
                jn = j + nbuf // 2
                bn = (b + nbuf // 2) % nbuf

                @pl.when(jn < nring)
                def _():
                    @pl.when(jn >= nbuf)
                    def _():
                        scat_wait(jn - nbuf, bn)

                    gather_start(jn, bn)

        for b in range(nbuf):
            last = (nsteps - 1) * nbuf + b
            scat_wait(last, b)

        @pl.when(nbat != NBAT_FULL)
        def _():
            for b in range(NBAT_LAST % nbuf):
                j = (NBAT_LAST // nbuf) * nbuf + b
                pltpu.sync_copy(u_sh.at[src_v.at[j]], rows[b])
                pltpu.sync_copy(rows[b], acc_sh.at[dst_v.at[j]], add=True)

        plsc.subcore_barrier()
        pltpu.sync_copy(acc_sh.at[pl.ds(sid * ZROWS, ZROWS)],
                        out_hbm.at[cid].at[pl.ds(sid * ZROWS, ZROWS)])

    return segsum


_segsum = _make_segsum()



def _proj_body(x_ref, w_ref, o_ref):
    o_ref[...] = jnp.dot(x_ref[...], w_ref[...],
                         preferred_element_type=jnp.float32)


def _proj(x, w):
    return pl.pallas_call(
        _proj_body,
        grid=(ACC_ROWS // NB + 1,),
        in_specs=[
            pl.BlockSpec((NB, D_IN), lambda i: (i, 0)),
            pl.BlockSpec((D_IN, DIM), lambda i: (0, 0)),
        ],
        out_specs=pl.BlockSpec((NB, DIM), lambda i: (i, 0)),
        out_shape=jax.ShapeDtypeStruct((ACC_ROWS, DIM), jnp.float32),
    )(x, w)


def _mid_body(u_ref, a0_ref, a1_ref, w1b_ref, w2a_ref, s_ref, o_ref):
    b1a = s_ref[0]
    b1b = s_ref[1]
    g1s = s_ref[2]
    be1 = s_ref[3]
    t = jnp.maximum(u_ref[...] + a0_ref[0] + a1_ref[0] + b1a, 0.0)
    h = jnp.dot(t, w1b_ref[...], preferred_element_type=jnp.float32) + b1b
    h = jnp.maximum(h, 0.0)
    h = h * g1s + be1
    o_ref[...] = jnp.dot(h, w2a_ref[...], preferred_element_type=jnp.float32)


def _mid(u, agg, w1b, w2a, scalars):
    return pl.pallas_call(
        _mid_body,
        grid=(ACC_ROWS // NB + 1,),
        in_specs=[
            pl.BlockSpec((NB, DIM), lambda i: (i, 0)),
            pl.BlockSpec((1, NB, DIM), lambda i: (0, i, 0)),
            pl.BlockSpec((1, NB, DIM), lambda i: (1, i, 0)),
            pl.BlockSpec((DIM, DIM), lambda i: (0, 0)),
            pl.BlockSpec((DIM, DIM), lambda i: (0, 0)),
            pl.BlockSpec((4, DIM), lambda i: (0, 0)),
        ],
        out_specs=pl.BlockSpec((NB, DIM), lambda i: (i, 0)),
        out_shape=jax.ShapeDtypeStruct((ACC_ROWS, DIM), jnp.float32),
    )(u, agg, agg, w1b, w2a, scalars)


def _final_body(v_ref, a0_ref, a1_ref, w2b_ref, wf1_ref, wf2_ref, s_ref,
                bf2_ref, o_ref):
    b2a = s_ref[0]
    b2b = s_ref[1]
    g2s = s_ref[2]
    be2 = s_ref[3]
    bf1 = s_ref[4]
    t = jnp.maximum(v_ref[...] + a0_ref[0] + a1_ref[0] + b2a, 0.0)
    h = jnp.dot(t, w2b_ref[...], preferred_element_type=jnp.float32) + b2b
    h = h * g2s + be2
    f = jnp.maximum(
        jnp.dot(h, wf1_ref[...], preferred_element_type=jnp.float32) + bf1,
        0.0)
    o = jnp.dot(f, wf2_ref[...], preferred_element_type=jnp.float32)
    o = o + bf2_ref[0]
    m = jnp.max(o, axis=1, keepdims=True)
    lse = m + jnp.log(jnp.sum(jnp.exp(o - m), axis=1, keepdims=True))
    o_ref[...] = o - lse


def _final(v, agg, w2b, wf1, wf2, scalars, bf2):
    return pl.pallas_call(
        _final_body,
        grid=(N // NB,),
        in_specs=[
            pl.BlockSpec((NB, DIM), lambda i: (i, 0)),
            pl.BlockSpec((1, NB, DIM), lambda i: (0, i, 0)),
            pl.BlockSpec((1, NB, DIM), lambda i: (1, i, 0)),
            pl.BlockSpec((DIM, DIM), lambda i: (0, 0)),
            pl.BlockSpec((DIM, DIM), lambda i: (0, 0)),
            pl.BlockSpec((DIM, NUM_CLASSES), lambda i: (0, 0)),
            pl.BlockSpec((5, DIM), lambda i: (0, 0)),
            pl.BlockSpec((1, NUM_CLASSES), lambda i: (0, 0)),
        ],
        out_specs=pl.BlockSpec((NB, NUM_CLASSES), lambda i: (i, 0)),
        out_shape=jax.ShapeDtypeStruct((N, NUM_CLASSES), jnp.float32),
    )(v, agg, agg, w2b, wf1, wf2, scalars, bf2)



def kernel(x, edge_index, W1a, b1a, W1b, b1b, g1, be1,
           W2a, b2a, W2b, b2b, g2, be2, Wf1, bf1, Wf2, bf2):
    ei = edge_index.astype(jnp.int32).reshape(2, EROWS, EB)

    inv = 1.0 / jnp.sqrt(1.0 + BN_EPS)
    bcast = lambda b: jnp.broadcast_to(b, (DIM,))
    scal1 = jnp.stack([bcast(b1a), bcast(b1b), bcast(g1) * inv, bcast(be1)])
    scal2 = jnp.stack([bcast(b2a), bcast(b2b), bcast(g2) * inv, bcast(be2),
                       bcast(bf1)])

    u = _proj(x, W1a)
    agg1 = _segsum(u, ei)
    v = _mid(u, agg1, W1b, W2a, scal1)
    agg2 = _segsum(v, ei)
    out = _final(v, agg2, W2b, Wf1, Wf2, scal2,
                 bf2.reshape(1, NUM_CLASSES))
    return out

# --- scband reference (transcript-rebuilt; emitter-appended) ---
"""Pipeline reference for scband-ginnet-7859790152295 (READ-ONLY COPY).

The authoritative reference and input builder live on the scoring server;
editing this copy changes nothing except your own understanding.
"""

import jax, jax.numpy as jnp
import numpy as np

N = 10000
E = 320000
D_IN = 128
DIM = 32
NUM_CLASSES = 40
BN_EPS = 1e-5


def setup_inputs(seed: int = 0) -> dict:
    key = jax.random.key(seed)
    ks = jax.random.split(key, 20)
    x = jax.random.normal(ks[0], (N, D_IN), dtype=jnp.float32)
    edge_index = jax.random.randint(ks[1], (2, E), 0, N, dtype=jnp.int64)
    p = lambda k, shape: jax.random.normal(k, shape, dtype=jnp.float32) * 0.1
    return {
        "x": x,
        "edge_index": edge_index,
        "W1a": p(ks[2], (D_IN, DIM)), "b1a": jnp.zeros((DIM,), jnp.float32),
        "W1b": p(ks[3], (DIM, DIM)), "b1b": jnp.zeros((DIM,), jnp.float32),
        "g1": jnp.ones((DIM,), jnp.float32), "be1": jnp.zeros((DIM,), jnp.float32),
        "W2a": p(ks[4], (DIM, DIM)), "b2a": jnp.zeros((DIM,), jnp.float32),
        "W2b": p(ks[5], (DIM, DIM)), "b2b": jnp.zeros((DIM,), jnp.float32),
        "g2": jnp.ones((DIM,), jnp.float32), "be2": jnp.zeros((DIM,), jnp.float32),
        "Wf1": p(ks[6], (DIM, DIM)), "bf1": jnp.zeros((DIM,), jnp.float32),
        "Wf2": p(ks[7], (DIM, NUM_CLASSES)), "bf2": jnp.zeros((NUM_CLASSES,), jnp.float32),
    }


def _gin_conv(x, edge_index, Wa, ba, Wb, bb):
    # GINConv (eps=0): out = nn(x + sum_{j in N(i)} x_j)
    src = edge_index[0]
    dst = edge_index[1]
    msg = jnp.take(x, src, axis=0)
    agg = jax.ops.segment_sum(msg, dst, num_segments=x.shape[0])
    h = x + agg
    h = jnp.maximum(h @ Wa + ba, 0.0)
    h = h @ Wb + bb
    return h


def _bn_eval(h, gamma, beta):
    # eval-mode BatchNorm1d with running_mean=0, running_var=1
    return gamma * h / jnp.sqrt(1.0 + BN_EPS) + beta


def reference(x, edge_index, W1a, b1a, W1b, b1b, g1, be1, W2a, b2a, W2b, b2b, g2, be2, Wf1, bf1, Wf2, bf2):
    h = jnp.maximum(_gin_conv(x, edge_index, W1a, b1a, W1b, b1b), 0.0)
    h = _bn_eval(h, g1, be1)  # dropout is identity in eval
    h = _gin_conv(h, edge_index, W2a, b2a, W2b, b2b)
    h = _bn_eval(h, g2, be2)
    h = jnp.maximum(h @ Wf1 + bf1, 0.0)
    h = h @ Wf2 + bf2
    return jax.nn.log_softmax(h, axis=1)

if __name__ == "__main__":
    import jax
    _d = setup_inputs()
    print(jax.jit(kernel)(*tuple(_d.values())))

</pallas_src>

<mosaic_0001>
#map = affine_map<(d0, d1) -> (0, 0)>
#map1 = affine_map<(d0, d1) -> (0, 0, 0)>
module attributes {stable_mosaic.version = 14 : i64} {
  func.func @segsum(%arg0: i32, %arg1: i32, %arg2: memref<10112x32xf32, #tpu.memory_space<hbm>>, %arg3: memref<2x1250x256xi32, #tpu.memory_space<hbm>>, %arg4: memref<2x10112x32xf32, #tpu.memory_space<hbm>>, %arg5: memref<40x256xi32, #tpu.memory_space<vmem>>, %arg6: memref<40x256xi32, #tpu.memory_space<vmem>>, %arg7: memref<256x32xf32, #tpu.memory_space<vmem>>, %arg8: memref<256x32xf32, #tpu.memory_space<vmem>>, %arg9: memref<256x32xf32, #tpu.memory_space<vmem>>, %arg10: memref<256x32xf32, #tpu.memory_space<vmem>>, %arg11: memref<256x32xf32, #tpu.memory_space<vmem>>, %arg12: memref<256x32xf32, #tpu.memory_space<vmem>>, %arg13: memref<256x32xf32, #tpu.memory_space<vmem>>, %arg14: memref<256x32xf32, #tpu.memory_space<vmem>>, %arg15: memref<10112x32xf32, #tpu.memory_space<vmem_shared>>, %arg16: memref<10112x32xf32, #tpu.memory_space<vmem_shared>>, %arg17: memref<!tpu.dma_semaphore, #tpu.memory_space<semaphore_mem>>, %arg18: memref<!tpu.dma_semaphore, #tpu.memory_space<semaphore_mem>>, %arg19: memref<!tpu.dma_semaphore, #tpu.memory_space<semaphore_mem>>, %arg20: memref<!tpu.dma_semaphore, #tpu.memory_space<semaphore_mem>>, %arg21: memref<!tpu.dma_semaphore, #tpu.memory_space<semaphore_mem>>, %arg22: memref<!tpu.dma_semaphore, #tpu.memory_space<semaphore_mem>>, %arg23: memref<!tpu.dma_semaphore, #tpu.memory_space<semaphore_mem>>, %arg24: memref<!tpu.dma_semaphore, #tpu.memory_space<semaphore_mem>>, %arg25: memref<!tpu.dma_semaphore, #tpu.memory_space<semaphore_mem>>, %arg26: memref<!tpu.dma_semaphore, #tpu.memory_space<semaphore_mem>>, %arg27: memref<!tpu.dma_semaphore, #tpu.memory_space<semaphore_mem>>, %arg28: memref<!tpu.dma_semaphore, #tpu.memory_space<semaphore_mem>>, %arg29: memref<!tpu.dma_semaphore, #tpu.memory_space<semaphore_mem>>, %arg30: memref<!tpu.dma_semaphore, #tpu.memory_space<semaphore_mem>>, %arg31: memref<!tpu.dma_semaphore, #tpu.memory_space<semaphore_mem>>, %arg32: memref<!tpu.dma_semaphore, #tpu.memory_space<semaphore_mem>>) attributes {dimension_semantics = [#tpu.dimension_semantics<core_parallel>, #tpu.dimension_semantics<subcore_parallel>], iteration_bounds = array<i64: 2, 16>, scalar_prefetch = 0 : i64, scratch_operands = 28 : i64, tpu.core_type = #tpu.core_type<sc_vector_subcore>, window_params = [{transform_indices = #map}, {transform_indices = #map1}, {transform_indices = #map1}]} {
    %mul3A = arith.constant 16 : i32
    %mul3A_0 = arith.muli %arg0, %mul3A : i32
    %add3A = arith.addi %mul3A_0, %arg1 : i32
    %eq3A = arith.constant 31 : i32
    %eq3A_1 = arith.cmpi eq, %add3A, %eq3A : i32
    %jit3A = arith.constant 10 : i32
    %jit3A_2 = arith.constant 40 : i32
    %select_n3A = arith.select %eq3A_1, %jit3A, %jit3A_2 : i32
    %mul3A_3 = arith.constant 40 : i32
    %mul3A_4 = arith.muli %add3A, %mul3A_3 : i32
    %mul3A_5 = arith.constant 632 : i32
    %mul3A_6 = arith.muli %arg1, %mul3A_5 : i32
    %mul3A_7 = arith.constant 632 : i32
    %mul3A_8 = arith.muli %arg1, %mul3A_7 : i32
    %dma_start3A = arith.constant 0 : i32
    %dma_start3A_9 = tpu.memref_slice %arg16[%mul3A_8, %dma_start3A] : memref<10112x32xf32, #tpu.memory_space<vmem_shared>> -> memref<632x32xf32, #tpu.memory_space<vmem_shared>>
    %dma_start3A_10 = arith.constant 0 : i32
    %dma_start3A_11 = tpu.memref_slice %arg2[%mul3A_6, %dma_start3A_10] : memref<10112x32xf32, #tpu.memory_space<hbm>> -> memref<632x32xf32, #tpu.memory_space<hbm>>
    tpu.enqueue_dma source(%dma_start3A_11 : memref<632x32xf32, #tpu.memory_space<hbm>>) target(%dma_start3A_9 : memref<632x32xf32, #tpu.memory_space<vmem_shared>>) target_semaphore(%arg17 : memref<!tpu.dma_semaphore, #tpu.memory_space<semaphore_mem>>)
    %scan3A = arith.constant 0 : i32
    %scan3A_12 = arith.constant 256 : i32
    %scan3A_13 = arith.addi %scan3A, %scan3A_12 : i32
    %scan3A_14 = arith.constant 1 : i32
    scf.for %scan3A_263 = %scan3A to %scan3A_13 step %scan3A_14  : i32 {
      %mul3A_264 = arith.constant 1 : i32
      %mul3A_265 = arith.muli %scan3A_263, %mul3A_264 : i32
      %add3A_266 = arith.constant 0 : i32
      %add3A_267 = arith.addi %add3A_266, %mul3A_265 : i32
      %broadcast_in_dim3A = arith.constant 0.000000e+00 : f32
      %broadcast_in_dim3A_268 = vector.broadcast %broadcast_in_dim3A : f32 to vector<16xf32>
      %swap3A = arith.index_cast %add3A_267 : i32 to index
      %swap3A_269 = arith.constant 0 : index
      %swap3A_270 = tpu.vector_load %arg7[%swap3A, %swap3A_269] {strides = array<i32>} : memref<256x32xf32, #tpu.memory_space<vmem>>, vector<1x16xf32>,
      %swap3A_271 = vector.shape_cast %swap3A_270 : vector<1x16xf32> to vector<16xf32>
      %swap3A_272 = vector.shape_cast %broadcast_in_dim3A_268 : vector<16xf32> to vector<1x16xf32>
      tpu.vector_store %arg7[%swap3A, %swap3A_269], %swap3A_272 {strides = array<i32>} : memref<256x32xf32, #tpu.memory_space<vmem>>, vector<1x16xf32>,
      %broadcast_in_dim3A_273 = arith.constant 0.000000e+00 : f32
      %broadcast_in_dim3A_274 = vector.broadcast %broadcast_in_dim3A_273 : f32 to vector<16xf32>
      %swap3A_275 = arith.index_cast %add3A_267 : i32 to index
      %swap3A_276 = arith.constant 16 : index
      %swap3A_277 = tpu.vector_load %arg7[%swap3A_275, %swap3A_276] {strides = array<i32>} : memref<256x32xf32, #tpu.memory_space<vmem>>, vector<1x16xf32>,
      %swap3A_278 = vector.shape_cast %swap3A_277 : vector<1x16xf32> to vector<16xf32>
      %swap3A_279 = vector.shape_cast %broadcast_in_dim3A_274 : vector<16xf32> to vector<1x16xf32>
      tpu.vector_store %arg7[%swap3A_275, %swap3A_276], %swap3A_279 {strides = array<i32>} : memref<256x32xf32, #tpu.memory_space<vmem>>, vector<1x16xf32>,
    }
    %scan3A_15 = arith.constant 256 : i32
    %eq3A_16 = arith.constant 31 : i32
    %eq3A_17 = arith.cmpi eq, %add3A, %eq3A_16 : i32
    %convert_element_type3A = arith.extui %eq3A_17 : i1 to i32
    %cond3A = arith.constant 0 : i32
    %cond3A_18 = arith.cmpi ne, %convert_element_type3A, %cond3A : i32
    scf.if %cond3A_18 {
      %run_scoped3A = arith.constant 0 : i32
      "tpu.region"() ({
        %run_scoped3A_264 = tpu.sem_alloc : memref<!tpu.dma_semaphore, #tpu.memory_space<semaphore_mem>>
        %dma_start3A_265 = arith.constant 0 : i32
        %dma_start3A_266 = arith.constant 0 : i32
        %dma_start3A_267 = tpu.memref_slice %arg5[%dma_start3A_265, %dma_start3A_266] : memref<40x256xi32, #tpu.memory_space<vmem>> -> memref<10x256xi32, #tpu.memory_space<vmem>>
        %dma_start3A_268 = arith.constant 0 : i32
        %dma_start3A_269 = arith.constant 0 : i32
        %dma_start3A_270 = tpu.memref_slice %arg3[%run_scoped3A, %dma_start3A_268, %dma_start3A_269] : memref<2x1250x256xi32, #tpu.memory_space<hbm>> -> memref<1x1250x256xi32, #tpu.memory_space<hbm>>
        %dma_start3A_271 = tpu.memref_squeeze %dma_start3A_270 : memref<1x1250x256xi32, #tpu.memory_space<hbm>> -> memref<1250x256xi32, #tpu.memory_space<hbm>>
        %dma_start3A_272 = arith.constant 0 : i32
        %dma_start3A_273 = tpu.memref_slice %dma_start3A_271[%mul3A_4, %dma_start3A_272] : memref<1250x256xi32, #tpu.memory_space<hbm>> -> memref<10x256xi32, #tpu.memory_space<hbm>>
        %dma_start3A_274 = arith.constant 0 : i32
        %dma_start3A_275 = arith.constant 0 : i32
        %dma_start3A_276 = tpu.memref_slice %arg5[%dma_start3A_274, %dma_start3A_275] : memref<40x256xi32, #tpu.memory_space<vmem>> -> memref<10x256xi32, #tpu.memory_space<vmem>>
        %dma_start3A_277 = arith.constant 0 : i32
        %dma_start3A_278 = arith.constant 0 : i32
        %dma_start3A_279 = tpu.memref_slice %arg3[%run_scoped3A, %dma_start3A_277, %dma_start3A_278] : memref<2x1250x256xi32, #tpu.memory_space<hbm>> -> memref<1x1250x256xi32, #tpu.memory_space<hbm>>
        %dma_start3A_280 = tpu.memref_squeeze %dma_start3A_279 : memref<1x1250x256xi32, #tpu.memory_space<hbm>> -> memref<1250x256xi32, #tpu.memory_space<hbm>>
        %dma_start3A_281 = arith.constant 0 : i32
        %dma_start3A_282 = tpu.memref_slice %dma_start3A_280[%mul3A_4, %dma_start3A_281] : memref<1250x256xi32, #tpu.memory_space<hbm>> -> memref<10x256xi32, #tpu.memory_space<hbm>>
        tpu.enqueue_dma source(%dma_start3A_282 : memref<10x256xi32, #tpu.memory_space<hbm>>) target(%dma_start3A_276 : memref<10x256xi32, #tpu.memory_space<vmem>>) target_semaphore(%run_scoped3A_264 : memref<!tpu.dma_semaphore, #tpu.memory_space<semaphore_mem>>)
        %dma_wait3A_283 = arith.constant 0 : i32
        %dma_wait3A_284 = arith.constant 0 : i32
        %dma_wait3A_285 = tpu.memref_slice %arg5[%dma_wait3A_283, %dma_wait3A_284] : memref<40x256xi32, #tpu.memory_space<vmem>> -> memref<10x256xi32, #tpu.memory_space<vmem>>
        %dma_wait3A_286 = arith.constant 0 : i32
        %dma_wait3A_287 = arith.constant 0 : i32
        %dma_wait3A_288 = tpu.memref_slice %arg3[%run_scoped3A, %dma_wait3A_286, %dma_wait3A_287] : memref<2x1250x256xi32, #tpu.memory_space<hbm>> -> memref<1x1250x256xi32, #tpu.memory_space<hbm>>
        %dma_wait3A_289 = tpu.memref_squeeze %dma_wait3A_288 : memref<1x1250x256xi32, #tpu.memory_space<hbm>> -> memref<1250x256xi32, #tpu.memory_space<hbm>>
        %dma_wait3A_290 = arith.constant 0 : i32
        %dma_wait3A_291 = tpu.memref_slice %dma_wait3A_289[%mul3A_4, %dma_wait3A_290] : memref<1250x256xi32, #tpu.memory_space<hbm>> -> memref<10x256xi32, #tpu.memory_space<hbm>>
        %dma_wait3A_292 = arith.constant 0 : i32
        %dma_wait3A_293 = arith.constant 0 : i32
        %dma_wait3A_294 = tpu.memref_slice %arg5[%dma_wait3A_292, %dma_wait3A_293] : memref<40x256xi32, #tpu.memory_space<vmem>> -> memref<10x256xi32, #tpu.memory_space<vmem>>
        %dma_wait3A_295 = arith.constant 0 : i32
        %dma_wait3A_296 = arith.constant 0 : i32
        %dma_wait3A_297 = tpu.memref_slice %arg3[%run_scoped3A, %dma_wait3A_295, %dma_wait3A_296] : memref<2x1250x256xi32, #tpu.memory_space<hbm>> -> memref<1x1250x256xi32, #tpu.memory_space<hbm>>
        %dma_wait3A_298 = tpu.memref_squeeze %dma_wait3A_297 : memref<1x1250x256xi32, #tpu.memory_space<hbm>> -> memref<1250x256xi32, #tpu.memory_space<hbm>>
        %dma_wait3A_299 = arith.constant 0 : i32
        %dma_wait3A_300 = tpu.memref_slice %dma_wait3A_298[%mul3A_4, %dma_wait3A_299] : memref<1250x256xi32, #tpu.memory_space<hbm>> -> memref<10x256xi32, #tpu.memory_space<hbm>>
        tpu.wait_dma2 semaphore(%run_scoped3A_264 : memref<!tpu.dma_semaphore, #tpu.memory_space<semaphore_mem>>) src(%dma_wait3A_300 : memref<10x256xi32, #tpu.memory_space<hbm>>) dst(%dma_wait3A_294 : memref<10x256xi32, #tpu.memory_space<vmem>>)
        tpu.yield
      }) : () -> ()
      %run_scoped3A_263 = arith.constant 1 : i32
      "tpu.region"() ({
        %run_scoped3A_264 = tpu.sem_alloc : memref<!tpu.dma_semaphore, #tpu.memory_space<semaphore_mem>>
        %dma_start3A_265 = arith.constant 0 : i32
        %dma_start3A_266 = arith.constant 0 : i32
        %dma_start3A_267 = tpu.memref_slice %arg6[%dma_start3A_265, %dma_start3A_266] : memref<40x256xi32, #tpu.memory_space<vmem>> -> memref<10x256xi32, #tpu.memory_space<vmem>>
        %dma_start3A_268 = arith.constant 0 : i32
        %dma_start3A_269 = arith.constant 0 : i32
        %dma_start3A_270 = tpu.memref_slice %arg3[%run_scoped3A_263, %dma_start3A_268, %dma_start3A_269] : memref<2x1250x256xi32, #tpu.memory_space<hbm>> -> memref<1x1250x256xi32, #tpu.memory_space<hbm>>
        %dma_start3A_271 = tpu.memref_squeeze %dma_start3A_270 : memref<1x1250x256xi32, #tpu.memory_space<hbm>> -> memref<1250x256xi32, #tpu.memory_space<hbm>>
        %dma_start3A_272 = arith.constant 0 : i32
        %dma_start3A_273 = tpu.memref_slice %dma_start3A_271[%mul3A_4, %dma_start3A_272] : memref<1250x256xi32, #tpu.memory_space<hbm>> -> memref<10x256xi32, #tpu.memory_space<hbm>>
        %dma_start3A_274 = arith.constant 0 : i32
        %dma_start3A_275 = arith.constant 0 : i32
        %dma_start3A_276 = tpu.memref_slice %arg6[%dma_start3A_274, %dma_start3A_275] : memref<40x256xi32, #tpu.memory_space<vmem>> -> memref<10x256xi32, #tpu.memory_space<vmem>>
        %dma_start3A_277 = arith.constant 0 : i32
        %dma_start3A_278 = arith.constant 0 : i32
        %dma_start3A_279 = tpu.memref_slice %arg3[%run_scoped3A_263, %dma_start3A_277, %dma_start3A_278] : memref<2x1250x256xi32, #tpu.memory_space<hbm>> -> memref<1x1250x256xi32, #tpu.memory_space<hbm>>
        %dma_start3A_280 = tpu.memref_squeeze %dma_start3A_279 : memref<1x1250x256xi32, #tpu.memory_space<hbm>> -> memref<1250x256xi32, #tpu.memory_space<hbm>>
        %dma_start3A_281 = arith.constant 0 : i32
        %dma_start3A_282 = tpu.memref_slice %dma_start3A_280[%mul3A_4, %dma_start3A_281] : memref<1250x256xi32, #tpu.memory_space<hbm>> -> memref<10x256xi32, #tpu.memory_space<hbm>>
        tpu.enqueue_dma source(%dma_start3A_282 : memref<10x256xi32, #tpu.memory_space<hbm>>) target(%dma_start3A_276 : memref<10x256xi32, #tpu.memory_space<vmem>>) target_semaphore(%run_scoped3A_264 : memref<!tpu.dma_semaphore, #tpu.memory_space<semaphore_mem>>)
        %dma_wait3A_283 = arith.constant 0 : i32
        %dma_wait3A_284 = arith.constant 0 : i32
        %dma_wait3A_285 = tpu.memref_slice %arg6[%dma_wait3A_283, %dma_wait3A_284] : memref<40x256xi32, #tpu.memory_space<vmem>> -> memref<10x256xi32, #tpu.memory_space<vmem>>
        %dma_wait3A_286 = arith.constant 0 : i32
        %dma_wait3A_287 = arith.constant 0 : i32
        %dma_wait3A_288 = tpu.memref_slice %arg3[%run_scoped3A_263, %dma_wait3A_286, %dma_wait3A_287] : memref<2x1250x256xi32, #tpu.memory_space<hbm>> -> memref<1x1250x256xi32, #tpu.memory_space<hbm>>
        %dma_wait3A_289 = tpu.memref_squeeze %dma_wait3A_288 : memref<1x1250x256xi32, #tpu.memory_space<hbm>> -> memref<1250x256xi32, #tpu.memory_space<hbm>>
        %dma_wait3A_290 = arith.constant 0 : i32
        %dma_wait3A_291 = tpu.memref_slice %dma_wait3A_289[%mul3A_4, %dma_wait3A_290] : memref<1250x256xi32, #tpu.memory_space<hbm>> -> memref<10x256xi32, #tpu.memory_space<hbm>>
        %dma_wait3A_292 = arith.constant 0 : i32
        %dma_wait3A_293 = arith.constant 0 : i32
        %dma_wait3A_294 = tpu.memref_slice %arg6[%dma_wait3A_292, %dma_wait3A_293] : memref<40x256xi32, #tpu.memory_space<vmem>> -> memref<10x256xi32, #tpu.memory_space<vmem>>
        %dma_wait3A_295 = arith.constant 0 : i32
        %dma_wait3A_296 = arith.constant 0 : i32
        %dma_wait3A_297 = tpu.memref_slice %arg3[%run_scoped3A_263, %dma_wait3A_295, %dma_wait3A_296] : memref<2x1250x256xi32, #tpu.memory_space<hbm>> -> memref<1x1250x256xi32, #tpu.memory_space<hbm>>
        %dma_wait3A_298 = tpu.memref_squeeze %dma_wait3A_297 : memref<1x1250x256xi32, #tpu.memory_space<hbm>> -> memref<1250x256xi32, #tpu.memory_space<hbm>>
        %dma_wait3A_299 = arith.constant 0 : i32
        %dma_wait3A_300 = tpu.memref_slice %dma_wait3A_298[%mul3A_4, %dma_wait3A_299] : memref<1250x256xi32, #tpu.memory_space<hbm>> -> memref<10x256xi32, #tpu.memory_space<hbm>>
        tpu.wait_dma2 semaphore(%run_scoped3A_264 : memref<!tpu.dma_semaphore, #tpu.memory_space<semaphore_mem>>) src(%dma_wait3A_300 : memref<10x256xi32, #tpu.memory_space<hbm>>) dst(%dma_wait3A_294 : memref<10x256xi32, #tpu.memory_space<vmem>>)
        tpu.yield
      }) : () -> ()
    } else {
    }
    %ne3A = arith.constant 31 : i32
    %ne3A_19 = arith.cmpi ne, %add3A, %ne3A : i32
    %convert_element_type3A_20 = arith.extui %ne3A_19 : i1 to i32
    %cond3A_21 = arith.constant 0 : i32
    %cond3A_22 = arith.cmpi ne, %convert_element_type3A_20, %cond3A_21 : i32
    scf.if %cond3A_22 {
      %run_scoped3A = arith.constant 0 : i32
      "tpu.region"() ({
        %run_scoped3A_264 = tpu.sem_alloc : memref<!tpu.dma_semaphore, #tpu.memory_space<semaphore_mem>>
        %dma_start3A_265 = arith.constant 0 : i32
        %dma_start3A_266 = arith.constant 0 : i32
        %dma_start3A_267 = tpu.memref_slice %arg3[%run_scoped3A, %dma_start3A_265, %dma_start3A_266] : memref<2x1250x256xi32, #tpu.memory_space<hbm>> -> memref<1x1250x256xi32, #tpu.memory_space<hbm>>
        %dma_start3A_268 = tpu.memref_squeeze %dma_start3A_267 : memref<1x1250x256xi32, #tpu.memory_space<hbm>> -> memref<1250x256xi32, #tpu.memory_space<hbm>>
        %dma_start3A_269 = arith.constant 0 : i32
        %dma_start3A_270 = tpu.memref_slice %dma_start3A_268[%mul3A_4, %dma_start3A_269] : memref<1250x256xi32, #tpu.memory_space<hbm>> -> memref<40x256xi32, #tpu.memory_space<hbm>>
        %dma_start3A_271 = arith.constant 0 : i32
        %dma_start3A_272 = arith.constant 0 : i32
        %dma_start3A_273 = tpu.memref_slice %arg3[%run_scoped3A, %dma_start3A_271, %dma_start3A_272] : memref<2x1250x256xi32, #tpu.memory_space<hbm>> -> memref<1x1250x256xi32, #tpu.memory_space<hbm>>
        %dma_start3A_274 = tpu.memref_squeeze %dma_start3A_273 : memref<1x1250x256xi32, #tpu.memory_space<hbm>> -> memref<1250x256xi32, #tpu.memory_space<hbm>>
        %dma_start3A_275 = arith.constant 0 : i32
        %dma_start3A_276 = tpu.memref_slice %dma_start3A_274[%mul3A_4, %dma_start3A_275] : memref<1250x256xi32, #tpu.memory_space<hbm>> -> memref<40x256xi32, #tpu.memory_space<hbm>>
        tpu.enqueue_dma source(%dma_start3A_276 : memref<40x256xi32, #tpu.memory_space<hbm>>) target(%arg5 : memref<40x256xi32, #tpu.memory_space<vmem>>) target_semaphore(%run_scoped3A_264 : memref<!tpu.dma_semaphore, #tpu.memory_space<semaphore_mem>>)
        %dma_wait3A_277 = arith.constant 0 : i32
        %dma_wait3A_278 = arith.constant 0 : i32
        %dma_wait3A_279 = tpu.memref_slice %arg3[%run_scoped3A, %dma_wait3A_277, %dma_wait3A_278] : memref<2x1250x256xi32, #tpu.memory_space<hbm>> -> memref<1x1250x256xi32, #tpu.memory_space<hbm>>
        %dma_wait3A_280 = tpu.memref_squeeze %dma_wait3A_279 : memref<1x1250x256xi32, #tpu.memory_space<hbm>> -> memref<1250x256xi32, #tpu.memory_space<hbm>>
        %dma_wait3A_281 = arith.constant 0 : i32
        %dma_wait3A_282 = tpu.memref_slice %dma_wait3A_280[%mul3A_4, %dma_wait3A_281] : memref<1250x256xi32, #tpu.memory_space<hbm>> -> memref<40x256xi32, #tpu.memory_space<hbm>>
        %dma_wait3A_283 = arith.constant 0 : i32
        %dma_wait3A_284 = arith.constant 0 : i32
        %dma_wait3A_285 = tpu.memref_slice %arg3[%run_scoped3A, %dma_wait3A_283, %dma_wait3A_284] : memref<2x1250x256xi32, #tpu.memory_space<hbm>> -> memref<1x1250x256xi32, #tpu.memory_space<hbm>>
        %dma_wait3A_286 = tpu.memref_squeeze %dma_wait3A_285 : memref<1x1250x256xi32, #tpu.memory_space<hbm>> -> memref<1250x256xi32, #tpu.memory_space<hbm>>
        %dma_wait3A_287 = arith.constant 0 : i32
        %dma_wait3A_288 = tpu.memref_slice %dma_wait3A_286[%mul3A_4, %dma_wait3A_287] : memref<1250x256xi32, #tpu.memory_space<hbm>> -> memref<40x256xi32, #tpu.memory_space<hbm>>
        tpu.wait_dma2 semaphore(%run_scoped3A_264 : memref<!tpu.dma_semaphore, #tpu.memory_space<semaphore_mem>>) src(%dma_wait3A_288 : memref<40x256xi32, #tpu.memory_space<hbm>>) dst(%arg5 : memref<40x256xi32, #tpu.memory_space<vmem>>)
        tpu.yield
      }) : () -> ()
      %run_scoped3A_263 = arith.constant 1 : i32
      "tpu.region"() ({
        %run_scoped3A_264 = tpu.sem_alloc : memref<!tpu.dma_semaphore, #tpu.memory_space<semaphore_mem>>
        %dma_start3A_265 = arith.constant 0 : i32
        %dma_start3A_266 = arith.constant 0 : i32
        %dma_start3A_267 = tpu.memref_slice %arg3[%run_scoped3A_263, %dma_start3A_265, %dma_start3A_266] : memref<2x1250x256xi32, #tpu.memory_space<hbm>> -> memref<1x1250x256xi32, #tpu.memory_space<hbm>>
        %dma_start3A_268 = tpu.memref_squeeze %dma_start3A_267 : memref<1x1250x256xi32, #tpu.memory_space<hbm>> -> memref<1250x256xi32, #tpu.memory_space<hbm>>
        %dma_start3A_269 = arith.constant 0 : i32
        %dma_start3A_270 = tpu.memref_slice %dma_start3A_268[%mul3A_4, %dma_start3A_269] : memref<1250x256xi32, #tpu.memory_space<hbm>> -> memref<40x256xi32, #tpu.memory_space<hbm>>
        %dma_start3A_271 = arith.constant 0 : i32
        %dma_start3A_272 = arith.constant 0 : i32
        %dma_start3A_273 = tpu.memref_slice %arg3[%run_scoped3A_263, %dma_start3A_271, %dma_start3A_272] : memref<2x1250x256xi32, #tpu.memory_space<hbm>> -> memref<1x1250x256xi32, #tpu.memory_space<hbm>>
        %dma_start3A_274 = tpu.memref_squeeze %dma_start3A_273 : memref<1x1250x256xi32, #tpu.memory_space<hbm>> -> memref<1250x256xi32, #tpu.memory_space<hbm>>
        %dma_start3A_275 = arith.constant 0 : i32
        %dma_start3A_276 = tpu.memref_slice %dma_start3A_274[%mul3A_4, %dma_start3A_275] : memref<1250x256xi32, #tpu.memory_space<hbm>> -> memref<40x256xi32, #tpu.memory_space<hbm>>
        tpu.enqueue_dma source(%dma_start3A_276 : memref<40x256xi32, #tpu.memory_space<hbm>>) target(%arg6 : memref<40x256xi32, #tpu.memory_space<vmem>>) target_semaphore(%run_scoped3A_264 : memref<!tpu.dma_semaphore, #tpu.memory_space<semaphore_mem>>)
        %dma_wait3A_277 = arith.constant 0 : i32
        %dma_wait3A_278 = arith.constant 0 : i32
        %dma_wait3A_279 = tpu.memref_slice %arg3[%run_scoped3A_263, %dma_wait3A_277, %dma_wait3A_278] : memref<2x1250x256xi32, #tpu.memory_space<hbm>> -> memref<1x1250x256xi32, #tpu.memory_space<hbm>>
        %dma_wait3A_280 = tpu.memref_squeeze %dma_wait3A_279 : memref<1x1250x256xi32, #tpu.memory_space<hbm>> -> memref<1250x256xi32, #tpu.memory_space<hbm>>
        %dma_wait3A_281 = arith.constant 0 : i32
        %dma_wait3A_282 = tpu.memref_slice %dma_wait3A_280[%mul3A_4, %dma_wait3A_281] : memref<1250x256xi32, #tpu.memory_space<hbm>> -> memref<40x256xi32, #tpu.memory_space<hbm>>
        %dma_wait3A_283 = arith.constant 0 : i32
        %dma_wait3A_284 = arith.constant 0 : i32
        %dma_wait3A_285 = tpu.memref_slice %arg3[%run_scoped3A_263, %dma_wait3A_283, %dma_wait3A_284] : memref<2x1250x256xi32, #tpu.memory_space<hbm>> -> memref<1x1250x256xi32, #tpu.memory_space<hbm>>
        %dma_wait3A_286 = tpu.memref_squeeze %dma_wait3A_285 : memref<1x1250x256xi32, #tpu.memory_space<hbm>> -> memref<1250x256xi32, #tpu.memory_space<hbm>>
        %dma_wait3A_287 = arith.constant 0 : i32
        %dma_wait3A_288 = tpu.memref_slice %dma_wait3A_286[%mul3A_4, %dma_wait3A_287] : memref<1250x256xi32, #tpu.memory_space<hbm>> -> memref<40x256xi32, #tpu.memory_space<hbm>>
        tpu.wait_dma2 semaphore(%run_scoped3A_264 : memref<!tpu.dma_semaphore, #tpu.memory_space<semaphore_mem>>) src(%dma_wait3A_288 : memref<40x256xi32, #tpu.memory_space<hbm>>) dst(%arg6 : memref<40x256xi32, #tpu.memory_space<vmem>>)
        tpu.yield
      }) : () -> ()
    } else {
    }
    %mul3A_23 = arith.constant 632 : i32
    %mul3A_24 = arith.muli %arg1, %mul3A_23 : i32
    %add3A_25 = arith.constant 0 : i32
    %add3A_26 = arith.addi %mul3A_24, %add3A_25 : i32
    %dma_start3A_27 = arith.constant 0 : i32
    %dma_start3A_28 = tpu.memref_slice %arg15[%add3A_26, %dma_start3A_27] : memref<10112x32xf32, #tpu.memory_space<vmem_shared>> -> memref<256x32xf32, #tpu.memory_space<vmem_shared>>
    %dma_start3A_29 = arith.constant 0 : i32
    %dma_start3A_30 = tpu.memref_slice %arg15[%add3A_26, %dma_start3A_29] : memref<10112x32xf32, #tpu.memory_space<vmem_shared>> -> memref<256x32xf32, #tpu.memory_space<vmem_shared>>
    tpu.enqueue_dma source(%arg7 : memref<256x32xf32, #tpu.memory_space<vmem>>) target(%dma_start3A_30 : memref<256x32xf32, #tpu.memory_space<vmem_shared>>) target_semaphore(%arg25 : memref<!tpu.dma_semaphore, #tpu.memory_space<semaphore_mem>>)
    %mul3A_31 = arith.constant 632 : i32
    %mul3A_32 = arith.muli %arg1, %mul3A_31 : i32
    %add3A_33 = arith.constant 256 : i32
    %add3A_34 = arith.addi %mul3A_32, %add3A_33 : i32
    %dma_start3A_35 = arith.constant 0 : i32
    %dma_start3A_36 = tpu.memref_slice %arg15[%add3A_34, %dma_start3A_35] : memref<10112x32xf32, #tpu.memory_space<vmem_shared>> -> memref<256x32xf32, #tpu.memory_space<vmem_shared>>
    %dma_start3A_37 = arith.constant 0 : i32
    %dma_start3A_38 = tpu.memref_slice %arg15[%add3A_34, %dma_start3A_37] : memref<10112x32xf32, #tpu.memory_space<vmem_shared>> -> memref<256x32xf32, #tpu.memory_space<vmem_shared>>
    tpu.enqueue_dma source(%arg7 : memref<256x32xf32, #tpu.memory_space<vmem>>) target(%dma_start3A_38 : memref<256x32xf32, #tpu.memory_space<vmem_shared>>) target_semaphore(%arg26 : memref<!tpu.dma_semaphore, #tpu.memory_space<semaphore_mem>>)
    %mul3A_39 = arith.constant 632 : i32
    %mul3A_40 = arith.muli %arg1, %mul3A_39 : i32
    %add3A_41 = arith.constant 512 : i32
    %add3A_42 = arith.addi %mul3A_40, %add3A_41 : i32
    %dma_start3A_43 = arith.constant 0 : i32
    %dma_start3A_44 = arith.constant 0 : i32
    %dma_start3A_45 = tpu.memref_slice %arg7[%dma_start3A_43, %dma_start3A_44] : memref<256x32xf32, #tpu.memory_space<vmem>> -> memref<120x32xf32, #tpu.memory_space<vmem>>
    %dma_start3A_46 = arith.constant 0 : i32
    %dma_start3A_47 = tpu.memref_slice %arg15[%add3A_42, %dma_start3A_46] : memref<10112x32xf32, #tpu.memory_space<vmem_shared>> -> memref<120x32xf32, #tpu.memory_space<vmem_shared>>
    %dma_start3A_48 = arith.constant 0 : i32
    %dma_start3A_49 = tpu.memref_slice %arg15[%add3A_42, %dma_start3A_48] : memref<10112x32xf32, #tpu.memory_space<vmem_shared>> -> memref<120x32xf32, #tpu.memory_space<vmem_shared>>
    %dma_start3A_50 = arith.constant 0 : i32
    %dma_start3A_51 = arith.constant 0 : i32
    %dma_start3A_52 = tpu.memref_slice %arg7[%dma_start3A_50, %dma_start3A_51] : memref<256x32xf32, #tpu.memory_space<vmem>> -> memref<120x32xf32, #tpu.memory_space<vmem>>
    tpu.enqueue_dma source(%dma_start3A_52 : memref<120x32xf32, #tpu.memory_space<vmem>>) target(%dma_start3A_49 : memref<120x32xf32, #tpu.memory_space<vmem_shared>>) target_semaphore(%arg27 : memref<!tpu.dma_semaphore, #tpu.memory_space<semaphore_mem>>)
    %mul3A_53 = arith.constant 632 : i32
    %mul3A_54 = arith.muli %arg1, %mul3A_53 : i32
    %add3A_55 = arith.constant 0 : i32
    %add3A_56 = arith.addi %mul3A_54, %add3A_55 : i32
    %dma_wait3A = arith.constant 0 : i32
    %dma_wait3A_57 = tpu.memref_slice %arg15[%add3A_56, %dma_wait3A] : memref<10112x32xf32, #tpu.memory_space<vmem_shared>> -> memref<256x32xf32, #tpu.memory_space<vmem_shared>>
    %dma_wait3A_58 = arith.constant 0 : i32
    %dma_wait3A_59 = tpu.memref_slice %arg15[%add3A_56, %dma_wait3A_58] : memref<10112x32xf32, #tpu.memory_space<vmem_shared>> -> memref<256x32xf32, #tpu.memory_space<vmem_shared>>
    tpu.wait_dma2 semaphore(%arg25 : memref<!tpu.dma_semaphore, #tpu.memory_space<semaphore_mem>>) src(%arg7 : memref<256x32xf32, #tpu.memory_space<vmem>>) dst(%dma_wait3A_59 : memref<256x32xf32, #tpu.memory_space<vmem_shared>>)
    %mul3A_60 = arith.constant 632 : i32
    %mul3A_61 = arith.muli %arg1, %mul3A_60 : i32
    %add3A_62 = arith.constant 256 : i32
    %add3A_63 = arith.addi %mul3A_61, %add3A_62 : i32
    %dma_wait3A_64 = arith.constant 0 : i32
    %dma_wait3A_65 = tpu.memref_slice %arg15[%add3A_63, %dma_wait3A_64] : memref<10112x32xf32, #tpu.memory_space<vmem_shared>> -> memref<256x32xf32, #tpu.memory_space<vmem_shared>>
    %dma_wait3A_66 = arith.constant 0 : i32
    %dma_wait3A_67 = tpu.memref_slice %arg15[%add3A_63, %dma_wait3A_66] : memref<10112x32xf32, #tpu.memory_space<vmem_shared>> -> memref<256x32xf32, #tpu.memory_space<vmem_shared>>
    tpu.wait_dma2 semaphore(%arg26 : memref<!tpu.dma_semaphore, #tpu.memory_space<semaphore_mem>>) src(%arg7 : memref<256x32xf32, #tpu.memory_space<vmem>>) dst(%dma_wait3A_67 : memref<256x32xf32, #tpu.memory_space<vmem_shared>>)
    %mul3A_68 = arith.constant 632 : i32
    %mul3A_69 = arith.muli %arg1, %mul3A_68 : i32
    %add3A_70 = arith.constant 512 : i32
    %add3A_71 = arith.addi %mul3A_69, %add3A_70 : i32
    %dma_wait3A_72 = arith.constant 0 : i32
    %dma_wait3A_73 = arith.constant 0 : i32
    %dma_wait3A_74 = tpu.memref_slice %arg7[%dma_wait3A_72, %dma_wait3A_73] : memref<256x32xf32, #tpu.memory_space<vmem>> -> memref<120x32xf32, #tpu.memory_space<vmem>>
    %dma_wait3A_75 = arith.constant 0 : i32
    %dma_wait3A_76 = tpu.memref_slice %arg15[%add3A_71, %dma_wait3A_75] : memref<10112x32xf32, #tpu.memory_space<vmem_shared>> -> memref<120x32xf32, #tpu.memory_space<vmem_shared>>
    %dma_wait3A_77 = arith.constant 0 : i32
    %dma_wait3A_78 = tpu.memref_slice %arg15[%add3A_71, %dma_wait3A_77] : memref<10112x32xf32, #tpu.memory_space<vmem_shared>> -> memref<120x32xf32, #tpu.memory_space<vmem_shared>>
    %dma_wait3A_79 = arith.constant 0 : i32
    %dma_wait3A_80 = arith.constant 0 : i32
    %dma_wait3A_81 = tpu.memref_slice %arg7[%dma_wait3A_79, %dma_wait3A_80] : memref<256x32xf32, #tpu.memory_space<vmem>> -> memref<120x32xf32, #tpu.memory_space<vmem>>
    tpu.wait_dma2 semaphore(%arg27 : memref<!tpu.dma_semaphore, #tpu.memory_space<semaphore_mem>>) src(%dma_wait3A_81 : memref<120x32xf32, #tpu.memory_space<vmem>>) dst(%dma_wait3A_78 : memref<120x32xf32, #tpu.memory_space<vmem_shared>>)
    %mul3A_82 = arith.constant 632 : i32
    %mul3A_83 = arith.muli %arg1, %mul3A_82 : i32
    %mul3A_84 = arith.constant 632 : i32
    %mul3A_85 = arith.muli %arg1, %mul3A_84 : i32
    %dma_wait3A_86 = arith.constant 0 : i32
    %dma_wait3A_87 = tpu.memref_slice %arg16[%mul3A_85, %dma_wait3A_86] : memref<10112x32xf32, #tpu.memory_space<vmem_shared>> -> memref<632x32xf32, #tpu.memory_space<vmem_shared>>
    %dma_wait3A_88 = arith.constant 0 : i32
    %dma_wait3A_89 = tpu.memref_slice %arg2[%mul3A_83, %dma_wait3A_88] : memref<10112x32xf32, #tpu.memory_space<hbm>> -> memref<632x32xf32, #tpu.memory_space<hbm>>
    tpu.wait_dma2 semaphore(%arg17 : memref<!tpu.dma_semaphore, #tpu.memory_space<semaphore_mem>>) src(%dma_wait3A_89 : memref<632x32xf32, #tpu.memory_space<hbm>>) dst(%dma_wait3A_87 : memref<632x32xf32, #tpu.memory_space<vmem_shared>>)
    %barrier3A = arith.constant 0 : index
    tpu.barrier barrier_id(%barrier3A)
    %jit3A_90 = arith.constant 8 : i32
    %div3A = arith.divsi %select_n3A, %jit3A_90 : i32
    %sign3A = arith.constant 0 : i32
    %sign3A_91 = arith.cmpi sgt, %select_n3A, %sign3A : i32
    %sign3A_92 = arith.extui %sign3A_91 : i1 to i32
    %sign3A_93 = arith.constant 0 : i32
    %sign3A_94 = arith.cmpi slt, %select_n3A, %sign3A_93 : i32
    %sign3A_95 = arith.extui %sign3A_94 : i1 to i32
    %sign3A_96 = arith.subi %sign3A_92, %sign3A_95 : i32
    %sign3A_97 = arith.constant 0 : i32
    %sign3A_98 = arith.cmpi sgt, %jit3A_90, %sign3A_97 : i32
    %sign3A_99 = arith.extui %sign3A_98 : i1 to i32
    %sign3A_100 = arith.constant 0 : i32
    %sign3A_101 = arith.cmpi slt, %jit3A_90, %sign3A_100 : i32
    %sign3A_102 = arith.extui %sign3A_101 : i1 to i32
    %sign3A_103 = arith.subi %sign3A_99, %sign3A_102 : i32
    %ne3A_104 = arith.cmpi ne, %sign3A_96, %sign3A_103 : i32
    %rem3A = arith.remsi %select_n3A, %jit3A_90 : i32
    %ne3A_105 = arith.constant 0 : i32
    %ne3A_106 = arith.cmpi ne, %rem3A, %ne3A_105 : i32
    %and3A = arith.andi %ne3A_104, %ne3A_106 : i1
    %sub3A = arith.constant 1 : i32
    %sub3A_107 = arith.subi %div3A, %sub3A : i32
    %select_n3A_108 = arith.select %and3A, %sub3A_107, %div3A : i32
    %mul3A_109 = arith.constant 8 : i32
    %mul3A_110 = arith.muli %select_n3A_108, %mul3A_109 : i32
    %dma_start3A_111 = arith.constant 0 : i32
    %dma_start3A_112 = arith.constant 0 : i32
    %dma_start3A_113 = tpu.memref_slice %arg5[%dma_start3A_111, %dma_start3A_112] : memref<40x256xi32, #tpu.memory_space<vmem>> -> memref<1x256xi32, #tpu.memory_space<vmem>>
    %dma_start3A_114 = tpu.memref_squeeze %dma_start3A_113 : memref<1x256xi32, #tpu.memory_space<vmem>> -> memref<256xi32, #tpu.memory_space<vmem>>
    %dma_start3A_115 = arith.constant 0 : i32
    %dma_start3A_116 = arith.constant 0 : i32
    %dma_start3A_117 = tpu.memref_slice %arg16[%dma_start3A_115, %dma_start3A_116] : memref<10112x32xf32, #tpu.memory_space<vmem_shared>> -> memref<10112x32xf32, #tpu.memory_space<vmem_shared>>
    tpu.enqueue_indirect_dma source(%dma_start3A_117 : memref<10112x32xf32, #tpu.memory_space<vmem_shared>>) target(%arg7 : memref<256x32xf32, #tpu.memory_space<vmem>>) offsets(%dma_start3A_114 : memref<256xi32, #tpu.memory_space<vmem>>) semaphore(%arg17 : memref<!tpu.dma_semaphore, #tpu.memory_space<semaphore_mem>>)
    %dma_start3A_118 = arith.constant 1 : i32
    %dma_start3A_119 = arith.constant 0 : i32
    %dma_start3A_120 = tpu.memref_slice %arg5[%dma_start3A_118, %dma_start3A_119] : memref<40x256xi32, #tpu.memory_space<vmem>> -> memref<1x256xi32, #tpu.memory_space<vmem>>
    %dma_start3A_121 = tpu.memref_squeeze %dma_start3A_120 : memref<1x256xi32, #tpu.memory_space<vmem>> -> memref<256xi32, #tpu.memory_space<vmem>>
    %dma_start3A_122 = arith.constant 0 : i32
    %dma_start3A_123 = arith.constant 0 : i32
    %dma_start3A_124 = tpu.memref_slice %arg16[%dma_start3A_122, %dma_start3A_123] : memref<10112x32xf32, #tpu.memory_space<vmem_shared>> -> memref<10112x32xf32, #tpu.memory_space<vmem_shared>>
    tpu.enqueue_indirect_dma source(%dma_start3A_124 : memref<10112x32xf32, #tpu.memory_space<vmem_shared>>) target(%arg8 : memref<256x32xf32, #tpu.memory_space<vmem>>) offsets(%dma_start3A_121 : memref<256xi32, #tpu.memory_space<vmem>>) semaphore(%arg18 : memref<!tpu.dma_semaphore, #tpu.memory_space<semaphore_mem>>)
    %dma_start3A_125 = arith.constant 2 : i32
    %dma_start3A_126 = arith.constant 0 : i32
    %dma_start3A_127 = tpu.memref_slice %arg5[%dma_start3A_125, %dma_start3A_126] : memref<40x256xi32, #tpu.memory_space<vmem>> -> memref<1x256xi32, #tpu.memory_space<vmem>>
    %dma_start3A_128 = tpu.memref_squeeze %dma_start3A_127 : memref<1x256xi32, #tpu.memory_space<vmem>> -> memref<256xi32, #tpu.memory_space<vmem>>
    %dma_start3A_129 = arith.constant 0 : i32
    %dma_start3A_130 = arith.constant 0 : i32
    %dma_start3A_131 = tpu.memref_slice %arg16[%dma_start3A_129, %dma_start3A_130] : memref<10112x32xf32, #tpu.memory_space<vmem_shared>> -> memref<10112x32xf32, #tpu.memory_space<vmem_shared>>
    tpu.enqueue_indirect_dma source(%dma_start3A_131 : memref<10112x32xf32, #tpu.memory_space<vmem_shared>>) target(%arg9 : memref<256x32xf32, #tpu.memory_space<vmem>>) offsets(%dma_start3A_128 : memref<256xi32, #tpu.memory_space<vmem>>) semaphore(%arg19 : memref<!tpu.dma_semaphore, #tpu.memory_space<semaphore_mem>>)
    %dma_start3A_132 = arith.constant 3 : i32
    %dma_start3A_133 = arith.constant 0 : i32
    %dma_start3A_134 = tpu.memref_slice %arg5[%dma_start3A_132, %dma_start3A_133] : memref<40x256xi32, #tpu.memory_space<vmem>> -> memref<1x256xi32, #tpu.memory_space<vmem>>
    %dma_start3A_135 = tpu.memref_squeeze %dma_start3A_134 : memref<1x256xi32, #tpu.memory_space<vmem>> -> memref<256xi32, #tpu.memory_space<vmem>>
    %dma_start3A_136 = arith.constant 0 : i32
    %dma_start3A_137 = arith.constant 0 : i32
    %dma_start3A_138 = tpu.memref_slice %arg16[%dma_start3A_136, %dma_start3A_137] : memref<10112x32xf32, #tpu.memory_space<vmem_shared>> -> memref<10112x32xf32, #tpu.memory_space<vmem_shared>>
    tpu.enqueue_indirect_dma source(%dma_start3A_138 : memref<10112x32xf32, #tpu.memory_space<vmem_shared>>) target(%arg10 : memref<256x32xf32, #tpu.memory_space<vmem>>) offsets(%dma_start3A_135 : memref<256xi32, #tpu.memory_space<vmem>>) semaphore(%arg20 : memref<!tpu.dma_semaphore, #tpu.memory_space<semaphore_mem>>)
    %sub3A_139 = arith.constant 0 : i32
    %sub3A_140 = arith.subi %select_n3A_108, %sub3A_139 : i32
    %sub3A_141 = arith.constant 1 : i32
    %sub3A_142 = arith.constant 1 : i32
    %sub3A_143 = arith.subi %sub3A_141, %sub3A_142 : i32
    %add3A_144 = arith.addi %sub3A_140, %sub3A_143 : i32
    %div3A_145 = arith.constant 1 : i32
    %div3A_146 = arith.divsi %add3A_144, %div3A_145 : i32
    %while3A = arith.constant 1 : i32
    %while3A_147 = arith.constant 0 : i32
    %while3A_148 = arith.constant 0 : i32
    %while3A_149 = arith.subi %div3A_146, %while3A_148 : i32
    %while3A_150 = arith.addi %while3A_148, %while3A_149 : i32
    %while3A_151 = arith.constant 1 : i32
    %while3A_152 = arith.divsi %while3A_149, %while3A_151 : i32
    %while3A_153 = arith.muli %while3A_152, %while3A_151 : i32
    %while3A_154 = arith.addi %while3A_148, %while3A_153 : i32
    %while3A_155 = arith.constant 1 : i32
    scf.for %while3A_263 = %while3A_148 to %while3A_154 step %while3A_155  : i32 {
      %mul3A_264 = arith.muli %while3A_263, %while3A : i32
      %add3A_265 = arith.addi %while3A_147, %mul3A_264 : i32
      %mul3A_266 = arith.constant 8 : i32
      %mul3A_267 = arith.muli %add3A_265, %mul3A_266 : i32
      %add3A_268 = arith.constant 0 : i32
      %add3A_269 = arith.addi %mul3A_267, %add3A_268 : i32
      %dma_wait3A_270 = arith.constant 0 : i32
      %dma_wait3A_271 = tpu.memref_slice %arg5[%add3A_269, %dma_wait3A_270] : memref<40x256xi32, #tpu.memory_space<vmem>> -> memref<1x256xi32, #tpu.memory_space<vmem>>
      %dma_wait3A_272 = tpu.memref_squeeze %dma_wait3A_271 : memref<1x256xi32, #tpu.memory_space<vmem>> -> memref<256xi32, #tpu.memory_space<vmem>>
      %dma_wait3A_273 = arith.constant 0 : i32
      %dma_wait3A_274 = arith.constant 0 : i32
      %dma_wait3A_275 = tpu.memref_slice %arg16[%dma_wait3A_273, %dma_wait3A_274] : memref<10112x32xf32, #tpu.memory_space<vmem_shared>> -> memref<10112x32xf32, #tpu.memory_space<vmem_shared>>
      tpu.wait_indirect_dma semaphore(%arg17 : memref<!tpu.dma_semaphore, #tpu.memory_space<semaphore_mem>>) src(%dma_wait3A_275 : memref<10112x32xf32, #tpu.memory_space<vmem_shared>>) dst(%arg7 : memref<256x32xf32, #tpu.memory_space<vmem>>)
      %dma_start3A_276 = arith.constant 0 : i32
      %dma_start3A_277 = tpu.memref_slice %arg6[%add3A_269, %dma_start3A_276] : memref<40x256xi32, #tpu.memory_space<vmem>> -> memref<1x256xi32, #tpu.memory_space<vmem>>
      %dma_start3A_278 = tpu.memref_squeeze %dma_start3A_277 : memref<1x256xi32, #tpu.memory_space<vmem>> -> memref<256xi32, #tpu.memory_space<vmem>>
      %dma_start3A_279 = arith.constant 0 : i32
      %dma_start3A_280 = arith.constant 0 : i32
      %dma_start3A_281 = tpu.memref_slice %arg15[%dma_start3A_279, %dma_start3A_280] : memref<10112x32xf32, #tpu.memory_space<vmem_shared>> -> memref<10112x32xf32, #tpu.memory_space<vmem_shared>>
      tpu.enqueue_indirect_dma source(%arg7 : memref<256x32xf32, #tpu.memory_space<vmem>>) target(%dma_start3A_281 : memref<10112x32xf32, #tpu.memory_space<vmem_shared>>) offsets(%dma_start3A_278 : memref<256xi32, #tpu.memory_space<vmem>>) semaphore(%arg25 : memref<!tpu.dma_semaphore, #tpu.memory_space<semaphore_mem>>) {add = true}
      %add3A_282 = arith.constant 4 : i32
      %add3A_283 = arith.addi %add3A_269, %add3A_282 : i32
      %lt3A = arith.cmpi slt, %add3A_283, %mul3A_110 : i32
      %convert_element_type3A_284 = arith.extui %lt3A : i1 to i32
      %cond3A_285 = arith.constant 0 : i32
      %cond3A_286 = arith.cmpi ne, %convert_element_type3A_284, %cond3A_285 : i32
      scf.if %cond3A_286 {
        %ge3A = arith.constant 8 : i32
        %ge3A_427 = arith.cmpi sge, %add3A_283, %ge3A : i32
        %convert_element_type3A_428 = arith.extui %ge3A_427 : i1 to i32
        %cond3A_429 = arith.constant 0 : i32
        %cond3A_430 = arith.cmpi ne, %convert_element_type3A_428, %cond3A_429 : i32
        scf.if %cond3A_430 {
          %sub3A_437 = arith.constant 8 : i32
          %sub3A_438 = arith.subi %add3A_283, %sub3A_437 : i32
          %dma_wait3A_439 = arith.constant 0 : i32
          %dma_wait3A_440 = tpu.memref_slice %arg6[%sub3A_438, %dma_wait3A_439] : memref<40x256xi32, #tpu.memory_space<vmem>> -> memref<1x256xi32, #tpu.memory_space<vmem>>
          %dma_wait3A_441 = tpu.memref_squeeze %dma_wait3A_440 : memref<1x256xi32, #tpu.memory_space<vmem>> -> memref<256xi32, #tpu.memory_space<vmem>>
          %dma_wait3A_442 = arith.constant 0 : i32
          %dma_wait3A_443 = arith.constant 0 : i32
          %dma_wait3A_444 = tpu.memref_slice %arg15[%dma_wait3A_442, %dma_wait3A_443] : memref<10112x32xf32, #tpu.memory_space<vmem_shared>> -> memref<10112x32xf32, #tpu.memory_space<vmem_shared>>
          tpu.wait_indirect_dma semaphore(%arg29 : memref<!tpu.dma_semaphore, #tpu.memory_space<semaphore_mem>>) src(%arg11 : memref<256x32xf32, #tpu.memory_space<vmem>>) dst(%dma_wait3A_444 : memref<10112x32xf32, #tpu.memory_space<vmem_shared>>)
        } else {
        }
        %dma_start3A_431 = arith.constant 0 : i32
        %dma_start3A_432 = tpu.memref_slice %arg5[%add3A_283, %dma_start3A_431] : memref<40x256xi32, #tpu.memory_space<vmem>> -> memref<1x256xi32, #tpu.memory_space<vmem>>
        %dma_start3A_433 = tpu.memref_squeeze %dma_start3A_432 : memref<1x256xi32, #tpu.memory_space<vmem>> -> memref<256xi32, #tpu.memory_space<vmem>>
        %dma_start3A_434 = arith.constant 0 : i32
        %dma_start3A_435 = arith.constant 0 : i32
        %dma_start3A_436 = tpu.memref_slice %arg16[%dma_start3A_434, %dma_start3A_435] : memref<10112x32xf32, #tpu.memory_space<vmem_shared>> -> memref<10112x32xf32, #tpu.memory_space<vmem_shared>>
        tpu.enqueue_indirect_dma source(%dma_start3A_436 : memref<10112x32xf32, #tpu.memory_space<vmem_shared>>) target(%arg11 : memref<256x32xf32, #tpu.memory_space<vmem>>) offsets(%dma_start3A_433 : memref<256xi32, #tpu.memory_space<vmem>>) semaphore(%arg21 : memref<!tpu.dma_semaphore, #tpu.memory_space<semaphore_mem>>)
      } else {
      }
      %add3A_287 = arith.constant 1 : i32
      %add3A_288 = arith.addi %mul3A_267, %add3A_287 : i32
      %dma_wait3A_289 = arith.constant 0 : i32
      %dma_wait3A_290 = tpu.memref_slice %arg5[%add3A_288, %dma_wait3A_289] : memref<40x256xi32, #tpu.memory_space<vmem>> -> memref<1x256xi32, #tpu.memory_space<vmem>>
      %dma_wait3A_291 = tpu.memref_squeeze %dma_wait3A_290 : memref<1x256xi32, #tpu.memory_space<vmem>> -> memref<256xi32, #tpu.memory_space<vmem>>
      %dma_wait3A_292 = arith.constant 0 : i32
      %dma_wait3A_293 = arith.constant 0 : i32
      %dma_wait3A_294 = tpu.memref_slice %arg16[%dma_wait3A_292, %dma_wait3A_293] : memref<10112x32xf32, #tpu.memory_space<vmem_shared>> -> memref<10112x32xf32, #tpu.memory_space<vmem_shared>>
      tpu.wait_indirect_dma semaphore(%arg18 : memref<!tpu.dma_semaphore, #tpu.memory_space<semaphore_mem>>) src(%dma_wait3A_294 : memref<10112x32xf32, #tpu.memory_space<vmem_shared>>) dst(%arg8 : memref<256x32xf32, #tpu.memory_space<vmem>>)
      %dma_start3A_295 = arith.constant 0 : i32
      %dma_start3A_296 = tpu.memref_slice %arg6[%add3A_288, %dma_start3A_295] : memref<40x256xi32, #tpu.memory_space<vmem>> -> memref<1x256xi32, #tpu.memory_space<vmem>>
      %dma_start3A_297 = tpu.memref_squeeze %dma_start3A_296 : memref<1x256xi32, #tpu.memory_space<vmem>> -> memref<256xi32, #tpu.memory_space<vmem>>
      %dma_start3A_298 = arith.constant 0 : i32
      %dma_start3A_299 = arith.constant 0 : i32
      %dma_start3A_300 = tpu.memref_slice %arg15[%dma_start3A_298, %dma_start3A_299] : memref<10112x32xf32, #tpu.memory_space<vmem_shared>> -> memref<10112x32xf32, #tpu.memory_space<vmem_shared>>
      tpu.enqueue_indirect_dma source(%arg8 : memref<256x32xf32, #tpu.memory_space<vmem>>) target(%dma_start3A_300 : memref<10112x32xf32, #tpu.memory_space<vmem_shared>>) offsets(%dma_start3A_297 : memref<256xi32, #tpu.memory_space<vmem>>) semaphore(%arg26 : memref<!tpu.dma_semaphore, #tpu.memory_space<semaphore_mem>>) {add = true}
      %add3A_301 = arith.constant 4 : i32
      %add3A_302 = arith.addi %add3A_288, %add3A_301 : i32
      %lt3A_303 = arith.cmpi slt, %add3A_302, %mul3A_110 : i32
      %convert_element_type3A_304 = arith.extui %lt3A_303 : i1 to i32
      %cond3A_305 = arith.constant 0 : i32
      %cond3A_306 = arith.cmpi ne, %convert_element_type3A_304, %cond3A_305 : i32
      scf.if %cond3A_306 {
        %ge3A = arith.constant 8 : i32
        %ge3A_427 = arith.cmpi sge, %add3A_302, %ge3A : i32
        %convert_element_type3A_428 = arith.extui %ge3A_427 : i1 to i32
        %cond3A_429 = arith.constant 0 : i32
        %cond3A_430 = arith.cmpi ne, %convert_element_type3A_428, %cond3A_429 : i32
        scf.if %cond3A_430 {
          %sub3A_437 = arith.constant 8 : i32
          %sub3A_438 = arith.subi %add3A_302, %sub3A_437 : i32
          %dma_wait3A_439 = arith.constant 0 : i32
          %dma_wait3A_440 = tpu.memref_slice %arg6[%sub3A_438, %dma_wait3A_439] : memref<40x256xi32, #tpu.memory_space<vmem>> -> memref<1x256xi32, #tpu.memory_space<vmem>>
          %dma_wait3A_441 = tpu.memref_squeeze %dma_wait3A_440 : memref<1x256xi32, #tpu.memory_space<vmem>> -> memref<256xi32, #tpu.memory_space<vmem>>
          %dma_wait3A_442 = arith.constant 0 : i32
          %dma_wait3A_443 = arith.constant 0 : i32
          %dma_wait3A_444 = tpu.memref_slice %arg15[%dma_wait3A_442, %dma_wait3A_443] : memref<10112x32xf32, #tpu.memory_space<vmem_shared>> -> memref<10112x32xf32, #tpu.memory_space<vmem_shared>>
          tpu.wait_indirect_dma semaphore(%arg30 : memref<!tpu.dma_semaphore, #tpu.memory_space<semaphore_mem>>) src(%arg12 : memref<256x32xf32, #tpu.memory_space<vmem>>) dst(%dma_wait3A_444 : memref<10112x32xf32, #tpu.memory_space<vmem_shared>>)
        } else {
        }
        %dma_start3A_431 = arith.constant 0 : i32
        %dma_start3A_432 = tpu.memref_slice %arg5[%add3A_302, %dma_start3A_431] : memref<40x256xi32, #tpu.memory_space<vmem>> -> memref<1x256xi32, #tpu.memory_space<vmem>>
        %dma_start3A_433 = tpu.memref_squeeze %dma_start3A_432 : memref<1x256xi32, #tpu.memory_space<vmem>> -> memref<256xi32, #tpu.memory_space<vmem>>
        %dma_start3A_434 = arith.constant 0 : i32
        %dma_start3A_435 = arith.constant 0 : i32
        %dma_start3A_436 = tpu.memref_slice %arg16[%dma_start3A_434, %dma_start3A_435] : memref<10112x32xf32, #tpu.memory_space<vmem_shared>> -> memref<10112x32xf32, #tpu.memory_space<vmem_shared>>
        tpu.enqueue_indirect_dma source(%dma_start3A_436 : memref<10112x32xf32, #tpu.memory_space<vmem_shared>>) target(%arg12 : memref<256x32xf32, #tpu.memory_space<vmem>>) offsets(%dma_start3A_433 : memref<256xi32, #tpu.memory_space<vmem>>) semaphore(%arg22 : memref<!tpu.dma_semaphore, #tpu.memory_space<semaphore_mem>>)
      } else {
      }
      %add3A_307 = arith.constant 2 : i32
      %add3A_308 = arith.addi %mul3A_267, %add3A_307 : i32
      %dma_wait3A_309 = arith.constant 0 : i32
      %dma_wait3A_310 = tpu.memref_slice %arg5[%add3A_308, %dma_wait3A_309] : memref<40x256xi32, #tpu.memory_space<vmem>> -> memref<1x256xi32, #tpu.memory_space<vmem>>
      %dma_wait3A_311 = tpu.memref_squeeze %dma_wait3A_310 : memref<1x256xi32, #tpu.memory_space<vmem>> -> memref<256xi32, #tpu.memory_space<vmem>>
      %dma_wait3A_312 = arith.constant 0 : i32
      %dma_wait3A_313 = arith.constant 0 : i32
      %dma_wait3A_314 = tpu.memref_slice %arg16[%dma_wait3A_312, %dma_wait3A_313] : memref<10112x32xf32, #tpu.memory_space<vmem_shared>> -> memref<10112x32xf32, #tpu.memory_space<vmem_shared>>
      tpu.wait_indirect_dma semaphore(%arg19 : memref<!tpu.dma_semaphore, #tpu.memory_space<semaphore_mem>>) src(%dma_wait3A_314 : memref<10112x32xf32, #tpu.memory_space<vmem_shared>>) dst(%arg9 : memref<256x32xf32, #tpu.memory_space<vmem>>)
      %dma_start3A_315 = arith.constant 0 : i32
      %dma_start3A_316 = tpu.memref_slice %arg6[%add3A_308, %dma_start3A_315] : memref<40x256xi32, #tpu.memory_space<vmem>> -> memref<1x256xi32, #tpu.memory_space<vmem>>
      %dma_start3A_317 = tpu.memref_squeeze %dma_start3A_316 : memref<1x256xi32, #tpu.memory_space<vmem>> -> memref<256xi32, #tpu.memory_space<vmem>>
      %dma_start3A_318 = arith.constant 0 : i32
      %dma_start3A_319 = arith.constant 0 : i32
      %dma_start3A_320 = tpu.memref_slice %arg15[%dma_start3A_318, %dma_start3A_319] : memref<10112x32xf32, #tpu.memory_space<vmem_shared>> -> memref<10112x32xf32, #tpu.memory_space<vmem_shared>>
      tpu.enqueue_indirect_dma source(%arg9 : memref<256x32xf32, #tpu.memory_space<vmem>>) target(%dma_start3A_320 : memref<10112x32xf32, #tpu.memory_space<vmem_shared>>) offsets(%dma_start3A_317 : memref<256xi32, #tpu.memory_space<vmem>>) semaphore(%arg27 : memref<!tpu.dma_semaphore, #tpu.memory_space<semaphore_mem>>) {add = true}
      %add3A_321 = arith.constant 4 : i32
      %add3A_322 = arith.addi %add3A_308, %add3A_321 : i32
      %lt3A_323 = arith.cmpi slt, %add3A_322, %mul3A_110 : i32
      %convert_element_type3A_324 = arith.extui %lt3A_323 : i1 to i32
      %cond3A_325 = arith.constant 0 : i32
      %cond3A_326 = arith.cmpi ne, %convert_element_type3A_324, %cond3A_325 : i32
      scf.if %cond3A_326 {
        %ge3A = arith.constant 8 : i32
        %ge3A_427 = arith.cmpi sge, %add3A_322, %ge3A : i32
        %convert_element_type3A_428 = arith.extui %ge3A_427 : i1 to i32
        %cond3A_429 = arith.constant 0 : i32
        %cond3A_430 = arith.cmpi ne, %convert_element_type3A_428, %cond3A_429 : i32
        scf.if %cond3A_430 {
          %sub3A_437 = arith.constant 8 : i32
          %sub3A_438 = arith.subi %add3A_322, %sub3A_437 : i32
          %dma_wait3A_439 = arith.constant 0 : i32
          %dma_wait3A_440 = tpu.memref_slice %arg6[%sub3A_438, %dma_wait3A_439] : memref<40x256xi32, #tpu.memory_space<vmem>> -> memref<1x256xi32, #tpu.memory_space<vmem>>
          %dma_wait3A_441 = tpu.memref_squeeze %dma_wait3A_440 : memref<1x256xi32, #tpu.memory_space<vmem>> -> memref<256xi32, #tpu.memory_space<vmem>>
          %dma_wait3A_442 = arith.constant 0 : i32
          %dma_wait3A_443 = arith.constant 0 : i32
          %dma_wait3A_444 = tpu.memref_slice %arg15[%dma_wait3A_442, %dma_wait3A_443] : memref<10112x32xf32, #tpu.memory_space<vmem_shared>> -> memref<10112x32xf32, #tpu.memory_space<vmem_shared>>
          tpu.wait_indirect_dma semaphore(%arg31 : memref<!tpu.dma_semaphore, #tpu.memory_space<semaphore_mem>>) src(%arg13 : memref<256x32xf32, #tpu.memory_space<vmem>>) dst(%dma_wait3A_444 : memref<10112x32xf32, #tpu.memory_space<vmem_shared>>)
        } else {
        }
        %dma_start3A_431 = arith.constant 0 : i32
        %dma_start3A_432 = tpu.memref_slice %arg5[%add3A_322, %dma_start3A_431] : memref<40x256xi32, #tpu.memory_space<vmem>> -> memref<1x256xi32, #tpu.memory_space<vmem>>
        %dma_start3A_433 = tpu.memref_squeeze %dma_start3A_432 : memref<1x256xi32, #tpu.memory_space<vmem>> -> memref<256xi32, #tpu.memory_space<vmem>>
        %dma_start3A_434 = arith.constant 0 : i32
        %dma_start3A_435 = arith.constant 0 : i32
        %dma_start3A_436 = tpu.memref_slice %arg16[%dma_start3A_434, %dma_start3A_435] : memref<10112x32xf32, #tpu.memory_space<vmem_shared>> -> memref<10112x32xf32, #tpu.memory_space<vmem_shared>>
        tpu.enqueue_indirect_dma source(%dma_start3A_436 : memref<10112x32xf32, #tpu.memory_space<vmem_shared>>) target(%arg13 : memref<256x32xf32, #tpu.memory_space<vmem>>) offsets(%dma_start3A_433 : memref<256xi32, #tpu.memory_space<vmem>>) semaphore(%arg23 : memref<!tpu.dma_semaphore, #tpu.memory_space<semaphore_mem>>)
      } else {
      }
      %add3A_327 = arith.constant 3 : i32
      %add3A_328 = arith.addi %mul3A_267, %add3A_327 : i32
      %dma_wait3A_329 = arith.constant 0 : i32
      %dma_wait3A_330 = tpu.memref_slice %arg5[%add3A_328, %dma_wait3A_329] : memref<40x256xi32, #tpu.memory_space<vmem>> -> memref<1x256xi32, #tpu.memory_space<vmem>>
      %dma_wait3A_331 = tpu.memref_squeeze %dma_wait3A_330 : memref<1x256xi32, #tpu.memory_space<vmem>> -> memref<256xi32, #tpu.memory_space<vmem>>
      %dma_wait3A_332 = arith.constant 0 : i32
      %dma_wait3A_333 = arith.constant 0 : i32
      %dma_wait3A_334 = tpu.memref_slice %arg16[%dma_wait3A_332, %dma_wait3A_333] : memref<10112x32xf32, #tpu.memory_space<vmem_shared>> -> memref<10112x32xf32, #tpu.memory_space<vmem_shared>>
      tpu.wait_indirect_dma semaphore(%arg20 : memref<!tpu.dma_semaphore, #tpu.memory_space<semaphore_mem>>) src(%dma_wait3A_334 : memref<10112x32xf32, #tpu.memory_space<vmem_shared>>) dst(%arg10 : memref<256x32xf32, #tpu.memory_space<vmem>>)
      %dma_start3A_335 = arith.constant 0 : i32
      %dma_start3A_336 = tpu.memref_slice %arg6[%add3A_328, %dma_start3A_335] : memref<40x256xi32, #tpu.memory_space<vmem>> -> memref<1x256xi32, #tpu.memory_space<vmem>>
      %dma_start3A_337 = tpu.memref_squeeze %dma_start3A_336 : memref<1x256xi32, #tpu.memory_space<vmem>> -> memref<256xi32, #tpu.memory_space<vmem>>
      %dma_start3A_338 = arith.constant 0 : i32
      %dma_start3A_339 = arith.constant 0 : i32
      %dma_start3A_340 = tpu.memref_slice %arg15[%dma_start3A_338, %dma_start3A_339] : memref<10112x32xf32, #tpu.memory_space<vmem_shared>> -> memref<10112x32xf32, #tpu.memory_space<vmem_shared>>
      tpu.enqueue_indirect_dma source(%arg10 : memref<256x32xf32, #tpu.memory_space<vmem>>) target(%dma_start3A_340 : memref<10112x32xf32, #tpu.memory_space<vmem_shared>>) offsets(%dma_start3A_337 : memref<256xi32, #tpu.memory_space<vmem>>) semaphore(%arg28 : memref<!tpu.dma_semaphore, #tpu.memory_space<semaphore_mem>>) {add = true}
      %add3A_341 = arith.constant 4 : i32
      %add3A_342 = arith.addi %add3A_328, %add3A_341 : i32
      %lt3A_343 = arith.cmpi slt, %add3A_342, %mul3A_110 : i32
      %convert_element_type3A_344 = arith.extui %lt3A_343 : i1 to i32
      %cond3A_345 = arith.constant 0 : i32
      %cond3A_346 = arith.cmpi ne, %convert_element_type3A_344, %cond3A_345 : i32
      scf.if %cond3A_346 {
        %ge3A = arith.constant 8 : i32
        %ge3A_427 = arith.cmpi sge, %add3A_342, %ge3A : i32
        %convert_element_type3A_428 = arith.extui %ge3A_427 : i1 to i32
        %cond3A_429 = arith.constant 0 : i32
        %cond3A_430 = arith.cmpi ne, %convert_element_type3A_428, %cond3A_429 : i32
        scf.if %cond3A_430 {
          %sub3A_437 = arith.constant 8 : i32
          %sub3A_438 = arith.subi %add3A_342, %sub3A_437 : i32
          %dma_wait3A_439 = arith.constant 0 : i32
          %dma_wait3A_440 = tpu.memref_slice %arg6[%sub3A_438, %dma_wait3A_439] : memref<40x256xi32, #tpu.memory_space<vmem>> -> memref<1x256xi32, #tpu.memory_space<vmem>>
          %dma_wait3A_441 = tpu.memref_squeeze %dma_wait3A_440 : memref<1x256xi32, #tpu.memory_space<vmem>> -> memref<256xi32, #tpu.memory_space<vmem>>
          %dma_wait3A_442 = arith.constant 0 : i32
          %dma_wait3A_443 = arith.constant 0 : i32
          %dma_wait3A_444 = tpu.memref_slice %arg15[%dma_wait3A_442, %dma_wait3A_443] : memref<10112x32xf32, #tpu.memory_space<vmem_shared>> -> memref<10112x32xf32, #tpu.memory_space<vmem_shared>>
          tpu.wait_indirect_dma semaphore(%arg32 : memref<!tpu.dma_semaphore, #tpu.memory_space<semaphore_mem>>) src(%arg14 : memref<256x32xf32, #tpu.memory_space<vmem>>) dst(%dma_wait3A_444 : memref<10112x32xf32, #tpu.memory_space<vmem_shared>>)
        } else {
        }
        %dma_start3A_431 = arith.constant 0 : i32
        %dma_start3A_432 = tpu.memref_slice %arg5[%add3A_342, %dma_start3A_431] : memref<40x256xi32, #tpu.memory_space<vmem>> -> memref<1x256xi32, #tpu.memory_space<vmem>>
        %dma_start3A_433 = tpu.memref_squeeze %dma_start3A_432 : memref<1x256xi32, #tpu.memory_space<vmem>> -> memref<256xi32, #tpu.memory_space<vmem>>
        %dma_start3A_434 = arith.constant 0 : i32
        %dma_start3A_435 = arith.constant 0 : i32
        %dma_start3A_436 = tpu.memref_slice %arg16[%dma_start3A_434, %dma_start3A_435] : memref<10112x32xf32, #tpu.memory_space<vmem_shared>> -> memref<10112x32xf32, #tpu.memory_space<vmem_shared>>
        tpu.enqueue_indirect_dma source(%dma_start3A_436 : memref<10112x32xf32, #tpu.memory_space<vmem_shared>>) target(%arg14 : memref<256x32xf32, #tpu.memory_space<vmem>>) offsets(%dma_start3A_433 : memref<256xi32, #tpu.memory_space<vmem>>) semaphore(%arg24 : memref<!tpu.dma_semaphore, #tpu.memory_space<semaphore_mem>>)
      } else {
      }
      %add3A_347 = arith.constant 4 : i32
      %add3A_348 = arith.addi %mul3A_267, %add3A_347 : i32
      %dma_wait3A_349 = arith.constant 0 : i32
      %dma_wait3A_350 = tpu.memref_slice %arg5[%add3A_348, %dma_wait3A_349] : memref<40x256xi32, #tpu.memory_space<vmem>> -> memref<1x256xi32, #tpu.memory_space<vmem>>
      %dma_wait3A_351 = tpu.memref_squeeze %dma_wait3A_350 : memref<1x256xi32, #tpu.memory_space<vmem>> -> memref<256xi32, #tpu.memory_space<vmem>>
      %dma_wait3A_352 = arith.constant 0 : i32
      %dma_wait3A_353 = arith.constant 0 : i32
      %dma_wait3A_354 = tpu.memref_slice %arg16[%dma_wait3A_352, %dma_wait3A_353] : memref<10112x32xf32, #tpu.memory_space<vmem_shared>> -> memref<10112x32xf32, #tpu.memory_space<vmem_shared>>
      tpu.wait_indirect_dma semaphore(%arg21 : memref<!tpu.dma_semaphore, #tpu.memory_space<semaphore_mem>>) src(%dma_wait3A_354 : memref<10112x32xf32, #tpu.memory_space<vmem_shared>>) dst(%arg11 : memref<256x32xf32, #tpu.memory_space<vmem>>)
      %dma_start3A_355 = arith.constant 0 : i32
      %dma_start3A_356 = tpu.memref_slice %arg6[%add3A_348, %dma_start3A_355] : memref<40x256xi32, #tpu.memory_space<vmem>> -> memref<1x256xi32, #tpu.memory_space<vmem>>
      %dma_start3A_357 = tpu.memref_squeeze %dma_start3A_356 : memref<1x256xi32, #tpu.memory_space<vmem>> -> memref<256xi32, #tpu.memory_space<vmem>>
      %dma_start3A_358 = arith.constant 0 : i32
      %dma_start3A_359 = arith.constant 0 : i32
      %dma_start3A_360 = tpu.memref_slice %arg15[%dma_start3A_358, %dma_start3A_359] : memref<10112x32xf32, #tpu.memory_space<vmem_shared>> -> memref<10112x32xf32, #tpu.memory_space<vmem_shared>>
      tpu.enqueue_indirect_dma source(%arg11 : memref<256x32xf32, #tpu.memory_space<vmem>>) target(%dma_start3A_360 : memref<10112x32xf32, #tpu.memory_space<vmem_shared>>) offsets(%dma_start3A_357 : memref<256xi32, #tpu.memory_space<vmem>>) semaphore(%arg29 : memref<!tpu.dma_semaphore, #tpu.memory_space<semaphore_mem>>) {add = true}
      %add3A_361 = arith.constant 4 : i32
      %add3A_362 = arith.addi %add3A_348, %add3A_361 : i32
      %lt3A_363 = arith.cmpi slt, %add3A_362, %mul3A_110 : i32
      %convert_element_type3A_364 = arith.extui %lt3A_363 : i1 to i32
      %cond3A_365 = arith.constant 0 : i32
      %cond3A_366 = arith.cmpi ne, %convert_element_type3A_364, %cond3A_365 : i32
      scf.if %cond3A_366 {
        %ge3A = arith.constant 8 : i32
        %ge3A_427 = arith.cmpi sge, %add3A_362, %ge3A : i32
        %convert_element_type3A_428 = arith.extui %ge3A_427 : i1 to i32
        %cond3A_429 = arith.constant 0 : i32
        %cond3A_430 = arith.cmpi ne, %convert_element_type3A_428, %cond3A_429 : i32
        scf.if %cond3A_430 {
          %sub3A_437 = arith.constant 8 : i32
          %sub3A_438 = arith.subi %add3A_362, %sub3A_437 : i32
          %dma_wait3A_439 = arith.constant 0 : i32
          %dma_wait3A_440 = tpu.memref_slice %arg6[%sub3A_438, %dma_wait3A_439] : memref<40x256xi32, #tpu.memory_space<vmem>> -> memref<1x256xi32, #tpu.memory_space<vmem>>
          %dma_wait3A_441 = tpu.memref_squeeze %dma_wait3A_440 : memref<1x256xi32, #tpu.memory_space<vmem>> -> memref<256xi32, #tpu.memory_space<vmem>>
          %dma_wait3A_442 = arith.constant 0 : i32
          %dma_wait3A_443 = arith.constant 0 : i32
          %dma_wait3A_444 = tpu.memref_slice %arg15[%dma_wait3A_442, %dma_wait3A_443] : memref<10112x32xf32, #tpu.memory_space<vmem_shared>> -> memref<10112x32xf32, #tpu.memory_space<vmem_shared>>
          tpu.wait_indirect_dma semaphore(%arg25 : memref<!tpu.dma_semaphore, #tpu.memory_space<semaphore_mem>>) src(%arg7 : memref<256x32xf32, #tpu.memory_space<vmem>>) dst(%dma_wait3A_444 : memref<10112x32xf32, #tpu.memory_space<vmem_shared>>)
        } else {
        }
        %dma_start3A_431 = arith.constant 0 : i32
        %dma_start3A_432 = tpu.memref_slice %arg5[%add3A_362, %dma_start3A_431] : memref<40x256xi32, #tpu.memory_space<vmem>> -> memref<1x256xi32, #tpu.memory_space<vmem>>
        %dma_start3A_433 = tpu.memref_squeeze %dma_start3A_432 : memref<1x256xi32, #tpu.memory_space<vmem>> -> memref<256xi32, #tpu.memory_space<vmem>>
        %dma_start3A_434 = arith.constant 0 : i32
        %dma_start3A_435 = arith.constant 0 : i32
        %dma_start3A_436 = tpu.memref_slice %arg16[%dma_start3A_434, %dma_start3A_435] : memref<10112x32xf32, #tpu.memory_space<vmem_shared>> -> memref<10112x32xf32, #tpu.memory_space<vmem_shared>>
        tpu.enqueue_indirect_dma source(%dma_start3A_436 : memref<10112x32xf32, #tpu.memory_space<vmem_shared>>) target(%arg7 : memref<256x32xf32, #tpu.memory_space<vmem>>) offsets(%dma_start3A_433 : memref<256xi32, #tpu.memory_space<vmem>>) semaphore(%arg17 : memref<!tpu.dma_semaphore, #tpu.memory_space<semaphore_mem>>)
      } else {
      }
      %add3A_367 = arith.constant 5 : i32
      %add3A_368 = arith.addi %mul3A_267, %add3A_367 : i32
      %dma_wait3A_369 = arith.constant 0 : i32
      %dma_wait3A_370 = tpu.memref_slice %arg5[%add3A_368, %dma_wait3A_369] : memref<40x256xi32, #tpu.memory_space<vmem>> -> memref<1x256xi32, #tpu.memory_space<vmem>>
      %dma_wait3A_371 = tpu.memref_squeeze %dma_wait3A_370 : memref<1x256xi32, #tpu.memory_space<vmem>> -> memref<256xi32, #tpu.memory_space<vmem>>
      %dma_wait3A_372 = arith.constant 0 : i32
      %dma_wait3A_373 = arith.constant 0 : i32
      %dma_wait3A_374 = tpu.memref_slice %arg16[%dma_wait3A_372, %dma_wait3A_373] : memref<10112x32xf32, #tpu.memory_space<vmem_shared>> -> memref<10112x32xf32, #tpu.memory_space<vmem_shared>>
      tpu.wait_indirect_dma semaphore(%arg22 : memref<!tpu.dma_semaphore, #tpu.memory_space<semaphore_mem>>) src(%dma_wait3A_374 : memref<10112x32xf32, #tpu.memory_space<vmem_shared>>) dst(%arg12 : memref<256x32xf32, #tpu.memory_space<vmem>>)
      %dma_start3A_375 = arith.constant 0 : i32
      %dma_start3A_376 = tpu.memref_slice %arg6[%add3A_368, %dma_start3A_375] : memref<40x256xi32, #tpu.memory_space<vmem>> -> memref<1x256xi32, #tpu.memory_space<vmem>>
      %dma_start3A_377 = tpu.memref_squeeze %dma_start3A_376 : memref<1x256xi32, #tpu.memory_space<vmem>> -> memref<256xi32, #tpu.memory_space<vmem>>
      %dma_start3A_378 = arith.constant 0 : i32
      %dma_start3A_379 = arith.constant 0 : i32
      %dma_start3A_380 = tpu.memref_slice %arg15[%dma_start3A_378, %dma_start3A_379] : memref<10112x32xf32, #tpu.memory_space<vmem_shared>> -> memref<10112x32xf32, #tpu.memory_space<vmem_shared>>
      tpu.enqueue_indirect_dma source(%arg12 : memref<256x32xf32, #tpu.memory_space<vmem>>) target(%dma_start3A_380 : memref<10112x32xf32, #tpu.memory_space<vmem_shared>>) offsets(%dma_start3A_377 : memref<256xi32, #tpu.memory_space<vmem>>) semaphore(%arg30 : memref<!tpu.dma_semaphore, #tpu.memory_space<semaphore_mem>>) {add = true}
      %add3A_381 = arith.constant 4 : i32
      %add3A_382 = arith.addi %add3A_368, %add3A_381 : i32
      %lt3A_383 = arith.cmpi slt, %add3A_382, %mul3A_110 : i32
      %convert_element_type3A_384 = arith.extui %lt3A_383 : i1 to i32
      %cond3A_385 = arith.constant 0 : i32
      %cond3A_386 = arith.cmpi ne, %convert_element_type3A_384, %cond3A_385 : i32
      scf.if %cond3A_386 {
        %ge3A = arith.constant 8 : i32
        %ge3A_427 = arith.cmpi sge, %add3A_382, %ge3A : i32
        %convert_element_type3A_428 = arith.extui %ge3A_427 : i1 to i32
        %cond3A_429 = arith.constant 0 : i32
        %cond3A_430 = arith.cmpi ne, %convert_element_type3A_428, %cond3A_429 : i32
        scf.if %cond3A_430 {
          %sub3A_437 = arith.constant 8 : i32
          %sub3A_438 = arith.subi %add3A_382, %sub3A_437 : i32
          %dma_wait3A_439 = arith.constant 0 : i32
          %dma_wait3A_440 = tpu.memref_slice %arg6[%sub3A_438, %dma_wait3A_439] : memref<40x256xi32, #tpu.memory_space<vmem>> -> memref<1x256xi32, #tpu.memory_space<vmem>>
          %dma_wait3A_441 = tpu.memref_squeeze %dma_wait3A_440 : memref<1x256xi32, #tpu.memory_space<vmem>> -> memref<256xi32, #tpu.memory_space<vmem>>
          %dma_wait3A_442 = arith.constant 0 : i32
          %dma_wait3A_443 = arith.constant 0 : i32
          %dma_wait3A_444 = tpu.memref_slice %arg15[%dma_wait3A_442, %dma_wait3A_443] : memref<10112x32xf32, #tpu.memory_space<vmem_shared>> -> memref<10112x32xf32, #tpu.memory_space<vmem_shared>>
          tpu.wait_indirect_dma semaphore(%arg26 : memref<!tpu.dma_semaphore, #tpu.memory_space<semaphore_mem>>) src(%arg8 : memref<256x32xf32, #tpu.memory_space<vmem>>) dst(%dma_wait3A_444 : memref<10112x32xf32, #tpu.memory_space<vmem_shared>>)
        } else {
        }
        %dma_start3A_431 = arith.constant 0 : i32
        %dma_start3A_432 = tpu.memref_slice %arg5[%add3A_382, %dma_start3A_431] : memref<40x256xi32, #tpu.memory_space<vmem>> -> memref<1x256xi32, #tpu.memory_space<vmem>>
        %dma_start3A_433 = tpu.memref_squeeze %dma_start3A_432 : memref<1x256xi32, #tpu.memory_space<vmem>> -> memref<256xi32, #tpu.memory_space<vmem>>
        %dma_start3A_434 = arith.constant 0 : i32
        %dma_start3A_435 = arith.constant 0 : i32
        %dma_start3A_436 = tpu.memref_slice %arg16[%dma_start3A_434, %dma_start3A_435] : memref<10112x32xf32, #tpu.memory_space<vmem_shared>> -> memref<10112x32xf32, #tpu.memory_space<vmem_shared>>
        tpu.enqueue_indirect_dma source(%dma_start3A_436 : memref<10112x32xf32, #tpu.memory_space<vmem_shared>>) target(%arg8 : memref<256x32xf32, #tpu.memory_space<vmem>>) offsets(%dma_start3A_433 : memref<256xi32, #tpu.memory_space<vmem>>) semaphore(%arg18 : memref<!tpu.dma_semaphore, #tpu.memory_space<semaphore_mem>>)
      } else {
      }
      %add3A_387 = arith.constant 6 : i32
      %add3A_388 = arith.addi %mul3A_267, %add3A_387 : i32
      %dma_wait3A_389 = arith.constant 0 : i32
      %dma_wait3A_390 = tpu.memref_slice %arg5[%add3A_388, %dma_wait3A_389] : memref<40x256xi32, #tpu.memory_space<vmem>> -> memref<1x256xi32, #tpu.memory_space<vmem>>
      %dma_wait3A_391 = tpu.memref_squeeze %dma_wait3A_390 : memref<1x256xi32, #tpu.memory_space<vmem>> -> memref<256xi32, #tpu.memory_space<vmem>>
      %dma_wait3A_392 = arith.constant 0 : i32
      %dma_wait3A_393 = arith.constant 0 : i32
      %dma_wait3A_394 = tpu.memref_slice %arg16[%dma_wait3A_392, %dma_wait3A_393] : memref<10112x32xf32, #tpu.memory_space<vmem_shared>> -> memref<10112x32xf32, #tpu.memory_space<vmem_shared>>
      tpu.wait_indirect_dma semaphore(%arg23 : memref<!tpu.dma_semaphore, #tpu.memory_space<semaphore_mem>>) src(%dma_wait3A_394 : memref<10112x32xf32, #tpu.memory_space<vmem_shared>>) dst(%arg13 : memref<256x32xf32, #tpu.memory_space<vmem>>)
      %dma_start3A_395 = arith.constant 0 : i32
      %dma_start3A_396 = tpu.memref_slice %arg6[%add3A_388, %dma_start3A_395] : memref<40x256xi32, #tpu.memory_space<vmem>> -> memref<1x256xi32, #tpu.memory_space<vmem>>
      %dma_start3A_397 = tpu.memref_squeeze %dma_start3A_396 : memref<1x256xi32, #tpu.memory_space<vmem>> -> memref<256xi32, #tpu.memory_space<vmem>>
      %dma_start3A_398 = arith.constant 0 : i32
      %dma_start3A_399 = arith.constant 0 : i32
      %dma_start3A_400 = tpu.memref_slice %arg15[%dma_start3A_398, %dma_start3A_399] : memref<10112x32xf32, #tpu.memory_space<vmem_shared>> -> memref<10112x32xf32, #tpu.memory_space<vmem_shared>>
      tpu.enqueue_indirect_dma source(%arg13 : memref<256x32xf32, #tpu.memory_space<vmem>>) target(%dma_start3A_400 : memref<10112x32xf32, #tpu.memory_space<vmem_shared>>) offsets(%dma_start3A_397 : memref<256xi32, #tpu.memory_space<vmem>>) semaphore(%arg31 : memref<!tpu.dma_semaphore, #tpu.memory_space<semaphore_mem>>) {add = true}
      %add3A_401 = arith.constant 4 : i32
      %add3A_402 = arith.addi %add3A_388, %add3A_401 : i32
      %lt3A_403 = arith.cmpi slt, %add3A_402, %mul3A_110 : i32
      %convert_element_type3A_404 = arith.extui %lt3A_403 : i1 to i32
      %cond3A_405 = arith.constant 0 : i32
      %cond3A_406 = arith.cmpi ne, %convert_element_type3A_404, %cond3A_405 : i32
      scf.if %cond3A_406 {
        %ge3A = arith.constant 8 : i32
        %ge3A_427 = arith.cmpi sge, %add3A_402, %ge3A : i32
        %convert_element_type3A_428 = arith.extui %ge3A_427 : i1 to i32
        %cond3A_429 = arith.constant 0 : i32
        %cond3A_430 = arith.cmpi ne, %convert_element_type3A_428, %cond3A_429 : i32
        scf.if %cond3A_430 {
          %sub3A_437 = arith.constant 8 : i32
          %sub3A_438 = arith.subi %add3A_402, %sub3A_437 : i32
          %dma_wait3A_439 = arith.constant 0 : i32
          %dma_wait3A_440 = tpu.memref_slice %arg6[%sub3A_438, %dma_wait3A_439] : memref<40x256xi32, #tpu.memory_space<vmem>> -> memref<1x256xi32, #tpu.memory_space<vmem>>
          %dma_wait3A_441 = tpu.memref_squeeze %dma_wait3A_440 : memref<1x256xi32, #tpu.memory_space<vmem>> -> memref<256xi32, #tpu.memory_space<vmem>>
          %dma_wait3A_442 = arith.constant 0 : i32
          %dma_wait3A_443 = arith.constant 0 : i32
          %dma_wait3A_444 = tpu.memref_slice %arg15[%dma_wait3A_442, %dma_wait3A_443] : memref<10112x32xf32, #tpu.memory_space<vmem_shared>> -> memref<10112x32xf32, #tpu.memory_space<vmem_shared>>
          tpu.wait_indirect_dma semaphore(%arg27 : memref<!tpu.dma_semaphore, #tpu.memory_space<semaphore_mem>>) src(%arg9 : memref<256x32xf32, #tpu.memory_space<vmem>>) dst(%dma_wait3A_444 : memref<10112x32xf32, #tpu.memory_space<vmem_shared>>)
        } else {
        }
        %dma_start3A_431 = arith.constant 0 : i32
        %dma_start3A_432 = tpu.memref_slice %arg5[%add3A_402, %dma_start3A_431] : memref<40x256xi32, #tpu.memory_space<vmem>> -> memref<1x256xi32, #tpu.memory_space<vmem>>
        %dma_start3A_433 = tpu.memref_squeeze %dma_start3A_432 : memref<1x256xi32, #tpu.memory_space<vmem>> -> memref<256xi32, #tpu.memory_space<vmem>>
        %dma_start3A_434 = arith.constant 0 : i32
        %dma_start3A_435 = arith.constant 0 : i32
        %dma_start3A_436 = tpu.memref_slice %arg16[%dma_start3A_434, %dma_start3A_435] : memref<10112x32xf32, #tpu.memory_space<vmem_shared>> -> memref<10112x32xf32, #tpu.memory_space<vmem_shared>>
        tpu.enqueue_indirect_dma source(%dma_start3A_436 : memref<10112x32xf32, #tpu.memory_space<vmem_shared>>) target(%arg9 : memref<256x32xf32, #tpu.memory_space<vmem>>) offsets(%dma_start3A_433 : memref<256xi32, #tpu.memory_space<vmem>>) semaphore(%arg19 : memref<!tpu.dma_semaphore, #tpu.memory_space<semaphore_mem>>)
      } else {
      }
      %add3A_407 = arith.constant 7 : i32
      %add3A_408 = arith.addi %mul3A_267, %add3A_407 : i32
      %dma_wait3A_409 = arith.constant 0 : i32
      %dma_wait3A_410 = tpu.memref_slice %arg5[%add3A_408, %dma_wait3A_409] : memref<40x256xi32, #tpu.memory_space<vmem>> -> memref<1x256xi32, #tpu.memory_space<vmem>>
      %dma_wait3A_411 = tpu.memref_squeeze %dma_wait3A_410 : memref<1x256xi32, #tpu.memory_space<vmem>> -> memref<256xi32, #tpu.memory_space<vmem>>
      %dma_wait3A_412 = arith.constant 0 : i32
      %dma_wait3A_413 = arith.constant 0 : i32
      %dma_wait3A_414 = tpu.memref_slice %arg16[%dma_wait3A_412, %dma_wait3A_413] : memref<10112x32xf32, #tpu.memory_space<vmem_shared>> -> memref<10112x32xf32, #tpu.memory_space<vmem_shared>>
      tpu.wait_indirect_dma semaphore(%arg24 : memref<!tpu.dma_semaphore, #tpu.memory_space<semaphore_mem>>) src(%dma_wait3A_414 : memref<10112x32xf32, #tpu.memory_space<vmem_shared>>) dst(%arg14 : memref<256x32xf32, #tpu.memory_space<vmem>>)
      %dma_start3A_415 = arith.constant 0 : i32
      %dma_start3A_416 = tpu.memref_slice %arg6[%add3A_408, %dma_start3A_415] : memref<40x256xi32, #tpu.memory_space<vmem>> -> memref<1x256xi32, #tpu.memory_space<vmem>>
      %dma_start3A_417 = tpu.memref_squeeze %dma_start3A_416 : memref<1x256xi32, #tpu.memory_space<vmem>> -> memref<256xi32, #tpu.memory_space<vmem>>
      %dma_start3A_418 = arith.constant 0 : i32
      %dma_start3A_419 = arith.constant 0 : i32
      %dma_start3A_420 = tpu.memref_slice %arg15[%dma_start3A_418, %dma_start3A_419] : memref<10112x32xf32, #tpu.memory_space<vmem_shared>> -> memref<10112x32xf32, #tpu.memory_space<vmem_shared>>
      tpu.enqueue_indirect_dma source(%arg14 : memref<256x32xf32, #tpu.memory_space<vmem>>) target(%dma_start3A_420 : memref<10112x32xf32, #tpu.memory_space<vmem_shared>>) offsets(%dma_start3A_417 : memref<256xi32, #tpu.memory_space<vmem>>) semaphore(%arg32 : memref<!tpu.dma_semaphore, #tpu.memory_space<semaphore_mem>>) {add = true}
      %add3A_421 = arith.constant 4 : i32
      %add3A_422 = arith.addi %add3A_408, %add3A_421 : i32
      %lt3A_423 = arith.cmpi slt, %add3A_422, %mul3A_110 : i32
      %convert_element_type3A_424 = arith.extui %lt3A_423 : i1 to i32
      %cond3A_425 = arith.constant 0 : i32
      %cond3A_426 = arith.cmpi ne, %convert_element_type3A_424, %cond3A_425 : i32
      scf.if %cond3A_426 {
        %ge3A = arith.constant 8 : i32
        %ge3A_427 = arith.cmpi sge, %add3A_422, %ge3A : i32
        %convert_element_type3A_428 = arith.extui %ge3A_427 : i1 to i32
        %cond3A_429 = arith.constant 0 : i32
        %cond3A_430 = arith.cmpi ne, %convert_element_type3A_428, %cond3A_429 : i32
        scf.if %cond3A_430 {
          %sub3A_437 = arith.constant 8 : i32
          %sub3A_438 = arith.subi %add3A_422, %sub3A_437 : i32
          %dma_wait3A_439 = arith.constant 0 : i32
          %dma_wait3A_440 = tpu.memref_slice %arg6[%sub3A_438, %dma_wait3A_439] : memref<40x256xi32, #tpu.memory_space<vmem>> -> memref<1x256xi32, #tpu.memory_space<vmem>>
          %dma_wait3A_441 = tpu.memref_squeeze %dma_wait3A_440 : memref<1x256xi32, #tpu.memory_space<vmem>> -> memref<256xi32, #tpu.memory_space<vmem>>
          %dma_wait3A_442 = arith.constant 0 : i32
          %dma_wait3A_443 = arith.constant 0 : i32
          %dma_wait3A_444 = tpu.memref_slice %arg15[%dma_wait3A_442, %dma_wait3A_443] : memref<10112x32xf32, #tpu.memory_space<vmem_shared>> -> memref<10112x32xf32, #tpu.memory_space<vmem_shared>>
          tpu.wait_indirect_dma semaphore(%arg28 : memref<!tpu.dma_semaphore, #tpu.memory_space<semaphore_mem>>) src(%arg10 : memref<256x32xf32, #tpu.memory_space<vmem>>) dst(%dma_wait3A_444 : memref<10112x32xf32, #tpu.memory_space<vmem_shared>>)
        } else {
        }
        %dma_start3A_431 = arith.constant 0 : i32
        %dma_start3A_432 = tpu.memref_slice %arg5[%add3A_422, %dma_start3A_431] : memref<40x256xi32, #tpu.memory_space<vmem>> -> memref<1x256xi32, #tpu.memory_space<vmem>>
        %dma_start3A_433 = tpu.memref_squeeze %dma_start3A_432 : memref<1x256xi32, #tpu.memory_space<vmem>> -> memref<256xi32, #tpu.memory_space<vmem>>
        %dma_start3A_434 = arith.constant 0 : i32
        %dma_start3A_435 = arith.constant 0 : i32
        %dma_start3A_436 = tpu.memref_slice %arg16[%dma_start3A_434, %dma_start3A_435] : memref<10112x32xf32, #tpu.memory_space<vmem_shared>> -> memref<10112x32xf32, #tpu.memory_space<vmem_shared>>
        tpu.enqueue_indirect_dma source(%dma_start3A_436 : memref<10112x32xf32, #tpu.memory_space<vmem_shared>>) target(%arg10 : memref<256x32xf32, #tpu.memory_space<vmem>>) offsets(%dma_start3A_433 : memref<256xi32, #tpu.memory_space<vmem>>) semaphore(%arg20 : memref<!tpu.dma_semaphore, #tpu.memory_space<semaphore_mem>>)
      } else {
      }
    }
    %while3A_156 = arith.constant 1 : i32
    scf.for %while3A_263 = %while3A_154 to %while3A_150 step %while3A_156  : i32 {
      %mul3A_264 = arith.muli %while3A_263, %while3A : i32
      %add3A_265 = arith.addi %while3A_147, %mul3A_264 : i32
      %mul3A_266 = arith.constant 8 : i32
      %mul3A_267 = arith.muli %add3A_265, %mul3A_266 : i32
      %add3A_268 = arith.constant 0 : i32
      %add3A_269 = arith.addi %mul3A_267, %add3A_268 : i32
      %dma_wait3A_270 = arith.constant 0 : i32
      %dma_wait3A_271 = tpu.memref_slice %arg5[%add3A_269, %dma_wait3A_270] : memref<40x256xi32, #tpu.memory_space<vmem>> -> memref<1x256xi32, #tpu.memory_space<vmem>>
      %dma_wait3A_272 = tpu.memref_squeeze %dma_wait3A_271 : memref<1x256xi32, #tpu.memory_space<vmem>> -> memref<256xi32, #tpu.memory_space<vmem>>
      %dma_wait3A_273 = arith.constant 0 : i32
      %dma_wait3A_274 = arith.constant 0 : i32
      %dma_wait3A_275 = tpu.memref_slice %arg16[%dma_wait3A_273, %dma_wait3A_274] : memref<10112x32xf32, #tpu.memory_space<vmem_shared>> -> memref<10112x32xf32, #tpu.memory_space<vmem_shared>>
      tpu.wait_indirect_dma semaphore(%arg17 : memref<!tpu.dma_semaphore, #tpu.memory_space<semaphore_mem>>) src(%dma_wait3A_275 : memref<10112x32xf32, #tpu.memory_space<vmem_shared>>) dst(%arg7 : memref<256x32xf32, #tpu.memory_space<vmem>>)
      %dma_start3A_276 = arith.constant 0 : i32
      %dma_start3A_277 = tpu.memref_slice %arg6[%add3A_269, %dma_start3A_276] : memref<40x256xi32, #tpu.memory_space<vmem>> -> memref<1x256xi32, #tpu.memory_space<vmem>>
      %dma_start3A_278 = tpu.memref_squeeze %dma_start3A_277 : memref<1x256xi32, #tpu.memory_space<vmem>> -> memref<256xi32, #tpu.memory_space<vmem>>
      %dma_start3A_279 = arith.constant 0 : i32
      %dma_start3A_280 = arith.constant 0 : i32
      %dma_start3A_281 = tpu.memref_slice %arg15[%dma_start3A_279, %dma_start3A_280] : memref<10112x32xf32, #tpu.memory_space<vmem_shared>> -> memref<10112x32xf32, #tpu.memory_space<vmem_shared>>
      tpu.enqueue_indirect_dma source(%arg7 : memref<256x32xf32, #tpu.memory_space<vmem>>) target(%dma_start3A_281 : memref<10112x32xf32, #tpu.memory_space<vmem_shared>>) offsets(%dma_start3A_278 : memref<256xi32, #tpu.memory_space<vmem>>) semaphore(%arg25 : memref<!tpu.dma_semaphore, #tpu.memory_space<semaphore_mem>>) {add = true}
      %add3A_282 = arith.constant 4 : i32
      %add3A_283 = arith.addi %add3A_269, %add3A_282 : i32
      %lt3A = arith.cmpi slt, %add3A_283, %mul3A_110 : i32
      %convert_element_type3A_284 = arith.extui %lt3A : i1 to i32
      %cond3A_285 = arith.constant 0 : i32
      %cond3A_286 = arith.cmpi ne, %convert_element_type3A_284, %cond3A_285 : i32
      scf.if %cond3A_286 {
        %ge3A = arith.constant 8 : i32
        %ge3A_427 = arith.cmpi sge, %add3A_283, %ge3A : i32
        %convert_element_type3A_428 = arith.extui %ge3A_427 : i1 to i32
        %cond3A_429 = arith.constant 0 : i32
        %cond3A_430 = arith.cmpi ne, %convert_element_type3A_428, %cond3A_429 : i32
        scf.if %cond3A_430 {
          %sub3A_437 = arith.constant 8 : i32
          %sub3A_438 = arith.subi %add3A_283, %sub3A_437 : i32
          %dma_wait3A_439 = arith.constant 0 : i32
          %dma_wait3A_440 = tpu.memref_slice %arg6[%sub3A_438, %dma_wait3A_439] : memref<40x256xi32, #tpu.memory_space<vmem>> -> memref<1x256xi32, #tpu.memory_space<vmem>>
          %dma_wait3A_441 = tpu.memref_squeeze %dma_wait3A_440 : memref<1x256xi32, #tpu.memory_space<vmem>> -> memref<256xi32, #tpu.memory_space<vmem>>
          %dma_wait3A_442 = arith.constant 0 : i32
          %dma_wait3A_443 = arith.constant 0 : i32
          %dma_wait3A_444 = tpu.memref_slice %arg15[%dma_wait3A_442, %dma_wait3A_443] : memref<10112x32xf32, #tpu.memory_space<vmem_shared>> -> memref<10112x32xf32, #tpu.memory_space<vmem_shared>>
          tpu.wait_indirect_dma semaphore(%arg29 : memref<!tpu.dma_semaphore, #tpu.memory_space<semaphore_mem>>) src(%arg11 : memref<256x32xf32, #tpu.memory_space<vmem>>) dst(%dma_wait3A_444 : memref<10112x32xf32, #tpu.memory_space<vmem_shared>>)
        } else {
        }
        %dma_start3A_431 = arith.constant 0 : i32
        %dma_start3A_432 = tpu.memref_slice %arg5[%add3A_283, %dma_start3A_431] : memref<40x256xi32, #tpu.memory_space<vmem>> -> memref<1x256xi32, #tpu.memory_space<vmem>>
        %dma_start3A_433 = tpu.memref_squeeze %dma_start3A_432 : memref<1x256xi32, #tpu.memory_space<vmem>> -> memref<256xi32, #tpu.memory_space<vmem>>
        %dma_start3A_434 = arith.constant 0 : i32
        %dma_start3A_435 = arith.constant 0 : i32
        %dma_start3A_436 = tpu.memref_slice %arg16[%dma_start3A_434, %dma_start3A_435] : memref<10112x32xf32, #tpu.memory_space<vmem_shared>> -> memref<10112x32xf32, #tpu.memory_space<vmem_shared>>
        tpu.enqueue_indirect_dma source(%dma_start3A_436 : memref<10112x32xf32, #tpu.memory_space<vmem_shared>>) target(%arg11 : memref<256x32xf32, #tpu.memory_space<vmem>>) offsets(%dma_start3A_433 : memref<256xi32, #tpu.memory_space<vmem>>) semaphore(%arg21 : memref<!tpu.dma_semaphore, #tpu.memory_space<semaphore_mem>>)
      } else {
      }
      %add3A_287 = arith.constant 1 : i32
      %add3A_288 = arith.addi %mul3A_267, %add3A_287 : i32
      %dma_wait3A_289 = arith.constant 0 : i32
      %dma_wait3A_290 = tpu.memref_slice %arg5[%add3A_288, %dma_wait3A_289] : memref<40x256xi32, #tpu.memory_space<vmem>> -> memref<1x256xi32, #tpu.memory_space<vmem>>
      %dma_wait3A_291 = tpu.memref_squeeze %dma_wait3A_290 : memref<1x256xi32, #tpu.memory_space<vmem>> -> memref<256xi32, #tpu.memory_space<vmem>>
      %dma_wait3A_292 = arith.constant 0 : i32
      %dma_wait3A_293 = arith.constant 0 : i32
      %dma_wait3A_294 = tpu.memref_slice %arg16[%dma_wait3A_292, %dma_wait3A_293] : memref<10112x32xf32, #tpu.memory_space<vmem_shared>> -> memref<10112x32xf32, #tpu.memory_space<vmem_shared>>
      tpu.wait_indirect_dma semaphore(%arg18 : memref<!tpu.dma_semaphore, #tpu.memory_space<semaphore_mem>>) src(%dma_wait3A_294 : memref<10112x32xf32, #tpu.memory_space<vmem_shared>>) dst(%arg8 : memref<256x32xf32, #tpu.memory_space<vmem>>)
      %dma_start3A_295 = arith.constant 0 : i32
      %dma_start3A_296 = tpu.memref_slice %arg6[%add3A_288, %dma_start3A_295] : memref<40x256xi32, #tpu.memory_space<vmem>> -> memref<1x256xi32, #tpu.memory_space<vmem>>
      %dma_start3A_297 = tpu.memref_squeeze %dma_start3A_296 : memref<1x256xi32, #tpu.memory_space<vmem>> -> memref<256xi32, #tpu.memory_space<vmem>>
      %dma_start3A_298 = arith.constant 0 : i32
      %dma_start3A_299 = arith.constant 0 : i32
      %dma_start3A_300 = tpu.memref_slice %arg15[%dma_start3A_298, %dma_start3A_299] : memref<10112x32xf32, #tpu.memory_space<vmem_shared>> -> memref<10112x32xf32, #tpu.memory_space<vmem_shared>>
      tpu.enqueue_indirect_dma source(%arg8 : memref<256x32xf32, #tpu.memory_space<vmem>>) target(%dma_start3A_300 : memref<10112x32xf32, #tpu.memory_space<vmem_shared>>) offsets(%dma_start3A_297 : memref<256xi32, #tpu.memory_space<vmem>>) semaphore(%arg26 : memref<!tpu.dma_semaphore, #tpu.memory_space<semaphore_mem>>) {add = true}
      %add3A_301 = arith.constant 4 : i32
      %add3A_302 = arith.addi %add3A_288, %add3A_301 : i32
      %lt3A_303 = arith.cmpi slt, %add3A_302, %mul3A_110 : i32
      %convert_element_type3A_304 = arith.extui %lt3A_303 : i1 to i32
      %cond3A_305 = arith.constant 0 : i32
      %cond3A_306 = arith.cmpi ne, %convert_element_type3A_304, %cond3A_305 : i32
      scf.if %cond3A_306 {
        %ge3A = arith.constant 8 : i32
        %ge3A_427 = arith.cmpi sge, %add3A_302, %ge3A : i32
        %convert_element_type3A_428 = arith.extui %ge3A_427 : i1 to i32
        %cond3A_429 = arith.constant 0 : i32
        %cond3A_430 = arith.cmpi ne, %convert_element_type3A_428, %cond3A_429 : i32
        scf.if %cond3A_430 {
          %sub3A_437 = arith.constant 8 : i32
          %sub3A_438 = arith.subi %add3A_302, %sub3A_437 : i32
          %dma_wait3A_439 = arith.constant 0 : i32
          %dma_wait3A_440 = tpu.memref_slice %arg6[%sub3A_438, %dma_wait3A_439] : memref<40x256xi32, #tpu.memory_space<vmem>> -> memref<1x256xi32, #tpu.memory_space<vmem>>
          %dma_wait3A_441 = tpu.memref_squeeze %dma_wait3A_440 : memref<1x256xi32, #tpu.memory_space<vmem>> -> memref<256xi32, #tpu.memory_space<vmem>>
          %dma_wait3A_442 = arith.constant 0 : i32
          %dma_wait3A_443 = arith.constant 0 : i32
          %dma_wait3A_444 = tpu.memref_slice %arg15[%dma_wait3A_442, %dma_wait3A_443] : memref<10112x32xf32, #tpu.memory_space<vmem_shared>> -> memref<10112x32xf32, #tpu.memory_space<vmem_shared>>
          tpu.wait_indirect_dma semaphore(%arg30 : memref<!tpu.dma_semaphore, #tpu.memory_space<semaphore_mem>>) src(%arg12 : memref<256x32xf32, #tpu.memory_space<vmem>>) dst(%dma_wait3A_444 : memref<10112x32xf32, #tpu.memory_space<vmem_shared>>)
        } else {
        }
        %dma_start3A_431 = arith.constant 0 : i32
        %dma_start3A_432 = tpu.memref_slice %arg5[%add3A_302, %dma_start3A_431] : memref<40x256xi32, #tpu.memory_space<vmem>> -> memref<1x256xi32, #tpu.memory_space<vmem>>
        %dma_start3A_433 = tpu.memref_squeeze %dma_start3A_432 : memref<1x256xi32, #tpu.memory_space<vmem>> -> memref<256xi32, #tpu.memory_space<vmem>>
        %dma_start3A_434 = arith.constant 0 : i32
        %dma_start3A_435 = arith.constant 0 : i32
        %dma_start3A_436 = tpu.memref_slice %arg16[%dma_start3A_434, %dma_start3A_435] : memref<10112x32xf32, #tpu.memory_space<vmem_shared>> -> memref<10112x32xf32, #tpu.memory_space<vmem_shared>>
        tpu.enqueue_indirect_dma source(%dma_start3A_436 : memref<10112x32xf32, #tpu.memory_space<vmem_shared>>) target(%arg12 : memref<256x32xf32, #tpu.memory_space<vmem>>) offsets(%dma_start3A_433 : memref<256xi32, #tpu.memory_space<vmem>>) semaphore(%arg22 : memref<!tpu.dma_semaphore, #tpu.memory_space<semaphore_mem>>)
      } else {
      }
      %add3A_307 = arith.constant 2 : i32
      %add3A_308 = arith.addi %mul3A_267, %add3A_307 : i32
      %dma_wait3A_309 = arith.constant 0 : i32
      %dma_wait3A_310 = tpu.memref_slice %arg5[%add3A_308, %dma_wait3A_309] : memref<40x256xi32, #tpu.memory_space<vmem>> -> memref<1x256xi32, #tpu.memory_space<vmem>>
      %dma_wait3A_311 = tpu.memref_squeeze %dma_wait3A_310 : memref<1x256xi32, #tpu.memory_space<vmem>> -> memref<256xi32, #tpu.memory_space<vmem>>
      %dma_wait3A_312 = arith.constant 0 : i32
      %dma_wait3A_313 = arith.constant 0 : i32
      %dma_wait3A_314 = tpu.memref_slice %arg16[%dma_wait3A_312, %dma_wait3A_313] : memref<10112x32xf32, #tpu.memory_space<vmem_shared>> -> memref<10112x32xf32, #tpu.memory_space<vmem_shared>>
      tpu.wait_indirect_dma semaphore(%arg19 : memref<!tpu.dma_semaphore, #tpu.memory_space<semaphore_mem>>) src(%dma_wait3A_314 : memref<10112x32xf32, #tpu.memory_space<vmem_shared>>) dst(%arg9 : memref<256x32xf32, #tpu.memory_space<vmem>>)
      %dma_start3A_315 = arith.constant 0 : i32
      %dma_start3A_316 = tpu.memref_slice %arg6[%add3A_308, %dma_start3A_315] : memref<40x256xi32, #tpu.memory_space<vmem>> -> memref<1x256xi32, #tpu.memory_space<vmem>>
      %dma_start3A_317 = tpu.memref_squeeze %dma_start3A_316 : memref<1x256xi32, #tpu.memory_space<vmem>> -> memref<256xi32, #tpu.memory_space<vmem>>
      %dma_start3A_318 = arith.constant 0 : i32
      %dma_start3A_319 = arith.constant 0 : i32
      %dma_start3A_320 = tpu.memref_slice %arg15[%dma_start3A_318, %dma_start3A_319] : memref<10112x32xf32, #tpu.memory_space<vmem_shared>> -> memref<10112x32xf32, #tpu.memory_space<vmem_shared>>
      tpu.enqueue_indirect_dma source(%arg9 : memref<256x32xf32, #tpu.memory_space<vmem>>) target(%dma_start3A_320 : memref<10112x32xf32, #tpu.memory_space<vmem_shared>>) offsets(%dma_start3A_317 : memref<256xi32, #tpu.memory_space<vmem>>) semaphore(%arg27 : memref<!tpu.dma_semaphore, #tpu.memory_space<semaphore_mem>>) {add = true}
      %add3A_321 = arith.constant 4 : i32
      %add3A_322 = arith.addi %add3A_308, %add3A_321 : i32
      %lt3A_323 = arith.cmpi slt, %add3A_322, %mul3A_110 : i32
      %convert_element_type3A_324 = arith.extui %lt3A_323 : i1 to i32
      %cond3A_325 = arith.constant 0 : i32
      %cond3A_326 = arith.cmpi ne, %convert_element_type3A_324, %cond3A_325 : i32
      scf.if %cond3A_326 {
        %ge3A = arith.constant 8 : i32
        %ge3A_427 = arith.cmpi sge, %add3A_322, %ge3A : i32
        %convert_element_type3A_428 = arith.extui %ge3A_427 : i1 to i32
        %cond3A_429 = arith.constant 0 : i32
        %cond3A_430 = arith.cmpi ne, %convert_element_type3A_428, %cond3A_429 : i32
        scf.if %cond3A_430 {
          %sub3A_437 = arith.constant 8 : i32
          %sub3A_438 = arith.subi %add3A_322, %sub3A_437 : i32
          %dma_wait3A_439 = arith.constant 0 : i32
          %dma_wait3A_440 = tpu.memref_slice %arg6[%sub3A_438, %dma_wait3A_439] : memref<40x256xi32, #tpu.memory_space<vmem>> -> memref<1x256xi32, #tpu.memory_space<vmem>>
          %dma_wait3A_441 = tpu.memref_squeeze %dma_wait3A_440 : memref<1x256xi32, #tpu.memory_space<vmem>> -> memref<256xi32, #tpu.memory_space<vmem>>
          %dma_wait3A_442 = arith.constant 0 : i32
          %dma_wait3A_443 = arith.constant 0 : i32
          %dma_wait3A_444 = tpu.memref_slice %arg15[%dma_wait3A_442, %dma_wait3A_443] : memref<10112x32xf32, #tpu.memory_space<vmem_shared>> -> memref<10112x32xf32, #tpu.memory_space<vmem_shared>>
          tpu.wait_indirect_dma semaphore(%arg31 : memref<!tpu.dma_semaphore, #tpu.memory_space<semaphore_mem>>) src(%arg13 : memref<256x32xf32, #tpu.memory_space<vmem>>) dst(%dma_wait3A_444 : memref<10112x32xf32, #tpu.memory_space<vmem_shared>>)
        } else {
        }
        %dma_start3A_431 = arith.constant 0 : i32
        %dma_start3A_432 = tpu.memref_slice %arg5[%add3A_322, %dma_start3A_431] : memref<40x256xi32, #tpu.memory_space<vmem>> -> memref<1x256xi32, #tpu.memory_space<vmem>>
        %dma_start3A_433 = tpu.memref_squeeze %dma_start3A_432 : memref<1x256xi32, #tpu.memory_space<vmem>> -> memref<256xi32, #tpu.memory_space<vmem>>
        %dma_start3A_434 = arith.constant 0 : i32
        %dma_start3A_435 = arith.constant 0 : i32
        %dma_start3A_436 = tpu.memref_slice %arg16[%dma_start3A_434, %dma_start3A_435] : memref<10112x32xf32, #tpu.memory_space<vmem_shared>> -> memref<10112x32xf32, #tpu.memory_space<vmem_shared>>
        tpu.enqueue_indirect_dma source(%dma_start3A_436 : memref<10112x32xf32, #tpu.memory_space<vmem_shared>>) target(%arg13 : memref<256x32xf32, #tpu.memory_space<vmem>>) offsets(%dma_start3A_433 : memref<256xi32, #tpu.memory_space<vmem>>) semaphore(%arg23 : memref<!tpu.dma_semaphore, #tpu.memory_space<semaphore_mem>>)
      } else {
      }
      %add3A_327 = arith.constant 3 : i32
      %add3A_328 = arith.addi %mul3A_267, %add3A_327 : i32
      %dma_wait3A_329 = arith.constant 0 : i32
      %dma_wait3A_330 = tpu.memref_slice %arg5[%add3A_328, %dma_wait3A_329] : memref<40x256xi32, #tpu.memory_space<vmem>> -> memref<1x256xi32, #tpu.memory_space<vmem>>
      %dma_wait3A_331 = tpu.memref_squeeze %dma_wait3A_330 : memref<1x256xi32, #tpu.memory_space<vmem>> -> memref<256xi32, #tpu.memory_space<vmem>>
      %dma_wait3A_332 = arith.constant 0 : i32
      %dma_wait3A_333 = arith.constant 0 : i32
      %dma_wait3A_334 = tpu.memref_slice %arg16[%dma_wait3A_332, %dma_wait3A_333] : memref<10112x32xf32, #tpu.memory_space<vmem_shared>> -> memref<10112x32xf32, #tpu.memory_space<vmem_shared>>
      tpu.wait_indirect_dma semaphore(%arg20 : memref<!tpu.dma_semaphore, #tpu.memory_space<semaphore_mem>>) src(%dma_wait3A_334 : memref<10112x32xf32, #tpu.memory_space<vmem_shared>>) dst(%arg10 : memref<256x32xf32, #tpu.memory_space<vmem>>)
      %dma_start3A_335 = arith.constant 0 : i32
      %dma_start3A_336 = tpu.memref_slice %arg6[%add3A_328, %dma_start3A_335] : memref<40x256xi32, #tpu.memory_space<vmem>> -> memref<1x256xi32, #tpu.memory_space<vmem>>
      %dma_start3A_337 = tpu.memref_squeeze %dma_start3A_336 : memref<1x256xi32, #tpu.memory_space<vmem>> -> memref<256xi32, #tpu.memory_space<vmem>>
      %dma_start3A_338 = arith.constant 0 : i32
      %dma_start3A_339 = arith.constant 0 : i32
      %dma_start3A_340 = tpu.memref_slice %arg15[%dma_start3A_338, %dma_start3A_339] : memref<10112x32xf32, #tpu.memory_space<vmem_shared>> -> memref<10112x32xf32, #tpu.memory_space<vmem_shared>>
      tpu.enqueue_indirect_dma source(%arg10 : memref<256x32xf32, #tpu.memory_space<vmem>>) target(%dma_start3A_340 : memref<10112x32xf32, #tpu.memory_space<vmem_shared>>) offsets(%dma_start3A_337 : memref<256xi32, #tpu.memory_space<vmem>>) semaphore(%arg28 : memref<!tpu.dma_semaphore, #tpu.memory_space<semaphore_mem>>) {add = true}
      %add3A_341 = arith.constant 4 : i32
      %add3A_342 = arith.addi %add3A_328, %add3A_341 : i32
      %lt3A_343 = arith.cmpi slt, %add3A_342, %mul3A_110 : i32
      %convert_element_type3A_344 = arith.extui %lt3A_343 : i1 to i32
      %cond3A_345 = arith.constant 0 : i32
      %cond3A_346 = arith.cmpi ne, %convert_element_type3A_344, %cond3A_345 : i32
      scf.if %cond3A_346 {
        %ge3A = arith.constant 8 : i32
        %ge3A_427 = arith.cmpi sge, %add3A_342, %ge3A : i32
        %convert_element_type3A_428 = arith.extui %ge3A_427 : i1 to i32
        %cond3A_429 = arith.constant 0 : i32
        %cond3A_430 = arith.cmpi ne, %convert_element_type3A_428, %cond3A_429 : i32
        scf.if %cond3A_430 {
          %sub3A_437 = arith.constant 8 : i32
          %sub3A_438 = arith.subi %add3A_342, %sub3A_437 : i32
          %dma_wait3A_439 = arith.constant 0 : i32
          %dma_wait3A_440 = tpu.memref_slice %arg6[%sub3A_438, %dma_wait3A_439] : memref<40x256xi32, #tpu.memory_space<vmem>> -> memref<1x256xi32, #tpu.memory_space<vmem>>
          %dma_wait3A_441 = tpu.memref_squeeze %dma_wait3A_440 : memref<1x256xi32, #tpu.memory_space<vmem>> -> memref<256xi32, #tpu.memory_space<vmem>>
          %dma_wait3A_442 = arith.constant 0 : i32
          %dma_wait3A_443 = arith.constant 0 : i32
          %dma_wait3A_444 = tpu.memref_slice %arg15[%dma_wait3A_442, %dma_wait3A_443] : memref<10112x32xf32, #tpu.memory_space<vmem_shared>> -> memref<10112x32xf32, #tpu.memory_space<vmem_shared>>
          tpu.wait_indirect_dma semaphore(%arg32 : memref<!tpu.dma_semaphore, #tpu.memory_space<semaphore_mem>>) src(%arg14 : memref<256x32xf32, #tpu.memory_space<vmem>>) dst(%dma_wait3A_444 : memref<10112x32xf32, #tpu.memory_space<vmem_shared>>)
        } else {
        }
        %dma_start3A_431 = arith.constant 0 : i32
        %dma_start3A_432 = tpu.memref_slice %arg5[%add3A_342, %dma_start3A_431] : memref<40x256xi32, #tpu.memory_space<vmem>> -> memref<1x256xi32, #tpu.memory_space<vmem>>
        %dma_start3A_433 = tpu.memref_squeeze %dma_start3A_432 : memref<1x256xi32, #tpu.memory_space<vmem>> -> memref<256xi32, #tpu.memory_space<vmem>>
        %dma_start3A_434 = arith.constant 0 : i32
        %dma_start3A_435 = arith.constant 0 : i32
        %dma_start3A_436 = tpu.memref_slice %arg16[%dma_start3A_434, %dma_start3A_435] : memref<10112x32xf32, #tpu.memory_space<vmem_shared>> -> memref<10112x32xf32, #tpu.memory_space<vmem_shared>>
        tpu.enqueue_indirect_dma source(%dma_start3A_436 : memref<10112x32xf32, #tpu.memory_space<vmem_shared>>) target(%arg14 : memref<256x32xf32, #tpu.memory_space<vmem>>) offsets(%dma_start3A_433 : memref<256xi32, #tpu.memory_space<vmem>>) semaphore(%arg24 : memref<!tpu.dma_semaphore, #tpu.memory_space<semaphore_mem>>)
      } else {
      }
      %add3A_347 = arith.constant 4 : i32
      %add3A_348 = arith.addi %mul3A_267, %add3A_347 : i32
      %dma_wait3A_349 = arith.constant 0 : i32
      %dma_wait3A_350 = tpu.memref_slice %arg5[%add3A_348, %dma_wait3A_349] : memref<40x256xi32, #tpu.memory_space<vmem>> -> memref<1x256xi32, #tpu.memory_space<vmem>>
      %dma_wait3A_351 = tpu.memref_squeeze %dma_wait3A_350 : memref<1x256xi32, #tpu.memory_space<vmem>> -> memref<256xi32, #tpu.memory_space<vmem>>
      %dma_wait3A_352 = arith.constant 0 : i32
      %dma_wait3A_353 = arith.constant 0 : i32
      %dma_wait3A_354 = tpu.memref_slice %arg16[%dma_wait3A_352, %dma_wait3A_353] : memref<10112x32xf32, #tpu.memory_space<vmem_shared>> -> memref<10112x32xf32, #tpu.memory_space<vmem_shared>>
      tpu.wait_indirect_dma semaphore(%arg21 : memref<!tpu.dma_semaphore, #tpu.memory_space<semaphore_mem>>) src(%dma_wait3A_354 : memref<10112x32xf32, #tpu.memory_space<vmem_shared>>) dst(%arg11 : memref<256x32xf32, #tpu.memory_space<vmem>>)
      %dma_start3A_355 = arith.constant 0 : i32
      %dma_start3A_356 = tpu.memref_slice %arg6[%add3A_348, %dma_start3A_355] : memref<40x256xi32, #tpu.memory_space<vmem>> -> memref<1x256xi32, #tpu.memory_space<vmem>>
      %dma_start3A_357 = tpu.memref_squeeze %dma_start3A_356 : memref<1x256xi32, #tpu.memory_space<vmem>> -> memref<256xi32, #tpu.memory_space<vmem>>
      %dma_start3A_358 = arith.constant 0 : i32
      %dma_start3A_359 = arith.constant 0 : i32
      %dma_start3A_360 = tpu.memref_slice %arg15[%dma_start3A_358, %dma_start3A_359] : memref<10112x32xf32, #tpu.memory_space<vmem_shared>> -> memref<10112x32xf32, #tpu.memory_space<vmem_shared>>
      tpu.enqueue_indirect_dma source(%arg11 : memref<256x32xf32, #tpu.memory_space<vmem>>) target(%dma_start3A_360 : memref<10112x32xf32, #tpu.memory_space<vmem_shared>>) offsets(%dma_start3A_357 : memref<256xi32, #tpu.memory_space<vmem>>) semaphore(%arg29 : memref<!tpu.dma_semaphore, #tpu.memory_space<semaphore_mem>>) {add = true}
      %add3A_361 = arith.constant 4 : i32
      %add3A_362 = arith.addi %add3A_348, %add3A_361 : i32
      %lt3A_363 = arith.cmpi slt, %add3A_362, %mul3A_110 : i32
      %convert_element_type3A_364 = arith.extui %lt3A_363 : i1 to i32
      %cond3A_365 = arith.constant 0 : i32
      %cond3A_366 = arith.cmpi ne, %convert_element_type3A_364, %cond3A_365 : i32
      scf.if %cond3A_366 {
        %ge3A = arith.constant 8 : i32
        %ge3A_427 = arith.cmpi sge, %add3A_362, %ge3A : i32
        %convert_element_type3A_428 = arith.extui %ge3A_427 : i1 to i32
        %cond3A_429 = arith.constant 0 : i32
        %cond3A_430 = arith.cmpi ne, %convert_element_type3A_428, %cond3A_429 : i32
        scf.if %cond3A_430 {
          %sub3A_437 = arith.constant 8 : i32
          %sub3A_438 = arith.subi %add3A_362, %sub3A_437 : i32
          %dma_wait3A_439 = arith.constant 0 : i32
          %dma_wait3A_440 = tpu.memref_slice %arg6[%sub3A_438, %dma_wait3A_439] : memref<40x256xi32, #tpu.memory_space<vmem>> -> memref<1x256xi32, #tpu.memory_space<vmem>>
          %dma_wait3A_441 = tpu.memref_squeeze %dma_wait3A_440 : memref<1x256xi32, #tpu.memory_space<vmem>> -> memref<256xi32, #tpu.memory_space<vmem>>
          %dma_wait3A_442 = arith.constant 0 : i32
          %dma_wait3A_443 = arith.constant 0 : i32
          %dma_wait3A_444 = tpu.memref_slice %arg15[%dma_wait3A_442, %dma_wait3A_443] : memref<10112x32xf32, #tpu.memory_space<vmem_shared>> -> memref<10112x32xf32, #tpu.memory_space<vmem_shared>>
          tpu.wait_indirect_dma semaphore(%arg25 : memref<!tpu.dma_semaphore, #tpu.memory_space<semaphore_mem>>) src(%arg7 : memref<256x32xf32, #tpu.memory_space<vmem>>) dst(%dma_wait3A_444 : memref<10112x32xf32, #tpu.memory_space<vmem_shared>>)
        } else {
        }
        %dma_start3A_431 = arith.constant 0 : i32
        %dma_start3A_432 = tpu.memref_slice %arg5[%add3A_362, %dma_start3A_431] : memref<40x256xi32, #tpu.memory_space<vmem>> -> memref<1x256xi32, #tpu.memory_space<vmem>>
        %dma_start3A_433 = tpu.memref_squeeze %dma_start3A_432 : memref<1x256xi32, #tpu.memory_space<vmem>> -> memref<256xi32, #tpu.memory_space<vmem>>
        %dma_start3A_434 = arith.constant 0 : i32
        %dma_start3A_435 = arith.constant 0 : i32
        %dma_start3A_436 = tpu.memref_slice %arg16[%dma_start3A_434, %dma_start3A_435] : memref<10112x32xf32, #tpu.memory_space<vmem_shared>> -> memref<10112x32xf32, #tpu.memory_space<vmem_shared>>
        tpu.enqueue_indirect_dma source(%dma_start3A_436 : memref<10112x32xf32, #tpu.memory_space<vmem_shared>>) target(%arg7 : memref<256x32xf32, #tpu.memory_space<vmem>>) offsets(%dma_start3A_433 : memref<256xi32, #tpu.memory_space<vmem>>) semaphore(%arg17 : memref<!tpu.dma_semaphore, #tpu.memory_space<semaphore_mem>>)
      } else {
      }
      %add3A_367 = arith.constant 5 : i32
      %add3A_368 = arith.addi %mul3A_267, %add3A_367 : i32
      %dma_wait3A_369 = arith.constant 0 : i32
      %dma_wait3A_370 = tpu.memref_slice %arg5[%add3A_368, %dma_wait3A_369] : memref<40x256xi32, #tpu.memory_space<vmem>> -> memref<1x256xi32, #tpu.memory_space<vmem>>
      %dma_wait3A_371 = tpu.memref_squeeze %dma_wait3A_370 : memref<1x256xi32, #tpu.memory_space<vmem>> -> memref<256xi32, #tpu.memory_space<vmem>>
      %dma_wait3A_372 = arith.constant 0 : i32
      %dma_wait3A_373 = arith.constant 0 : i32
      %dma_wait3A_374 = tpu.memref_slice %arg16[%dma_wait3A_372, %dma_wait3A_373] : memref<10112x32xf32, #tpu.memory_space<vmem_shared>> -> memref<10112x32xf32, #tpu.memory_space<vmem_shared>>
      tpu.wait_indirect_dma semaphore(%arg22 : memref<!tpu.dma_semaphore, #tpu.memory_space<semaphore_mem>>) src(%dma_wait3A_374 : memref<10112x32xf32, #tpu.memory_space<vmem_shared>>) dst(%arg12 : memref<256x32xf32, #tpu.memory_space<vmem>>)
      %dma_start3A_375 = arith.constant 0 : i32
      %dma_start3A_376 = tpu.memref_slice %arg6[%add3A_368, %dma_start3A_375] : memref<40x256xi32, #tpu.memory_space<vmem>> -> memref<1x256xi32, #tpu.memory_space<vmem>>
      %dma_start3A_377 = tpu.memref_squeeze %dma_start3A_376 : memref<1x256xi32, #tpu.memory_space<vmem>> -> memref<256xi32, #tpu.memory_space<vmem>>
      %dma_start3A_378 = arith.constant 0 : i32
      %dma_start3A_379 = arith.constant 0 : i32
      %dma_start3A_380 = tpu.memref_slice %arg15[%dma_start3A_378, %dma_start3A_379] : memref<10112x32xf32, #tpu.memory_space<vmem_shared>> -> memref<10112x32xf32, #tpu.memory_space<vmem_shared>>
      tpu.enqueue_indirect_dma source(%arg12 : memref<256x32xf32, #tpu.memory_space<vmem>>) target(%dma_start3A_380 : memref<10112x32xf32, #tpu.memory_space<vmem_shared>>) offsets(%dma_start3A_377 : memref<256xi32, #tpu.memory_space<vmem>>) semaphore(%arg30 : memref<!tpu.dma_semaphore, #tpu.memory_space<semaphore_mem>>) {add = true}
      %add3A_381 = arith.constant 4 : i32
      %add3A_382 = arith.addi %add3A_368, %add3A_381 : i32
      %lt3A_383 = arith.cmpi slt, %add3A_382, %mul3A_110 : i32
      %convert_element_type3A_384 = arith.extui %lt3A_383 : i1 to i32
      %cond3A_385 = arith.constant 0 : i32
      %cond3A_386 = arith.cmpi ne, %convert_element_type3A_384, %cond3A_385 : i32
      scf.if %cond3A_386 {
        %ge3A = arith.constant 8 : i32
        %ge3A_427 = arith.cmpi sge, %add3A_382, %ge3A : i32
        %convert_element_type3A_428 = arith.extui %ge3A_427 : i1 to i32
        %cond3A_429 = arith.constant 0 : i32
        %cond3A_430 = arith.cmpi ne, %convert_element_type3A_428, %cond3A_429 : i32
        scf.if %cond3A_430 {
          %sub3A_437 = arith.constant 8 : i32
          %sub3A_438 = arith.subi %add3A_382, %sub3A_437 : i32
          %dma_wait3A_439 = arith.constant 0 : i32
          %dma_wait3A_440 = tpu.memref_slice %arg6[%sub3A_438, %dma_wait3A_439] : memref<40x256xi32, #tpu.memory_space<vmem>> -> memref<1x256xi32, #tpu.memory_space<vmem>>
          %dma_wait3A_441 = tpu.memref_squeeze %dma_wait3A_440 : memref<1x256xi32, #tpu.memory_space<vmem>> -> memref<256xi32, #tpu.memory_space<vmem>>
          %dma_wait3A_442 = arith.constant 0 : i32
          %dma_wait3A_443 = arith.constant 0 : i32
          %dma_wait3A_444 = tpu.memref_slice %arg15[%dma_wait3A_442, %dma_wait3A_443] : memref<10112x32xf32, #tpu.memory_space<vmem_shared>> -> memref<10112x32xf32, #tpu.memory_space<vmem_shared>>
          tpu.wait_indirect_dma semaphore(%arg26 : memref<!tpu.dma_semaphore, #tpu.memory_space<semaphore_mem>>) src(%arg8 : memref<256x32xf32, #tpu.memory_space<vmem>>) dst(%dma_wait3A_444 : memref<10112x32xf32, #tpu.memory_space<vmem_shared>>)
        } else {
        }
        %dma_start3A_431 = arith.constant 0 : i32
        %dma_start3A_432 = tpu.memref_slice %arg5[%add3A_382, %dma_start3A_431] : memref<40x256xi32, #tpu.memory_space<vmem>> -> memref<1x256xi32, #tpu.memory_space<vmem>>
        %dma_start3A_433 = tpu.memref_squeeze %dma_start3A_432 : memref<1x256xi32, #tpu.memory_space<vmem>> -> memref<256xi32, #tpu.memory_space<vmem>>
        %dma_start3A_434 = arith.constant 0 : i32
        %dma_start3A_435 = arith.constant 0 : i32
        %dma_start3A_436 = tpu.memref_slice %arg16[%dma_start3A_434, %dma_start3A_435] : memref<10112x32xf32, #tpu.memory_space<vmem_shared>> -> memref<10112x32xf32, #tpu.memory_space<vmem_shared>>
        tpu.enqueue_indirect_dma source(%dma_start3A_436 : memref<10112x32xf32, #tpu.memory_space<vmem_shared>>) target(%arg8 : memref<256x32xf32, #tpu.memory_space<vmem>>) offsets(%dma_start3A_433 : memref<256xi32, #tpu.memory_space<vmem>>) semaphore(%arg18 : memref<!tpu.dma_semaphore, #tpu.memory_space<semaphore_mem>>)
      } else {
      }
      %add3A_387 = arith.constant 6 : i32
      %add3A_388 = arith.addi %mul3A_267, %add3A_387 : i32
      %dma_wait3A_389 = arith.constant 0 : i32
      %dma_wait3A_390 = tpu.memref_slice %arg5[%add3A_388, %dma_wait3A_389] : memref<40x256xi32, #tpu.memory_space<vmem>> -> memref<1x256xi32, #tpu.memory_space<vmem>>
      %dma_wait3A_391 = tpu.memref_squeeze %dma_wait3A_390 : memref<1x256xi32, #tpu.memory_space<vmem>> -> memref<256xi32, #tpu.memory_space<vmem>>
      %dma_wait3A_392 = arith.constant 0 : i32
      %dma_wait3A_393 = arith.constant 0 : i32
      %dma_wait3A_394 = tpu.memref_slice %arg16[%dma_wait3A_392, %dma_wait3A_393] : memref<10112x32xf32, #tpu.memory_space<vmem_shared>> -> memref<10112x32xf32, #tpu.memory_space<vmem_shared>>
      tpu.wait_indirect_dma semaphore(%arg23 : memref<!tpu.dma_semaphore, #tpu.memory_space<semaphore_mem>>) src(%dma_wait3A_394 : memref<10112x32xf32, #tpu.memory_space<vmem_shared>>) dst(%arg13 : memref<256x32xf32, #tpu.memory_space<vmem>>)
      %dma_start3A_395 = arith.constant 0 : i32
      %dma_start3A_396 = tpu.memref_slice %arg6[%add3A_388, %dma_start3A_395] : memref<40x256xi32, #tpu.memory_space<vmem>> -> memref<1x256xi32, #tpu.memory_space<vmem>>
      %dma_start3A_397 = tpu.memref_squeeze %dma_start3A_396 : memref<1x256xi32, #tpu.memory_space<vmem>> -> memref<256xi32, #tpu.memory_space<vmem>>
      %dma_start3A_398 = arith.constant 0 : i32
      %dma_start3A_399 = arith.constant 0 : i32
      %dma_start3A_400 = tpu.memref_slice %arg15[%dma_start3A_398, %dma_start3A_399] : memref<10112x32xf32, #tpu.memory_space<vmem_shared>> -> memref<10112x32xf32, #tpu.memory_space<vmem_shared>>
      tpu.enqueue_indirect_dma source(%arg13 : memref<256x32xf32, #tpu.memory_space<vmem>>) target(%dma_start3A_400 : memref<10112x32xf32, #tpu.memory_space<vmem_shared>>) offsets(%dma_start3A_397 : memref<256xi32, #tpu.memory_space<vmem>>) semaphore(%arg31 : memref<!tpu.dma_semaphore, #tpu.memory_space<semaphore_mem>>) {add = true}
      %add3A_401 = arith.constant 4 : i32
      %add3A_402 = arith.addi %add3A_388, %add3A_401 : i32
      %lt3A_403 = arith.cmpi slt, %add3A_402, %mul3A_110 : i32
      %convert_element_type3A_404 = arith.extui %lt3A_403 : i1 to i32
      %cond3A_405 = arith.constant 0 : i32
      %cond3A_406 = arith.cmpi ne, %convert_element_type3A_404, %cond3A_405 : i32
      scf.if %cond3A_406 {
        %ge3A = arith.constant 8 : i32
        %ge3A_427 = arith.cmpi sge, %add3A_402, %ge3A : i32
        %convert_element_type3A_428 = arith.extui %ge3A_427 : i1 to i32
        %cond3A_429 = arith.constant 0 : i32
        %cond3A_430 = arith.cmpi ne, %convert_element_type3A_428, %cond3A_429 : i32
        scf.if %cond3A_430 {
          %sub3A_437 = arith.constant 8 : i32
          %sub3A_438 = arith.subi %add3A_402, %sub3A_437 : i32
          %dma_wait3A_439 = arith.constant 0 : i32
          %dma_wait3A_440 = tpu.memref_slice %arg6[%sub3A_438, %dma_wait3A_439] : memref<40x256xi32, #tpu.memory_space<vmem>> -> memref<1x256xi32, #tpu.memory_space<vmem>>
          %dma_wait3A_441 = tpu.memref_squeeze %dma_wait3A_440 : memref<1x256xi32, #tpu.memory_space<vmem>> -> memref<256xi32, #tpu.memory_space<vmem>>
          %dma_wait3A_442 = arith.constant 0 : i32
          %dma_wait3A_443 = arith.constant 0 : i32
          %dma_wait3A_444 = tpu.memref_slice %arg15[%dma_wait3A_442, %dma_wait3A_443] : memref<10112x32xf32, #tpu.memory_space<vmem_shared>> -> memref<10112x32xf32, #tpu.memory_space<vmem_shared>>
          tpu.wait_indirect_dma semaphore(%arg27 : memref<!tpu.dma_semaphore, #tpu.memory_space<semaphore_mem>>) src(%arg9 : memref<256x32xf32, #tpu.memory_space<vmem>>) dst(%dma_wait3A_444 : memref<10112x32xf32, #tpu.memory_space<vmem_shared>>)
        } else {
        }
        %dma_start3A_431 = arith.constant 0 : i32
        %dma_start3A_432 = tpu.memref_slice %arg5[%add3A_402, %dma_start3A_431] : memref<40x256xi32, #tpu.memory_space<vmem>> -> memref<1x256xi32, #tpu.memory_space<vmem>>
        %dma_start3A_433 = tpu.memref_squeeze %dma_start3A_432 : memref<1x256xi32, #tpu.memory_space<vmem>> -> memref<256xi32, #tpu.memory_space<vmem>>
        %dma_start3A_434 = arith.constant 0 : i32
        %dma_start3A_435 = arith.constant 0 : i32
        %dma_start3A_436 = tpu.memref_slice %arg16[%dma_start3A_434, %dma_start3A_435] : memref<10112x32xf32, #tpu.memory_space<vmem_shared>> -> memref<10112x32xf32, #tpu.memory_space<vmem_shared>>
        tpu.enqueue_indirect_dma source(%dma_start3A_436 : memref<10112x32xf32, #tpu.memory_space<vmem_shared>>) target(%arg9 : memref<256x32xf32, #tpu.memory_space<vmem>>) offsets(%dma_start3A_433 : memref<256xi32, #tpu.memory_space<vmem>>) semaphore(%arg19 : memref<!tpu.dma_semaphore, #tpu.memory_space<semaphore_mem>>)
      } else {
      }
      %add3A_407 = arith.constant 7 : i32
      %add3A_408 = arith.addi %mul3A_267, %add3A_407 : i32
      %dma_wait3A_409 = arith.constant 0 : i32
      %dma_wait3A_410 = tpu.memref_slice %arg5[%add3A_408, %dma_wait3A_409] : memref<40x256xi32, #tpu.memory_space<vmem>> -> memref<1x256xi32, #tpu.memory_space<vmem>>
      %dma_wait3A_411 = tpu.memref_squeeze %dma_wait3A_410 : memref<1x256xi32, #tpu.memory_space<vmem>> -> memref<256xi32, #tpu.memory_space<vmem>>
      %dma_wait3A_412 = arith.constant 0 : i32
      %dma_wait3A_413 = arith.constant 0 : i32
      %dma_wait3A_414 = tpu.memref_slice %arg16[%dma_wait3A_412, %dma_wait3A_413] : memref<10112x32xf32, #tpu.memory_space<vmem_shared>> -> memref<10112x32xf32, #tpu.memory_space<vmem_shared>>
      tpu.wait_indirect_dma semaphore(%arg24 : memref<!tpu.dma_semaphore, #tpu.memory_space<semaphore_mem>>) src(%dma_wait3A_414 : memref<10112x32xf32, #tpu.memory_space<vmem_shared>>) dst(%arg14 : memref<256x32xf32, #tpu.memory_space<vmem>>)
      %dma_start3A_415 = arith.constant 0 : i32
      %dma_start3A_416 = tpu.memref_slice %arg6[%add3A_408, %dma_start3A_415] : memref<40x256xi32, #tpu.memory_space<vmem>> -> memref<1x256xi32, #tpu.memory_space<vmem>>
      %dma_start3A_417 = tpu.memref_squeeze %dma_start3A_416 : memref<1x256xi32, #tpu.memory_space<vmem>> -> memref<256xi32, #tpu.memory_space<vmem>>
      %dma_start3A_418 = arith.constant 0 : i32
      %dma_start3A_419 = arith.constant 0 : i32
      %dma_start3A_420 = tpu.memref_slice %arg15[%dma_start3A_418, %dma_start3A_419] : memref<10112x32xf32, #tpu.memory_space<vmem_shared>> -> memref<10112x32xf32, #tpu.memory_space<vmem_shared>>
      tpu.enqueue_indirect_dma source(%arg14 : memref<256x32xf32, #tpu.memory_space<vmem>>) target(%dma_start3A_420 : memref<10112x32xf32, #tpu.memory_space<vmem_shared>>) offsets(%dma_start3A_417 : memref<256xi32, #tpu.memory_space<vmem>>) semaphore(%arg32 : memref<!tpu.dma_semaphore, #tpu.memory_space<semaphore_mem>>) {add = true}
      %add3A_421 = arith.constant 4 : i32
      %add3A_422 = arith.addi %add3A_408, %add3A_421 : i32
      %lt3A_423 = arith.cmpi slt, %add3A_422, %mul3A_110 : i32
      %convert_element_type3A_424 = arith.extui %lt3A_423 : i1 to i32
      %cond3A_425 = arith.constant 0 : i32
      %cond3A_426 = arith.cmpi ne, %convert_element_type3A_424, %cond3A_425 : i32
      scf.if %cond3A_426 {
        %ge3A = arith.constant 8 : i32
        %ge3A_427 = arith.cmpi sge, %add3A_422, %ge3A : i32
        %convert_element_type3A_428 = arith.extui %ge3A_427 : i1 to i32
        %cond3A_429 = arith.constant 0 : i32
        %cond3A_430 = arith.cmpi ne, %convert_element_type3A_428, %cond3A_429 : i32
        scf.if %cond3A_430 {
          %sub3A_437 = arith.constant 8 : i32
          %sub3A_438 = arith.subi %add3A_422, %sub3A_437 : i32
          %dma_wait3A_439 = arith.constant 0 : i32
          %dma_wait3A_440 = tpu.memref_slice %arg6[%sub3A_438, %dma_wait3A_439] : memref<40x256xi32, #tpu.memory_space<vmem>> -> memref<1x256xi32, #tpu.memory_space<vmem>>
          %dma_wait3A_441 = tpu.memref_squeeze %dma_wait3A_440 : memref<1x256xi32, #tpu.memory_space<vmem>> -> memref<256xi32, #tpu.memory_space<vmem>>
          %dma_wait3A_442 = arith.constant 0 : i32
          %dma_wait3A_443 = arith.constant 0 : i32
          %dma_wait3A_444 = tpu.memref_slice %arg15[%dma_wait3A_442, %dma_wait3A_443] : memref<10112x32xf32, #tpu.memory_space<vmem_shared>> -> memref<10112x32xf32, #tpu.memory_space<vmem_shared>>
          tpu.wait_indirect_dma semaphore(%arg28 : memref<!tpu.dma_semaphore, #tpu.memory_space<semaphore_mem>>) src(%arg10 : memref<256x32xf32, #tpu.memory_space<vmem>>) dst(%dma_wait3A_444 : memref<10112x32xf32, #tpu.memory_space<vmem_shared>>)
        } else {
        }
        %dma_start3A_431 = arith.constant 0 : i32
        %dma_start3A_432 = tpu.memref_slice %arg5[%add3A_422, %dma_start3A_431] : memref<40x256xi32, #tpu.memory_space<vmem>> -> memref<1x256xi32, #tpu.memory_space<vmem>>
        %dma_start3A_433 = tpu.memref_squeeze %dma_start3A_432 : memref<1x256xi32, #tpu.memory_space<vmem>> -> memref<256xi32, #tpu.memory_space<vmem>>
        %dma_start3A_434 = arith.constant 0 : i32
        %dma_start3A_435 = arith.constant 0 : i32
        %dma_start3A_436 = tpu.memref_slice %arg16[%dma_start3A_434, %dma_start3A_435] : memref<10112x32xf32, #tpu.memory_space<vmem_shared>> -> memref<10112x32xf32, #tpu.memory_space<vmem_shared>>
        tpu.enqueue_indirect_dma source(%dma_start3A_436 : memref<10112x32xf32, #tpu.memory_space<vmem_shared>>) target(%arg10 : memref<256x32xf32, #tpu.memory_space<vmem>>) offsets(%dma_start3A_433 : memref<256xi32, #tpu.memory_space<vmem>>) semaphore(%arg20 : memref<!tpu.dma_semaphore, #tpu.memory_space<semaphore_mem>>)
      } else {
      }
    }
    %sub3A_157 = arith.constant 1 : i32
    %sub3A_158 = arith.subi %select_n3A_108, %sub3A_157 : i32
    %mul3A_159 = arith.constant 8 : i32
    %mul3A_160 = arith.muli %sub3A_158, %mul3A_159 : i32
    %add3A_161 = arith.constant 0 : i32
    %add3A_162 = arith.addi %mul3A_160, %add3A_161 : i32
    %dma_wait3A_163 = arith.constant 0 : i32
    %dma_wait3A_164 = tpu.memref_slice %arg6[%add3A_162, %dma_wait3A_163] : memref<40x256xi32, #tpu.memory_space<vmem>> -> memref<1x256xi32, #tpu.memory_space<vmem>>
    %dma_wait3A_165 = tpu.memref_squeeze %dma_wait3A_164 : memref<1x256xi32, #tpu.memory_space<vmem>> -> memref<256xi32, #tpu.memory_space<vmem>>
    %dma_wait3A_166 = arith.constant 0 : i32
    %dma_wait3A_167 = arith.constant 0 : i32
    %dma_wait3A_168 = tpu.memref_slice %arg15[%dma_wait3A_166, %dma_wait3A_167] : memref<10112x32xf32, #tpu.memory_space<vmem_shared>> -> memref<10112x32xf32, #tpu.memory_space<vmem_shared>>
    tpu.wait_indirect_dma semaphore(%arg25 : memref<!tpu.dma_semaphore, #tpu.memory_space<semaphore_mem>>) src(%arg7 : memref<256x32xf32, #tpu.memory_space<vmem>>) dst(%dma_wait3A_168 : memref<10112x32xf32, #tpu.memory_space<vmem_shared>>)
    %sub3A_169 = arith.constant 1 : i32
    %sub3A_170 = arith.subi %select_n3A_108, %sub3A_169 : i32
    %mul3A_171 = arith.constant 8 : i32
    %mul3A_172 = arith.muli %sub3A_170, %mul3A_171 : i32
    %add3A_173 = arith.constant 1 : i32
    %add3A_174 = arith.addi %mul3A_172, %add3A_173 : i32
    %dma_wait3A_175 = arith.constant 0 : i32
    %dma_wait3A_176 = tpu.memref_slice %arg6[%add3A_174, %dma_wait3A_175] : memref<40x256xi32, #tpu.memory_space<vmem>> -> memref<1x256xi32, #tpu.memory_space<vmem>>
    %dma_wait3A_177 = tpu.memref_squeeze %dma_wait3A_176 : memref<1x256xi32, #tpu.memory_space<vmem>> -> memref<256xi32, #tpu.memory_space<vmem>>
    %dma_wait3A_178 = arith.constant 0 : i32
    %dma_wait3A_179 = arith.constant 0 : i32
    %dma_wait3A_180 = tpu.memref_slice %arg15[%dma_wait3A_178, %dma_wait3A_179] : memref<10112x32xf32, #tpu.memory_space<vmem_shared>> -> memref<10112x32xf32, #tpu.memory_space<vmem_shared>>
    tpu.wait_indirect_dma semaphore(%arg26 : memref<!tpu.dma_semaphore, #tpu.memory_space<semaphore_mem>>) src(%arg8 : memref<256x32xf32, #tpu.memory_space<vmem>>) dst(%dma_wait3A_180 : memref<10112x32xf32, #tpu.memory_space<vmem_shared>>)
    %sub3A_181 = arith.constant 1 : i32
    %sub3A_182 = arith.subi %select_n3A_108, %sub3A_181 : i32
    %mul3A_183 = arith.constant 8 : i32
    %mul3A_184 = arith.muli %sub3A_182, %mul3A_183 : i32
    %add3A_185 = arith.constant 2 : i32
    %add3A_186 = arith.addi %mul3A_184, %add3A_185 : i32
    %dma_wait3A_187 = arith.constant 0 : i32
    %dma_wait3A_188 = tpu.memref_slice %arg6[%add3A_186, %dma_wait3A_187] : memref<40x256xi32, #tpu.memory_space<vmem>> -> memref<1x256xi32, #tpu.memory_space<vmem>>
    %dma_wait3A_189 = tpu.memref_squeeze %dma_wait3A_188 : memref<1x256xi32, #tpu.memory_space<vmem>> -> memref<256xi32, #tpu.memory_space<vmem>>
    %dma_wait3A_190 = arith.constant 0 : i32
    %dma_wait3A_191 = arith.constant 0 : i32
    %dma_wait3A_192 = tpu.memref_slice %arg15[%dma_wait3A_190, %dma_wait3A_191] : memref<10112x32xf32, #tpu.memory_space<vmem_shared>> -> memref<10112x32xf32, #tpu.memory_space<vmem_shared>>
    tpu.wait_indirect_dma semaphore(%arg27 : memref<!tpu.dma_semaphore, #tpu.memory_space<semaphore_mem>>) src(%arg9 : memref<256x32xf32, #tpu.memory_space<vmem>>) dst(%dma_wait3A_192 : memref<10112x32xf32, #tpu.memory_space<vmem_shared>>)
    %sub3A_193 = arith.constant 1 : i32
    %sub3A_194 = arith.subi %select_n3A_108, %sub3A_193 : i32
    %mul3A_195 = arith.constant 8 : i32
    %mul3A_196 = arith.muli %sub3A_194, %mul3A_195 : i32
    %add3A_197 = arith.constant 3 : i32
    %add3A_198 = arith.addi %mul3A_196, %add3A_197 : i32
    %dma_wait3A_199 = arith.constant 0 : i32
    %dma_wait3A_200 = tpu.memref_slice %arg6[%add3A_198, %dma_wait3A_199] : memref<40x256xi32, #tpu.memory_space<vmem>> -> memref<1x256xi32, #tpu.memory_space<vmem>>
    %dma_wait3A_201 = tpu.memref_squeeze %dma_wait3A_200 : memref<1x256xi32, #tpu.memory_space<vmem>> -> memref<256xi32, #tpu.memory_space<vmem>>
    %dma_wait3A_202 = arith.constant 0 : i32
    %dma_wait3A_203 = arith.constant 0 : i32
    %dma_wait3A_204 = tpu.memref_slice %arg15[%dma_wait3A_202, %dma_wait3A_203] : memref<10112x32xf32, #tpu.memory_space<vmem_shared>> -> memref<10112x32xf32, #tpu.memory_space<vmem_shared>>
    tpu.wait_indirect_dma semaphore(%arg28 : memref<!tpu.dma_semaphore, #tpu.memory_space<semaphore_mem>>) src(%arg10 : memref<256x32xf32, #tpu.memory_space<vmem>>) dst(%dma_wait3A_204 : memref<10112x32xf32, #tpu.memory_space<vmem_shared>>)
    %sub3A_205 = arith.constant 1 : i32
    %sub3A_206 = arith.subi %select_n3A_108, %sub3A_205 : i32
    %mul3A_207 = arith.constant 8 : i32
    %mul3A_208 = arith.muli %sub3A_206, %mul3A_207 : i32
    %add3A_209 = arith.constant 4 : i32
    %add3A_210 = arith.addi %mul3A_208, %add3A_209 : i32
    %dma_wait3A_211 = arith.constant 0 : i32
    %dma_wait3A_212 = tpu.memref_slice %arg6[%add3A_210, %dma_wait3A_211] : memref<40x256xi32, #tpu.memory_space<vmem>> -> memref<1x256xi32, #tpu.memory_space<vmem>>
    %dma_wait3A_213 = tpu.memref_squeeze %dma_wait3A_212 : memref<1x256xi32, #tpu.memory_space<vmem>> -> memref<256xi32, #tpu.memory_space<vmem>>
    %dma_wait3A_214 = arith.constant 0 : i32
    %dma_wait3A_215 = arith.constant 0 : i32
    %dma_wait3A_216 = tpu.memref_slice %arg15[%dma_wait3A_214, %dma_wait3A_215] : memref<10112x32xf32, #tpu.memory_space<vmem_shared>> -> memref<10112x32xf32, #tpu.memory_space<vmem_shared>>
    tpu.wait_indirect_dma semaphore(%arg29 : memref<!tpu.dma_semaphore, #tpu.memory_space<semaphore_mem>>) src(%arg11 : memref<256x32xf32, #tpu.memory_space<vmem>>) dst(%dma_wait3A_216 : memref<10112x32xf32, #tpu.memory_space<vmem_shared>>)
    %sub3A_217 = arith.constant 1 : i32
    %sub3A_218 = arith.subi %select_n3A_108, %sub3A_217 : i32
    %mul3A_219 = arith.constant 8 : i32
    %mul3A_220 = arith.muli %sub3A_218, %mul3A_219 : i32
    %add3A_221 = arith.constant 5 : i32
    %add3A_222 = arith.addi %mul3A_220, %add3A_221 : i32
    %dma_wait3A_223 = arith.constant 0 : i32
    %dma_wait3A_224 = tpu.memref_slice %arg6[%add3A_222, %dma_wait3A_223] : memref<40x256xi32, #tpu.memory_space<vmem>> -> memref<1x256xi32, #tpu.memory_space<vmem>>
    %dma_wait3A_225 = tpu.memref_squeeze %dma_wait3A_224 : memref<1x256xi32, #tpu.memory_space<vmem>> -> memref<256xi32, #tpu.memory_space<vmem>>
    %dma_wait3A_226 = arith.constant 0 : i32
    %dma_wait3A_227 = arith.constant 0 : i32
    %dma_wait3A_228 = tpu.memref_slice %arg15[%dma_wait3A_226, %dma_wait3A_227] : memref<10112x32xf32, #tpu.memory_space<vmem_shared>> -> memref<10112x32xf32, #tpu.memory_space<vmem_shared>>
    tpu.wait_indirect_dma semaphore(%arg30 : memref<!tpu.dma_semaphore, #tpu.memory_space<semaphore_mem>>) src(%arg12 : memref<256x32xf32, #tpu.memory_space<vmem>>) dst(%dma_wait3A_228 : memref<10112x32xf32, #tpu.memory_space<vmem_shared>>)
    %sub3A_229 = arith.constant 1 : i32
    %sub3A_230 = arith.subi %select_n3A_108, %sub3A_229 : i32
    %mul3A_231 = arith.constant 8 : i32
    %mul3A_232 = arith.muli %sub3A_230, %mul3A_231 : i32
    %add3A_233 = arith.constant 6 : i32
    %add3A_234 = arith.addi %mul3A_232, %add3A_233 : i32
    %dma_wait3A_235 = arith.constant 0 : i32
    %dma_wait3A_236 = tpu.memref_slice %arg6[%add3A_234, %dma_wait3A_235] : memref<40x256xi32, #tpu.memory_space<vmem>> -> memref<1x256xi32, #tpu.memory_space<vmem>>
    %dma_wait3A_237 = tpu.memref_squeeze %dma_wait3A_236 : memref<1x256xi32, #tpu.memory_space<vmem>> -> memref<256xi32, #tpu.memory_space<vmem>>
    %dma_wait3A_238 = arith.constant 0 : i32
    %dma_wait3A_239 = arith.constant 0 : i32
    %dma_wait3A_240 = tpu.memref_slice %arg15[%dma_wait3A_238, %dma_wait3A_239] : memref<10112x32xf32, #tpu.memory_space<vmem_shared>> -> memref<10112x32xf32, #tpu.memory_space<vmem_shared>>
    tpu.wait_indirect_dma semaphore(%arg31 : memref<!tpu.dma_semaphore, #tpu.memory_space<semaphore_mem>>) src(%arg13 : memref<256x32xf32, #tpu.memory_space<vmem>>) dst(%dma_wait3A_240 : memref<10112x32xf32, #tpu.memory_space<vmem_shared>>)
    %sub3A_241 = arith.constant 1 : i32
    %sub3A_242 = arith.subi %select_n3A_108, %sub3A_241 : i32
    %mul3A_243 = arith.constant 8 : i32
    %mul3A_244 = arith.muli %sub3A_242, %mul3A_243 : i32
    %add3A_245 = arith.constant 7 : i32
    %add3A_246 = arith.addi %mul3A_244, %add3A_245 : i32
    %dma_wait3A_247 = arith.constant 0 : i32
    %dma_wait3A_248 = tpu.memref_slice %arg6[%add3A_246, %dma_wait3A_247] : memref<40x256xi32, #tpu.memory_space<vmem>> -> memref<1x256xi32, #tpu.memory_space<vmem>>
    %dma_wait3A_249 = tpu.memref_squeeze %dma_wait3A_248 : memref<1x256xi32, #tpu.memory_space<vmem>> -> memref<256xi32, #tpu.memory_space<vmem>>
    %dma_wait3A_250 = arith.constant 0 : i32
    %dma_wait3A_251 = arith.constant 0 : i32
    %dma_wait3A_252 = tpu.memref_slice %arg15[%dma_wait3A_250, %dma_wait3A_251] : memref<10112x32xf32, #tpu.memory_space<vmem_shared>> -> memref<10112x32xf32, #tpu.memory_space<vmem_shared>>
    tpu.wait_indirect_dma semaphore(%arg32 : memref<!tpu.dma_semaphore, #tpu.memory_space<semaphore_mem>>) src(%arg14 : memref<256x32xf32, #tpu.memory_space<vmem>>) dst(%dma_wait3A_252 : memref<10112x32xf32, #tpu.memory_space<vmem_shared>>)
    %ne3A_253 = arith.constant 40 : i32
    %ne3A_254 = arith.cmpi ne, %select_n3A, %ne3A_253 : i32
    %convert_element_type3A_255 = arith.extui %ne3A_254 : i1 to i32
    %cond3A_256 = arith.constant 0 : i32
    %cond3A_257 = arith.cmpi ne, %convert_element_type3A_255, %cond3A_256 : i32
    scf.if %cond3A_257 {
      %run_scoped3A = arith.constant 8 : i32
      "tpu.region"() ({
        %run_scoped3A_266 = tpu.sem_alloc : memref<!tpu.dma_semaphore, #tpu.memory_space<semaphore_mem>>
        %dma_start3A_267 = arith.constant 0 : i32
        %dma_start3A_268 = tpu.memref_slice %arg5[%run_scoped3A, %dma_start3A_267] : memref<40x256xi32, #tpu.memory_space<vmem>> -> memref<1x256xi32, #tpu.memory_space<vmem>>
        %dma_start3A_269 = tpu.memref_squeeze %dma_start3A_268 : memref<1x256xi32, #tpu.memory_space<vmem>> -> memref<256xi32, #tpu.memory_space<vmem>>
        %dma_start3A_270 = arith.constant 0 : i32
        %dma_start3A_271 = arith.constant 0 : i32
        %dma_start3A_272 = tpu.memref_slice %arg16[%dma_start3A_270, %dma_start3A_271] : memref<10112x32xf32, #tpu.memory_space<vmem_shared>> -> memref<10112x32xf32, #tpu.memory_space<vmem_shared>>
        tpu.enqueue_indirect_dma source(%dma_start3A_272 : memref<10112x32xf32, #tpu.memory_space<vmem_shared>>) target(%arg7 : memref<256x32xf32, #tpu.memory_space<vmem>>) offsets(%dma_start3A_269 : memref<256xi32, #tpu.memory_space<vmem>>) semaphore(%run_scoped3A_266 : memref<!tpu.dma_semaphore, #tpu.memory_space<semaphore_mem>>)
        %dma_wait3A_273 = arith.constant 0 : i32
        %dma_wait3A_274 = tpu.memref_slice %arg5[%run_scoped3A, %dma_wait3A_273] : memref<40x256xi32, #tpu.memory_space<vmem>> -> memref<1x256xi32, #tpu.memory_space<vmem>>
        %dma_wait3A_275 = tpu.memref_squeeze %dma_wait3A_274 : memref<1x256xi32, #tpu.memory_space<vmem>> -> memref<256xi32, #tpu.memory_space<vmem>>
        %dma_wait3A_276 = arith.constant 0 : i32
        %dma_wait3A_277 = arith.constant 0 : i32
        %dma_wait3A_278 = tpu.memref_slice %arg16[%dma_wait3A_276, %dma_wait3A_277] : memref<10112x32xf32, #tpu.memory_space<vmem_shared>> -> memref<10112x32xf32, #tpu.memory_space<vmem_shared>>
        tpu.wait_indirect_dma semaphore(%run_scoped3A_266 : memref<!tpu.dma_semaphore, #tpu.memory_space<semaphore_mem>>) src(%dma_wait3A_278 : memref<10112x32xf32, #tpu.memory_space<vmem_shared>>) dst(%arg7 : memref<256x32xf32, #tpu.memory_space<vmem>>)
        tpu.yield
      }) : () -> ()
      %run_scoped3A_263 = arith.constant 8 : i32
      "tpu.region"() ({
        %run_scoped3A_266 = tpu.sem_alloc : memref<!tpu.dma_semaphore, #tpu.memory_space<semaphore_mem>>
        %dma_start3A_267 = arith.constant 0 : i32
        %dma_start3A_268 = tpu.memref_slice %arg6[%run_scoped3A_263, %dma_start3A_267] : memref<40x256xi32, #tpu.memory_space<vmem>> -> memref<1x256xi32, #tpu.memory_space<vmem>>
        %dma_start3A_269 = tpu.memref_squeeze %dma_start3A_268 : memref<1x256xi32, #tpu.memory_space<vmem>> -> memref<256xi32, #tpu.memory_space<vmem>>
        %dma_start3A_270 = arith.constant 0 : i32
        %dma_start3A_271 = arith.constant 0 : i32
        %dma_start3A_272 = tpu.memref_slice %arg15[%dma_start3A_270, %dma_start3A_271] : memref<10112x32xf32, #tpu.memory_space<vmem_shared>> -> memref<10112x32xf32, #tpu.memory_space<vmem_shared>>
        tpu.enqueue_indirect_dma source(%arg7 : memref<256x32xf32, #tpu.memory_space<vmem>>) target(%dma_start3A_272 : memref<10112x32xf32, #tpu.memory_space<vmem_shared>>) offsets(%dma_start3A_269 : memref<256xi32, #tpu.memory_space<vmem>>) semaphore(%run_scoped3A_266 : memref<!tpu.dma_semaphore, #tpu.memory_space<semaphore_mem>>) {add = true}
        %dma_wait3A_273 = arith.constant 0 : i32
        %dma_wait3A_274 = tpu.memref_slice %arg6[%run_scoped3A_263, %dma_wait3A_273] : memref<40x256xi32, #tpu.memory_space<vmem>> -> memref<1x256xi32, #tpu.memory_space<vmem>>
        %dma_wait3A_275 = tpu.memref_squeeze %dma_wait3A_274 : memref<1x256xi32, #tpu.memory_space<vmem>> -> memref<256xi32, #tpu.memory_space<vmem>>
        %dma_wait3A_276 = arith.constant 0 : i32
        %dma_wait3A_277 = arith.constant 0 : i32
        %dma_wait3A_278 = tpu.memref_slice %arg15[%dma_wait3A_276, %dma_wait3A_277] : memref<10112x32xf32, #tpu.memory_space<vmem_shared>> -> memref<10112x32xf32, #tpu.memory_space<vmem_shared>>
        tpu.wait_indirect_dma semaphore(%run_scoped3A_266 : memref<!tpu.dma_semaphore, #tpu.memory_space<semaphore_mem>>) src(%arg7 : memref<256x32xf32, #tpu.memory_space<vmem>>) dst(%dma_wait3A_278 : memref<10112x32xf32, #tpu.memory_space<vmem_shared>>)
        tpu.yield
      }) : () -> ()
      %run_scoped3A_264 = arith.constant 9 : i32
      "tpu.region"() ({
        %run_scoped3A_266 = tpu.sem_alloc : memref<!tpu.dma_semaphore, #tpu.memory_space<semaphore_mem>>
        %dma_start3A_267 = arith.constant 0 : i32
        %dma_start3A_268 = tpu.memref_slice %arg5[%run_scoped3A_264, %dma_start3A_267] : memref<40x256xi32, #tpu.memory_space<vmem>> -> memref<1x256xi32, #tpu.memory_space<vmem>>
        %dma_start3A_269 = tpu.memref_squeeze %dma_start3A_268 : memref<1x256xi32, #tpu.memory_space<vmem>> -> memref<256xi32, #tpu.memory_space<vmem>>
        %dma_start3A_270 = arith.constant 0 : i32
        %dma_start3A_271 = arith.constant 0 : i32
        %dma_start3A_272 = tpu.memref_slice %arg16[%dma_start3A_270, %dma_start3A_271] : memref<10112x32xf32, #tpu.memory_space<vmem_shared>> -> memref<10112x32xf32, #tpu.memory_space<vmem_shared>>
        tpu.enqueue_indirect_dma source(%dma_start3A_272 : memref<10112x32xf32, #tpu.memory_space<vmem_shared>>) target(%arg8 : memref<256x32xf32, #tpu.memory_space<vmem>>) offsets(%dma_start3A_269 : memref<256xi32, #tpu.memory_space<vmem>>) semaphore(%run_scoped3A_266 : memref<!tpu.dma_semaphore, #tpu.memory_space<semaphore_mem>>)
        %dma_wait3A_273 = arith.constant 0 : i32
        %dma_wait3A_274 = tpu.memref_slice %arg5[%run_scoped3A_264, %dma_wait3A_273] : memref<40x256xi32, #tpu.memory_space<vmem>> -> memref<1x256xi32, #tpu.memory_space<vmem>>
        %dma_wait3A_275 = tpu.memref_squeeze %dma_wait3A_274 : memref<1x256xi32, #tpu.memory_space<vmem>> -> memref<256xi32, #tpu.memory_space<vmem>>
        %dma_wait3A_276 = arith.constant 0 : i32
        %dma_wait3A_277 = arith.constant 0 : i32
        %dma_wait3A_278 = tpu.memref_slice %arg16[%dma_wait3A_276, %dma_wait3A_277] : memref<10112x32xf32, #tpu.memory_space<vmem_shared>> -> memref<10112x32xf32, #tpu.memory_space<vmem_shared>>
        tpu.wait_indirect_dma semaphore(%run_scoped3A_266 : memref<!tpu.dma_semaphore, #tpu.memory_space<semaphore_mem>>) src(%dma_wait3A_278 : memref<10112x32xf32, #tpu.memory_space<vmem_shared>>) dst(%arg8 : memref<256x32xf32, #tpu.memory_space<vmem>>)
        tpu.yield
      }) : () -> ()
      %run_scoped3A_265 = arith.constant 9 : i32
      "tpu.region"() ({
        %run_scoped3A_266 = tpu.sem_alloc : memref<!tpu.dma_semaphore, #tpu.memory_space<semaphore_mem>>
        %dma_start3A_267 = arith.constant 0 : i32
        %dma_start3A_268 = tpu.memref_slice %arg6[%run_scoped3A_265, %dma_start3A_267] : memref<40x256xi32, #tpu.memory_space<vmem>> -> memref<1x256xi32, #tpu.memory_space<vmem>>
        %dma_start3A_269 = tpu.memref_squeeze %dma_start3A_268 : memref<1x256xi32, #tpu.memory_space<vmem>> -> memref<256xi32, #tpu.memory_space<vmem>>
        %dma_start3A_270 = arith.constant 0 : i32
        %dma_start3A_271 = arith.constant 0 : i32
        %dma_start3A_272 = tpu.memref_slice %arg15[%dma_start3A_270, %dma_start3A_271] : memref<10112x32xf32, #tpu.memory_space<vmem_shared>> -> memref<10112x32xf32, #tpu.memory_space<vmem_shared>>
        tpu.enqueue_indirect_dma source(%arg8 : memref<256x32xf32, #tpu.memory_space<vmem>>) target(%dma_start3A_272 : memref<10112x32xf32, #tpu.memory_space<vmem_shared>>) offsets(%dma_start3A_269 : memref<256xi32, #tpu.memory_space<vmem>>) semaphore(%run_scoped3A_266 : memref<!tpu.dma_semaphore, #tpu.memory_space<semaphore_mem>>) {add = true}
        %dma_wait3A_273 = arith.constant 0 : i32
        %dma_wait3A_274 = tpu.memref_slice %arg6[%run_scoped3A_265, %dma_wait3A_273] : memref<40x256xi32, #tpu.memory_space<vmem>> -> memref<1x256xi32, #tpu.memory_space<vmem>>
        %dma_wait3A_275 = tpu.memref_squeeze %dma_wait3A_274 : memref<1x256xi32, #tpu.memory_space<vmem>> -> memref<256xi32, #tpu.memory_space<vmem>>
        %dma_wait3A_276 = arith.constant 0 : i32
        %dma_wait3A_277 = arith.constant 0 : i32
        %dma_wait3A_278 = tpu.memref_slice %arg15[%dma_wait3A_276, %dma_wait3A_277] : memref<10112x32xf32, #tpu.memory_space<vmem_shared>> -> memref<10112x32xf32, #tpu.memory_space<vmem_shared>>
        tpu.wait_indirect_dma semaphore(%run_scoped3A_266 : memref<!tpu.dma_semaphore, #tpu.memory_space<semaphore_mem>>) src(%arg8 : memref<256x32xf32, #tpu.memory_space<vmem>>) dst(%dma_wait3A_278 : memref<10112x32xf32, #tpu.memory_space<vmem_shared>>)
        tpu.yield
      }) : () -> ()
    } else {
    }
    %barrier3A_258 = arith.constant 0 : index
    tpu.barrier barrier_id(%barrier3A_258)
    %mul3A_259 = arith.constant 632 : i32
    %mul3A_260 = arith.muli %arg1, %mul3A_259 : i32
    %mul3A_261 = arith.constant 632 : i32
    %mul3A_262 = arith.muli %arg1, %mul3A_261 : i32
    "tpu.region"() ({
      %run_scoped3A = tpu.sem_alloc : memref<!tpu.dma_semaphore, #tpu.memory_space<semaphore_mem>>
      %dma_start3A_263 = arith.constant 0 : i32
      %dma_start3A_264 = arith.constant 0 : i32
      %dma_start3A_265 = tpu.memref_slice %arg4[%arg0, %dma_start3A_263, %dma_start3A_264] : memref<2x10112x32xf32, #tpu.memory_space<hbm>> -> memref<1x10112x32xf32, #tpu.memory_space<hbm>>
      %dma_start3A_266 = tpu.memref_squeeze %dma_start3A_265 : memref<1x10112x32xf32, #tpu.memory_space<hbm>> -> memref<10112x32xf32, #tpu.memory_space<hbm>>
      %dma_start3A_267 = arith.constant 0 : i32
      %dma_start3A_268 = tpu.memref_slice %dma_start3A_266[%mul3A_262, %dma_start3A_267] : memref<10112x32xf32, #tpu.memory_space<hbm>> -> memref<632x32xf32, #tpu.memory_space<hbm>>
      %dma_start3A_269 = arith.constant 0 : i32
      %dma_start3A_270 = tpu.memref_slice %arg15[%mul3A_260, %dma_start3A_269] : memref<10112x32xf32, #tpu.memory_space<vmem_shared>> -> memref<632x32xf32, #tpu.memory_space<vmem_shared>>
      tpu.enqueue_dma source(%dma_start3A_270 : memref<632x32xf32, #tpu.memory_space<vmem_shared>>) target(%dma_start3A_268 : memref<632x32xf32, #tpu.memory_space<hbm>>) target_semaphore(%run_scoped3A : memref<!tpu.dma_semaphore, #tpu.memory_space<semaphore_mem>>)
      %dma_wait3A_271 = arith.constant 0 : i32
      %dma_wait3A_272 = arith.constant 0 : i32
      %dma_wait3A_273 = tpu.memref_slice %arg4[%arg0, %dma_wait3A_271, %dma_wait3A_272] : memref<2x10112x32xf32, #tpu.memory_space<hbm>> -> memref<1x10112x32xf32, #tpu.memory_space<hbm>>
      %dma_wait3A_274 = tpu.memref_squeeze %dma_wait3A_273 : memref<1x10112x32xf32, #tpu.memory_space<hbm>> -> memref<10112x32xf32, #tpu.memory_space<hbm>>
      %dma_wait3A_275 = arith.constant 0 : i32
      %dma_wait3A_276 = tpu.memref_slice %dma_wait3A_274[%mul3A_262, %dma_wait3A_275] : memref<10112x32xf32, #tpu.memory_space<hbm>> -> memref<632x32xf32, #tpu.memory_space<hbm>>
      %dma_wait3A_277 = arith.constant 0 : i32
      %dma_wait3A_278 = tpu.memref_slice %arg15[%mul3A_260, %dma_wait3A_277] : memref<10112x32xf32, #tpu.memory_space<vmem_shared>> -> memref<632x32xf32, #tpu.memory_space<vmem_shared>>
      tpu.wait_dma2 semaphore(%run_scoped3A : memref<!tpu.dma_semaphore, #tpu.memory_space<semaphore_mem>>) src(%dma_wait3A_278 : memref<632x32xf32, #tpu.memory_space<vmem_shared>>) dst(%dma_wait3A_276 : memref<632x32xf32, #tpu.memory_space<hbm>>)
      tpu.yield
    }) : () -> ()
    return
  }
}

#map = affine_map<(d0, d1) -> (0, 0)>
#map1 = affine_map<(d0, d1) -> (0, 0, 0)>
module attributes {stable_mosaic.version = 14 : i64} {
  func.func @segsum(%arg0: i32, %arg1: i32, %arg2: memref<10112x32xf32, #tpu.memory_space<hbm>>, %arg3: memref<2x1250x256xi32, #tpu.memory_space<hbm>>, %arg4: memref<2x10112x32xf32, #tpu.memory_space<hbm>>, %arg5: memref<40x256xi32, #tpu.memory_space<vmem>>, %arg6: memref<40x256xi32, #tpu.memory_space<vmem>>, %arg7: memref<256x32xf32, #tpu.memory_space<vmem>>, %arg8: memref<256x32xf32, #tpu.memory_space<vmem>>, %arg9: memref<256x32xf32, #tpu.memory_space<vmem>>, %arg10: memref<256x32xf32, #tpu.memory_space<vmem>>, %arg11: memref<256x32xf32, #tpu.memory_space<vmem>>, %arg12: memref<256x32xf32, #tpu.memory_space<vmem>>, %arg13: memref<256x32xf32, #tpu.memory_space<vmem>>, %arg14: memref<256x32xf32, #tpu.memory_space<vmem>>, %arg15: memref<10112x32xf32, #tpu.memory_space<vmem_shared>>, %arg16: memref<10112x32xf32, #tpu.memory_space<vmem_shared>>, %arg17: memref<!tpu.dma_semaphore, #tpu.memory_space<semaphore_mem>>, %arg18: memref<!tpu.dma_semaphore, #tpu.memory_space<semaphore_mem>>, %arg19: memref<!tpu.dma_semaphore, #tpu.memory_space<semaphore_mem>>, %arg20: memref<!tpu.dma_semaphore, #tpu.memory_space<semaphore_mem>>, %arg21: memref<!tpu.dma_semaphore, #tpu.memory_space<semaphore_mem>>, %arg22: memref<!tpu.dma_semaphore, #tpu.memory_space<semaphore_mem>>, %arg23: memref<!tpu.dma_semaphore, #tpu.memory_space<semaphore_mem>>, %arg24: memref<!tpu.dma_semaphore, #tpu.memory_space<semaphore_mem>>, %arg25: memref<!tpu.dma_semaphore, #tpu.memory_space<semaphore_mem>>, %arg26: memref<!tpu.dma_semaphore, #tpu.memory_space<semaphore_mem>>, %arg27: memref<!tpu.dma_semaphore, #tpu.memory_space<semaphore_mem>>, %arg28: memref<!tpu.dma_semaphore, #tpu.memory_space<semaphore_mem>>, %arg29: memref<!tpu.dma_semaphore, #tpu.memory_space<semaphore_mem>>, %arg30: memref<!tpu.dma_semaphore, #tpu.memory_space<semaphore_mem>>, %arg31: memref<!tpu.dma_semaphore, #tpu.memory_space<semaphore_mem>>, %arg32: memref<!tpu.dma_semaphore, #tpu.memory_space<semaphore_mem>>) attributes {dimension_semantics = [#tpu.dimension_semantics<core_parallel>, #tpu.dimension_semantics<subcore_parallel>], iteration_bounds = array<i64: 2, 16>, scalar_prefetch = 0 : i64, scratch_operands = 28 : i64, tpu.core_type = #tpu.core_type<sc_vector_subcore>, window_params = [{transform_indices = #map}, {transform_indices = #map1}, {transform_indices = #map1}]} {
    %mul3A = arith.constant 16 : i32
    %mul3A_0 = arith.muli %arg0, %mul3A : i32
    %add3A = arith.addi %mul3A_0, %arg1 : i32
    %eq3A = arith.constant 31 : i32
    %eq3A_1 = arith.cmpi eq, %add3A, %eq3A : i32
    %jit3A = arith.constant 10 : i32
    %jit3A_2 = arith.constant 40 : i32
    %select_n3A = arith.select %eq3A_1, %jit3A, %jit3A_2 : i32
    %mul3A_3 = arith.constant 40 : i32
    %mul3A_4 = arith.muli %add3A, %mul3A_3 : i32
    %mul3A_5 = arith.constant 632 : i32
    %mul3A_6 = arith.muli %arg1, %mul3A_5 : i32
    %mul3A_7 = arith.constant 632 : i32
    %mul3A_8 = arith.muli %arg1, %mul3A_7 : i32
    %dma_start3A = arith.constant 0 : i32
    %dma_start3A_9 = tpu.memref_slice %arg16[%mul3A_8, %dma_start3A] : memref<10112x32xf32, #tpu.memory_space<vmem_shared>> -> memref<632x32xf32, #tpu.memory_space<vmem_shared>>
    %dma_start3A_10 = arith.constant 0 : i32
    %dma_start3A_11 = tpu.memref_slice %arg2[%mul3A_6, %dma_start3A_10] : memref<10112x32xf32, #tpu.memory_space<hbm>> -> memref<632x32xf32, #tpu.memory_space<hbm>>
    tpu.enqueue_dma source(%dma_start3A_11 : memref<632x32xf32, #tpu.memory_space<hbm>>) target(%dma_start3A_9 : memref<632x32xf32, #tpu.memory_space<vmem_shared>>) target_semaphore(%arg17 : memref<!tpu.dma_semaphore, #tpu.memory_space<semaphore_mem>>)
    %scan3A = arith.constant 0 : i32
    %scan3A_12 = arith.constant 256 : i32
    %scan3A_13 = arith.addi %scan3A, %scan3A_12 : i32
    %scan3A_14 = arith.constant 1 : i32
    scf.for %scan3A_263 = %scan3A to %scan3A_13 step %scan3A_14  : i32 {
      %mul3A_264 = arith.constant 1 : i32
      %mul3A_265 = arith.muli %scan3A_263, %mul3A_264 : i32
      %add3A_266 = arith.constant 0 : i32
      %add3A_267 = arith.addi %add3A_266, %mul3A_265 : i32
      %broadcast_in_dim3A = arith.constant 0.000000e+00 : f32
      %broadcast_in_dim3A_268 = vector.broadcast %broadcast_in_dim3A : f32 to vector<16xf32>
      %swap3A = arith.index_cast %add3A_267 : i32 to index
      %swap3A_269 = arith.constant 0 : index
      %swap3A_270 = tpu.vector_load %arg7[%swap3A, %swap3A_269] {strides = array<i32>} : memref<256x32xf32, #tpu.memory_space<vmem>>, vector<1x16xf32>,
      %swap3A_271 = vector.shape_cast %swap3A_270 : vector<1x16xf32> to vector<16xf32>
      %swap3A_272 = vector.shape_cast %broadcast_in_dim3A_268 : vector<16xf32> to vector<1x16xf32>
      tpu.vector_store %arg7[%swap3A, %swap3A_269], %swap3A_272 {strides = array<i32>} : memref<256x32xf32, #tpu.memory_space<vmem>>, vector<1x16xf32>,
      %broadcast_in_dim3A_273 = arith.constant 0.000000e+00 : f32
      %broadcast_in_dim3A_274 = vector.broadcast %broadcast_in_dim3A_273 : f32 to vector<16xf32>
      %swap3A_275 = arith.index_cast %add3A_267 : i32 to index
      %swap3A_276 = arith.constant 16 : index
      %swap3A_277 = tpu.vector_load %arg7[%swap3A_275, %swap3A_276] {strides = array<i32>} : memref<256x32xf32, #tpu.memory_space<vmem>>, vector<1x16xf32>,
      %swap3A_278 = vector.shape_cast %swap3A_277 : vector<1x16xf32> to vector<16xf32>
      %swap3A_279 = vector.shape_cast %broadcast_in_dim3A_274 : vector<16xf32> to vector<1x16xf32>
      tpu.vector_store %arg7[%swap3A_275, %swap3A_276], %swap3A_279 {strides = array<i32>} : memref<256x32xf32, #tpu.memory_space<vmem>>, vector<1x16xf32>,
    }
    %scan3A_15 = arith.constant 256 : i32
    %eq3A_16 = arith.constant 31 : i32
    %eq3A_17 = arith.cmpi eq, %add3A, %eq3A_16 : i32
    %convert_element_type3A = arith.extui %eq3A_17 : i1 to i32
    %cond3A = arith.constant 0 : i32
    %cond3A_18 = arith.cmpi ne, %convert_element_type3A, %cond3A : i32
    scf.if %cond3A_18 {
      %run_scoped3A = arith.constant 0 : i32
      "tpu.region"() ({
        %run_scoped3A_264 = tpu.sem_alloc : memref<!tpu.dma_semaphore, #tpu.memory_space<semaphore_mem>>
        %dma_start3A_265 = arith.constant 0 : i32
        %dma_start3A_266 = arith.constant 0 : i32
        %dma_start3A_267 = tpu.memref_slice %arg5[%dma_start3A_265, %dma_start3A_266] : memref<40x256xi32, #tpu.memory_space<vmem>> -> memref<10x256xi32, #tpu.memory_space<vmem>>
        %dma_start3A_268 = arith.constant 0 : i32
        %dma_start3A_269 = arith.constant 0 : i32
        %dma_start3A_270 = tpu.memref_slice %arg3[%run_scoped3A, %dma_start3A_268, %dma_start3A_269] : memref<2x1250x256xi32, #tpu.memory_space<hbm>> -> memref<1x1250x256xi32, #tpu.memory_space<hbm>>
        %dma_start3A_271 = tpu.memref_squeeze %dma_start3A_270 : memref<1x1250x256xi32, #tpu.memory_space<hbm>> -> memref<1250x256xi32, #tpu.memory_space<hbm>>
        %dma_start3A_272 = arith.constant 0 : i32
        %dma_start3A_273 = tpu.memref_slice %dma_start3A_271[%mul3A_4, %dma_start3A_272] : memref<1250x256xi32, #tpu.memory_space<hbm>> -> memref<10x256xi32, #tpu.memory_space<hbm>>
        %dma_start3A_274 = arith.constant 0 : i32
        %dma_start3A_275 = arith.constant 0 : i32
        %dma_start3A_276 = tpu.memref_slice %arg5[%dma_start3A_274, %dma_start3A_275] : memref<40x256xi32, #tpu.memory_space<vmem>> -> memref<10x256xi32, #tpu.memory_space<vmem>>
        %dma_start3A_277 = arith.constant 0 : i32
        %dma_start3A_278 = arith.constant 0 : i32
        %dma_start3A_279 = tpu.memref_slice %arg3[%run_scoped3A, %dma_start3A_277, %dma_start3A_278] : memref<2x1250x256xi32, #tpu.memory_space<hbm>> -> memref<1x1250x256xi32, #tpu.memory_space<hbm>>
        %dma_start3A_280 = tpu.memref_squeeze %dma_start3A_279 : memref<1x1250x256xi32, #tpu.memory_space<hbm>> -> memref<1250x256xi32, #tpu.memory_space<hbm>>
        %dma_start3A_281 = arith.constant 0 : i32
        %dma_start3A_282 = tpu.memref_slice %dma_start3A_280[%mul3A_4, %dma_start3A_281] : memref<1250x256xi32, #tpu.memory_space<hbm>> -> memref<10x256xi32, #tpu.memory_space<hbm>>
        tpu.enqueue_dma source(%dma_start3A_282 : memref<10x256xi32, #tpu.memory_space<hbm>>) target(%dma_start3A_276 : memref<10x256xi32, #tpu.memory_space<vmem>>) target_semaphore(%run_scoped3A_264 : memref<!tpu.dma_semaphore, #tpu.memory_space<semaphore_mem>>)
        %dma_wait3A_283 = arith.constant 0 : i32
        %dma_wait3A_284 = arith.constant 0 : i32
        %dma_wait3A_285 = tpu.memref_slice %arg5[%dma_wait3A_283, %dma_wait3A_284] : memref<40x256xi32, #tpu.memory_space<vmem>> -> memref<10x256xi32, #tpu.memory_space<vmem>>
        %dma_wait3A_286 = arith.constant 0 : i32
        %dma_wait3A_287 = arith.constant 0 : i32
        %dma_wait3A_288 = tpu.memref_slice %arg3[%run_scoped3A, %dma_wait3A_286, %dma_wait3A_287] : memref<2x1250x256xi32, #tpu.memory_space<hbm>> -> memref<1x1250x256xi32, #tpu.memory_space<hbm>>
        %dma_wait3A_289 = tpu.memref_squeeze %dma_wait3A_288 : memref<1x1250x256xi32, #tpu.memory_space<hbm>> -> memref<1250x256xi32, #tpu.memory_space<hbm>>
        %dma_wait3A_290 = arith.constant 0 : i32
        %dma_wait3A_291 = tpu.memref_slice %dma_wait3A_289[%mul3A_4, %dma_wait3A_290] : memref<1250x256xi32, #tpu.memory_space<hbm>> -> memref<10x256xi32, #tpu.memory_space<hbm>>
        %dma_wait3A_292 = arith.constant 0 : i32
        %dma_wait3A_293 = arith.constant 0 : i32
        %dma_wait3A_294 = tpu.memref_slice %arg5[%dma_wait3A_292, %dma_wait3A_293] : memref<40x256xi32, #tpu.memory_space<vmem>> -> memref<10x256xi32, #tpu.memory_space<vmem>>
        %dma_wait3A_295 = arith.constant 0 : i32
        %dma_wait3A_296 = arith.constant 0 : i32
        %dma_wait3A_297 = tpu.memref_slice %arg3[%run_scoped3A, %dma_wait3A_295, %dma_wait3A_296] : memref<2x1250x256xi32, #tpu.memory_space<hbm>> -> memref<1x1250x256xi32, #tpu.memory_space<hbm>>
        %dma_wait3A_298 = tpu.memref_squeeze %dma_wait3A_297 : memref<1x1250x256xi32, #tpu.memory_space<hbm>> -> memref<1250x256xi32, #tpu.memory_space<hbm>>
        %dma_wait3A_299 = arith.constant 0 : i32
        %dma_wait3A_300 = tpu.memref_slice %dma_wait3A_298[%mul3A_4, %dma_wait3A_299] : memref<1250x256xi32, #tpu.memory_space<hbm>> -> memref<10x256xi32, #tpu.memory_space<hbm>>
        tpu.wait_dma2 semaphore(%run_scoped3A_264 : memref<!tpu.dma_semaphore, #tpu.memory_space<semaphore_mem>>) src(%dma_wait3A_300 : memref<10x256xi32, #tpu.memory_space<hbm>>) dst(%dma_wait3A_294 : memref<10x256xi32, #tpu.memory_space<vmem>>)
        tpu.yield
      }) : () -> ()
      %run_scoped3A_263 = arith.constant 1 : i32
      "tpu.region"() ({
        %run_scoped3A_264 = tpu.sem_alloc : memref<!tpu.dma_semaphore, #tpu.memory_space<semaphore_mem>>
        %dma_start3A_265 = arith.constant 0 : i32
        %dma_start3A_266 = arith.constant 0 : i32
        %dma_start3A_267 = tpu.memref_slice %arg6[%dma_start3A_265, %dma_start3A_266] : memref<40x256xi32, #tpu.memory_space<vmem>> -> memref<10x256xi32, #tpu.memory_space<vmem>>
        %dma_start3A_268 = arith.constant 0 : i32
        %dma_start3A_269 = arith.constant 0 : i32
        %dma_start3A_270 = tpu.memref_slice %arg3[%run_scoped3A_263, %dma_start3A_268, %dma_start3A_269] : memref<2x1250x256xi32, #tpu.memory_space<hbm>> -> memref<1x1250x256xi32, #tpu.memory_space<hbm>>
        %dma_start3A_271 = tpu.memref_squeeze %dma_start3A_270 : memref<1x1250x256xi32, #tpu.memory_space<hbm>> -> memref<1250x256xi32, #tpu.memory_space<hbm>>
        %dma_start3A_272 = arith.constant 0 : i32
        %dma_start3A_273 = tpu.memref_slice %dma_start3A_271[%mul3A_4, %dma_start3A_272] : memref<1250x256xi32, #tpu.memory_space<hbm>> -> memref<10x256xi32, #tpu.memory_space<hbm>>
        %dma_start3A_274 = arith.constant 0 : i32
        %dma_start3A_275 = arith.constant 0 : i32
        %dma_start3A_276 = tpu.memref_slice %arg6[%dma_start3A_274, %dma_start3A_275] : memref<40x256xi32, #tpu.memory_space<vmem>> -> memref<10x256xi32, #tpu.memory_space<vmem>>
        %dma_start3A_277 = arith.constant 0 : i32
        %dma_start3A_278 = arith.constant 0 : i32
        %dma_start3A_279 = tpu.memref_slice %arg3[%run_scoped3A_263, %dma_start3A_277, %dma_start3A_278] : memref<2x1250x256xi32, #tpu.memory_space<hbm>> -> memref<1x1250x256xi32, #tpu.memory_space<hbm>>
        %dma_start3A_280 = tpu.memref_squeeze %dma_start3A_279 : memref<1x1250x256xi32, #tpu.memory_space<hbm>> -> memref<1250x256xi32, #tpu.memory_space<hbm>>
        %dma_start3A_281 = arith.constant 0 : i32
        %dma_start3A_282 = tpu.memref_slice %dma_start3A_280[%mul3A_4, %dma_start3A_281] : memref<1250x256xi32, #tpu.memory_space<hbm>> -> memref<10x256xi32, #tpu.memory_space<hbm>>
        tpu.enqueue_dma source(%dma_start3A_282 : memref<10x256xi32, #tpu.memory_space<hbm>>) target(%dma_start3A_276 : memref<10x256xi32, #tpu.memory_space<vmem>>) target_semaphore(%run_scoped3A_264 : memref<!tpu.dma_semaphore, #tpu.memory_space<semaphore_mem>>)
        %dma_wait3A_283 = arith.constant 0 : i32
        %dma_wait3A_284 = arith.constant 0 : i32
        %dma_wait3A_285 = tpu.memref_slice %arg6[%dma_wait3A_283, %dma_wait3A_284] : memref<40x256xi32, #tpu.memory_space<vmem>> -> memref<10x256xi32, #tpu.memory_space<vmem>>
        %dma_wait3A_286 = arith.constant 0 : i32
        %dma_wait3A_287 = arith.constant 0 : i32
        %dma_wait3A_288 = tpu.memref_slice %arg3[%run_scoped3A_263, %dma_wait3A_286, %dma_wait3A_287] : memref<2x1250x256xi32, #tpu.memory_space<hbm>> -> memref<1x1250x256xi32, #tpu.memory_space<hbm>>
        %dma_wait3A_289 = tpu.memref_squeeze %dma_wait3A_288 : memref<1x1250x256xi32, #tpu.memory_space<hbm>> -> memref<1250x256xi32, #tpu.memory_space<hbm>>
        %dma_wait3A_290 = arith.constant 0 : i32
        %dma_wait3A_291 = tpu.memref_slice %dma_wait3A_289[%mul3A_4, %dma_wait3A_290] : memref<1250x256xi32, #tpu.memory_space<hbm>> -> memref<10x256xi32, #tpu.memory_space<hbm>>
        %dma_wait3A_292 = arith.constant 0 : i32
        %dma_wait3A_293 = arith.constant 0 : i32
        %dma_wait3A_294 = tpu.memref_slice %arg6[%dma_wait3A_292, %dma_wait3A_293] : memref<40x256xi32, #tpu.memory_space<vmem>> -> memref<10x256xi32, #tpu.memory_space<vmem>>
        %dma_wait3A_295 = arith.constant 0 : i32
        %dma_wait3A_296 = arith.constant 0 : i32
        %dma_wait3A_297 = tpu.memref_slice %arg3[%run_scoped3A_263, %dma_wait3A_295, %dma_wait3A_296] : memref<2x1250x256xi32, #tpu.memory_space<hbm>> -> memref<1x1250x256xi32, #tpu.memory_space<hbm>>
        %dma_wait3A_298 = tpu.memref_squeeze %dma_wait3A_297 : memref<1x1250x256xi32, #tpu.memory_space<hbm>> -> memref<1250x256xi32, #tpu.memory_space<hbm>>
        %dma_wait3A_299 = arith.constant 0 : i32
        %dma_wait3A_300 = tpu.memref_slice %dma_wait3A_298[%mul3A_4, %dma_wait3A_299] : memref<1250x256xi32, #tpu.memory_space<hbm>> -> memref<10x256xi32, #tpu.memory_space<hbm>>
        tpu.wait_dma2 semaphore(%run_scoped3A_264 : memref<!tpu.dma_semaphore, #tpu.memory_space<semaphore_mem>>) src(%dma_wait3A_300 : memref<10x256xi32, #tpu.memory_space<hbm>>) dst(%dma_wait3A_294 : memref<10x256xi32, #tpu.memory_space<vmem>>)
        tpu.yield
      }) : () -> ()
    } else {
    }
    %ne3A = arith.constant 31 : i32
    %ne3A_19 = arith.cmpi ne, %add3A, %ne3A : i32
    %convert_element_type3A_20 = arith.extui %ne3A_19 : i1 to i32
    %cond3A_21 = arith.constant 0 : i32
    %cond3A_22 = arith.cmpi ne, %convert_element_type3A_20, %cond3A_21 : i32
    scf.if %cond3A_22 {
      %run_scoped3A = arith.constant 0 : i32
      "tpu.region"() ({
        %run_scoped3A_264 = tpu.sem_alloc : memref<!tpu.dma_semaphore, #tpu.memory_space<semaphore_mem>>
        %dma_start3A_265 = arith.constant 0 : i32
        %dma_start3A_266 = arith.constant 0 : i32
        %dma_start3A_267 = tpu.memref_slice %arg3[%run_scoped3A, %dma_start3A_265, %dma_start3A_266] : memref<2x1250x256xi32, #tpu.memory_space<hbm>> -> memref<1x1250x256xi32, #tpu.memory_space<hbm>>
        %dma_start3A_268 = tpu.memref_squeeze %dma_start3A_267 : memref<1x1250x256xi32, #tpu.memory_space<hbm>> -> memref<1250x256xi32, #tpu.memory_space<hbm>>
        %dma_start3A_269 = arith.constant 0 : i32
        %dma_start3A_270 = tpu.memref_slice %dma_start3A_268[%mul3A_4, %dma_start3A_269] : memref<1250x256xi32, #tpu.memory_space<hbm>> -> memref<40x256xi32, #tpu.memory_space<hbm>>
        %dma_start3A_271 = arith.constant 0 : i32
        %dma_start3A_272 = arith.constant 0 : i32
        %dma_start3A_273 = tpu.memref_slice %arg3[%run_scoped3A, %dma_start3A_271, %dma_start3A_272] : memref<2x1250x256xi32, #tpu.memory_space<hbm>> -> memref<1x1250x256xi32, #tpu.memory_space<hbm>>
        %dma_start3A_274 = tpu.memref_squeeze %dma_start3A_273 : memref<1x1250x256xi32, #tpu.memory_space<hbm>> -> memref<1250x256xi32, #tpu.memory_space<hbm>>
        %dma_start3A_275 = arith.constant 0 : i32
        %dma_start3A_276 = tpu.memref_slice %dma_start3A_274[%mul3A_4, %dma_start3A_275] : memref<1250x256xi32, #tpu.memory_space<hbm>> -> memref<40x256xi32, #tpu.memory_space<hbm>>
        tpu.enqueue_dma source(%dma_start3A_276 : memref<40x256xi32, #tpu.memory_space<hbm>>) target(%arg5 : memref<40x256xi32, #tpu.memory_space<vmem>>) target_semaphore(%run_scoped3A_264 : memref<!tpu.dma_semaphore, #tpu.memory_space<semaphore_mem>>)
        %dma_wait3A_277 = arith.constant 0 : i32
        %dma_wait3A_278 = arith.constant 0 : i32
        %dma_wait3A_279 = tpu.memref_slice %arg3[%run_scoped3A, %dma_wait3A_277, %dma_wait3A_278] : memref<2x1250x256xi32, #tpu.memory_space<hbm>> -> memref<1x1250x256xi32, #tpu.memory_space<hbm>>
        %dma_wait3A_280 = tpu.memref_squeeze %dma_wait3A_279 : memref<1x1250x256xi32, #tpu.memory_space<hbm>> -> memref<1250x256xi32, #tpu.memory_space<hbm>>
        %dma_wait3A_281 = arith.constant 0 : i32
        %dma_wait3A_282 = tpu.memref_slice %dma_wait3A_280[%mul3A_4, %dma_wait3A_281] : memref<1250x256xi32, #tpu.memory_space<hbm>> -> memref<40x256xi32, #tpu.memory_space<hbm>>
        %dma_wait3A_283 = arith.constant 0 : i32
        %dma_wait3A_284 = arith.constant 0 : i32
        %dma_wait3A_285 = tpu.memref_slice %arg3[%run_scoped3A, %dma_wait3A_283, %dma_wait3A_284] : memref<2x1250x256xi32, #tpu.memory_space<hbm>> -> memref<1x1250x256xi32, #tpu.memory_space<hbm>>
        %dma_wait3A_286 = tpu.memref_squeeze %dma_wait3A_285 : memref<1x1250x256xi32, #tpu.memory_space<hbm>> -> memref<1250x256xi32, #tpu.memory_space<hbm>>
        %dma_wait3A_287 = arith.constant 0 : i32
        %dma_wait3A_288 = tpu.memref_slice %dma_wait3A_286[%mul3A_4, %dma_wait3A_287] : memref<1250x256xi32, #tpu.memory_space<hbm>> -> memref<40x256xi32, #tpu.memory_space<hbm>>
        tpu.wait_dma2 semaphore(%run_scoped3A_264 : memref<!tpu.dma_semaphore, #tpu.memory_space<semaphore_mem>>) src(%dma_wait3A_288 : memref<40x256xi32, #tpu.memory_space<hbm>>) dst(%arg5 : memref<40x256xi32, #tpu.memory_space<vmem>>)
        tpu.yield
      }) : () -> ()
      %run_scoped3A_263 = arith.constant 1 : i32
      "tpu.region"() ({
        %run_scoped3A_264 = tpu.sem_alloc : memref<!tpu.dma_semaphore, #tpu.memory_space<semaphore_mem>>
        %dma_start3A_265 = arith.constant 0 : i32
        %dma_start3A_266 = arith.constant 0 : i32
        %dma_start3A_267 = tpu.memref_slice %arg3[%run_scoped3A_263, %dma_start3A_265, %dma_start3A_266] : memref<2x1250x256xi32, #tpu.memory_space<hbm>> -> memref<1x1250x256xi32, #tpu.memory_space<hbm>>
        %dma_start3A_268 = tpu.memref_squeeze %dma_start3A_267 : memref<1x1250x256xi32, #tpu.memory_space<hbm>> -> memref<1250x256xi32, #tpu.memory_space<hbm>>
        %dma_start3A_269 = arith.constant 0 : i32
        %dma_start3A_270 = tpu.memref_slice %dma_start3A_268[%mul3A_4, %dma_start3A_269] : memref<1250x256xi32, #tpu.memory_space<hbm>> -> memref<40x256xi32, #tpu.memory_space<hbm>>
        %dma_start3A_271 = arith.constant 0 : i32
        %dma_start3A_272 = arith.constant 0 : i32
        %dma_start3A_273 = tpu.memref_slice %arg3[%run_scoped3A_263, %dma_start3A_271, %dma_start3A_272] : memref<2x1250x256xi32, #tpu.memory_space<hbm>> -> memref<1x1250x256xi32, #tpu.memory_space<hbm>>
        %dma_start3A_274 = tpu.memref_squeeze %dma_start3A_273 : memref<1x1250x256xi32, #tpu.memory_space<hbm>> -> memref<1250x256xi32, #tpu.memory_space<hbm>>
        %dma_start3A_275 = arith.constant 0 : i32
        %dma_start3A_276 = tpu.memref_slice %dma_start3A_274[%mul3A_4, %dma_start3A_275] : memref<1250x256xi32, #tpu.memory_space<hbm>> -> memref<40x256xi32, #tpu.memory_space<hbm>>
        tpu.enqueue_dma source(%dma_start3A_276 : memref<40x256xi32, #tpu.memory_space<hbm>>) target(%arg6 : memref<40x256xi32, #tpu.memory_space<vmem>>) target_semaphore(%run_scoped3A_264 : memref<!tpu.dma_semaphore, #tpu.memory_space<semaphore_mem>>)
        %dma_wait3A_277 = arith.constant 0 : i32
        %dma_wait3A_278 = arith.constant 0 : i32
        %dma_wait3A_279 = tpu.memref_slice %arg3[%run_scoped3A_263, %dma_wait3A_277, %dma_wait3A_278] : memref<2x1250x256xi32, #tpu.memory_space<hbm>> -> memref<1x1250x256xi32, #tpu.memory_space<hbm>>
        %dma_wait3A_280 = tpu.memref_squeeze %dma_wait3A_279 : memref<1x1250x256xi32, #tpu.memory_space<hbm>> -> memref<1250x256xi32, #tpu.memory_space<hbm>>
        %dma_wait3A_281 = arith.constant 0 : i32
        %dma_wait3A_282 = tpu.memref_slice %dma_wait3A_280[%mul3A_4, %dma_wait3A_281] : memref<1250x256xi32, #tpu.memory_space<hbm>> -> memref<40x256xi32, #tpu.memory_space<hbm>>
        %dma_wait3A_283 = arith.constant 0 : i32
        %dma_wait3A_284 = arith.constant 0 : i32
        %dma_wait3A_285 = tpu.memref_slice %arg3[%run_scoped3A_263, %dma_wait3A_283, %dma_wait3A_284] : memref<2x1250x256xi32, #tpu.memory_space<hbm>> -> memref<1x1250x256xi32, #tpu.memory_space<hbm>>
        %dma_wait3A_286 = tpu.memref_squeeze %dma_wait3A_285 : memref<1x1250x256xi32, #tpu.memory_space<hbm>> -> memref<1250x256xi32, #tpu.memory_space<hbm>>
        %dma_wait3A_287 = arith.constant 0 : i32
        %dma_wait3A_288 = tpu.memref_slice %dma_wait3A_286[%mul3A_4, %dma_wait3A_287] : memref<1250x256xi32, #tpu.memory_space<hbm>> -> memref<40x256xi32, #tpu.memory_space<hbm>>
        tpu.wait_dma2 semaphore(%run_scoped3A_264 : memref<!tpu.dma_semaphore, #tpu.memory_space<semaphore_mem>>) src(%dma_wait3A_288 : memref<40x256xi32, #tpu.memory_space<hbm>>) dst(%arg6 : memref<40x256xi32, #tpu.memory_space<vmem>>)
        tpu.yield
      }) : () -> ()
    } else {
    }
    %mul3A_23 = arith.constant 632 : i32
    %mul3A_24 = arith.muli %arg1, %mul3A_23 : i32
    %add3A_25 = arith.constant 0 : i32
    %add3A_26 = arith.addi %mul3A_24, %add3A_25 : i32
    %dma_start3A_27 = arith.constant 0 : i32
    %dma_start3A_28 = tpu.memref_slice %arg15[%add3A_26, %dma_start3A_27] : memref<10112x32xf32, #tpu.memory_space<vmem_shared>> -> memref<256x32xf32, #tpu.memory_space<vmem_shared>>
    %dma_start3A_29 = arith.constant 0 : i32
    %dma_start3A_30 = tpu.memref_slice %arg15[%add3A_26, %dma_start3A_29] : memref<10112x32xf32, #tpu.memory_space<vmem_shared>> -> memref<256x32xf32, #tpu.memory_space<vmem_shared>>
    tpu.enqueue_dma source(%arg7 : memref<256x32xf32, #tpu.memory_space<vmem>>) target(%dma_start3A_30 : memref<256x32xf32, #tpu.memory_space<vmem_shared>>) target_semaphore(%arg25 : memref<!tpu.dma_semaphore, #tpu.memory_space<semaphore_mem>>)
    %mul3A_31 = arith.constant 632 : i32
    %mul3A_32 = arith.muli %arg1, %mul3A_31 : i32
    %add3A_33 = arith.constant 256 : i32
    %add3A_34 = arith.addi %mul3A_32, %add3A_33 : i32
    %dma_start3A_35 = arith.constant 0 : i32
    %dma_start3A_36 = tpu.memref_slice %arg15[%add3A_34, %dma_start3A_35] : memref<10112x32xf32, #tpu.memory_space<vmem_shared>> -> memref<256x32xf32, #tpu.memory_space<vmem_shared>>
    %dma_start3A_37 = arith.constant 0 : i32
    %dma_start3A_38 = tpu.memref_slice %arg15[%add3A_34, %dma_start3A_37] : memref<10112x32xf32, #tpu.memory_space<vmem_shared>> -> memref<256x32xf32, #tpu.memory_space<vmem_shared>>
    tpu.enqueue_dma source(%arg7 : memref<256x32xf32, #tpu.memory_space<vmem>>) target(%dma_start3A_38 : memref<256x32xf32, #tpu.memory_space<vmem_shared>>) target_semaphore(%arg26 : memref<!tpu.dma_semaphore, #tpu.memory_space<semaphore_mem>>)
    %mul3A_39 = arith.constant 632 : i32
    %mul3A_40 = arith.muli %arg1, %mul3A_39 : i32
    %add3A_41 = arith.constant 512 : i32
    %add3A_42 = arith.addi %mul3A_40, %add3A_41 : i32
    %dma_start3A_43 = arith.constant 0 : i32
    %dma_start3A_44 = arith.constant 0 : i32
    %dma_start3A_45 = tpu.memref_slice %arg7[%dma_start3A_43, %dma_start3A_44] : memref<256x32xf32, #tpu.memory_space<vmem>> -> memref<120x32xf32, #tpu.memory_space<vmem>>
    %dma_start3A_46 = arith.constant 0 : i32
    %dma_start3A_47 = tpu.memref_slice %arg15[%add3A_42, %dma_start3A_46] : memref<10112x32xf32, #tpu.memory_space<vmem_shared>> -> memref<120x32xf32, #tpu.memory_space<vmem_shared>>
    %dma_start3A_48 = arith.constant 0 : i32
    %dma_start3A_49 = tpu.memref_slice %arg15[%add3A_42, %dma_start3A_48] : memref<10112x32xf32, #tpu.memory_space<vmem_shared>> -> memref<120x32xf32, #tpu.memory_space<vmem_shared>>
    %dma_start3A_50 = arith.constant 0 : i32
    %dma_start3A_51 = arith.constant 0 : i32
    %dma_start3A_52 = tpu.memref_slice %arg7[%dma_start3A_50, %dma_start3A_51] : memref<256x32xf32, #tpu.memory_space<vmem>> -> memref<120x32xf32, #tpu.memory_space<vmem>>
    tpu.enqueue_dma source(%dma_start3A_52 : memref<120x32xf32, #tpu.memory_space<vmem>>) target(%dma_start3A_49 : memref<120x32xf32, #tpu.memory_space<vmem_shared>>) target_semaphore(%arg27 : memref<!tpu.dma_semaphore, #tpu.memory_space<semaphore_mem>>)
    %mul3A_53 = arith.constant 632 : i32
    %mul3A_54 = arith.muli %arg1, %mul3A_53 : i32
    %add3A_55 = arith.constant 0 : i32
    %add3A_56 = arith.addi %mul3A_54, %add3A_55 : i32
    %dma_wait3A = arith.constant 0 : i32
    %dma_wait3A_57 = tpu.memref_slice %arg15[%add3A_56, %dma_wait3A] : memref<10112x32xf32, #tpu.memory_space<vmem_shared>> -> memref<256x32xf32, #tpu.memory_space<vmem_shared>>
    %dma_wait3A_58 = arith.constant 0 : i32
    %dma_wait3A_59 = tpu.memref_slice %arg15[%add3A_56, %dma_wait3A_58] : memref<10112x32xf32, #tpu.memory_space<vmem_shared>> -> memref<256x32xf32, #tpu.memory_space<vmem_shared>>
    tpu.wait_dma2 semaphore(%arg25 : memref<!tpu.dma_semaphore, #tpu.memory_space<semaphore_mem>>) src(%arg7 : memref<256x32xf32, #tpu.memory_space<vmem>>) dst(%dma_wait3A_59 : memref<256x32xf32, #tpu.memory_space<vmem_shared>>)
    %mul3A_60 = arith.constant 632 : i32
    %mul3A_61 = arith.muli %arg1, %mul3A_60 : i32
    %add3A_62 = arith.constant 256 : i32
    %add3A_63 = arith.addi %mul3A_61, %add3A_62 : i32
    %dma_wait3A_64 = arith.constant 0 : i32
    %dma_wait3A_65 = tpu.memref_slice %arg15[%add3A_63, %dma_wait3A_64] : memref<10112x32xf32, #tpu.memory_space<vmem_shared>> -> memref<256x32xf32, #tpu.memory_space<vmem_shared>>
    %dma_wait3A_66 = arith.constant 0 : i32
    %dma_wait3A_67 = tpu.memref_slice %arg15[%add3A_63, %dma_wait3A_66] : memref<10112x32xf32, #tpu.memory_space<vmem_shared>> -> memref<256x32xf32, #tpu.memory_space<vmem_shared>>
    tpu.wait_dma2 semaphore(%arg26 : memref<!tpu.dma_semaphore, #tpu.memory_space<semaphore_mem>>) src(%arg7 : memref<256x32xf32, #tpu.memory_space<vmem>>) dst(%dma_wait3A_67 : memref<256x32xf32, #tpu.memory_space<vmem_shared>>)
    %mul3A_68 = arith.constant 632 : i32
    %mul3A_69 = arith.muli %arg1, %mul3A_68 : i32
    %add3A_70 = arith.constant 512 : i32
    %add3A_71 = arith.addi %mul3A_69, %add3A_70 : i32
    %dma_wait3A_72 = arith.constant 0 : i32
    %dma_wait3A_73 = arith.constant 0 : i32
    %dma_wait3A_74 = tpu.memref_slice %arg7[%dma_wait3A_72, %dma_wait3A_73] : memref<256x32xf32, #tpu.memory_space<vmem>> -> memref<120x32xf32, #tpu.memory_space<vmem>>
    %dma_wait3A_75 = arith.constant 0 : i32
    %dma_wait3A_76 = tpu.memref_slice %arg15[%add3A_71, %dma_wait3A_75] : memref<10112x32xf32, #tpu.memory_space<vmem_shared>> -> memref<120x32xf32, #tpu.memory_space<vmem_shared>>
    %dma_wait3A_77 = arith.constant 0 : i32
    %dma_wait3A_78 = tpu.memref_slice %arg15[%add3A_71, %dma_wait3A_77] : memref<10112x32xf32, #tpu.memory_space<vmem_shared>> -> memref<120x32xf32, #tpu.memory_space<vmem_shared>>
    %dma_wait3A_79 = arith.constant 0 : i32
    %dma_wait3A_80 = arith.constant 0 : i32
    %dma_wait3A_81 = tpu.memref_slice %arg7[%dma_wait3A_79, %dma_wait3A_80] : memref<256x32xf32, #tpu.memory_space<vmem>> -> memref<120x32xf32, #tpu.memory_space<vmem>>
    tpu.wait_dma2 semaphore(%arg27 : memref<!tpu.dma_semaphore, #tpu.memory_space<semaphore_mem>>) src(%dma_wait3A_81 : memref<120x32xf32, #tpu.memory_space<vmem>>) dst(%dma_wait3A_78 : memref<120x32xf32, #tpu.memory_space<vmem_shared>>)
    %mul3A_82 = arith.constant 632 : i32
    %mul3A_83 = arith.muli %arg1, %mul3A_82 : i32
    %mul3A_84 = arith.constant 632 : i32
    %mul3A_85 = arith.muli %arg1, %mul3A_84 : i32
    %dma_wait3A_86 = arith.constant 0 : i32
    %dma_wait3A_87 = tpu.memref_slice %arg16[%mul3A_85, %dma_wait3A_86] : memref<10112x32xf32, #tpu.memory_space<vmem_shared>> -> memref<632x32xf32, #tpu.memory_space<vmem_shared>>
    %dma_wait3A_88 = arith.constant 0 : i32
    %dma_wait3A_89 = tpu.memref_slice %arg2[%mul3A_83, %dma_wait3A_88] : memref<10112x32xf32, #tpu.memory_space<hbm>> -> memref<632x32xf32, #tpu.memory_space<hbm>>
    tpu.wait_dma2 semaphore(%arg17 : memref<!tpu.dma_semaphore, #tpu.memory_space<semaphore_mem>>) src(%dma_wait3A_89 : memref<632x32xf32, #tpu.memory_space<hbm>>) dst(%dma_wait3A_87 : memref<632x32xf32, #tpu.memory_space<vmem_shared>>)
    %barrier3A = arith.constant 0 : index
    tpu.barrier barrier_id(%barrier3A)
    %jit3A_90 = arith.constant 8 : i32
    %div3A = arith.divsi %select_n3A, %jit3A_90 : i32
    %sign3A = arith.constant 0 : i32
    %sign3A_91 = arith.cmpi sgt, %select_n3A, %sign3A : i32
    %sign3A_92 = arith.extui %sign3A_91 : i1 to i32
    %sign3A_93 = arith.constant 0 : i32
    %sign3A_94 = arith.cmpi slt, %select_n3A, %sign3A_93 : i32
    %sign3A_95 = arith.extui %sign3A_94 : i1 to i32
    %sign3A_96 = arith.subi %sign3A_92, %sign3A_95 : i32
    %sign3A_97 = arith.constant 0 : i32
    %sign3A_98 = arith.cmpi sgt, %jit3A_90, %sign3A_97 : i32
    %sign3A_99 = arith.extui %sign3A_98 : i1 to i32
    %sign3A_100 = arith.constant 0 : i32
    %sign3A_101 = arith.cmpi slt, %jit3A_90, %sign3A_100 : i32
    %sign3A_102 = arith.extui %sign3A_101 : i1 to i32
    %sign3A_103 = arith.subi %sign3A_99, %sign3A_102 : i32
    %ne3A_104 = arith.cmpi ne, %sign3A_96, %sign3A_103 : i32
    %rem3A = arith.remsi %select_n3A, %jit3A_90 : i32
    %ne3A_105 = arith.constant 0 : i32
    %ne3A_106 = arith.cmpi ne, %rem3A, %ne3A_105 : i32
    %and3A = arith.andi %ne3A_104, %ne3A_106 : i1
    %sub3A = arith.constant 1 : i32
    %sub3A_107 = arith.subi %div3A, %sub3A : i32
    %select_n3A_108 = arith.select %and3A, %sub3A_107, %div3A : i32
    %mul3A_109 = arith.constant 8 : i32
    %mul3A_110 = arith.muli %select_n3A_108, %mul3A_109 : i32
    %dma_start3A_111 = arith.constant 0 : i32
    %dma_start3A_112 = arith.constant 0 : i32
    %dma_start3A_113 = tpu.memref_slice %arg5[%dma_start3A_111, %dma_start3A_112] : memref<40x256xi32, #tpu.memory_space<vmem>> -> memref<1x256xi32, #tpu.memory_space<vmem>>
    %dma_start3A_114 = tpu.memref_squeeze %dma_start3A_113 : memref<1x256xi32, #tpu.memory_space<vmem>> -> memref<256xi32, #tpu.memory_space<vmem>>
    %dma_start3A_115 = arith.constant 0 : i32
    %dma_start3A_116 = arith.constant 0 : i32
    %dma_start3A_117 = tpu.memref_slice %arg16[%dma_start3A_115, %dma_start3A_116] : memref<10112x32xf32, #tpu.memory_space<vmem_shared>> -> memref<10112x32xf32, #tpu.memory_space<vmem_shared>>
    tpu.enqueue_indirect_dma source(%dma_start3A_117 : memref<10112x32xf32, #tpu.memory_space<vmem_shared>>) target(%arg7 : memref<256x32xf32, #tpu.memory_space<vmem>>) offsets(%dma_start3A_114 : memref<256xi32, #tpu.memory_space<vmem>>) semaphore(%arg17 : memref<!tpu.dma_semaphore, #tpu.memory_space<semaphore_mem>>)
    %dma_start3A_118 = arith.constant 1 : i32
    %dma_start3A_119 = arith.constant 0 : i32
    %dma_start3A_120 = tpu.memref_slice %arg5[%dma_start3A_118, %dma_start3A_119] : memref<40x256xi32, #tpu.memory_space<vmem>> -> memref<1x256xi32, #tpu.memory_space<vmem>>
    %dma_start3A_121 = tpu.memref_squeeze %dma_start3A_120 : memref<1x256xi32, #tpu.memory_space<vmem>> -> memref<256xi32, #tpu.memory_space<vmem>>
    %dma_start3A_122 = arith.constant 0 : i32
    %dma_start3A_123 = arith.constant 0 : i32
    %dma_start3A_124 = tpu.memref_slice %arg16[%dma_start3A_122, %dma_start3A_123] : memref<10112x32xf32, #tpu.memory_space<vmem_shared>> -> memref<10112x32xf32, #tpu.memory_space<vmem_shared>>
    tpu.enqueue_indirect_dma source(%dma_start3A_124 : memref<10112x32xf32, #tpu.memory_space<vmem_shared>>) target(%arg8 : memref<256x32xf32, #tpu.memory_space<vmem>>) offsets(%dma_start3A_121 : memref<256xi32, #tpu.memory_space<vmem>>) semaphore(%arg18 : memref<!tpu.dma_semaphore, #tpu.memory_space<semaphore_mem>>)
    %dma_start3A_125 = arith.constant 2 : i32
    %dma_start3A_126 = arith.constant 0 : i32
    %dma_start3A_127 = tpu.memref_slice %arg5[%dma_start3A_125, %dma_start3A_126] : memref<40x256xi32, #tpu.memory_space<vmem>> -> memref<1x256xi32, #tpu.memory_space<vmem>>
    %dma_start3A_128 = tpu.memref_squeeze %dma_start3A_127 : memref<1x256xi32, #tpu.memory_space<vmem>> -> memref<256xi32, #tpu.memory_space<vmem>>
    %dma_start3A_129 = arith.constant 0 : i32
    %dma_start3A_130 = arith.constant 0 : i32
    %dma_start3A_131 = tpu.memref_slice %arg16[%dma_start3A_129, %dma_start3A_130] : memref<10112x32xf32, #tpu.memory_space<vmem_shared>> -> memref<10112x32xf32, #tpu.memory_space<vmem_shared>>
    tpu.enqueue_indirect_dma source(%dma_start3A_131 : memref<10112x32xf32, #tpu.memory_space<vmem_shared>>) target(%arg9 : memref<256x32xf32, #tpu.memory_space<vmem>>) offsets(%dma_start3A_128 : memref<256xi32, #tpu.memory_space<vmem>>) semaphore(%arg19 : memref<!tpu.dma_semaphore, #tpu.memory_space<semaphore_mem>>)
    %dma_start3A_132 = arith.constant 3 : i32
    %dma_start3A_133 = arith.constant 0 : i32
    %dma_start3A_134 = tpu.memref_slice %arg5[%dma_start3A_132, %dma_start3A_133] : memref<40x256xi32, #tpu.memory_space<vmem>> -> memref<1x256xi32, #tpu.memory_space<vmem>>
    %dma_start3A_135 = tpu.memref_squeeze %dma_start3A_134 : memref<1x256xi32, #tpu.memory_space<vmem>> -> memref<256xi32, #tpu.memory_space<vmem>>
    %dma_start3A_136 = arith.constant 0 : i32
    %dma_start3A_137 = arith.constant 0 : i32
    %dma_start3A_138 = tpu.memref_slice %arg16[%dma_start3A_136, %dma_start3A_137] : memref<10112x32xf32, #tpu.memory_space<vmem_shared>> -> memref<10112x32xf32, #tpu.memory_space<vmem_shared>>
    tpu.enqueue_indirect_dma source(%dma_start3A_138 : memref<10112x32xf32, #tpu.memory_space<vmem_shared>>) target(%arg10 : memref<256x32xf32, #tpu.memory_space<vmem>>) offsets(%dma_start3A_135 : memref<256xi32, #tpu.memory_space<vmem>>) semaphore(%arg20 : memref<!tpu.dma_semaphore, #tpu.memory_space<semaphore_mem>>)
    %sub3A_139 = arith.constant 0 : i32
    %sub3A_140 = arith.subi %select_n3A_108, %sub3A_139 : i32
    %sub3A_141 = arith.constant 1 : i32
    %sub3A_142 = arith.constant 1 : i32
    %sub3A_143 = arith.subi %sub3A_141, %sub3A_142 : i32
    %add3A_144 = arith.addi %sub3A_140, %sub3A_143 : i32
    %div3A_145 = arith.constant 1 : i32
    %div3A_146 = arith.divsi %add3A_144, %div3A_145 : i32
    %while3A = arith.constant 1 : i32
    %while3A_147 = arith.constant 0 : i32
    %while3A_148 = arith.constant 0 : i32
    %while3A_149 = arith.subi %div3A_146, %while3A_148 : i32
    %while3A_150 = arith.addi %while3A_148, %while3A_149 : i32
    %while3A_151 = arith.constant 1 : i32
    %while3A_152 = arith.divsi %while3A_149, %while3A_151 : i32
    %while3A_153 = arith.muli %while3A_152, %while3A_151 : i32
    %while3A_154 = arith.addi %while3A_148, %while3A_153 : i32
    %while3A_155 = arith.constant 1 : i32
    scf.for %while3A_263 = %while3A_148 to %while3A_154 step %while3A_155  : i32 {
      %mul3A_264 = arith.muli %while3A_263, %while3A : i32
      %add3A_265 = arith.addi %while3A_147, %mul3A_264 : i32
      %mul3A_266 = arith.constant 8 : i32
      %mul3A_267 = arith.muli %add3A_265, %mul3A_266 : i32
      %add3A_268 = arith.constant 0 : i32
      %add3A_269 = arith.addi %mul3A_267, %add3A_268 : i32
      %dma_wait3A_270 = arith.constant 0 : i32
      %dma_wait3A_271 = tpu.memref_slice %arg5[%add3A_269, %dma_wait3A_270] : memref<40x256xi32, #tpu.memory_space<vmem>> -> memref<1x256xi32, #tpu.memory_space<vmem>>
      %dma_wait3A_272 = tpu.memref_squeeze %dma_wait3A_271 : memref<1x256xi32, #tpu.memory_space<vmem>> -> memref<256xi32, #tpu.memory_space<vmem>>
      %dma_wait3A_273 = arith.constant 0 : i32
      %dma_wait3A_274 = arith.constant 0 : i32
      %dma_wait3A_275 = tpu.memref_slice %arg16[%dma_wait3A_273, %dma_wait3A_274] : memref<10112x32xf32, #tpu.memory_space<vmem_shared>> -> memref<10112x32xf32, #tpu.memory_space<vmem_shared>>
      tpu.wait_indirect_dma semaphore(%arg17 : memref<!tpu.dma_semaphore, #tpu.memory_space<semaphore_mem>>) src(%dma_wait3A_275 : memref<10112x32xf32, #tpu.memory_space<vmem_shared>>) dst(%arg7 : memref<256x32xf32, #tpu.memory_space<vmem>>)
      %dma_start3A_276 = arith.constant 0 : i32
      %dma_start3A_277 = tpu.memref_slice %arg6[%add3A_269, %dma_start3A_276] : memref<40x256xi32, #tpu.memory_space<vmem>> -> memref<1x256xi32, #tpu.memory_space<vmem>>
      %dma_start3A_278 = tpu.memref_squeeze %dma_start3A_277 : memref<1x256xi32, #tpu.memory_space<vmem>> -> memref<256xi32, #tpu.memory_space<vmem>>
      %dma_start3A_279 = arith.constant 0 : i32
      %dma_start3A_280 = arith.constant 0 : i32
      %dma_start3A_281 = tpu.memref_slice %arg15[%dma_start3A_279, %dma_start3A_280] : memref<10112x32xf32, #tpu.memory_space<vmem_shared>> -> memref<10112x32xf32, #tpu.memory_space<vmem_shared>>
      tpu.enqueue_indirect_dma source(%arg7 : memref<256x32xf32, #tpu.memory_space<vmem>>) target(%dma_start3A_281 : memref<10112x32xf32, #tpu.memory_space<vmem_shared>>) offsets(%dma_start3A_278 : memref<256xi32, #tpu.memory_space<vmem>>) semaphore(%arg25 : memref<!tpu.dma_semaphore, #tpu.memory_space<semaphore_mem>>) {add = true}
      %add3A_282 = arith.constant 4 : i32
      %add3A_283 = arith.addi %add3A_269, %add3A_282 : i32
      %lt3A = arith.cmpi slt, %add3A_283, %mul3A_110 : i32
      %convert_element_type3A_284 = arith.extui %lt3A : i1 to i32
      %cond3A_285 = arith.constant 0 : i32
      %cond3A_286 = arith.cmpi ne, %convert_element_type3A_284, %cond3A_285 : i32
      scf.if %cond3A_286 {
        %ge3A = arith.constant 8 : i32
        %ge3A_427 = arith.cmpi sge, %add3A_283, %ge3A : i32
        %convert_element_type3A_428 = arith.extui %ge3A_427 : i1 to i32
        %cond3A_429 = arith.constant 0 : i32
        %cond3A_430 = arith.cmpi ne, %convert_element_type3A_428, %cond3A_429 : i32
        scf.if %cond3A_430 {
          %sub3A_437 = arith.constant 8 : i32
          %sub3A_438 = arith.subi %add3A_283, %sub3A_437 : i32
          %dma_wait3A_439 = arith.constant 0 : i32
          %dma_wait3A_440 = tpu.memref_slice %arg6[%sub3A_438, %dma_wait3A_439] : memref<40x256xi32, #tpu.memory_space<vmem>> -> memref<1x256xi32, #tpu.memory_space<vmem>>
          %dma_wait3A_441 = tpu.memref_squeeze %dma_wait3A_440 : memref<1x256xi32, #tpu.memory_space<vmem>> -> memref<256xi32, #tpu.memory_space<vmem>>
          %dma_wait3A_442 = arith.constant 0 : i32
          %dma_wait3A_443 = arith.constant 0 : i32
          %dma_wait3A_444 = tpu.memref_slice %arg15[%dma_wait3A_442, %dma_wait3A_443] : memref<10112x32xf32, #tpu.memory_space<vmem_shared>> -> memref<10112x32xf32, #tpu.memory_space<vmem_shared>>
          tpu.wait_indirect_dma semaphore(%arg29 : memref<!tpu.dma_semaphore, #tpu.memory_space<semaphore_mem>>) src(%arg11 : memref<256x32xf32, #tpu.memory_space<vmem>>) dst(%dma_wait3A_444 : memref<10112x32xf32, #tpu.memory_space<vmem_shared>>)
        } else {
        }
        %dma_start3A_431 = arith.constant 0 : i32
        %dma_start3A_432 = tpu.memref_slice %arg5[%add3A_283, %dma_start3A_431] : memref<40x256xi32, #tpu.memory_space<vmem>> -> memref<1x256xi32, #tpu.memory_space<vmem>>
        %dma_start3A_433 = tpu.memref_squeeze %dma_start3A_432 : memref<1x256xi32, #tpu.memory_space<vmem>> -> memref<256xi32, #tpu.memory_space<vmem>>
        %dma_start3A_434 = arith.constant 0 : i32
        %dma_start3A_435 = arith.constant 0 : i32
        %dma_start3A_436 = tpu.memref_slice %arg16[%dma_start3A_434, %dma_start3A_435] : memref<10112x32xf32, #tpu.memory_space<vmem_shared>> -> memref<10112x32xf32, #tpu.memory_space<vmem_shared>>
        tpu.enqueue_indirect_dma source(%dma_start3A_436 : memref<10112x32xf32, #tpu.memory_space<vmem_shared>>) target(%arg11 : memref<256x32xf32, #tpu.memory_space<vmem>>) offsets(%dma_start3A_433 : memref<256xi32, #tpu.memory_space<vmem>>) semaphore(%arg21 : memref<!tpu.dma_semaphore, #tpu.memory_space<semaphore_mem>>)
      } else {
      }
      %add3A_287 = arith.constant 1 : i32
      %add3A_288 = arith.addi %mul3A_267, %add3A_287 : i32
      %dma_wait3A_289 = arith.constant 0 : i32
      %dma_wait3A_290 = tpu.memref_slice %arg5[%add3A_288, %dma_wait3A_289] : memref<40x256xi32, #tpu.memory_space<vmem>> -> memref<1x256xi32, #tpu.memory_space<vmem>>
      %dma_wait3A_291 = tpu.memref_squeeze %dma_wait3A_290 : memref<1x256xi32, #tpu.memory_space<vmem>> -> memref<256xi32, #tpu.memory_space<vmem>>
      %dma_wait3A_292 = arith.constant 0 : i32
      %dma_wait3A_293 = arith.constant 0 : i32
      %dma_wait3A_294 = tpu.memref_slice %arg16[%dma_wait3A_292, %dma_wait3A_293] : memref<10112x32xf32, #tpu.memory_space<vmem_shared>> -> memref<10112x32xf32, #tpu.memory_space<vmem_shared>>
      tpu.wait_indirect_dma semaphore(%arg18 : memref<!tpu.dma_semaphore, #tpu.memory_space<semaphore_mem>>) src(%dma_wait3A_294 : memref<10112x32xf32, #tpu.memory_space<vmem_shared>>) dst(%arg8 : memref<256x32xf32, #tpu.memory_space<vmem>>)
      %dma_start3A_295 = arith.constant 0 : i32
      %dma_start3A_296 = tpu.memref_slice %arg6[%add3A_288, %dma_start3A_295] : memref<40x256xi32, #tpu.memory_space<vmem>> -> memref<1x256xi32, #tpu.memory_space<vmem>>
      %dma_start3A_297 = tpu.memref_squeeze %dma_start3A_296 : memref<1x256xi32, #tpu.memory_space<vmem>> -> memref<256xi32, #tpu.memory_space<vmem>>
      %dma_start3A_298 = arith.constant 0 : i32
      %dma_start3A_299 = arith.constant 0 : i32
      %dma_start3A_300 = tpu.memref_slice %arg15[%dma_start3A_298, %dma_start3A_299] : memref<10112x32xf32, #tpu.memory_space<vmem_shared>> -> memref<10112x32xf32, #tpu.memory_space<vmem_shared>>
      tpu.enqueue_indirect_dma source(%arg8 : memref<256x32xf32, #tpu.memory_space<vmem>>) target(%dma_start3A_300 : memref<10112x32xf32, #tpu.memory_space<vmem_shared>>) offsets(%dma_start3A_297 : memref<256xi32, #tpu.memory_space<vmem>>) semaphore(%arg26 : memref<!tpu.dma_semaphore, #tpu.memory_space<semaphore_mem>>) {add = true}
      %add3A_301 = arith.constant 4 : i32
      %add3A_302 = arith.addi %add3A_288, %add3A_301 : i32
      %lt3A_303 = arith.cmpi slt, %add3A_302, %mul3A_110 : i32
      %convert_element_type3A_304 = arith.extui %lt3A_303 : i1 to i32
      %cond3A_305 = arith.constant 0 : i32
      %cond3A_306 = arith.cmpi ne, %convert_element_type3A_304, %cond3A_305 : i32
      scf.if %cond3A_306 {
        %ge3A = arith.constant 8 : i32
        %ge3A_427 = arith.cmpi sge, %add3A_302, %ge3A : i32
        %convert_element_type3A_428 = arith.extui %ge3A_427 : i1 to i32
        %cond3A_429 = arith.constant 0 : i32
        %cond3A_430 = arith.cmpi ne, %convert_element_type3A_428, %cond3A_429 : i32
        scf.if %cond3A_430 {
          %sub3A_437 = arith.constant 8 : i32
          %sub3A_438 = arith.subi %add3A_302, %sub3A_437 : i32
          %dma_wait3A_439 = arith.constant 0 : i32
          %dma_wait3A_440 = tpu.memref_slice %arg6[%sub3A_438, %dma_wait3A_439] : memref<40x256xi32, #tpu.memory_space<vmem>> -> memref<1x256xi32, #tpu.memory_space<vmem>>
          %dma_wait3A_441 = tpu.memref_squeeze %dma_wait3A_440 : memref<1x256xi32, #tpu.memory_space<vmem>> -> memref<256xi32, #tpu.memory_space<vmem>>
          %dma_wait3A_442 = arith.constant 0 : i32
          %dma_wait3A_443 = arith.constant 0 : i32
          %dma_wait3A_444 = tpu.memref_slice %arg15[%dma_wait3A_442, %dma_wait3A_443] : memref<10112x32xf32, #tpu.memory_space<vmem_shared>> -> memref<10112x32xf32, #tpu.memory_space<vmem_shared>>
          tpu.wait_indirect_dma semaphore(%arg30 : memref<!tpu.dma_semaphore, #tpu.memory_space<semaphore_mem>>) src(%arg12 : memref<256x32xf32, #tpu.memory_space<vmem>>) dst(%dma_wait3A_444 : memref<10112x32xf32, #tpu.memory_space<vmem_shared>>)
        } else {
        }
        %dma_start3A_431 = arith.constant 0 : i32
        %dma_start3A_432 = tpu.memref_slice %arg5[%add3A_302, %dma_start3A_431] : memref<40x256xi32, #tpu.memory_space<vmem>> -> memref<1x256xi32, #tpu.memory_space<vmem>>
        %dma_start3A_433 = tpu.memref_squeeze %dma_start3A_432 : memref<1x256xi32, #tpu.memory_space<vmem>> -> memref<256xi32, #tpu.memory_space<vmem>>
        %dma_start3A_434 = arith.constant 0 : i32
        %dma_start3A_435 = arith.constant 0 : i32
        %dma_start3A_436 = tpu.memref_slice %arg16[%dma_start3A_434, %dma_start3A_435] : memref<10112x32xf32, #tpu.memory_space<vmem_shared>> -> memref<10112x32xf32, #tpu.memory_space<vmem_shared>>
        tpu.enqueue_indirect_dma source(%dma_start3A_436 : memref<10112x32xf32, #tpu.memory_space<vmem_shared>>) target(%arg12 : memref<256x32xf32, #tpu.memory_space<vmem>>) offsets(%dma_start3A_433 : memref<256xi32, #tpu.memory_space<vmem>>) semaphore(%arg22 : memref<!tpu.dma_semaphore, #tpu.memory_space<semaphore_mem>>)
      } else {
      }
      %add3A_307 = arith.constant 2 : i32
      %add3A_308 = arith.addi %mul3A_267, %add3A_307 : i32
      %dma_wait3A_309 = arith.constant 0 : i32
      %dma_wait3A_310 = tpu.memref_slice %arg5[%add3A_308, %dma_wait3A_309] : memref<40x256xi32, #tpu.memory_space<vmem>> -> memref<1x256xi32, #tpu.memory_space<vmem>>
      %dma_wait3A_311 = tpu.memref_squeeze %dma_wait3A_310 : memref<1x256xi32, #tpu.memory_space<vmem>> -> memref<256xi32, #tpu.memory_space<vmem>>
      %dma_wait3A_312 = arith.constant 0 : i32
      %dma_wait3A_313 = arith.constant 0 : i32
      %dma_wait3A_314 = tpu.memref_slice %arg16[%dma_wait3A_312, %dma_wait3A_313] : memref<10112x32xf32, #tpu.memory_space<vmem_shared>> -> memref<10112x32xf32, #tpu.memory_space<vmem_shared>>
      tpu.wait_indirect_dma semaphore(%arg19 : memref<!tpu.dma_semaphore, #tpu.memory_space<semaphore_mem>>) src(%dma_wait3A_314 : memref<10112x32xf32, #tpu.memory_space<vmem_shared>>) dst(%arg9 : memref<256x32xf32, #tpu.memory_space<vmem>>)
      %dma_start3A_315 = arith.constant 0 : i32
      %dma_start3A_316 = tpu.memref_slice %arg6[%add3A_308, %dma_start3A_315] : memref<40x256xi32, #tpu.memory_space<vmem>> -> memref<1x256xi32, #tpu.memory_space<vmem>>
      %dma_start3A_317 = tpu.memref_squeeze %dma_start3A_316 : memref<1x256xi32, #tpu.memory_space<vmem>> -> memref<256xi32, #tpu.memory_space<vmem>>
      %dma_start3A_318 = arith.constant 0 : i32
      %dma_start3A_319 = arith.constant 0 : i32
      %dma_start3A_320 = tpu.memref_slice %arg15[%dma_start3A_318, %dma_start3A_319] : memref<10112x32xf32, #tpu.memory_space<vmem_shared>> -> memref<10112x32xf32, #tpu.memory_space<vmem_shared>>
      tpu.enqueue_indirect_dma source(%arg9 : memref<256x32xf32, #tpu.memory_space<vmem>>) target(%dma_start3A_320 : memref<10112x32xf32, #tpu.memory_space<vmem_shared>>) offsets(%dma_start3A_317 : memref<256xi32, #tpu.memory_space<vmem>>) semaphore(%arg27 : memref<!tpu.dma_semaphore, #tpu.memory_space<semaphore_mem>>) {add = true}
      %add3A_321 = arith.constant 4 : i32
      %add3A_322 = arith.addi %add3A_308, %add3A_321 : i32
      %lt3A_323 = arith.cmpi slt, %add3A_322, %mul3A_110 : i32
      %convert_element_type3A_324 = arith.extui %lt3A_323 : i1 to i32
      %cond3A_325 = arith.constant 0 : i32
      %cond3A_326 = arith.cmpi ne, %convert_element_type3A_324, %cond3A_325 : i32
      scf.if %cond3A_326 {
        %ge3A = arith.constant 8 : i32
        %ge3A_427 = arith.cmpi sge, %add3A_322, %ge3A : i32
        %convert_element_type3A_428 = arith.extui %ge3A_427 : i1 to i32
        %cond3A_429 = arith.constant 0 : i32
        %cond3A_430 = arith.cmpi ne, %convert_element_type3A_428, %cond3A_429 : i32
        scf.if %cond3A_430 {
          %sub3A_437 = arith.constant 8 : i32
          %sub3A_438 = arith.subi %add3A_322, %sub3A_437 : i32
          %dma_wait3A_439 = arith.constant 0 : i32
          %dma_wait3A_440 = tpu.memref_slice %arg6[%sub3A_438, %dma_wait3A_439] : memref<40x256xi32, #tpu.memory_space<vmem>> -> memref<1x256xi32, #tpu.memory_space<vmem>>
          %dma_wait3A_441 = tpu.memref_squeeze %dma_wait3A_440 : memref<1x256xi32, #tpu.memory_space<vmem>> -> memref<256xi32, #tpu.memory_space<vmem>>
          %dma_wait3A_442 = arith.constant 0 : i32
          %dma_wait3A_443 = arith.constant 0 : i32
          %dma_wait3A_444 = tpu.memref_slice %arg15[%dma_wait3A_442, %dma_wait3A_443] : memref<10112x32xf32, #tpu.memory_space<vmem_shared>> -> memref<10112x32xf32, #tpu.memory_space<vmem_shared>>
          tpu.wait_indirect_dma semaphore(%arg31 : memref<!tpu.dma_semaphore, #tpu.memory_space<semaphore_mem>>) src(%arg13 : memref<256x32xf32, #tpu.memory_space<vmem>>) dst(%dma_wait3A_444 : memref<10112x32xf32, #tpu.memory_space<vmem_shared>>)
        } else {
        }
        %dma_start3A_431 = arith.constant 0 : i32
        %dma_start3A_432 = tpu.memref_slice %arg5[%add3A_322, %dma_start3A_431] : memref<40x256xi32, #tpu.memory_space<vmem>> -> memref<1x256xi32, #tpu.memory_space<vmem>>
        %dma_start3A_433 = tpu.memref_squeeze %dma_start3A_432 : memref<1x256xi32, #tpu.memory_space<vmem>> -> memref<256xi32, #tpu.memory_space<vmem>>
        %dma_start3A_434 = arith.constant 0 : i32
        %dma_start3A_435 = arith.constant 0 : i32
        %dma_start3A_436 = tpu.memref_slice %arg16[%dma_start3A_434, %dma_start3A_435] : memref<10112x32xf32, #tpu.memory_space<vmem_shared>> -> memref<10112x32xf32, #tpu.memory_space<vmem_shared>>
        tpu.enqueue_indirect_dma source(%dma_start3A_436 : memref<10112x32xf32, #tpu.memory_space<vmem_shared>>) target(%arg13 : memref<256x32xf32, #tpu.memory_space<vmem>>) offsets(%dma_start3A_433 : memref<256xi32, #tpu.memory_space<vmem>>) semaphore(%arg23 : memref<!tpu.dma_semaphore, #tpu.memory_space<semaphore_mem>>)
      } else {
      }
      %add3A_327 = arith.constant 3 : i32
      %add3A_328 = arith.addi %mul3A_267, %add3A_327 : i32
      %dma_wait3A_329 = arith.constant 0 : i32
      %dma_wait3A_330 = tpu.memref_slice %arg5[%add3A_328, %dma_wait3A_329] : memref<40x256xi32, #tpu.memory_space<vmem>> -> memref<1x256xi32, #tpu.memory_space<vmem>>
      %dma_wait3A_331 = tpu.memref_squeeze %dma_wait3A_330 : memref<1x256xi32, #tpu.memory_space<vmem>> -> memref<256xi32, #tpu.memory_space<vmem>>
      %dma_wait3A_332 = arith.constant 0 : i32
      %dma_wait3A_333 = arith.constant 0 : i32
      %dma_wait3A_334 = tpu.memref_slice %arg16[%dma_wait3A_332, %dma_wait3A_333] : memref<10112x32xf32, #tpu.memory_space<vmem_shared>> -> memref<10112x32xf32, #tpu.memory_space<vmem_shared>>
      tpu.wait_indirect_dma semaphore(%arg20 : memref<!tpu.dma_semaphore, #tpu.memory_space<semaphore_mem>>) src(%dma_wait3A_334 : memref<10112x32xf32, #tpu.memory_space<vmem_shared>>) dst(%arg10 : memref<256x32xf32, #tpu.memory_space<vmem>>)
      %dma_start3A_335 = arith.constant 0 : i32
      %dma_start3A_336 = tpu.memref_slice %arg6[%add3A_328, %dma_start3A_335] : memref<40x256xi32, #tpu.memory_space<vmem>> -> memref<1x256xi32, #tpu.memory_space<vmem>>
      %dma_start3A_337 = tpu.memref_squeeze %dma_start3A_336 : memref<1x256xi32, #tpu.memory_space<vmem>> -> memref<256xi32, #tpu.memory_space<vmem>>
      %dma_start3A_338 = arith.constant 0 : i32
      %dma_start3A_339 = arith.constant 0 : i32
      %dma_start3A_340 = tpu.memref_slice %arg15[%dma_start3A_338, %dma_start3A_339] : memref<10112x32xf32, #tpu.memory_space<vmem_shared>> -> memref<10112x32xf32, #tpu.memory_space<vmem_shared>>
      tpu.enqueue_indirect_dma source(%arg10 : memref<256x32xf32, #tpu.memory_space<vmem>>) target(%dma_start3A_340 : memref<10112x32xf32, #tpu.memory_space<vmem_shared>>) offsets(%dma_start3A_337 : memref<256xi32, #tpu.memory_space<vmem>>) semaphore(%arg28 : memref<!tpu.dma_semaphore, #tpu.memory_space<semaphore_mem>>) {add = true}
      %add3A_341 = arith.constant 4 : i32
      %add3A_342 = arith.addi %add3A_328, %add3A_341 : i32
      %lt3A_343 = arith.cmpi slt, %add3A_342, %mul3A_110 : i32
      %convert_element_type3A_344 = arith.extui %lt3A_343 : i1 to i32
      %cond3A_345 = arith.constant 0 : i32
      %cond3A_346 = arith.cmpi ne, %convert_element_type3A_344, %cond3A_345 : i32
      scf.if %cond3A_346 {
        %ge3A = arith.constant 8 : i32
        %ge3A_427 = arith.cmpi sge, %add3A_342, %ge3A : i32
        %convert_element_type3A_428 = arith.extui %ge3A_427 : i1 to i32
        %cond3A_429 = arith.constant 0 : i32
        %cond3A_430 = arith.cmpi ne, %convert_element_type3A_428, %cond3A_429 : i32
        scf.if %cond3A_430 {
          %sub3A_437 = arith.constant 8 : i32
          %sub3A_438 = arith.subi %add3A_342, %sub3A_437 : i32
          %dma_wait3A_439 = arith.constant 0 : i32
          %dma_wait3A_440 = tpu.memref_slice %arg6[%sub3A_438, %dma_wait3A_439] : memref<40x256xi32, #tpu.memory_space<vmem>> -> memref<1x256xi32, #tpu.memory_space<vmem>>
          %dma_wait3A_441 = tpu.memref_squeeze %dma_wait3A_440 : memref<1x256xi32, #tpu.memory_space<vmem>> -> memref<256xi32, #tpu.memory_space<vmem>>
          %dma_wait3A_442 = arith.constant 0 : i32
          %dma_wait3A_443 = arith.constant 0 : i32
          %dma_wait3A_444 = tpu.memref_slice %arg15[%dma_wait3A_442, %dma_wait3A_443] : memref<10112x32xf32, #tpu.memory_space<vmem_shared>> -> memref<10112x32xf32, #tpu.memory_space<vmem_shared>>
          tpu.wait_indirect_dma semaphore(%arg32 : memref<!tpu.dma_semaphore, #tpu.memory_space<semaphore_mem>>) src(%arg14 : memref<256x32xf32, #tpu.memory_space<vmem>>) dst(%dma_wait3A_444 : memref<10112x32xf32, #tpu.memory_space<vmem_shared>>)
        } else {
        }
        %dma_start3A_431 = arith.constant 0 : i32
        %dma_start3A_432 = tpu.memref_slice %arg5[%add3A_342, %dma_start3A_431] : memref<40x256xi32, #tpu.memory_space<vmem>> -> memref<1x256xi32, #tpu.memory_space<vmem>>
        %dma_start3A_433 = tpu.memref_squeeze %dma_start3A_432 : memref<1x256xi32, #tpu.memory_space<vmem>> -> memref<256xi32, #tpu.memory_space<vmem>>
        %dma_start3A_434 = arith.constant 0 : i32
        %dma_start3A_435 = arith.constant 0 : i32
        %dma_start3A_436 = tpu.memref_slice %arg16[%dma_start3A_434, %dma_start3A_435] : memref<10112x32xf32, #tpu.memory_space<vmem_shared>> -> memref<10112x32xf32, #tpu.memory_space<vmem_shared>>
        tpu.enqueue_indirect_dma source(%dma_start3A_436 : memref<10112x32xf32, #tpu.memory_space<vmem_shared>>) target(%arg14 : memref<256x32xf32, #tpu.memory_space<vmem>>) offsets(%dma_start3A_433 : memref<256xi32, #tpu.memory_space<vmem>>) semaphore(%arg24 : memref<!tpu.dma_semaphore, #tpu.memory_space<semaphore_mem>>)
      } else {
      }
      %add3A_347 = arith.constant 4 : i32
      %add3A_348 = arith.addi %mul3A_267, %add3A_347 : i32
      %dma_wait3A_349 = arith.constant 0 : i32
      %dma_wait3A_350 = tpu.memref_slice %arg5[%add3A_348, %dma_wait3A_349] : memref<40x256xi32, #tpu.memory_space<vmem>> -> memref<1x256xi32, #tpu.memory_space<vmem>>
      %dma_wait3A_351 = tpu.memref_squeeze %dma_wait3A_350 : memref<1x256xi32, #tpu.memory_space<vmem>> -> memref<256xi32, #tpu.memory_space<vmem>>
      %dma_wait3A_352 = arith.constant 0 : i32
      %dma_wait3A_353 = arith.constant 0 : i32
      %dma_wait3A_354 = tpu.memref_slice %arg16[%dma_wait3A_352, %dma_wait3A_353] : memref<10112x32xf32, #tpu.memory_space<vmem_shared>> -> memref<10112x32xf32, #tpu.memory_space<vmem_shared>>
      tpu.wait_indirect_dma semaphore(%arg21 : memref<!tpu.dma_semaphore, #tpu.memory_space<semaphore_mem>>) src(%dma_wait3A_354 : memref<10112x32xf32, #tpu.memory_space<vmem_shared>>) dst(%arg11 : memref<256x32xf32, #tpu.memory_space<vmem>>)
      %dma_start3A_355 = arith.constant 0 : i32
      %dma_start3A_356 = tpu.memref_slice %arg6[%add3A_348, %dma_start3A_355] : memref<40x256xi32, #tpu.memory_space<vmem>> -> memref<1x256xi32, #tpu.memory_space<vmem>>
      %dma_start3A_357 = tpu.memref_squeeze %dma_start3A_356 : memref<1x256xi32, #tpu.memory_space<vmem>> -> memref<256xi32, #tpu.memory_space<vmem>>
      %dma_start3A_358 = arith.constant 0 : i32
      %dma_start3A_359 = arith.constant 0 : i32
      %dma_start3A_360 = tpu.memref_slice %arg15[%dma_start3A_358, %dma_start3A_359] : memref<10112x32xf32, #tpu.memory_space<vmem_shared>> -> memref<10112x32xf32, #tpu.memory_space<vmem_shared>>
      tpu.enqueue_indirect_dma source(%arg11 : memref<256x32xf32, #tpu.memory_space<vmem>>) target(%dma_start3A_360 : memref<10112x32xf32, #tpu.memory_space<vmem_shared>>) offsets(%dma_start3A_357 : memref<256xi32, #tpu.memory_space<vmem>>) semaphore(%arg29 : memref<!tpu.dma_semaphore, #tpu.memory_space<semaphore_mem>>) {add = true}
      %add3A_361 = arith.constant 4 : i32
      %add3A_362 = arith.addi %add3A_348, %add3A_361 : i32
      %lt3A_363 = arith.cmpi slt, %add3A_362, %mul3A_110 : i32
      %convert_element_type3A_364 = arith.extui %lt3A_363 : i1 to i32
      %cond3A_365 = arith.constant 0 : i32
      %cond3A_366 = arith.cmpi ne, %convert_element_type3A_364, %cond3A_365 : i32
      scf.if %cond3A_366 {
        %ge3A = arith.constant 8 : i32
        %ge3A_427 = arith.cmpi sge, %add3A_362, %ge3A : i32
        %convert_element_type3A_428 = arith.extui %ge3A_427 : i1 to i32
        %cond3A_429 = arith.constant 0 : i32
        %cond3A_430 = arith.cmpi ne, %convert_element_type3A_428, %cond3A_429 : i32
        scf.if %cond3A_430 {
          %sub3A_437 = arith.constant 8 : i32
          %sub3A_438 = arith.subi %add3A_362, %sub3A_437 : i32
          %dma_wait3A_439 = arith.constant 0 : i32
          %dma_wait3A_440 = tpu.memref_slice %arg6[%sub3A_438, %dma_wait3A_439] : memref<40x256xi32, #tpu.memory_space<vmem>> -> memref<1x256xi32, #tpu.memory_space<vmem>>
          %dma_wait3A_441 = tpu.memref_squeeze %dma_wait3A_440 : memref<1x256xi32, #tpu.memory_space<vmem>> -> memref<256xi32, #tpu.memory_space<vmem>>
          %dma_wait3A_442 = arith.constant 0 : i32
          %dma_wait3A_443 = arith.constant 0 : i32
          %dma_wait3A_444 = tpu.memref_slice %arg15[%dma_wait3A_442, %dma_wait3A_443] : memref<10112x32xf32, #tpu.memory_space<vmem_shared>> -> memref<10112x32xf32, #tpu.memory_space<vmem_shared>>
          tpu.wait_indirect_dma semaphore(%arg25 : memref<!tpu.dma_semaphore, #tpu.memory_space<semaphore_mem>>) src(%arg7 : memref<256x32xf32, #tpu.memory_space<vmem>>) dst(%dma_wait3A_444 : memref<10112x32xf32, #tpu.memory_space<vmem_shared>>)
        } else {
        }
        %dma_start3A_431 = arith.constant 0 : i32
        %dma_start3A_432 = tpu.memref_slice %arg5[%add3A_362, %dma_start3A_431] : memref<40x256xi32, #tpu.memory_space<vmem>> -> memref<1x256xi32, #tpu.memory_space<vmem>>
        %dma_start3A_433 = tpu.memref_squeeze %dma_start3A_432 : memref<1x256xi32, #tpu.memory_space<vmem>> -> memref<256xi32, #tpu.memory_space<vmem>>
        %dma_start3A_434 = arith.constant 0 : i32
        %dma_start3A_435 = arith.constant 0 : i32
        %dma_start3A_436 = tpu.memref_slice %arg16[%dma_start3A_434, %dma_start3A_435] : memref<10112x32xf32, #tpu.memory_space<vmem_shared>> -> memref<10112x32xf32, #tpu.memory_space<vmem_shared>>
        tpu.enqueue_indirect_dma source(%dma_start3A_436 : memref<10112x32xf32, #tpu.memory_space<vmem_shared>>) target(%arg7 : memref<256x32xf32, #tpu.memory_space<vmem>>) offsets(%dma_start3A_433 : memref<256xi32, #tpu.memory_space<vmem>>) semaphore(%arg17 : memref<!tpu.dma_semaphore, #tpu.memory_space<semaphore_mem>>)
      } else {
      }
      %add3A_367 = arith.constant 5 : i32
      %add3A_368 = arith.addi %mul3A_267, %add3A_367 : i32
      %dma_wait3A_369 = arith.constant 0 : i32
      %dma_wait3A_370 = tpu.memref_slice %arg5[%add3A_368, %dma_wait3A_369] : memref<40x256xi32, #tpu.memory_space<vmem>> -> memref<1x256xi32, #tpu.memory_space<vmem>>
      %dma_wait3A_371 = tpu.memref_squeeze %dma_wait3A_370 : memref<1x256xi32, #tpu.memory_space<vmem>> -> memref<256xi32, #tpu.memory_space<vmem>>
      %dma_wait3A_372 = arith.constant 0 : i32
      %dma_wait3A_373 = arith.constant 0 : i32
      %dma_wait3A_374 = tpu.memref_slice %arg16[%dma_wait3A_372, %dma_wait3A_373] : memref<10112x32xf32, #tpu.memory_space<vmem_shared>> -> memref<10112x32xf32, #tpu.memory_space<vmem_shared>>
      tpu.wait_indirect_dma semaphore(%arg22 : memref<!tpu.dma_semaphore, #tpu.memory_space<semaphore_mem>>) src(%dma_wait3A_374 : memref<10112x32xf32, #tpu.memory_space<vmem_shared>>) dst(%arg12 : memref<256x32xf32, #tpu.memory_space<vmem>>)
      %dma_start3A_375 = arith.constant 0 : i32
      %dma_start3A_376 = tpu.memref_slice %arg6[%add3A_368, %dma_start3A_375] : memref<40x256xi32, #tpu.memory_space<vmem>> -> memref<1x256xi32, #tpu.memory_space<vmem>>
      %dma_start3A_377 = tpu.memref_squeeze %dma_start3A_376 : memref<1x256xi32, #tpu.memory_space<vmem>> -> memref<256xi32, #tpu.memory_space<vmem>>
      %dma_start3A_378 = arith.constant 0 : i32
      %dma_start3A_379 = arith.constant 0 : i32
      %dma_start3A_380 = tpu.memref_slice %arg15[%dma_start3A_378, %dma_start3A_379] : memref<10112x32xf32, #tpu.memory_space<vmem_shared>> -> memref<10112x32xf32, #tpu.memory_space<vmem_shared>>
      tpu.enqueue_indirect_dma source(%arg12 : memref<256x32xf32, #tpu.memory_space<vmem>>) target(%dma_start3A_380 : memref<10112x32xf32, #tpu.memory_space<vmem_shared>>) offsets(%dma_start3A_377 : memref<256xi32, #tpu.memory_space<vmem>>) semaphore(%arg30 : memref<!tpu.dma_semaphore, #tpu.memory_space<semaphore_mem>>) {add = true}
      %add3A_381 = arith.constant 4 : i32
      %add3A_382 = arith.addi %add3A_368, %add3A_381 : i32
      %lt3A_383 = arith.cmpi slt, %add3A_382, %mul3A_110 : i32
      %convert_element_type3A_384 = arith.extui %lt3A_383 : i1 to i32
      %cond3A_385 = arith.constant 0 : i32
      %cond3A_386 = arith.cmpi ne, %convert_element_type3A_384, %cond3A_385 : i32
      scf.if %cond3A_386 {
        %ge3A = arith.constant 8 : i32
        %ge3A_427 = arith.cmpi sge, %add3A_382, %ge3A : i32
        %convert_element_type3A_428 = arith.extui %ge3A_427 : i1 to i32
        %cond3A_429 = arith.constant 0 : i32
        %cond3A_430 = arith.cmpi ne, %convert_element_type3A_428, %cond3A_429 : i32
        scf.if %cond3A_430 {
          %sub3A_437 = arith.constant 8 : i32
          %sub3A_438 = arith.subi %add3A_382, %sub3A_437 : i32
          %dma_wait3A_439 = arith.constant 0 : i32
          %dma_wait3A_440 = tpu.memref_slice %arg6[%sub3A_438, %dma_wait3A_439] : memref<40x256xi32, #tpu.memory_space<vmem>> -> memref<1x256xi32, #tpu.memory_space<vmem>>
          %dma_wait3A_441 = tpu.memref_squeeze %dma_wait3A_440 : memref<1x256xi32, #tpu.memory_space<vmem>> -> memref<256xi32, #tpu.memory_space<vmem>>
          %dma_wait3A_442 = arith.constant 0 : i32
          %dma_wait3A_443 = arith.constant 0 : i32
          %dma_wait3A_444 = tpu.memref_slice %arg15[%dma_wait3A_442, %dma_wait3A_443] : memref<10112x32xf32, #tpu.memory_space<vmem_shared>> -> memref<10112x32xf32, #tpu.memory_space<vmem_shared>>
          tpu.wait_indirect_dma semaphore(%arg26 : memref<!tpu.dma_semaphore, #tpu.memory_space<semaphore_mem>>) src(%arg8 : memref<256x32xf32, #tpu.memory_space<vmem>>) dst(%dma_wait3A_444 : memref<10112x32xf32, #tpu.memory_space<vmem_shared>>)
        } else {
        }
        %dma_start3A_431 = arith.constant 0 : i32
        %dma_start3A_432 = tpu.memref_slice %arg5[%add3A_382, %dma_start3A_431] : memref<40x256xi32, #tpu.memory_space<vmem>> -> memref<1x256xi32, #tpu.memory_space<vmem>>
        %dma_start3A_433 = tpu.memref_squeeze %dma_start3A_432 : memref<1x256xi32, #tpu.memory_space<vmem>> -> memref<256xi32, #tpu.memory_space<vmem>>
        %dma_start3A_434 = arith.constant 0 : i32
        %dma_start3A_435 = arith.constant 0 : i32
        %dma_start3A_436 = tpu.memref_slice %arg16[%dma_start3A_434, %dma_start3A_435] : memref<10112x32xf32, #tpu.memory_space<vmem_shared>> -> memref<10112x32xf32, #tpu.memory_space<vmem_shared>>
        tpu.enqueue_indirect_dma source(%dma_start3A_436 : memref<10112x32xf32, #tpu.memory_space<vmem_shared>>) target(%arg8 : memref<256x32xf32, #tpu.memory_space<vmem>>) offsets(%dma_start3A_433 : memref<256xi32, #tpu.memory_space<vmem>>) semaphore(%arg18 : memref<!tpu.dma_semaphore, #tpu.memory_space<semaphore_mem>>)
      } else {
      }
      %add3A_387 = arith.constant 6 : i32
      %add3A_388 = arith.addi %mul3A_267, %add3A_387 : i32
      %dma_wait3A_389 = arith.constant 0 : i32
      %dma_wait3A_390 = tpu.memref_slice %arg5[%add3A_388, %dma_wait3A_389] : memref<40x256xi32, #tpu.memory_space<vmem>> -> memref<1x256xi32, #tpu.memory_space<vmem>>
      %dma_wait3A_391 = tpu.memref_squeeze %dma_wait3A_390 : memref<1x256xi32, #tpu.memory_space<vmem>> -> memref<256xi32, #tpu.memory_space<vmem>>
      %dma_wait3A_392 = arith.constant 0 : i32
      %dma_wait3A_393 = arith.constant 0 : i32
      %dma_wait3A_394 = tpu.memref_slice %arg16[%dma_wait3A_392, %dma_wait3A_393] : memref<10112x32xf32, #tpu.memory_space<vmem_shared>> -> memref<10112x32xf32, #tpu.memory_space<vmem_shared>>
      tpu.wait_indirect_dma semaphore(%arg23 : memref<!tpu.dma_semaphore, #tpu.memory_space<semaphore_mem>>) src(%dma_wait3A_394 : memref<10112x32xf32, #tpu.memory_space<vmem_shared>>) dst(%arg13 : memref<256x32xf32, #tpu.memory_space<vmem>>)
      %dma_start3A_395 = arith.constant 0 : i32
      %dma_start3A_396 = tpu.memref_slice %arg6[%add3A_388, %dma_start3A_395] : memref<40x256xi32, #tpu.memory_space<vmem>> -> memref<1x256xi32, #tpu.memory_space<vmem>>
      %dma_start3A_397 = tpu.memref_squeeze %dma_start3A_396 : memref<1x256xi32, #tpu.memory_space<vmem>> -> memref<256xi32, #tpu.memory_space<vmem>>
      %dma_start3A_398 = arith.constant 0 : i32
      %dma_start3A_399 = arith.constant 0 : i32
      %dma_start3A_400 = tpu.memref_slice %arg15[%dma_start3A_398, %dma_start3A_399] : memref<10112x32xf32, #tpu.memory_space<vmem_shared>> -> memref<10112x32xf32, #tpu.memory_space<vmem_shared>>
      tpu.enqueue_indirect_dma source(%arg13 : memref<256x32xf32, #tpu.memory_space<vmem>>) target(%dma_start3A_400 : memref<10112x32xf32, #tpu.memory_space<vmem_shared>>) offsets(%dma_start3A_397 : memref<256xi32, #tpu.memory_space<vmem>>) semaphore(%arg31 : memref<!tpu.dma_semaphore, #tpu.memory_space<semaphore_mem>>) {add = true}
      %add3A_401 = arith.constant 4 : i32
      %add3A_402 = arith.addi %add3A_388, %add3A_401 : i32
      %lt3A_403 = arith.cmpi slt, %add3A_402, %mul3A_110 : i32
      %convert_element_type3A_404 = arith.extui %lt3A_403 : i1 to i32
      %cond3A_405 = arith.constant 0 : i32
      %cond3A_406 = arith.cmpi ne, %convert_element_type3A_404, %cond3A_405 : i32
      scf.if %cond3A_406 {
        %ge3A = arith.constant 8 : i32
        %ge3A_427 = arith.cmpi sge, %add3A_402, %ge3A : i32
        %convert_element_type3A_428 = arith.extui %ge3A_427 : i1 to i32
        %cond3A_429 = arith.constant 0 : i32
        %cond3A_430 = arith.cmpi ne, %convert_element_type3A_428, %cond3A_429 : i32
        scf.if %cond3A_430 {
          %sub3A_437 = arith.constant 8 : i32
          %sub3A_438 = arith.subi %add3A_402, %sub3A_437 : i32
          %dma_wait3A_439 = arith.constant 0 : i32
          %dma_wait3A_440 = tpu.memref_slice %arg6[%sub3A_438, %dma_wait3A_439] : memref<40x256xi32, #tpu.memory_space<vmem>> -> memref<1x256xi32, #tpu.memory_space<vmem>>
          %dma_wait3A_441 = tpu.memref_squeeze %dma_wait3A_440 : memref<1x256xi32, #tpu.memory_space<vmem>> -> memref<256xi32, #tpu.memory_space<vmem>>
          %dma_wait3A_442 = arith.constant 0 : i32
          %dma_wait3A_443 = arith.constant 0 : i32
          %dma_wait3A_444 = tpu.memref_slice %arg15[%dma_wait3A_442, %dma_wait3A_443] : memref<10112x32xf32, #tpu.memory_space<vmem_shared>> -> memref<10112x32xf32, #tpu.memory_space<vmem_shared>>
          tpu.wait_indirect_dma semaphore(%arg27 : memref<!tpu.dma_semaphore, #tpu.memory_space<semaphore_mem>>) src(%arg9 : memref<256x32xf32, #tpu.memory_space<vmem>>) dst(%dma_wait3A_444 : memref<10112x32xf32, #tpu.memory_space<vmem_shared>>)
        } else {
        }
        %dma_start3A_431 = arith.constant 0 : i32
        %dma_start3A_432 = tpu.memref_slice %arg5[%add3A_402, %dma_start3A_431] : memref<40x256xi32, #tpu.memory_space<vmem>> -> memref<1x256xi32, #tpu.memory_space<vmem>>
        %dma_start3A_433 = tpu.memref_squeeze %dma_start3A_432 : memref<1x256xi32, #tpu.memory_space<vmem>> -> memref<256xi32, #tpu.memory_space<vmem>>
        %dma_start3A_434 = arith.constant 0 : i32
        %dma_start3A_435 = arith.constant 0 : i32
        %dma_start3A_436 = tpu.memref_slice %arg16[%dma_start3A_434, %dma_start3A_435] : memref<10112x32xf32, #tpu.memory_space<vmem_shared>> -> memref<10112x32xf32, #tpu.memory_space<vmem_shared>>
        tpu.enqueue_indirect_dma source(%dma_start3A_436 : memref<10112x32xf32, #tpu.memory_space<vmem_shared>>) target(%arg9 : memref<256x32xf32, #tpu.memory_space<vmem>>) offsets(%dma_start3A_433 : memref<256xi32, #tpu.memory_space<vmem>>) semaphore(%arg19 : memref<!tpu.dma_semaphore, #tpu.memory_space<semaphore_mem>>)
      } else {
      }
      %add3A_407 = arith.constant 7 : i32
      %add3A_408 = arith.addi %mul3A_267, %add3A_407 : i32
      %dma_wait3A_409 = arith.constant 0 : i32
      %dma_wait3A_410 = tpu.memref_slice %arg5[%add3A_408, %dma_wait3A_409] : memref<40x256xi32, #tpu.memory_space<vmem>> -> memref<1x256xi32, #tpu.memory_space<vmem>>
      %dma_wait3A_411 = tpu.memref_squeeze %dma_wait3A_410 : memref<1x256xi32, #tpu.memory_space<vmem>> -> memref<256xi32, #tpu.memory_space<vmem>>
      %dma_wait3A_412 = arith.constant 0 : i32
      %dma_wait3A_413 = arith.constant 0 : i32
      %dma_wait3A_414 = tpu.memref_slice %arg16[%dma_wait3A_412, %dma_wait3A_413] : memref<10112x32xf32, #tpu.memory_space<vmem_shared>> -> memref<10112x32xf32, #tpu.memory_space<vmem_shared>>
      tpu.wait_indirect_dma semaphore(%arg24 : memref<!tpu.dma_semaphore, #tpu.memory_space<semaphore_mem>>) src(%dma_wait3A_414 : memref<10112x32xf32, #tpu.memory_space<vmem_shared>>) dst(%arg14 : memref<256x32xf32, #tpu.memory_space<vmem>>)
      %dma_start3A_415 = arith.constant 0 : i32
      %dma_start3A_416 = tpu.memref_slice %arg6[%add3A_408, %dma_start3A_415] : memref<40x256xi32, #tpu.memory_space<vmem>> -> memref<1x256xi32, #tpu.memory_space<vmem>>
      %dma_start3A_417 = tpu.memref_squeeze %dma_start3A_416 : memref<1x256xi32, #tpu.memory_space<vmem>> -> memref<256xi32, #tpu.memory_space<vmem>>
      %dma_start3A_418 = arith.constant 0 : i32
      %dma_start3A_419 = arith.constant 0 : i32
      %dma_start3A_420 = tpu.memref_slice %arg15[%dma_start3A_418, %dma_start3A_419] : memref<10112x32xf32, #tpu.memory_space<vmem_shared>> -> memref<10112x32xf32, #tpu.memory_space<vmem_shared>>
      tpu.enqueue_indirect_dma source(%arg14 : memref<256x32xf32, #tpu.memory_space<vmem>>) target(%dma_start3A_420 : memref<10112x32xf32, #tpu.memory_space<vmem_shared>>) offsets(%dma_start3A_417 : memref<256xi32, #tpu.memory_space<vmem>>) semaphore(%arg32 : memref<!tpu.dma_semaphore, #tpu.memory_space<semaphore_mem>>) {add = true}
      %add3A_421 = arith.constant 4 : i32
      %add3A_422 = arith.addi %add3A_408, %add3A_421 : i32
      %lt3A_423 = arith.cmpi slt, %add3A_422, %mul3A_110 : i32
      %convert_element_type3A_424 = arith.extui %lt3A_423 : i1 to i32
      %cond3A_425 = arith.constant 0 : i32
      %cond3A_426 = arith.cmpi ne, %convert_element_type3A_424, %cond3A_425 : i32
      scf.if %cond3A_426 {
        %ge3A = arith.constant 8 : i32
        %ge3A_427 = arith.cmpi sge, %add3A_422, %ge3A : i32
        %convert_element_type3A_428 = arith.extui %ge3A_427 : i1 to i32
        %cond3A_429 = arith.constant 0 : i32
        %cond3A_430 = arith.cmpi ne, %convert_element_type3A_428, %cond3A_429 : i32
        scf.if %cond3A_430 {
          %sub3A_437 = arith.constant 8 : i32
          %sub3A_438 = arith.subi %add3A_422, %sub3A_437 : i32
          %dma_wait3A_439 = arith.constant 0 : i32
          %dma_wait3A_440 = tpu.memref_slice %arg6[%sub3A_438, %dma_wait3A_439] : memref<40x256xi32, #tpu.memory_space<vmem>> -> memref<1x256xi32, #tpu.memory_space<vmem>>
          %dma_wait3A_441 = tpu.memref_squeeze %dma_wait3A_440 : memref<1x256xi32, #tpu.memory_space<vmem>> -> memref<256xi32, #tpu.memory_space<vmem>>
          %dma_wait3A_442 = arith.constant 0 : i32
          %dma_wait3A_443 = arith.constant 0 : i32
          %dma_wait3A_444 = tpu.memref_slice %arg15[%dma_wait3A_442, %dma_wait3A_443] : memref<10112x32xf32, #tpu.memory_space<vmem_shared>> -> memref<10112x32xf32, #tpu.memory_space<vmem_shared>>
          tpu.wait_indirect_dma semaphore(%arg28 : memref<!tpu.dma_semaphore, #tpu.memory_space<semaphore_mem>>) src(%arg10 : memref<256x32xf32, #tpu.memory_space<vmem>>) dst(%dma_wait3A_444 : memref<10112x32xf32, #tpu.memory_space<vmem_shared>>)
        } else {
        }
        %dma_start3A_431 = arith.constant 0 : i32
        %dma_start3A_432 = tpu.memref_slice %arg5[%add3A_422, %dma_start3A_431] : memref<40x256xi32, #tpu.memory_space<vmem>> -> memref<1x256xi32, #tpu.memory_space<vmem>>
        %dma_start3A_433 = tpu.memref_squeeze %dma_start3A_432 : memref<1x256xi32, #tpu.memory_space<vmem>> -> memref<256xi32, #tpu.memory_space<vmem>>
        %dma_start3A_434 = arith.constant 0 : i32
        %dma_start3A_435 = arith.constant 0 : i32
        %dma_start3A_436 = tpu.memref_slice %arg16[%dma_start3A_434, %dma_start3A_435] : memref<10112x32xf32, #tpu.memory_space<vmem_shared>> -> memref<10112x32xf32, #tpu.memory_space<vmem_shared>>
        tpu.enqueue_indirect_dma source(%dma_start3A_436 : memref<10112x32xf32, #tpu.memory_space<vmem_shared>>) target(%arg10 : memref<256x32xf32, #tpu.memory_space<vmem>>) offsets(%dma_start3A_433 : memref<256xi32, #tpu.memory_space<vmem>>) semaphore(%arg20 : memref<!tpu.dma_semaphore, #tpu.memory_space<semaphore_mem>>)
      } else {
      }
    }
    %while3A_156 = arith.constant 1 : i32
    scf.for %while3A_263 = %while3A_154 to %while3A_150 step %while3A_156  : i32 {
      %mul3A_264 = arith.muli %while3A_263, %while3A : i32
      %add3A_265 = arith.addi %while3A_147, %mul3A_264 : i32
      %mul3A_266 = arith.constant 8 : i32
      %mul3A_267 = arith.muli %add3A_265, %mul3A_266 : i32
      %add3A_268 = arith.constant 0 : i32
      %add3A_269 = arith.addi %mul3A_267, %add3A_268 : i32
      %dma_wait3A_270 = arith.constant 0 : i32
      %dma_wait3A_271 = tpu.memref_slice %arg5[%add3A_269, %dma_wait3A_270] : memref<40x256xi32, #tpu.memory_space<vmem>> -> memref<1x256xi32, #tpu.memory_space<vmem>>
      %dma_wait3A_272 = tpu.memref_squeeze %dma_wait3A_271 : memref<1x256xi32, #tpu.memory_space<vmem>> -> memref<256xi32, #tpu.memory_space<vmem>>
      %dma_wait3A_273 = arith.constant 0 : i32
      %dma_wait3A_274 = arith.constant 0 : i32
      %dma_wait3A_275 = tpu.memref_slice %arg16[%dma_wait3A_273, %dma_wait3A_274] : memref<10112x32xf32, #tpu.memory_space<vmem_shared>> -> memref<10112x32xf32, #tpu.memory_space<vmem_shared>>
      tpu.wait_indirect_dma semaphore(%arg17 : memref<!tpu.dma_semaphore, #tpu.memory_space<semaphore_mem>>) src(%dma_wait3A_275 : memref<10112x32xf32, #tpu.memory_space<vmem_shared>>) dst(%arg7 : memref<256x32xf32, #tpu.memory_space<vmem>>)
      %dma_start3A_276 = arith.constant 0 : i32
      %dma_start3A_277 = tpu.memref_slice %arg6[%add3A_269, %dma_start3A_276] : memref<40x256xi32, #tpu.memory_space<vmem>> -> memref<1x256xi32, #tpu.memory_space<vmem>>
      %dma_start3A_278 = tpu.memref_squeeze %dma_start3A_277 : memref<1x256xi32, #tpu.memory_space<vmem>> -> memref<256xi32, #tpu.memory_space<vmem>>
      %dma_start3A_279 = arith.constant 0 : i32
      %dma_start3A_280 = arith.constant 0 : i32
      %dma_start3A_281 = tpu.memref_slice %arg15[%dma_start3A_279, %dma_start3A_280] : memref<10112x32xf32, #tpu.memory_space<vmem_shared>> -> memref<10112x32xf32, #tpu.memory_space<vmem_shared>>
      tpu.enqueue_indirect_dma source(%arg7 : memref<256x32xf32, #tpu.memory_space<vmem>>) target(%dma_start3A_281 : memref<10112x32xf32, #tpu.memory_space<vmem_shared>>) offsets(%dma_start3A_278 : memref<256xi32, #tpu.memory_space<vmem>>) semaphore(%arg25 : memref<!tpu.dma_semaphore, #tpu.memory_space<semaphore_mem>>) {add = true}
      %add3A_282 = arith.constant 4 : i32
      %add3A_283 = arith.addi %add3A_269, %add3A_282 : i32
      %lt3A = arith.cmpi slt, %add3A_283, %mul3A_110 : i32
      %convert_element_type3A_284 = arith.extui %lt3A : i1 to i32
      %cond3A_285 = arith.constant 0 : i32
      %cond3A_286 = arith.cmpi ne, %convert_element_type3A_284, %cond3A_285 : i32
      scf.if %cond3A_286 {
        %ge3A = arith.constant 8 : i32
        %ge3A_427 = arith.cmpi sge, %add3A_283, %ge3A : i32
        %convert_element_type3A_428 = arith.extui %ge3A_427 : i1 to i32
        %cond3A_429 = arith.constant 0 : i32
        %cond3A_430 = arith.cmpi ne, %convert_element_type3A_428, %cond3A_429 : i32
        scf.if %cond3A_430 {
          %sub3A_437 = arith.constant 8 : i32
          %sub3A_438 = arith.subi %add3A_283, %sub3A_437 : i32
          %dma_wait3A_439 = arith.constant 0 : i32
          %dma_wait3A_440 = tpu.memref_slice %arg6[%sub3A_438, %dma_wait3A_439] : memref<40x256xi32, #tpu.memory_space<vmem>> -> memref<1x256xi32, #tpu.memory_space<vmem>>
          %dma_wait3A_441 = tpu.memref_squeeze %dma_wait3A_440 : memref<1x256xi32, #tpu.memory_space<vmem>> -> memref<256xi32, #tpu.memory_space<vmem>>
          %dma_wait3A_442 = arith.constant 0 : i32
          %dma_wait3A_443 = arith.constant 0 : i32
          %dma_wait3A_444 = tpu.memref_slice %arg15[%dma_wait3A_442, %dma_wait3A_443] : memref<10112x32xf32, #tpu.memory_space<vmem_shared>> -> memref<10112x32xf32, #tpu.memory_space<vmem_shared>>
          tpu.wait_indirect_dma semaphore(%arg29 : memref<!tpu.dma_semaphore, #tpu.memory_space<semaphore_mem>>) src(%arg11 : memref<256x32xf32, #tpu.memory_space<vmem>>) dst(%dma_wait3A_444 : memref<10112x32xf32, #tpu.memory_space<vmem_shared>>)
        } else {
        }
        %dma_start3A_431 = arith.constant 0 : i32
        %dma_start3A_432 = tpu.memref_slice %arg5[%add3A_283, %dma_start3A_431] : memref<40x256xi32, #tpu.memory_space<vmem>> -> memref<1x256xi32, #tpu.memory_space<vmem>>
        %dma_start3A_433 = tpu.memref_squeeze %dma_start3A_432 : memref<1x256xi32, #tpu.memory_space<vmem>> -> memref<256xi32, #tpu.memory_space<vmem>>
        %dma_start3A_434 = arith.constant 0 : i32
        %dma_start3A_435 = arith.constant 0 : i32
        %dma_start3A_436 = tpu.memref_slice %arg16[%dma_start3A_434, %dma_start3A_435] : memref<10112x32xf32, #tpu.memory_space<vmem_shared>> -> memref<10112x32xf32, #tpu.memory_space<vmem_shared>>
        tpu.enqueue_indirect_dma source(%dma_start3A_436 : memref<10112x32xf32, #tpu.memory_space<vmem_shared>>) target(%arg11 : memref<256x32xf32, #tpu.memory_space<vmem>>) offsets(%dma_start3A_433 : memref<256xi32, #tpu.memory_space<vmem>>) semaphore(%arg21 : memref<!tpu.dma_semaphore, #tpu.memory_space<semaphore_mem>>)
      } else {
      }
      %add3A_287 = arith.constant 1 : i32
      %add3A_288 = arith.addi %mul3A_267, %add3A_287 : i32
      %dma_wait3A_289 = arith.constant 0 : i32
      %dma_wait3A_290 = tpu.memref_slice %arg5[%add3A_288, %dma_wait3A_289] : memref<40x256xi32, #tpu.memory_space<vmem>> -> memref<1x256xi32, #tpu.memory_space<vmem>>
      %dma_wait3A_291 = tpu.memref_squeeze %dma_wait3A_290 : memref<1x256xi32, #tpu.memory_space<vmem>> -> memref<256xi32, #tpu.memory_space<vmem>>
      %dma_wait3A_292 = arith.constant 0 : i32
      %dma_wait3A_293 = arith.constant 0 : i32
      %dma_wait3A_294 = tpu.memref_slice %arg16[%dma_wait3A_292, %dma_wait3A_293] : memref<10112x32xf32, #tpu.memory_space<vmem_shared>> -> memref<10112x32xf32, #tpu.memory_space<vmem_shared>>
      tpu.wait_indirect_dma semaphore(%arg18 : memref<!tpu.dma_semaphore, #tpu.memory_space<semaphore_mem>>) src(%dma_wait3A_294 : memref<10112x32xf32, #tpu.memory_space<vmem_shared>>) dst(%arg8 : memref<256x32xf32, #tpu.memory_space<vmem>>)
      %dma_start3A_295 = arith.constant 0 : i32
      %dma_start3A_296 = tpu.memref_slice %arg6[%add3A_288, %dma_start3A_295] : memref<40x256xi32, #tpu.memory_space<vmem>> -> memref<1x256xi32, #tpu.memory_space<vmem>>
      %dma_start3A_297 = tpu.memref_squeeze %dma_start3A_296 : memref<1x256xi32, #tpu.memory_space<vmem>> -> memref<256xi32, #tpu.memory_space<vmem>>
      %dma_start3A_298 = arith.constant 0 : i32
      %dma_start3A_299 = arith.constant 0 : i32
      %dma_start3A_300 = tpu.memref_slice %arg15[%dma_start3A_298, %dma_start3A_299] : memref<10112x32xf32, #tpu.memory_space<vmem_shared>> -> memref<10112x32xf32, #tpu.memory_space<vmem_shared>>
      tpu.enqueue_indirect_dma source(%arg8 : memref<256x32xf32, #tpu.memory_space<vmem>>) target(%dma_start3A_300 : memref<10112x32xf32, #tpu.memory_space<vmem_shared>>) offsets(%dma_start3A_297 : memref<256xi32, #tpu.memory_space<vmem>>) semaphore(%arg26 : memref<!tpu.dma_semaphore, #tpu.memory_space<semaphore_mem>>) {add = true}
      %add3A_301 = arith.constant 4 : i32
      %add3A_302 = arith.addi %add3A_288, %add3A_301 : i32
      %lt3A_303 = arith.cmpi slt, %add3A_302, %mul3A_110 : i32
      %convert_element_type3A_304 = arith.extui %lt3A_303 : i1 to i32
      %cond3A_305 = arith.constant 0 : i32
      %cond3A_306 = arith.cmpi ne, %convert_element_type3A_304, %cond3A_305 : i32
      scf.if %cond3A_306 {
        %ge3A = arith.constant 8 : i32
        %ge3A_427 = arith.cmpi sge, %add3A_302, %ge3A : i32
        %convert_element_type3A_428 = arith.extui %ge3A_427 : i1 to i32
        %cond3A_429 = arith.constant 0 : i32
        %cond3A_430 = arith.cmpi ne, %convert_element_type3A_428, %cond3A_429 : i32
        scf.if %cond3A_430 {
          %sub3A_437 = arith.constant 8 : i32
          %sub3A_438 = arith.subi %add3A_302, %sub3A_437 : i32
          %dma_wait3A_439 = arith.constant 0 : i32
          %dma_wait3A_440 = tpu.memref_slice %arg6[%sub3A_438, %dma_wait3A_439] : memref<40x256xi32, #tpu.memory_space<vmem>> -> memref<1x256xi32, #tpu.memory_space<vmem>>
          %dma_wait3A_441 = tpu.memref_squeeze %dma_wait3A_440 : memref<1x256xi32, #tpu.memory_space<vmem>> -> memref<256xi32, #tpu.memory_space<vmem>>
          %dma_wait3A_442 = arith.constant 0 : i32
          %dma_wait3A_443 = arith.constant 0 : i32
          %dma_wait3A_444 = tpu.memref_slice %arg15[%dma_wait3A_442, %dma_wait3A_443] : memref<10112x32xf32, #tpu.memory_space<vmem_shared>> -> memref<10112x32xf32, #tpu.memory_space<vmem_shared>>
          tpu.wait_indirect_dma semaphore(%arg30 : memref<!tpu.dma_semaphore, #tpu.memory_space<semaphore_mem>>) src(%arg12 : memref<256x32xf32, #tpu.memory_space<vmem>>) dst(%dma_wait3A_444 : memref<10112x32xf32, #tpu.memory_space<vmem_shared>>)
        } else {
        }
        %dma_start3A_431 = arith.constant 0 : i32
        %dma_start3A_432 = tpu.memref_slice %arg5[%add3A_302, %dma_start3A_431] : memref<40x256xi32, #tpu.memory_space<vmem>> -> memref<1x256xi32, #tpu.memory_space<vmem>>
        %dma_start3A_433 = tpu.memref_squeeze %dma_start3A_432 : memref<1x256xi32, #tpu.memory_space<vmem>> -> memref<256xi32, #tpu.memory_space<vmem>>
        %dma_start3A_434 = arith.constant 0 : i32
        %dma_start3A_435 = arith.constant 0 : i32
        %dma_start3A_436 = tpu.memref_slice %arg16[%dma_start3A_434, %dma_start3A_435] : memref<10112x32xf32, #tpu.memory_space<vmem_shared>> -> memref<10112x32xf32, #tpu.memory_space<vmem_shared>>
        tpu.enqueue_indirect_dma source(%dma_start3A_436 : memref<10112x32xf32, #tpu.memory_space<vmem_shared>>) target(%arg12 : memref<256x32xf32, #tpu.memory_space<vmem>>) offsets(%dma_start3A_433 : memref<256xi32, #tpu.memory_space<vmem>>) semaphore(%arg22 : memref<!tpu.dma_semaphore, #tpu.memory_space<semaphore_mem>>)
      } else {
      }
      %add3A_307 = arith.constant 2 : i32
      %add3A_308 = arith.addi %mul3A_267, %add3A_307 : i32
      %dma_wait3A_309 = arith.constant 0 : i32
      %dma_wait3A_310 = tpu.memref_slice %arg5[%add3A_308, %dma_wait3A_309] : memref<40x256xi32, #tpu.memory_space<vmem>> -> memref<1x256xi32, #tpu.memory_space<vmem>>
      %dma_wait3A_311 = tpu.memref_squeeze %dma_wait3A_310 : memref<1x256xi32, #tpu.memory_space<vmem>> -> memref<256xi32, #tpu.memory_space<vmem>>
      %dma_wait3A_312 = arith.constant 0 : i32
      %dma_wait3A_313 = arith.constant 0 : i32
      %dma_wait3A_314 = tpu.memref_slice %arg16[%dma_wait3A_312, %dma_wait3A_313] : memref<10112x32xf32, #tpu.memory_space<vmem_shared>> -> memref<10112x32xf32, #tpu.memory_space<vmem_shared>>
      tpu.wait_indirect_dma semaphore(%arg19 : memref<!tpu.dma_semaphore, #tpu.memory_space<semaphore_mem>>) src(%dma_wait3A_314 : memref<10112x32xf32, #tpu.memory_space<vmem_shared>>) dst(%arg9 : memref<256x32xf32, #tpu.memory_space<vmem>>)
      %dma_start3A_315 = arith.constant 0 : i32
      %dma_start3A_316 = tpu.memref_slice %arg6[%add3A_308, %dma_start3A_315] : memref<40x256xi32, #tpu.memory_space<vmem>> -> memref<1x256xi32, #tpu.memory_space<vmem>>
      %dma_start3A_317 = tpu.memref_squeeze %dma_start3A_316 : memref<1x256xi32, #tpu.memory_space<vmem>> -> memref<256xi32, #tpu.memory_space<vmem>>
      %dma_start3A_318 = arith.constant 0 : i32
      %dma_start3A_319 = arith.constant 0 : i32
      %dma_start3A_320 = tpu.memref_slice %arg15[%dma_start3A_318, %dma_start3A_319] : memref<10112x32xf32, #tpu.memory_space<vmem_shared>> -> memref<10112x32xf32, #tpu.memory_space<vmem_shared>>
      tpu.enqueue_indirect_dma source(%arg9 : memref<256x32xf32, #tpu.memory_space<vmem>>) target(%dma_start3A_320 : memref<10112x32xf32, #tpu.memory_space<vmem_shared>>) offsets(%dma_start3A_317 : memref<256xi32, #tpu.memory_space<vmem>>) semaphore(%arg27 : memref<!tpu.dma_semaphore, #tpu.memory_space<semaphore_mem>>) {add = true}
      %add3A_321 = arith.constant 4 : i32
      %add3A_322 = arith.addi %add3A_308, %add3A_321 : i32
      %lt3A_323 = arith.cmpi slt, %add3A_322, %mul3A_110 : i32
      %convert_element_type3A_324 = arith.extui %lt3A_323 : i1 to i32
      %cond3A_325 = arith.constant 0 : i32
      %cond3A_326 = arith.cmpi ne, %convert_element_type3A_324, %cond3A_325 : i32
      scf.if %cond3A_326 {
        %ge3A = arith.constant 8 : i32
        %ge3A_427 = arith.cmpi sge, %add3A_322, %ge3A : i32
        %convert_element_type3A_428 = arith.extui %ge3A_427 : i1 to i32
        %cond3A_429 = arith.constant 0 : i32
        %cond3A_430 = arith.cmpi ne, %convert_element_type3A_428, %cond3A_429 : i32
        scf.if %cond3A_430 {
          %sub3A_437 = arith.constant 8 : i32
          %sub3A_438 = arith.subi %add3A_322, %sub3A_437 : i32
          %dma_wait3A_439 = arith.constant 0 : i32
          %dma_wait3A_440 = tpu.memref_slice %arg6[%sub3A_438, %dma_wait3A_439] : memref<40x256xi32, #tpu.memory_space<vmem>> -> memref<1x256xi32, #tpu.memory_space<vmem>>
          %dma_wait3A_441 = tpu.memref_squeeze %dma_wait3A_440 : memref<1x256xi32, #tpu.memory_space<vmem>> -> memref<256xi32, #tpu.memory_space<vmem>>
          %dma_wait3A_442 = arith.constant 0 : i32
          %dma_wait3A_443 = arith.constant 0 : i32
          %dma_wait3A_444 = tpu.memref_slice %arg15[%dma_wait3A_442, %dma_wait3A_443] : memref<10112x32xf32, #tpu.memory_space<vmem_shared>> -> memref<10112x32xf32, #tpu.memory_space<vmem_shared>>
          tpu.wait_indirect_dma semaphore(%arg31 : memref<!tpu.dma_semaphore, #tpu.memory_space<semaphore_mem>>) src(%arg13 : memref<256x32xf32, #tpu.memory_space<vmem>>) dst(%dma_wait3A_444 : memref<10112x32xf32, #tpu.memory_space<vmem_shared>>)
        } else {
        }
        %dma_start3A_431 = arith.constant 0 : i32
        %dma_start3A_432 = tpu.memref_slice %arg5[%add3A_322, %dma_start3A_431] : memref<40x256xi32, #tpu.memory_space<vmem>> -> memref<1x256xi32, #tpu.memory_space<vmem>>
        %dma_start3A_433 = tpu.memref_squeeze %dma_start3A_432 : memref<1x256xi32, #tpu.memory_space<vmem>> -> memref<256xi32, #tpu.memory_space<vmem>>
        %dma_start3A_434 = arith.constant 0 : i32
        %dma_start3A_435 = arith.constant 0 : i32
        %dma_start3A_436 = tpu.memref_slice %arg16[%dma_start3A_434, %dma_start3A_435] : memref<10112x32xf32, #tpu.memory_space<vmem_shared>> -> memref<10112x32xf32, #tpu.memory_space<vmem_shared>>
        tpu.enqueue_indirect_dma source(%dma_start3A_436 : memref<10112x32xf32, #tpu.memory_space<vmem_shared>>) target(%arg13 : memref<256x32xf32, #tpu.memory_space<vmem>>) offsets(%dma_start3A_433 : memref<256xi32, #tpu.memory_space<vmem>>) semaphore(%arg23 : memref<!tpu.dma_semaphore, #tpu.memory_space<semaphore_mem>>)
      } else {
      }
      %add3A_327 = arith.constant 3 : i32
      %add3A_328 = arith.addi %mul3A_267, %add3A_327 : i32
      %dma_wait3A_329 = arith.constant 0 : i32
      %dma_wait3A_330 = tpu.memref_slice %arg5[%add3A_328, %dma_wait3A_329] : memref<40x256xi32, #tpu.memory_space<vmem>> -> memref<1x256xi32, #tpu.memory_space<vmem>>
      %dma_wait3A_331 = tpu.memref_squeeze %dma_wait3A_330 : memref<1x256xi32, #tpu.memory_space<vmem>> -> memref<256xi32, #tpu.memory_space<vmem>>
      %dma_wait3A_332 = arith.constant 0 : i32
      %dma_wait3A_333 = arith.constant 0 : i32
      %dma_wait3A_334 = tpu.memref_slice %arg16[%dma_wait3A_332, %dma_wait3A_333] : memref<10112x32xf32, #tpu.memory_space<vmem_shared>> -> memref<10112x32xf32, #tpu.memory_space<vmem_shared>>
      tpu.wait_indirect_dma semaphore(%arg20 : memref<!tpu.dma_semaphore, #tpu.memory_space<semaphore_mem>>) src(%dma_wait3A_334 : memref<10112x32xf32, #tpu.memory_space<vmem_shared>>) dst(%arg10 : memref<256x32xf32, #tpu.memory_space<vmem>>)
      %dma_start3A_335 = arith.constant 0 : i32
      %dma_start3A_336 = tpu.memref_slice %arg6[%add3A_328, %dma_start3A_335] : memref<40x256xi32, #tpu.memory_space<vmem>> -> memref<1x256xi32, #tpu.memory_space<vmem>>
      %dma_start3A_337 = tpu.memref_squeeze %dma_start3A_336 : memref<1x256xi32, #tpu.memory_space<vmem>> -> memref<256xi32, #tpu.memory_space<vmem>>
      %dma_start3A_338 = arith.constant 0 : i32
      %dma_start3A_339 = arith.constant 0 : i32
      %dma_start3A_340 = tpu.memref_slice %arg15[%dma_start3A_338, %dma_start3A_339] : memref<10112x32xf32, #tpu.memory_space<vmem_shared>> -> memref<10112x32xf32, #tpu.memory_space<vmem_shared>>
      tpu.enqueue_indirect_dma source(%arg10 : memref<256x32xf32, #tpu.memory_space<vmem>>) target(%dma_start3A_340 : memref<10112x32xf32, #tpu.memory_space<vmem_shared>>) offsets(%dma_start3A_337 : memref<256xi32, #tpu.memory_space<vmem>>) semaphore(%arg28 : memref<!tpu.dma_semaphore, #tpu.memory_space<semaphore_mem>>) {add = true}
      %add3A_341 = arith.constant 4 : i32
      %add3A_342 = arith.addi %add3A_328, %add3A_341 : i32
      %lt3A_343 = arith.cmpi slt, %add3A_342, %mul3A_110 : i32
      %convert_element_type3A_344 = arith.extui %lt3A_343 : i1 to i32
      %cond3A_345 = arith.constant 0 : i32
      %cond3A_346 = arith.cmpi ne, %convert_element_type3A_344, %cond3A_345 : i32
      scf.if %cond3A_346 {
        %ge3A = arith.constant 8 : i32
        %ge3A_427 = arith.cmpi sge, %add3A_342, %ge3A : i32
        %convert_element_type3A_428 = arith.extui %ge3A_427 : i1 to i32
        %cond3A_429 = arith.constant 0 : i32
        %cond3A_430 = arith.cmpi ne, %convert_element_type3A_428, %cond3A_429 : i32
        scf.if %cond3A_430 {
          %sub3A_437 = arith.constant 8 : i32
          %sub3A_438 = arith.subi %add3A_342, %sub3A_437 : i32
          %dma_wait3A_439 = arith.constant 0 : i32
          %dma_wait3A_440 = tpu.memref_slice %arg6[%sub3A_438, %dma_wait3A_439] : memref<40x256xi32, #tpu.memory_space<vmem>> -> memref<1x256xi32, #tpu.memory_space<vmem>>
          %dma_wait3A_441 = tpu.memref_squeeze %dma_wait3A_440 : memref<1x256xi32, #tpu.memory_space<vmem>> -> memref<256xi32, #tpu.memory_space<vmem>>
          %dma_wait3A_442 = arith.constant 0 : i32
          %dma_wait3A_443 = arith.constant 0 : i32
          %dma_wait3A_444 = tpu.memref_slice %arg15[%dma_wait3A_442, %dma_wait3A_443] : memref<10112x32xf32, #tpu.memory_space<vmem_shared>> -> memref<10112x32xf32, #tpu.memory_space<vmem_shared>>
          tpu.wait_indirect_dma semaphore(%arg32 : memref<!tpu.dma_semaphore, #tpu.memory_space<semaphore_mem>>) src(%arg14 : memref<256x32xf32, #tpu.memory_space<vmem>>) dst(%dma_wait3A_444 : memref<10112x32xf32, #tpu.memory_space<vmem_shared>>)
        } else {
        }
        %dma_start3A_431 = arith.constant 0 : i32
        %dma_start3A_432 = tpu.memref_slice %arg5[%add3A_342, %dma_start3A_431] : memref<40x256xi32, #tpu.memory_space<vmem>> -> memref<1x256xi32, #tpu.memory_space<vmem>>
        %dma_start3A_433 = tpu.memref_squeeze %dma_start3A_432 : memref<1x256xi32, #tpu.memory_space<vmem>> -> memref<256xi32, #tpu.memory_space<vmem>>
        %dma_start3A_434 = arith.constant 0 : i32
        %dma_start3A_435 = arith.constant 0 : i32
        %dma_start3A_436 = tpu.memref_slice %arg16[%dma_start3A_434, %dma_start3A_435] : memref<10112x32xf32, #tpu.memory_space<vmem_shared>> -> memref<10112x32xf32, #tpu.memory_space<vmem_shared>>
        tpu.enqueue_indirect_dma source(%dma_start3A_436 : memref<10112x32xf32, #tpu.memory_space<vmem_shared>>) target(%arg14 : memref<256x32xf32, #tpu.memory_space<vmem>>) offsets(%dma_start3A_433 : memref<256xi32, #tpu.memory_space<vmem>>) semaphore(%arg24 : memref<!tpu.dma_semaphore, #tpu.memory_space<semaphore_mem>>)
      } else {
      }
      %add3A_347 = arith.constant 4 : i32
      %add3A_348 = arith.addi %mul3A_267, %add3A_347 : i32
      %dma_wait3A_349 = arith.constant 0 : i32
      %dma_wait3A_350 = tpu.memref_slice %arg5[%add3A_348, %dma_wait3A_349] : memref<40x256xi32, #tpu.memory_space<vmem>> -> memref<1x256xi32, #tpu.memory_space<vmem>>
      %dma_wait3A_351 = tpu.memref_squeeze %dma_wait3A_350 : memref<1x256xi32, #tpu.memory_space<vmem>> -> memref<256xi32, #tpu.memory_space<vmem>>
      %dma_wait3A_352 = arith.constant 0 : i32
      %dma_wait3A_353 = arith.constant 0 : i32
      %dma_wait3A_354 = tpu.memref_slice %arg16[%dma_wait3A_352, %dma_wait3A_353] : memref<10112x32xf32, #tpu.memory_space<vmem_shared>> -> memref<10112x32xf32, #tpu.memory_space<vmem_shared>>
      tpu.wait_indirect_dma semaphore(%arg21 : memref<!tpu.dma_semaphore, #tpu.memory_space<semaphore_mem>>) src(%dma_wait3A_354 : memref<10112x32xf32, #tpu.memory_space<vmem_shared>>) dst(%arg11 : memref<256x32xf32, #tpu.memory_space<vmem>>)
      %dma_start3A_355 = arith.constant 0 : i32
      %dma_start3A_356 = tpu.memref_slice %arg6[%add3A_348, %dma_start3A_355] : memref<40x256xi32, #tpu.memory_space<vmem>> -> memref<1x256xi32, #tpu.memory_space<vmem>>
      %dma_start3A_357 = tpu.memref_squeeze %dma_start3A_356 : memref<1x256xi32, #tpu.memory_space<vmem>> -> memref<256xi32, #tpu.memory_space<vmem>>
      %dma_start3A_358 = arith.constant 0 : i32
      %dma_start3A_359 = arith.constant 0 : i32
      %dma_start3A_360 = tpu.memref_slice %arg15[%dma_start3A_358, %dma_start3A_359] : memref<10112x32xf32, #tpu.memory_space<vmem_shared>> -> memref<10112x32xf32, #tpu.memory_space<vmem_shared>>
      tpu.enqueue_indirect_dma source(%arg11 : memref<256x32xf32, #tpu.memory_space<vmem>>) target(%dma_start3A_360 : memref<10112x32xf32, #tpu.memory_space<vmem_shared>>) offsets(%dma_start3A_357 : memref<256xi32, #tpu.memory_space<vmem>>) semaphore(%arg29 : memref<!tpu.dma_semaphore, #tpu.memory_space<semaphore_mem>>) {add = true}
      %add3A_361 = arith.constant 4 : i32
      %add3A_362 = arith.addi %add3A_348, %add3A_361 : i32
      %lt3A_363 = arith.cmpi slt, %add3A_362, %mul3A_110 : i32
      %convert_element_type3A_364 = arith.extui %lt3A_363 : i1 to i32
      %cond3A_365 = arith.constant 0 : i32
      %cond3A_366 = arith.cmpi ne, %convert_element_type3A_364, %cond3A_365 : i32
      scf.if %cond3A_366 {
        %ge3A = arith.constant 8 : i32
        %ge3A_427 = arith.cmpi sge, %add3A_362, %ge3A : i32
        %convert_element_type3A_428 = arith.extui %ge3A_427 : i1 to i32
        %cond3A_429 = arith.constant 0 : i32
        %cond3A_430 = arith.cmpi ne, %convert_element_type3A_428, %cond3A_429 : i32
        scf.if %cond3A_430 {
          %sub3A_437 = arith.constant 8 : i32
          %sub3A_438 = arith.subi %add3A_362, %sub3A_437 : i32
          %dma_wait3A_439 = arith.constant 0 : i32
          %dma_wait3A_440 = tpu.memref_slice %arg6[%sub3A_438, %dma_wait3A_439] : memref<40x256xi32, #tpu.memory_space<vmem>> -> memref<1x256xi32, #tpu.memory_space<vmem>>
          %dma_wait3A_441 = tpu.memref_squeeze %dma_wait3A_440 : memref<1x256xi32, #tpu.memory_space<vmem>> -> memref<256xi32, #tpu.memory_space<vmem>>
          %dma_wait3A_442 = arith.constant 0 : i32
          %dma_wait3A_443 = arith.constant 0 : i32
          %dma_wait3A_444 = tpu.memref_slice %arg15[%dma_wait3A_442, %dma_wait3A_443] : memref<10112x32xf32, #tpu.memory_space<vmem_shared>> -> memref<10112x32xf32, #tpu.memory_space<vmem_shared>>
          tpu.wait_indirect_dma semaphore(%arg25 : memref<!tpu.dma_semaphore, #tpu.memory_space<semaphore_mem>>) src(%arg7 : memref<256x32xf32, #tpu.memory_space<vmem>>) dst(%dma_wait3A_444 : memref<10112x32xf32, #tpu.memory_space<vmem_shared>>)
        } else {
        }
        %dma_start3A_431 = arith.constant 0 : i32
        %dma_start3A_432 = tpu.memref_slice %arg5[%add3A_362, %dma_start3A_431] : memref<40x256xi32, #tpu.memory_space<vmem>> -> memref<1x256xi32, #tpu.memory_space<vmem>>
        %dma_start3A_433 = tpu.memref_squeeze %dma_start3A_432 : memref<1x256xi32, #tpu.memory_space<vmem>> -> memref<256xi32, #tpu.memory_space<vmem>>
        %dma_start3A_434 = arith.constant 0 : i32
        %dma_start3A_435 = arith.constant 0 : i32
        %dma_start3A_436 = tpu.memref_slice %arg16[%dma_start3A_434, %dma_start3A_435] : memref<10112x32xf32, #tpu.memory_space<vmem_shared>> -> memref<10112x32xf32, #tpu.memory_space<vmem_shared>>
        tpu.enqueue_indirect_dma source(%dma_start3A_436 : memref<10112x32xf32, #tpu.memory_space<vmem_shared>>) target(%arg7 : memref<256x32xf32, #tpu.memory_space<vmem>>) offsets(%dma_start3A_433 : memref<256xi32, #tpu.memory_space<vmem>>) semaphore(%arg17 : memref<!tpu.dma_semaphore, #tpu.memory_space<semaphore_mem>>)
      } else {
      }
      %add3A_367 = arith.constant 5 : i32
      %add3A_368 = arith.addi %mul3A_267, %add3A_367 : i32
      %dma_wait3A_369 = arith.constant 0 : i32
      %dma_wait3A_370 = tpu.memref_slice %arg5[%add3A_368, %dma_wait3A_369] : memref<40x256xi32, #tpu.memory_space<vmem>> -> memref<1x256xi32, #tpu.memory_space<vmem>>
      %dma_wait3A_371 = tpu.memref_squeeze %dma_wait3A_370 : memref<1x256xi32, #tpu.memory_space<vmem>> -> memref<256xi32, #tpu.memory_space<vmem>>
      %dma_wait3A_372 = arith.constant 0 : i32
      %dma_wait3A_373 = arith.constant 0 : i32
      %dma_wait3A_374 = tpu.memref_slice %arg16[%dma_wait3A_372, %dma_wait3A_373] : memref<10112x32xf32, #tpu.memory_space<vmem_shared>> -> memref<10112x32xf32, #tpu.memory_space<vmem_shared>>
      tpu.wait_indirect_dma semaphore(%arg22 : memref<!tpu.dma_semaphore, #tpu.memory_space<semaphore_mem>>) src(%dma_wait3A_374 : memref<10112x32xf32, #tpu.memory_space<vmem_shared>>) dst(%arg12 : memref<256x32xf32, #tpu.memory_space<vmem>>)
      %dma_start3A_375 = arith.constant 0 : i32
      %dma_start3A_376 = tpu.memref_slice %arg6[%add3A_368, %dma_start3A_375] : memref<40x256xi32, #tpu.memory_space<vmem>> -> memref<1x256xi32, #tpu.memory_space<vmem>>
      %dma_start3A_377 = tpu.memref_squeeze %dma_start3A_376 : memref<1x256xi32, #tpu.memory_space<vmem>> -> memref<256xi32, #tpu.memory_space<vmem>>
      %dma_start3A_378 = arith.constant 0 : i32
      %dma_start3A_379 = arith.constant 0 : i32
      %dma_start3A_380 = tpu.memref_slice %arg15[%dma_start3A_378, %dma_start3A_379] : memref<10112x32xf32, #tpu.memory_space<vmem_shared>> -> memref<10112x32xf32, #tpu.memory_space<vmem_shared>>
      tpu.enqueue_indirect_dma source(%arg12 : memref<256x32xf32, #tpu.memory_space<vmem>>) target(%dma_start3A_380 : memref<10112x32xf32, #tpu.memory_space<vmem_shared>>) offsets(%dma_start3A_377 : memref<256xi32, #tpu.memory_space<vmem>>) semaphore(%arg30 : memref<!tpu.dma_semaphore, #tpu.memory_space<semaphore_mem>>) {add = true}
      %add3A_381 = arith.constant 4 : i32
      %add3A_382 = arith.addi %add3A_368, %add3A_381 : i32
      %lt3A_383 = arith.cmpi slt, %add3A_382, %mul3A_110 : i32
      %convert_element_type3A_384 = arith.extui %lt3A_383 : i1 to i32
      %cond3A_385 = arith.constant 0 : i32
      %cond3A_386 = arith.cmpi ne, %convert_element_type3A_384, %cond3A_385 : i32
      scf.if %cond3A_386 {
        %ge3A = arith.constant 8 : i32
        %ge3A_427 = arith.cmpi sge, %add3A_382, %ge3A : i32
        %convert_element_type3A_428 = arith.extui %ge3A_427 : i1 to i32
        %cond3A_429 = arith.constant 0 : i32
        %cond3A_430 = arith.cmpi ne, %convert_element_type3A_428, %cond3A_429 : i32
        scf.if %cond3A_430 {
          %sub3A_437 = arith.constant 8 : i32
          %sub3A_438 = arith.subi %add3A_382, %sub3A_437 : i32
          %dma_wait3A_439 = arith.constant 0 : i32
          %dma_wait3A_440 = tpu.memref_slice %arg6[%sub3A_438, %dma_wait3A_439] : memref<40x256xi32, #tpu.memory_space<vmem>> -> memref<1x256xi32, #tpu.memory_space<vmem>>
          %dma_wait3A_441 = tpu.memref_squeeze %dma_wait3A_440 : memref<1x256xi32, #tpu.memory_space<vmem>> -> memref<256xi32, #tpu.memory_space<vmem>>
          %dma_wait3A_442 = arith.constant 0 : i32
          %dma_wait3A_443 = arith.constant 0 : i32
          %dma_wait3A_444 = tpu.memref_slice %arg15[%dma_wait3A_442, %dma_wait3A_443] : memref<10112x32xf32, #tpu.memory_space<vmem_shared>> -> memref<10112x32xf32, #tpu.memory_space<vmem_shared>>
          tpu.wait_indirect_dma semaphore(%arg26 : memref<!tpu.dma_semaphore, #tpu.memory_space<semaphore_mem>>) src(%arg8 : memref<256x32xf32, #tpu.memory_space<vmem>>) dst(%dma_wait3A_444 : memref<10112x32xf32, #tpu.memory_space<vmem_shared>>)
        } else {
        }
        %dma_start3A_431 = arith.constant 0 : i32
        %dma_start3A_432 = tpu.memref_slice %arg5[%add3A_382, %dma_start3A_431] : memref<40x256xi32, #tpu.memory_space<vmem>> -> memref<1x256xi32, #tpu.memory_space<vmem>>
        %dma_start3A_433 = tpu.memref_squeeze %dma_start3A_432 : memref<1x256xi32, #tpu.memory_space<vmem>> -> memref<256xi32, #tpu.memory_space<vmem>>
        %dma_start3A_434 = arith.constant 0 : i32
        %dma_start3A_435 = arith.constant 0 : i32
        %dma_start3A_436 = tpu.memref_slice %arg16[%dma_start3A_434, %dma_start3A_435] : memref<10112x32xf32, #tpu.memory_space<vmem_shared>> -> memref<10112x32xf32, #tpu.memory_space<vmem_shared>>
        tpu.enqueue_indirect_dma source(%dma_start3A_436 : memref<10112x32xf32, #tpu.memory_space<vmem_shared>>) target(%arg8 : memref<256x32xf32, #tpu.memory_space<vmem>>) offsets(%dma_start3A_433 : memref<256xi32, #tpu.memory_space<vmem>>) semaphore(%arg18 : memref<!tpu.dma_semaphore, #tpu.memory_space<semaphore_mem>>)
      } else {
      }
      %add3A_387 = arith.constant 6 : i32
      %add3A_388 = arith.addi %mul3A_267, %add3A_387 : i32
      %dma_wait3A_389 = arith.constant 0 : i32
      %dma_wait3A_390 = tpu.memref_slice %arg5[%add3A_388, %dma_wait3A_389] : memref<40x256xi32, #tpu.memory_space<vmem>> -> memref<1x256xi32, #tpu.memory_space<vmem>>
      %dma_wait3A_391 = tpu.memref_squeeze %dma_wait3A_390 : memref<1x256xi32, #tpu.memory_space<vmem>> -> memref<256xi32, #tpu.memory_space<vmem>>
      %dma_wait3A_392 = arith.constant 0 : i32
      %dma_wait3A_393 = arith.constant 0 : i32
      %dma_wait3A_394 = tpu.memref_slice %arg16[%dma_wait3A_392, %dma_wait3A_393] : memref<10112x32xf32, #tpu.memory_space<vmem_shared>> -> memref<10112x32xf32, #tpu.memory_space<vmem_shared>>
      tpu.wait_indirect_dma semaphore(%arg23 : memref<!tpu.dma_semaphore, #tpu.memory_space<semaphore_mem>>) src(%dma_wait3A_394 : memref<10112x32xf32, #tpu.memory_space<vmem_shared>>) dst(%arg13 : memref<256x32xf32, #tpu.memory_space<vmem>>)
      %dma_start3A_395 = arith.constant 0 : i32
      %dma_start3A_396 = tpu.memref_slice %arg6[%add3A_388, %dma_start3A_395] : memref<40x256xi32, #tpu.memory_space<vmem>> -> memref<1x256xi32, #tpu.memory_space<vmem>>
      %dma_start3A_397 = tpu.memref_squeeze %dma_start3A_396 : memref<1x256xi32, #tpu.memory_space<vmem>> -> memref<256xi32, #tpu.memory_space<vmem>>
      %dma_start3A_398 = arith.constant 0 : i32
      %dma_start3A_399 = arith.constant 0 : i32
      %dma_start3A_400 = tpu.memref_slice %arg15[%dma_start3A_398, %dma_start3A_399] : memref<10112x32xf32, #tpu.memory_space<vmem_shared>> -> memref<10112x32xf32, #tpu.memory_space<vmem_shared>>
      tpu.enqueue_indirect_dma source(%arg13 : memref<256x32xf32, #tpu.memory_space<vmem>>) target(%dma_start3A_400 : memref<10112x32xf32, #tpu.memory_space<vmem_shared>>) offsets(%dma_start3A_397 : memref<256xi32, #tpu.memory_space<vmem>>) semaphore(%arg31 : memref<!tpu.dma_semaphore, #tpu.memory_space<semaphore_mem>>) {add = true}
      %add3A_401 = arith.constant 4 : i32
      %add3A_402 = arith.addi %add3A_388, %add3A_401 : i32
      %lt3A_403 = arith.cmpi slt, %add3A_402, %mul3A_110 : i32
      %convert_element_type3A_404 = arith.extui %lt3A_403 : i1 to i32
      %cond3A_405 = arith.constant 0 : i32
      %cond3A_406 = arith.cmpi ne, %convert_element_type3A_404, %cond3A_405 : i32
      scf.if %cond3A_406 {
        %ge3A = arith.constant 8 : i32
        %ge3A_427 = arith.cmpi sge, %add3A_402, %ge3A : i32
        %convert_element_type3A_428 = arith.extui %ge3A_427 : i1 to i32
        %cond3A_429 = arith.constant 0 : i32
        %cond3A_430 = arith.cmpi ne, %convert_element_type3A_428, %cond3A_429 : i32
        scf.if %cond3A_430 {
          %sub3A_437 = arith.constant 8 : i32
          %sub3A_438 = arith.subi %add3A_402, %sub3A_437 : i32
          %dma_wait3A_439 = arith.constant 0 : i32
          %dma_wait3A_440 = tpu.memref_slice %arg6[%sub3A_438, %dma_wait3A_439] : memref<40x256xi32, #tpu.memory_space<vmem>> -> memref<1x256xi32, #tpu.memory_space<vmem>>
          %dma_wait3A_441 = tpu.memref_squeeze %dma_wait3A_440 : memref<1x256xi32, #tpu.memory_space<vmem>> -> memref<256xi32, #tpu.memory_space<vmem>>
          %dma_wait3A_442 = arith.constant 0 : i32
          %dma_wait3A_443 = arith.constant 0 : i32
          %dma_wait3A_444 = tpu.memref_slice %arg15[%dma_wait3A_442, %dma_wait3A_443] : memref<10112x32xf32, #tpu.memory_space<vmem_shared>> -> memref<10112x32xf32, #tpu.memory_space<vmem_shared>>
          tpu.wait_indirect_dma semaphore(%arg27 : memref<!tpu.dma_semaphore, #tpu.memory_space<semaphore_mem>>) src(%arg9 : memref<256x32xf32, #tpu.memory_space<vmem>>) dst(%dma_wait3A_444 : memref<10112x32xf32, #tpu.memory_space<vmem_shared>>)
        } else {
        }
        %dma_start3A_431 = arith.constant 0 : i32
        %dma_start3A_432 = tpu.memref_slice %arg5[%add3A_402, %dma_start3A_431] : memref<40x256xi32, #tpu.memory_space<vmem>> -> memref<1x256xi32, #tpu.memory_space<vmem>>
        %dma_start3A_433 = tpu.memref_squeeze %dma_start3A_432 : memref<1x256xi32, #tpu.memory_space<vmem>> -> memref<256xi32, #tpu.memory_space<vmem>>
        %dma_start3A_434 = arith.constant 0 : i32
        %dma_start3A_435 = arith.constant 0 : i32
        %dma_start3A_436 = tpu.memref_slice %arg16[%dma_start3A_434, %dma_start3A_435] : memref<10112x32xf32, #tpu.memory_space<vmem_shared>> -> memref<10112x32xf32, #tpu.memory_space<vmem_shared>>
        tpu.enqueue_indirect_dma source(%dma_start3A_436 : memref<10112x32xf32, #tpu.memory_space<vmem_shared>>) target(%arg9 : memref<256x32xf32, #tpu.memory_space<vmem>>) offsets(%dma_start3A_433 : memref<256xi32, #tpu.memory_space<vmem>>) semaphore(%arg19 : memref<!tpu.dma_semaphore, #tpu.memory_space<semaphore_mem>>)
      } else {
      }
      %add3A_407 = arith.constant 7 : i32
      %add3A_408 = arith.addi %mul3A_267, %add3A_407 : i32
      %dma_wait3A_409 = arith.constant 0 : i32
      %dma_wait3A_410 = tpu.memref_slice %arg5[%add3A_408, %dma_wait3A_409] : memref<40x256xi32, #tpu.memory_space<vmem>> -> memref<1x256xi32, #tpu.memory_space<vmem>>
      %dma_wait3A_411 = tpu.memref_squeeze %dma_wait3A_410 : memref<1x256xi32, #tpu.memory_space<vmem>> -> memref<256xi32, #tpu.memory_space<vmem>>
      %dma_wait3A_412 = arith.constant 0 : i32
      %dma_wait3A_413 = arith.constant 0 : i32
      %dma_wait3A_414 = tpu.memref_slice %arg16[%dma_wait3A_412, %dma_wait3A_413] : memref<10112x32xf32, #tpu.memory_space<vmem_shared>> -> memref<10112x32xf32, #tpu.memory_space<vmem_shared>>
      tpu.wait_indirect_dma semaphore(%arg24 : memref<!tpu.dma_semaphore, #tpu.memory_space<semaphore_mem>>) src(%dma_wait3A_414 : memref<10112x32xf32, #tpu.memory_space<vmem_shared>>) dst(%arg14 : memref<256x32xf32, #tpu.memory_space<vmem>>)
      %dma_start3A_415 = arith.constant 0 : i32
      %dma_start3A_416 = tpu.memref_slice %arg6[%add3A_408, %dma_start3A_415] : memref<40x256xi32, #tpu.memory_space<vmem>> -> memref<1x256xi32, #tpu.memory_space<vmem>>
      %dma_start3A_417 = tpu.memref_squeeze %dma_start3A_416 : memref<1x256xi32, #tpu.memory_space<vmem>> -> memref<256xi32, #tpu.memory_space<vmem>>
      %dma_start3A_418 = arith.constant 0 : i32
      %dma_start3A_419 = arith.constant 0 : i32
      %dma_start3A_420 = tpu.memref_slice %arg15[%dma_start3A_418, %dma_start3A_419] : memref<10112x32xf32, #tpu.memory_space<vmem_shared>> -> memref<10112x32xf32, #tpu.memory_space<vmem_shared>>
      tpu.enqueue_indirect_dma source(%arg14 : memref<256x32xf32, #tpu.memory_space<vmem>>) target(%dma_start3A_420 : memref<10112x32xf32, #tpu.memory_space<vmem_shared>>) offsets(%dma_start3A_417 : memref<256xi32, #tpu.memory_space<vmem>>) semaphore(%arg32 : memref<!tpu.dma_semaphore, #tpu.memory_space<semaphore_mem>>) {add = true}
      %add3A_421 = arith.constant 4 : i32
      %add3A_422 = arith.addi %add3A_408, %add3A_421 : i32
      %lt3A_423 = arith.cmpi slt, %add3A_422, %mul3A_110 : i32
      %convert_element_type3A_424 = arith.extui %lt3A_423 : i1 to i32
      %cond3A_425 = arith.constant 0 : i32
      %cond3A_426 = arith.cmpi ne, %convert_element_type3A_424, %cond3A_425 : i32
      scf.if %cond3A_426 {
        %ge3A = arith.constant 8 : i32
        %ge3A_427 = arith.cmpi sge, %add3A_422, %ge3A : i32
        %convert_element_type3A_428 = arith.extui %ge3A_427 : i1 to i32
        %cond3A_429 = arith.constant 0 : i32
        %cond3A_430 = arith.cmpi ne, %convert_element_type3A_428, %cond3A_429 : i32
        scf.if %cond3A_430 {
          %sub3A_437 = arith.constant 8 : i32
          %sub3A_438 = arith.subi %add3A_422, %sub3A_437 : i32
          %dma_wait3A_439 = arith.constant 0 : i32
          %dma_wait3A_440 = tpu.memref_slice %arg6[%sub3A_438, %dma_wait3A_439] : memref<40x256xi32, #tpu.memory_space<vmem>> -> memref<1x256xi32, #tpu.memory_space<vmem>>
          %dma_wait3A_441 = tpu.memref_squeeze %dma_wait3A_440 : memref<1x256xi32, #tpu.memory_space<vmem>> -> memref<256xi32, #tpu.memory_space<vmem>>
          %dma_wait3A_442 = arith.constant 0 : i32
          %dma_wait3A_443 = arith.constant 0 : i32
          %dma_wait3A_444 = tpu.memref_slice %arg15[%dma_wait3A_442, %dma_wait3A_443] : memref<10112x32xf32, #tpu.memory_space<vmem_shared>> -> memref<10112x32xf32, #tpu.memory_space<vmem_shared>>
          tpu.wait_indirect_dma semaphore(%arg28 : memref<!tpu.dma_semaphore, #tpu.memory_space<semaphore_mem>>) src(%arg10 : memref<256x32xf32, #tpu.memory_space<vmem>>) dst(%dma_wait3A_444 : memref<10112x32xf32, #tpu.memory_space<vmem_shared>>)
        } else {
        }
        %dma_start3A_431 = arith.constant 0 : i32
        %dma_start3A_432 = tpu.memref_slice %arg5[%add3A_422, %dma_start3A_431] : memref<40x256xi32, #tpu.memory_space<vmem>> -> memref<1x256xi32, #tpu.memory_space<vmem>>
        %dma_start3A_433 = tpu.memref_squeeze %dma_start3A_432 : memref<1x256xi32, #tpu.memory_space<vmem>> -> memref<256xi32, #tpu.memory_space<vmem>>
        %dma_start3A_434 = arith.constant 0 : i32
        %dma_start3A_435 = arith.constant 0 : i32
        %dma_start3A_436 = tpu.memref_slice %arg16[%dma_start3A_434, %dma_start3A_435] : memref<10112x32xf32, #tpu.memory_space<vmem_shared>> -> memref<10112x32xf32, #tpu.memory_space<vmem_shared>>
        tpu.enqueue_indirect_dma source(%dma_start3A_436 : memref<10112x32xf32, #tpu.memory_space<vmem_shared>>) target(%arg10 : memref<256x32xf32, #tpu.memory_space<vmem>>) offsets(%dma_start3A_433 : memref<256xi32, #tpu.memory_space<vmem>>) semaphore(%arg20 : memref<!tpu.dma_semaphore, #tpu.memory_space<semaphore_mem>>)
      } else {
      }
    }
    %sub3A_157 = arith.constant 1 : i32
    %sub3A_158 = arith.subi %select_n3A_108, %sub3A_157 : i32
    %mul3A_159 = arith.constant 8 : i32
    %mul3A_160 = arith.muli %sub3A_158, %mul3A_159 : i32
    %add3A_161 = arith.constant 0 : i32
    %add3A_162 = arith.addi %mul3A_160, %add3A_161 : i32
    %dma_wait3A_163 = arith.constant 0 : i32
    %dma_wait3A_164 = tpu.memref_slice %arg6[%add3A_162, %dma_wait3A_163] : memref<40x256xi32, #tpu.memory_space<vmem>> -> memref<1x256xi32, #tpu.memory_space<vmem>>
    %dma_wait3A_165 = tpu.memref_squeeze %dma_wait3A_164 : memref<1x256xi32, #tpu.memory_space<vmem>> -> memref<256xi32, #tpu.memory_space<vmem>>
    %dma_wait3A_166 = arith.constant 0 : i32
    %dma_wait3A_167 = arith.constant 0 : i32
    %dma_wait3A_168 = tpu.memref_slice %arg15[%dma_wait3A_166, %dma_wait3A_167] : memref<10112x32xf32, #tpu.memory_space<vmem_shared>> -> memref<10112x32xf32, #tpu.memory_space<vmem_shared>>
    tpu.wait_indirect_dma semaphore(%arg25 : memref<!tpu.dma_semaphore, #tpu.memory_space<semaphore_mem>>) src(%arg7 : memref<256x32xf32, #tpu.memory_space<vmem>>) dst(%dma_wait3A_168 : memref<10112x32xf32, #tpu.memory_space<vmem_shared>>)
    %sub3A_169 = arith.constant 1 : i32
    %sub3A_170 = arith.subi %select_n3A_108, %sub3A_169 : i32
    %mul3A_171 = arith.constant 8 : i32
    %mul3A_172 = arith.muli %sub3A_170, %mul3A_171 : i32
    %add3A_173 = arith.constant 1 : i32
    %add3A_174 = arith.addi %mul3A_172, %add3A_173 : i32
    %dma_wait3A_175 = arith.constant 0 : i32
    %dma_wait3A_176 = tpu.memref_slice %arg6[%add3A_174, %dma_wait3A_175] : memref<40x256xi32, #tpu.memory_space<vmem>> -> memref<1x256xi32, #tpu.memory_space<vmem>>
    %dma_wait3A_177 = tpu.memref_squeeze %dma_wait3A_176 : memref<1x256xi32, #tpu.memory_space<vmem>> -> memref<256xi32, #tpu.memory_space<vmem>>
    %dma_wait3A_178 = arith.constant 0 : i32
    %dma_wait3A_179 = arith.constant 0 : i32
    %dma_wait3A_180 = tpu.memref_slice %arg15[%dma_wait3A_178, %dma_wait3A_179] : memref<10112x32xf32, #tpu.memory_space<vmem_shared>> -> memref<10112x32xf32, #tpu.memory_space<vmem_shared>>
    tpu.wait_indirect_dma semaphore(%arg26 : memref<!tpu.dma_semaphore, #tpu.memory_space<semaphore_mem>>) src(%arg8 : memref<256x32xf32, #tpu.memory_space<vmem>>) dst(%dma_wait3A_180 : memref<10112x32xf32, #tpu.memory_space<vmem_shared>>)
    %sub3A_181 = arith.constant 1 : i32
    %sub3A_182 = arith.subi %select_n3A_108, %sub3A_181 : i32
    %mul3A_183 = arith.constant 8 : i32
    %mul3A_184 = arith.muli %sub3A_182, %mul3A_183 : i32
    %add3A_185 = arith.constant 2 : i32
    %add3A_186 = arith.addi %mul3A_184, %add3A_185 : i32
    %dma_wait3A_187 = arith.constant 0 : i32
    %dma_wait3A_188 = tpu.memref_slice %arg6[%add3A_186, %dma_wait3A_187] : memref<40x256xi32, #tpu.memory_space<vmem>> -> memref<1x256xi32, #tpu.memory_space<vmem>>
    %dma_wait3A_189 = tpu.memref_squeeze %dma_wait3A_188 : memref<1x256xi32, #tpu.memory_space<vmem>> -> memref<256xi32, #tpu.memory_space<vmem>>
    %dma_wait3A_190 = arith.constant 0 : i32
    %dma_wait3A_191 = arith.constant 0 : i32
    %dma_wait3A_192 = tpu.memref_slice %arg15[%dma_wait3A_190, %dma_wait3A_191] : memref<10112x32xf32, #tpu.memory_space<vmem_shared>> -> memref<10112x32xf32, #tpu.memory_space<vmem_shared>>
    tpu.wait_indirect_dma semaphore(%arg27 : memref<!tpu.dma_semaphore, #tpu.memory_space<semaphore_mem>>) src(%arg9 : memref<256x32xf32, #tpu.memory_space<vmem>>) dst(%dma_wait3A_192 : memref<10112x32xf32, #tpu.memory_space<vmem_shared>>)
    %sub3A_193 = arith.constant 1 : i32
    %sub3A_194 = arith.subi %select_n3A_108, %sub3A_193 : i32
    %mul3A_195 = arith.constant 8 : i32
    %mul3A_196 = arith.muli %sub3A_194, %mul3A_195 : i32
    %add3A_197 = arith.constant 3 : i32
    %add3A_198 = arith.addi %mul3A_196, %add3A_197 : i32
    %dma_wait3A_199 = arith.constant 0 : i32
    %dma_wait3A_200 = tpu.memref_slice %arg6[%add3A_198, %dma_wait3A_199] : memref<40x256xi32, #tpu.memory_space<vmem>> -> memref<1x256xi32, #tpu.memory_space<vmem>>
    %dma_wait3A_201 = tpu.memref_squeeze %dma_wait3A_200 : memref<1x256xi32, #tpu.memory_space<vmem>> -> memref<256xi32, #tpu.memory_space<vmem>>
    %dma_wait3A_202 = arith.constant 0 : i32
    %dma_wait3A_203 = arith.constant 0 : i32
    %dma_wait3A_204 = tpu.memref_slice %arg15[%dma_wait3A_202, %dma_wait3A_203] : memref<10112x32xf32, #tpu.memory_space<vmem_shared>> -> memref<10112x32xf32, #tpu.memory_space<vmem_shared>>
    tpu.wait_indirect_dma semaphore(%arg28 : memref<!tpu.dma_semaphore, #tpu.memory_space<semaphore_mem>>) src(%arg10 : memref<256x32xf32, #tpu.memory_space<vmem>>) dst(%dma_wait3A_204 : memref<10112x32xf32, #tpu.memory_space<vmem_shared>>)
    %sub3A_205 = arith.constant 1 : i32
    %sub3A_206 = arith.subi %select_n3A_108, %sub3A_205 : i32
    %mul3A_207 = arith.constant 8 : i32
    %mul3A_208 = arith.muli %sub3A_206, %mul3A_207 : i32
    %add3A_209 = arith.constant 4 : i32
    %add3A_210 = arith.addi %mul3A_208, %add3A_209 : i32
    %dma_wait3A_211 = arith.constant 0 : i32
    %dma_wait3A_212 = tpu.memref_slice %arg6[%add3A_210, %dma_wait3A_211] : memref<40x256xi32, #tpu.memory_space<vmem>> -> memref<1x256xi32, #tpu.memory_space<vmem>>
    %dma_wait3A_213 = tpu.memref_squeeze %dma_wait3A_212 : memref<1x256xi32, #tpu.memory_space<vmem>> -> memref<256xi32, #tpu.memory_space<vmem>>
    %dma_wait3A_214 = arith.constant 0 : i32
    %dma_wait3A_215 = arith.constant 0 : i32
    %dma_wait3A_216 = tpu.memref_slice %arg15[%dma_wait3A_214, %dma_wait3A_215] : memref<10112x32xf32, #tpu.memory_space<vmem_shared>> -> memref<10112x32xf32, #tpu.memory_space<vmem_shared>>
    tpu.wait_indirect_dma semaphore(%arg29 : memref<!tpu.dma_semaphore, #tpu.memory_space<semaphore_mem>>) src(%arg11 : memref<256x32xf32, #tpu.memory_space<vmem>>) dst(%dma_wait3A_216 : memref<10112x32xf32, #tpu.memory_space<vmem_shared>>)
    %sub3A_217 = arith.constant 1 : i32
    %sub3A_218 = arith.subi %select_n3A_108, %sub3A_217 : i32
    %mul3A_219 = arith.constant 8 : i32
    %mul3A_220 = arith.muli %sub3A_218, %mul3A_219 : i32
    %add3A_221 = arith.constant 5 : i32
    %add3A_222 = arith.addi %mul3A_220, %add3A_221 : i32
    %dma_wait3A_223 = arith.constant 0 : i32
    %dma_wait3A_224 = tpu.memref_slice %arg6[%add3A_222, %dma_wait3A_223] : memref<40x256xi32, #tpu.memory_space<vmem>> -> memref<1x256xi32, #tpu.memory_space<vmem>>
    %dma_wait3A_225 = tpu.memref_squeeze %dma_wait3A_224 : memref<1x256xi32, #tpu.memory_space<vmem>> -> memref<256xi32, #tpu.memory_space<vmem>>
    %dma_wait3A_226 = arith.constant 0 : i32
    %dma_wait3A_227 = arith.constant 0 : i32
    %dma_wait3A_228 = tpu.memref_slice %arg15[%dma_wait3A_226, %dma_wait3A_227] : memref<10112x32xf32, #tpu.memory_space<vmem_shared>> -> memref<10112x32xf32, #tpu.memory_space<vmem_shared>>
    tpu.wait_indirect_dma semaphore(%arg30 : memref<!tpu.dma_semaphore, #tpu.memory_space<semaphore_mem>>) src(%arg12 : memref<256x32xf32, #tpu.memory_space<vmem>>) dst(%dma_wait3A_228 : memref<10112x32xf32, #tpu.memory_space<vmem_shared>>)
    %sub3A_229 = arith.constant 1 : i32
    %sub3A_230 = arith.subi %select_n3A_108, %sub3A_229 : i32
    %mul3A_231 = arith.constant 8 : i32
    %mul3A_232 = arith.muli %sub3A_230, %mul3A_231 : i32
    %add3A_233 = arith.constant 6 : i32
    %add3A_234 = arith.addi %mul3A_232, %add3A_233 : i32
    %dma_wait3A_235 = arith.constant 0 : i32
    %dma_wait3A_236 = tpu.memref_slice %arg6[%add3A_234, %dma_wait3A_235] : memref<40x256xi32, #tpu.memory_space<vmem>> -> memref<1x256xi32, #tpu.memory_space<vmem>>
    %dma_wait3A_237 = tpu.memref_squeeze %dma_wait3A_236 : memref<1x256xi32, #tpu.memory_space<vmem>> -> memref<256xi32, #tpu.memory_space<vmem>>
    %dma_wait3A_238 = arith.constant 0 : i32
    %dma_wait3A_239 = arith.constant 0 : i32
    %dma_wait3A_240 = tpu.memref_slice %arg15[%dma_wait3A_238, %dma_wait3A_239] : memref<10112x32xf32, #tpu.memory_space<vmem_shared>> -> memref<10112x32xf32, #tpu.memory_space<vmem_shared>>
    tpu.wait_indirect_dma semaphore(%arg31 : memref<!tpu.dma_semaphore, #tpu.memory_space<semaphore_mem>>) src(%arg13 : memref<256x32xf32, #tpu.memory_space<vmem>>) dst(%dma_wait3A_240 : memref<10112x32xf32, #tpu.memory_space<vmem_shared>>)
    %sub3A_241 = arith.constant 1 : i32
    %sub3A_242 = arith.subi %select_n3A_108, %sub3A_241 : i32
    %mul3A_243 = arith.constant 8 : i32
    %mul3A_244 = arith.muli %sub3A_242, %mul3A_243 : i32
    %add3A_245 = arith.constant 7 : i32
    %add3A_246 = arith.addi %mul3A_244, %add3A_245 : i32
    %dma_wait3A_247 = arith.constant 0 : i32
    %dma_wait3A_248 = tpu.memref_slice %arg6[%add3A_246, %dma_wait3A_247] : memref<40x256xi32, #tpu.memory_space<vmem>> -> memref<1x256xi32, #tpu.memory_space<vmem>>
    %dma_wait3A_249 = tpu.memref_squeeze %dma_wait3A_248 : memref<1x256xi32, #tpu.memory_space<vmem>> -> memref<256xi32, #tpu.memory_space<vmem>>
    %dma_wait3A_250 = arith.constant 0 : i32
    %dma_wait3A_251 = arith.constant 0 : i32
    %dma_wait3A_252 = tpu.memref_slice %arg15[%dma_wait3A_250, %dma_wait3A_251] : memref<10112x32xf32, #tpu.memory_space<vmem_shared>> -> memref<10112x32xf32, #tpu.memory_space<vmem_shared>>
    tpu.wait_indirect_dma semaphore(%arg32 : memref<!tpu.dma_semaphore, #tpu.memory_space<semaphore_mem>>) src(%arg14 : memref<256x32xf32, #tpu.memory_space<vmem>>) dst(%dma_wait3A_252 : memref<10112x32xf32, #tpu.memory_space<vmem_shared>>)
    %ne3A_253 = arith.constant 40 : i32
    %ne3A_254 = arith.cmpi ne, %select_n3A, %ne3A_253 : i32
    %convert_element_type3A_255 = arith.extui %ne3A_254 : i1 to i32
    %cond3A_256 = arith.constant 0 : i32
    %cond3A_257 = arith.cmpi ne, %convert_element_type3A_255, %cond3A_256 : i32
    scf.if %cond3A_257 {
      %run_scoped3A = arith.constant 8 : i32
      "tpu.region"() ({
        %run_scoped3A_266 = tpu.sem_alloc : memref<!tpu.dma_semaphore, #tpu.memory_space<semaphore_mem>>
        %dma_start3A_267 = arith.constant 0 : i32
        %dma_start3A_268 = tpu.memref_slice %arg5[%run_scoped3A, %dma_start3A_267] : memref<40x256xi32, #tpu.memory_space<vmem>> -> memref<1x256xi32, #tpu.memory_space<vmem>>
        %dma_start3A_269 = tpu.memref_squeeze %dma_start3A_268 : memref<1x256xi32, #tpu.memory_space<vmem>> -> memref<256xi32, #tpu.memory_space<vmem>>
        %dma_start3A_270 = arith.constant 0 : i32
        %dma_start3A_271 = arith.constant 0 : i32
        %dma_start3A_272 = tpu.memref_slice %arg16[%dma_start3A_270, %dma_start3A_271] : memref<10112x32xf32, #tpu.memory_space<vmem_shared>> -> memref<10112x32xf32, #tpu.memory_space<vmem_shared>>
        tpu.enqueue_indirect_dma source(%dma_start3A_272 : memref<10112x32xf32, #tpu.memory_space<vmem_shared>>) target(%arg7 : memref<256x32xf32, #tpu.memory_space<vmem>>) offsets(%dma_start3A_269 : memref<256xi32, #tpu.memory_space<vmem>>) semaphore(%run_scoped3A_266 : memref<!tpu.dma_semaphore, #tpu.memory_space<semaphore_mem>>)
        %dma_wait3A_273 = arith.constant 0 : i32
        %dma_wait3A_274 = tpu.memref_slice %arg5[%run_scoped3A, %dma_wait3A_273] : memref<40x256xi32, #tpu.memory_space<vmem>> -> memref<1x256xi32, #tpu.memory_space<vmem>>
        %dma_wait3A_275 = tpu.memref_squeeze %dma_wait3A_274 : memref<1x256xi32, #tpu.memory_space<vmem>> -> memref<256xi32, #tpu.memory_space<vmem>>
        %dma_wait3A_276 = arith.constant 0 : i32
        %dma_wait3A_277 = arith.constant 0 : i32
        %dma_wait3A_278 = tpu.memref_slice %arg16[%dma_wait3A_276, %dma_wait3A_277] : memref<10112x32xf32, #tpu.memory_space<vmem_shared>> -> memref<10112x32xf32, #tpu.memory_space<vmem_shared>>
        tpu.wait_indirect_dma semaphore(%run_scoped3A_266 : memref<!tpu.dma_semaphore, #tpu.memory_space<semaphore_mem>>) src(%dma_wait3A_278 : memref<10112x32xf32, #tpu.memory_space<vmem_shared>>) dst(%arg7 : memref<256x32xf32, #tpu.memory_space<vmem>>)
        tpu.yield
      }) : () -> ()
      %run_scoped3A_263 = arith.constant 8 : i32
      "tpu.region"() ({
        %run_scoped3A_266 = tpu.sem_alloc : memref<!tpu.dma_semaphore, #tpu.memory_space<semaphore_mem>>
        %dma_start3A_267 = arith.constant 0 : i32
        %dma_start3A_268 = tpu.memref_slice %arg6[%run_scoped3A_263, %dma_start3A_267] : memref<40x256xi32, #tpu.memory_space<vmem>> -> memref<1x256xi32, #tpu.memory_space<vmem>>
        %dma_start3A_269 = tpu.memref_squeeze %dma_start3A_268 : memref<1x256xi32, #tpu.memory_space<vmem>> -> memref<256xi32, #tpu.memory_space<vmem>>
        %dma_start3A_270 = arith.constant 0 : i32
        %dma_start3A_271 = arith.constant 0 : i32
        %dma_start3A_272 = tpu.memref_slice %arg15[%dma_start3A_270, %dma_start3A_271] : memref<10112x32xf32, #tpu.memory_space<vmem_shared>> -> memref<10112x32xf32, #tpu.memory_space<vmem_shared>>
        tpu.enqueue_indirect_dma source(%arg7 : memref<256x32xf32, #tpu.memory_space<vmem>>) target(%dma_start3A_272 : memref<10112x32xf32, #tpu.memory_space<vmem_shared>>) offsets(%dma_start3A_269 : memref<256xi32, #tpu.memory_space<vmem>>) semaphore(%run_scoped3A_266 : memref<!tpu.dma_semaphore, #tpu.memory_space<semaphore_mem>>) {add = true}
        %dma_wait3A_273 = arith.constant 0 : i32
        %dma_wait3A_274 = tpu.memref_slice %arg6[%run_scoped3A_263, %dma_wait3A_273] : memref<40x256xi32, #tpu.memory_space<vmem>> -> memref<1x256xi32, #tpu.memory_space<vmem>>
        %dma_wait3A_275 = tpu.memref_squeeze %dma_wait3A_274 : memref<1x256xi32, #tpu.memory_space<vmem>> -> memref<256xi32, #tpu.memory_space<vmem>>
        %dma_wait3A_276 = arith.constant 0 : i32
        %dma_wait3A_277 = arith.constant 0 : i32
        %dma_wait3A_278 = tpu.memref_slice %arg15[%dma_wait3A_276, %dma_wait3A_277] : memref<10112x32xf32, #tpu.memory_space<vmem_shared>> -> memref<10112x32xf32, #tpu.memory_space<vmem_shared>>
        tpu.wait_indirect_dma semaphore(%run_scoped3A_266 : memref<!tpu.dma_semaphore, #tpu.memory_space<semaphore_mem>>) src(%arg7 : memref<256x32xf32, #tpu.memory_space<vmem>>) dst(%dma_wait3A_278 : memref<10112x32xf32, #tpu.memory_space<vmem_shared>>)
        tpu.yield
      }) : () -> ()
      %run_scoped3A_264 = arith.constant 9 : i32
      "tpu.region"() ({
        %run_scoped3A_266 = tpu.sem_alloc : memref<!tpu.dma_semaphore, #tpu.memory_space<semaphore_mem>>
        %dma_start3A_267 = arith.constant 0 : i32
        %dma_start3A_268 = tpu.memref_slice %arg5[%run_scoped3A_264, %dma_start3A_267] : memref<40x256xi32, #tpu.memory_space<vmem>> -> memref<1x256xi32, #tpu.memory_space<vmem>>
        %dma_start3A_269 = tpu.memref_squeeze %dma_start3A_268 : memref<1x256xi32, #tpu.memory_space<vmem>> -> memref<256xi32, #tpu.memory_space<vmem>>
        %dma_start3A_270 = arith.constant 0 : i32
        %dma_start3A_271 = arith.constant 0 : i32
        %dma_start3A_272 = tpu.memref_slice %arg16[%dma_start3A_270, %dma_start3A_271] : memref<10112x32xf32, #tpu.memory_space<vmem_shared>> -> memref<10112x32xf32, #tpu.memory_space<vmem_shared>>
        tpu.enqueue_indirect_dma source(%dma_start3A_272 : memref<10112x32xf32, #tpu.memory_space<vmem_shared>>) target(%arg8 : memref<256x32xf32, #tpu.memory_space<vmem>>) offsets(%dma_start3A_269 : memref<256xi32, #tpu.memory_space<vmem>>) semaphore(%run_scoped3A_266 : memref<!tpu.dma_semaphore, #tpu.memory_space<semaphore_mem>>)
        %dma_wait3A_273 = arith.constant 0 : i32
        %dma_wait3A_274 = tpu.memref_slice %arg5[%run_scoped3A_264, %dma_wait3A_273] : memref<40x256xi32, #tpu.memory_space<vmem>> -> memref<1x256xi32, #tpu.memory_space<vmem>>
        %dma_wait3A_275 = tpu.memref_squeeze %dma_wait3A_274 : memref<1x256xi32, #tpu.memory_space<vmem>> -> memref<256xi32, #tpu.memory_space<vmem>>
        %dma_wait3A_276 = arith.constant 0 : i32
        %dma_wait3A_277 = arith.constant 0 : i32
        %dma_wait3A_278 = tpu.memref_slice %arg16[%dma_wait3A_276, %dma_wait3A_277] : memref<10112x32xf32, #tpu.memory_space<vmem_shared>> -> memref<10112x32xf32, #tpu.memory_space<vmem_shared>>
        tpu.wait_indirect_dma semaphore(%run_scoped3A_266 : memref<!tpu.dma_semaphore, #tpu.memory_space<semaphore_mem>>) src(%dma_wait3A_278 : memref<10112x32xf32, #tpu.memory_space<vmem_shared>>) dst(%arg8 : memref<256x32xf32, #tpu.memory_space<vmem>>)
        tpu.yield
      }) : () -> ()
      %run_scoped3A_265 = arith.constant 9 : i32
      "tpu.region"() ({
        %run_scoped3A_266 = tpu.sem_alloc : memref<!tpu.dma_semaphore, #tpu.memory_space<semaphore_mem>>
        %dma_start3A_267 = arith.constant 0 : i32
        %dma_start3A_268 = tpu.memref_slice %arg6[%run_scoped3A_265, %dma_start3A_267] : memref<40x256xi32, #tpu.memory_space<vmem>> -> memref<1x256xi32, #tpu.memory_space<vmem>>
        %dma_start3A_269 = tpu.memref_squeeze %dma_start3A_268 : memref<1x256xi32, #tpu.memory_space<vmem>> -> memref<256xi32, #tpu.memory_space<vmem>>
        %dma_start3A_270 = arith.constant 0 : i32
        %dma_start3A_271 = arith.constant 0 : i32
        %dma_start3A_272 = tpu.memref_slice %arg15[%dma_start3A_270, %dma_start3A_271] : memref<10112x32xf32, #tpu.memory_space<vmem_shared>> -> memref<10112x32xf32, #tpu.memory_space<vmem_shared>>
        tpu.enqueue_indirect_dma source(%arg8 : memref<256x32xf32, #tpu.memory_space<vmem>>) target(%dma_start3A_272 : memref<10112x32xf32, #tpu.memory_space<vmem_shared>>) offsets(%dma_start3A_269 : memref<256xi32, #tpu.memory_space<vmem>>) semaphore(%run_scoped3A_266 : memref<!tpu.dma_semaphore, #tpu.memory_space<semaphore_mem>>) {add = true}
        %dma_wait3A_273 = arith.constant 0 : i32
        %dma_wait3A_274 = tpu.memref_slice %arg6[%run_scoped3A_265, %dma_wait3A_273] : memref<40x256xi32, #tpu.memory_space<vmem>> -> memref<1x256xi32, #tpu.memory_space<vmem>>
        %dma_wait3A_275 = tpu.memref_squeeze %dma_wait3A_274 : memref<1x256xi32, #tpu.memory_space<vmem>> -> memref<256xi32, #tpu.memory_space<vmem>>
        %dma_wait3A_276 = arith.constant 0 : i32
        %dma_wait3A_277 = arith.constant 0 : i32
        %dma_wait3A_278 = tpu.memref_slice %arg15[%dma_wait3A_276, %dma_wait3A_277] : memref<10112x32xf32, #tpu.memory_space<vmem_shared>> -> memref<10112x32xf32, #tpu.memory_space<vmem_shared>>
        tpu.wait_indirect_dma semaphore(%run_scoped3A_266 : memref<!tpu.dma_semaphore, #tpu.memory_space<semaphore_mem>>) src(%arg8 : memref<256x32xf32, #tpu.memory_space<vmem>>) dst(%dma_wait3A_278 : memref<10112x32xf32, #tpu.memory_space<vmem_shared>>)
        tpu.yield
      }) : () -> ()
    } else {
    }
    %barrier3A_258 = arith.constant 0 : index
    tpu.barrier barrier_id(%barrier3A_258)
    %mul3A_259 = arith.constant 632 : i32
    %mul3A_260 = arith.muli %arg1, %mul3A_259 : i32
    %mul3A_261 = arith.constant 632 : i32
    %mul3A_262 = arith.muli %arg1, %mul3A_261 : i32
    "tpu.region"() ({
      %run_scoped3A = tpu.sem_alloc : memref<!tpu.dma_semaphore, #tpu.memory_space<semaphore_mem>>
      %dma_start3A_263 = arith.constant 0 : i32
      %dma_start3A_264 = arith.constant 0 : i32
      %dma_start3A_265 = tpu.memref_slice %arg4[%arg0, %dma_start3A_263, %dma_start3A_264] : memref<2x10112x32xf32, #tpu.memory_space<hbm>> -> memref<1x10112x32xf32, #tpu.memory_space<hbm>>
      %dma_start3A_266 = tpu.memref_squeeze %dma_start3A_265 : memref<1x10112x32xf32, #tpu.memory_space<hbm>> -> memref<10112x32xf32, #tpu.memory_space<hbm>>
      %dma_start3A_267 = arith.constant 0 : i32
      %dma_start3A_268 = tpu.memref_slice %dma_start3A_266[%mul3A_262, %dma_start3A_267] : memref<10112x32xf32, #tpu.memory_space<hbm>> -> memref<632x32xf32, #tpu.memory_space<hbm>>
      %dma_start3A_269 = arith.constant 0 : i32
      %dma_start3A_270 = tpu.memref_slice %arg15[%mul3A_260, %dma_start3A_269] : memref<10112x32xf32, #tpu.memory_space<vmem_shared>> -> memref<632x32xf32, #tpu.memory_space<vmem_shared>>
      tpu.enqueue_dma source(%dma_start3A_270 : memref<632x32xf32, #tpu.memory_space<vmem_shared>>) target(%dma_start3A_268 : memref<632x32xf32, #tpu.memory_space<hbm>>) target_semaphore(%run_scoped3A : memref<!tpu.dma_semaphore, #tpu.memory_space<semaphore_mem>>)
      %dma_wait3A_271 = arith.constant 0 : i32
      %dma_wait3A_272 = arith.constant 0 : i32
      %dma_wait3A_273 = tpu.memref_slice %arg4[%arg0, %dma_wait3A_271, %dma_wait3A_272] : memref<2x10112x32xf32, #tpu.memory_space<hbm>> -> memref<1x10112x32xf32, #tpu.memory_space<hbm>>
      %dma_wait3A_274 = tpu.memref_squeeze %dma_wait3A_273 : memref<1x10112x32xf32, #tpu.memory_space<hbm>> -> memref<10112x32xf32, #tpu.memory_space<hbm>>
      %dma_wait3A_275 = arith.constant 0 : i32
      %dma_wait3A_276 = tpu.memref_slice %dma_wait3A_274[%mul3A_262, %dma_wait3A_275] : memref<10112x32xf32, #tpu.memory_space<hbm>> -> memref<632x32xf32, #tpu.memory_space<hbm>>
      %dma_wait3A_277 = arith.constant 0 : i32
      %dma_wait3A_278 = tpu.memref_slice %arg15[%mul3A_260, %dma_wait3A_277] : memref<10112x32xf32, #tpu.memory_space<vmem_shared>> -> memref<632x32xf32, #tpu.memory_space<vmem_shared>>
      tpu.wait_dma2 semaphore(%run_scoped3A : memref<!tpu.dma_semaphore, #tpu.memory_space<semaphore_mem>>) src(%dma_wait3A_278 : memref<632x32xf32, #tpu.memory_space<vmem_shared>>) dst(%dma_wait3A_276 : memref<632x32xf32, #tpu.memory_space<hbm>>)
      tpu.yield
    }) : () -> ()
    return
  }
}

module attributes {stable_mosaic.version = 14 : i64} {
  func.func @_proj_body(%arg0: i32, %arg1: memref<2000x128xf32, #tpu.memory_space<vmem>>, %arg2: memref<128x32xf32, #tpu.memory_space<vmem>>, %arg3: memref<2000x32xf32, #tpu.memory_space<vmem>>) attributes {dimension_semantics = [#tpu.dimension_semantics<arbitrary>], iteration_bounds = array<i64: 6>, scalar_prefetch = 0 : i64, scratch_operands = 0 : i64, tpu.core_type = #tpu.core_type<tc>, window_params = [{transform_indices = @transform_0, window_bounds = array<i64: 2000, 128>}, {pipeline_mode = #tpu.pipeline_mode<synchronous>, transform_indices = @transform_1, window_bounds = array<i64: 128, 32>}, {transform_indices = @transform_2, window_bounds = array<i64: 2000, 32>}]} {
    %get3A = arith.constant 0 : index
    %get3A_0 = arith.constant 0 : index
    %get3A_1 = vector.load %arg1[%get3A, %get3A_0] : memref<2000x128xf32, #tpu.memory_space<vmem>>, vector<2000x128xf32>
    %get3A_2 = arith.constant 0 : index
    %get3A_3 = arith.constant 0 : index
    %get3A_4 = vector.load %arg2[%get3A_2, %get3A_3] : memref<128x32xf32, #tpu.memory_space<vmem>>, vector<128x32xf32>
    %dot_general3A = arith.constant dense<0.000000e+00> : vector<2000x32xf32>
    %dot_general3A_5 = tpu.matmul %get3A_1, %get3A_4, %dot_general3A {dimension_numbers = #tpu.dot_dimension_numbers<[1], [0], [0], [1], [0, 0, 1, 1], [], []>, transpose_lhs_hint = false} : vector<2000x128xf32>, vector<128x32xf32>, vector<2000x32xf32> -> vector<2000x32xf32>
    %swap3A = arith.constant 0 : index
    %swap3A_6 = arith.constant 0 : index
    %swap3A_7 = vector.load %arg3[%swap3A, %swap3A_6] : memref<2000x32xf32, #tpu.memory_space<vmem>>, vector<2000x32xf32>
    tpu.vector_store %arg3[%swap3A, %swap3A_6], %dot_general3A_5 {strides = array<i32>} : memref<2000x32xf32, #tpu.memory_space<vmem>>, vector<2000x32xf32>,
    return
  }
  func.func @transform_0(%arg0: i32) -> (i32, i32) {
    %c0_i32 = arith.constant 0 : i32
    %c0_i32_0 = arith.constant 0 : i32
    return %arg0, %c0_i32 : i32, i32
  }
  func.func @transform_1(%arg0: i32) -> (i32, i32) {
    %c0_i32 = arith.constant 0 : i32
    %c0_i32_0 = arith.constant 0 : i32
    %c0_i32_1 = arith.constant 0 : i32
    return %c0_i32, %c0_i32_0 : i32, i32
  }
  func.func @transform_2(%arg0: i32) -> (i32, i32) {
    %c0_i32 = arith.constant 0 : i32
    %c0_i32_0 = arith.constant 0 : i32
    return %arg0, %c0_i32 : i32, i32
  }
}

module attributes {stable_mosaic.version = 14 : i64} {
  func.func @_mid_body(%arg0: i32, %arg1: memref<2000x32xf32, #tpu.memory_space<vmem>>, %arg2: memref<1x2000x32xf32, #tpu.memory_space<vmem>>, %arg3: memref<1x2000x32xf32, #tpu.memory_space<vmem>>, %arg4: memref<32x32xf32, #tpu.memory_space<vmem>>, %arg5: memref<32x32xf32, #tpu.memory_space<vmem>>, %arg6: memref<4x32xf32, #tpu.memory_space<vmem>>, %arg7: memref<2000x32xf32, #tpu.memory_space<vmem>>) attributes {dimension_semantics = [#tpu.dimension_semantics<arbitrary>], iteration_bounds = array<i64: 6>, scalar_prefetch = 0 : i64, scratch_operands = 0 : i64, tpu.core_type = #tpu.core_type<tc>, window_params = [{transform_indices = @transform_0, window_bounds = array<i64: 2000, 32>}, {transform_indices = @transform_1, window_bounds = array<i64: 1, 2000, 32>}, {transform_indices = @transform_2, window_bounds = array<i64: 1, 2000, 32>}, {pipeline_mode = #tpu.pipeline_mode<synchronous>, transform_indices = @transform_3, window_bounds = array<i64: 32, 32>}, {pipeline_mode = #tpu.pipeline_mode<synchronous>, transform_indices = @transform_4, window_bounds = array<i64: 32, 32>}, {pipeline_mode = #tpu.pipeline_mode<synchronous>, transform_indices = @transform_5, window_bounds = array<i64: 4, 32>}, {transform_indices = @transform_6, window_bounds = array<i64: 2000, 32>}]} {
    %get3A = arith.constant 0 : index
    %get3A_0 = arith.constant 0 : index
    %get3A_1 = vector.load %arg6[%get3A, %get3A_0] : memref<4x32xf32, #tpu.memory_space<vmem>>, vector<1x32xf32>
    %get3A_2 = vector.shape_cast %get3A_1 : vector<1x32xf32> to vector<32xf32>
    %get3A_3 = arith.constant 1 : index
    %get3A_4 = arith.constant 0 : index
    %get3A_5 = vector.load %arg6[%get3A_3, %get3A_4] : memref<4x32xf32, #tpu.memory_space<vmem>>, vector<1x32xf32>
    %get3A_6 = vector.shape_cast %get3A_5 : vector<1x32xf32> to vector<32xf32>
    %get3A_7 = arith.constant 2 : index
    %get3A_8 = arith.constant 0 : index
    %get3A_9 = vector.load %arg6[%get3A_7, %get3A_8] : memref<4x32xf32, #tpu.memory_space<vmem>>, vector<1x32xf32>
    %get3A_10 = vector.shape_cast %get3A_9 : vector<1x32xf32> to vector<32xf32>
    %get3A_11 = arith.constant 3 : index
    %get3A_12 = arith.constant 0 : index
    %get3A_13 = vector.load %arg6[%get3A_11, %get3A_12] : memref<4x32xf32, #tpu.memory_space<vmem>>, vector<1x32xf32>
    %get3A_14 = vector.shape_cast %get3A_13 : vector<1x32xf32> to vector<32xf32>
    %get3A_15 = arith.constant 0 : index
    %get3A_16 = arith.constant 0 : index
    %get3A_17 = vector.load %arg1[%get3A_15, %get3A_16] : memref<2000x32xf32, #tpu.memory_space<vmem>>, vector<2000x32xf32>
    %get3A_18 = arith.constant 0 : index
    %get3A_19 = arith.constant 0 : index
    %get3A_20 = arith.constant 0 : index
    %get3A_21 = vector.load %arg2[%get3A_18, %get3A_19, %get3A_20] : memref<1x2000x32xf32, #tpu.memory_space<vmem>>, vector<1x2000x32xf32>
    %get3A_22 = vector.shape_cast %get3A_21 : vector<1x2000x32xf32> to vector<2000x32xf32>
    %add3A = arith.addf %get3A_17, %get3A_22 : vector<2000x32xf32>
    %get3A_23 = arith.constant 0 : index
    %get3A_24 = arith.constant 0 : index
    %get3A_25 = arith.constant 0 : index
    %get3A_26 = vector.load %arg3[%get3A_23, %get3A_24, %get3A_25] : memref<1x2000x32xf32, #tpu.memory_space<vmem>>, vector<1x2000x32xf32>
    %get3A_27 = vector.shape_cast %get3A_26 : vector<1x2000x32xf32> to vector<2000x32xf32>
    %add3A_28 = arith.addf %add3A, %get3A_27 : vector<2000x32xf32>
    %broadcast_in_dim3A = vector.shape_cast %get3A_2 : vector<32xf32> to vector<1x32xf32>
    %add3A_29 = vector.broadcast %broadcast_in_dim3A : vector<1x32xf32> to vector<2000x32xf32>
    %add3A_30 = arith.addf %add3A_28, %add3A_29 : vector<2000x32xf32>
    %max3A = arith.constant 0.000000e+00 : f32
    %max3A_31 = vector.broadcast %max3A : f32 to vector<2000x32xf32>
    %max3A_32 = arith.maximumf %add3A_30, %max3A_31 : vector<2000x32xf32>
    %get3A_33 = arith.constant 0 : index
    %get3A_34 = arith.constant 0 : index
    %get3A_35 = vector.load %arg4[%get3A_33, %get3A_34] : memref<32x32xf32, #tpu.memory_space<vmem>>, vector<32x32xf32>
    %dot_general3A = arith.constant dense<0.000000e+00> : vector<2000x32xf32>
    %dot_general3A_36 = tpu.matmul %max3A_32, %get3A_35, %dot_general3A {dimension_numbers = #tpu.dot_dimension_numbers<[1], [0], [0], [1], [0, 0, 1, 1], [], []>, transpose_lhs_hint = false} : vector<2000x32xf32>, vector<32x32xf32>, vector<2000x32xf32> -> vector<2000x32xf32>
    %broadcast_in_dim3A_37 = vector.shape_cast %get3A_6 : vector<32xf32> to vector<1x32xf32>
    %add3A_38 = vector.broadcast %broadcast_in_dim3A_37 : vector<1x32xf32> to vector<2000x32xf32>
    %add3A_39 = arith.addf %dot_general3A_36, %add3A_38 : vector<2000x32xf32>
    %max3A_40 = arith.constant 0.000000e+00 : f32
    %max3A_41 = vector.broadcast %max3A_40 : f32 to vector<2000x32xf32>
    %max3A_42 = arith.maximumf %add3A_39, %max3A_41 : vector<2000x32xf32>
    %broadcast_in_dim3A_43 = vector.shape_cast %get3A_10 : vector<32xf32> to vector<1x32xf32>
    %mul3A = vector.broadcast %broadcast_in_dim3A_43 : vector<1x32xf32> to vector<2000x32xf32>
    %mul3A_44 = arith.mulf %max3A_42, %mul3A : vector<2000x32xf32>
    %broadcast_in_dim3A_45 = vector.shape_cast %get3A_14 : vector<32xf32> to vector<1x32xf32>
    %add3A_46 = vector.broadcast %broadcast_in_dim3A_45 : vector<1x32xf32> to vector<2000x32xf32>
    %add3A_47 = arith.addf %mul3A_44, %add3A_46 : vector<2000x32xf32>
    %get3A_48 = arith.constant 0 : index
    %get3A_49 = arith.constant 0 : index
    %get3A_50 = vector.load %arg5[%get3A_48, %get3A_49] : memref<32x32xf32, #tpu.memory_space<vmem>>, vector<32x32xf32>
    %dot_general3A_51 = arith.constant dense<0.000000e+00> : vector<2000x32xf32>
    %dot_general3A_52 = tpu.matmul %add3A_47, %get3A_50, %dot_general3A_51 {dimension_numbers = #tpu.dot_dimension_numbers<[1], [0], [0], [1], [0, 0, 1, 1], [], []>, transpose_lhs_hint = false} : vector<2000x32xf32>, vector<32x32xf32>, vector<2000x32xf32> -> vector<2000x32xf32>
    %swap3A = arith.constant 0 : index
    %swap3A_53 = arith.constant 0 : index
    %swap3A_54 = vector.load %arg7[%swap3A, %swap3A_53] : memref<2000x32xf32, #tpu.memory_space<vmem>>, vector<2000x32xf32>
    tpu.vector_store %arg7[%swap3A, %swap3A_53], %dot_general3A_52 {strides = array<i32>} : memref<2000x32xf32, #tpu.memory_space<vmem>>, vector<2000x32xf32>,
    return
  }
  func.func @transform_0(%arg0: i32) -> (i32, i32) {
    %c0_i32 = arith.constant 0 : i32
    %c0_i32_0 = arith.constant 0 : i32
    return %arg0, %c0_i32 : i32, i32
  }
  func.func @transform_1(%arg0: i32) -> (i32, i32, i32) {
    %c0_i32 = arith.constant 0 : i32
    %c0_i32_0 = arith.constant 0 : i32
    %c0_i32_1 = arith.constant 0 : i32
    return %c0_i32, %arg0, %c0_i32_0 : i32, i32, i32
  }
  func.func @transform_2(%arg0: i32) -> (i32, i32, i32) {
    %c1_i32 = arith.constant 1 : i32
    %c0_i32 = arith.constant 0 : i32
    %c0_i32_0 = arith.constant 0 : i32
    return %c1_i32, %arg0, %c0_i32 : i32, i32, i32
  }
  func.func @transform_3(%arg0: i32) -> (i32, i32) {
    %c0_i32 = arith.constant 0 : i32
    %c0_i32_0 = arith.constant 0 : i32
    %c0_i32_1 = arith.constant 0 : i32
    return %c0_i32, %c0_i32_0 : i32, i32
  }
  func.func @transform_4(%arg0: i32) -> (i32, i32) {
    %c0_i32 = arith.constant 0 : i32
    %c0_i32_0 = arith.constant 0 : i32
    %c0_i32_1 = arith.constant 0 : i32
    return %c0_i32, %c0_i32_0 : i32, i32
  }
  func.func @transform_5(%arg0: i32) -> (i32, i32) {
    %c0_i32 = arith.constant 0 : i32
    %c0_i32_0 = arith.constant 0 : i32
    %c0_i32_1 = arith.constant 0 : i32
    return %c0_i32, %c0_i32_0 : i32, i32
  }
  func.func @transform_6(%arg0: i32) -> (i32, i32) {
    %c0_i32 = arith.constant 0 : i32
    %c0_i32_0 = arith.constant 0 : i32
    return %arg0, %c0_i32 : i32, i32
  }
}

module attributes {stable_mosaic.version = 14 : i64} {
  func.func @_final_body(%arg0: i32, %arg1: memref<2000x32xf32, #tpu.memory_space<vmem>>, %arg2: memref<1x2000x32xf32, #tpu.memory_space<vmem>>, %arg3: memref<1x2000x32xf32, #tpu.memory_space<vmem>>, %arg4: memref<32x32xf32, #tpu.memory_space<vmem>>, %arg5: memref<32x32xf32, #tpu.memory_space<vmem>>, %arg6: memref<32x40xf32, #tpu.memory_space<vmem>>, %arg7: memref<5x32xf32, #tpu.memory_space<vmem>>, %arg8: memref<1x40xf32, #tpu.memory_space<vmem>>, %arg9: memref<2000x40xf32, #tpu.memory_space<vmem>>) attributes {dimension_semantics = [#tpu.dimension_semantics<arbitrary>], iteration_bounds = array<i64: 5>, scalar_prefetch = 0 : i64, scratch_operands = 0 : i64, tpu.core_type = #tpu.core_type<tc>, window_params = [{transform_indices = @transform_0, window_bounds = array<i64: 2000, 32>}, {transform_indices = @transform_1, window_bounds = array<i64: 1, 2000, 32>}, {transform_indices = @transform_2, window_bounds = array<i64: 1, 2000, 32>}, {pipeline_mode = #tpu.pipeline_mode<synchronous>, transform_indices = @transform_3, window_bounds = array<i64: 32, 32>}, {pipeline_mode = #tpu.pipeline_mode<synchronous>, transform_indices = @transform_4, window_bounds = array<i64: 32, 32>}, {pipeline_mode = #tpu.pipeline_mode<synchronous>, transform_indices = @transform_5, window_bounds = array<i64: 32, 40>}, {pipeline_mode = #tpu.pipeline_mode<synchronous>, transform_indices = @transform_6, window_bounds = array<i64: 5, 32>}, {pipeline_mode = #tpu.pipeline_mode<synchronous>, transform_indices = @transform_7, window_bounds = array<i64: 1, 40>}, {transform_indices = @transform_8, window_bounds = array<i64: 2000, 40>}]} {
    %get3A = arith.constant 0 : index
    %get3A_0 = arith.constant 0 : index
    %get3A_1 = vector.load %arg7[%get3A, %get3A_0] : memref<5x32xf32, #tpu.memory_space<vmem>>, vector<1x32xf32>
    %get3A_2 = vector.shape_cast %get3A_1 : vector<1x32xf32> to vector<32xf32>
    %get3A_3 = arith.constant 1 : index
    %get3A_4 = arith.constant 0 : index
    %get3A_5 = vector.load %arg7[%get3A_3, %get3A_4] : memref<5x32xf32, #tpu.memory_space<vmem>>, vector<1x32xf32>
    %get3A_6 = vector.shape_cast %get3A_5 : vector<1x32xf32> to vector<32xf32>
    %get3A_7 = arith.constant 2 : index
    %get3A_8 = arith.constant 0 : index
    %get3A_9 = vector.load %arg7[%get3A_7, %get3A_8] : memref<5x32xf32, #tpu.memory_space<vmem>>, vector<1x32xf32>
    %get3A_10 = vector.shape_cast %get3A_9 : vector<1x32xf32> to vector<32xf32>
    %get3A_11 = arith.constant 3 : index
    %get3A_12 = arith.constant 0 : index
    %get3A_13 = vector.load %arg7[%get3A_11, %get3A_12] : memref<5x32xf32, #tpu.memory_space<vmem>>, vector<1x32xf32>
    %get3A_14 = vector.shape_cast %get3A_13 : vector<1x32xf32> to vector<32xf32>
    %get3A_15 = arith.constant 4 : index
    %get3A_16 = arith.constant 0 : index
    %get3A_17 = vector.load %arg7[%get3A_15, %get3A_16] : memref<5x32xf32, #tpu.memory_space<vmem>>, vector<1x32xf32>
    %get3A_18 = vector.shape_cast %get3A_17 : vector<1x32xf32> to vector<32xf32>
    %get3A_19 = arith.constant 0 : index
    %get3A_20 = arith.constant 0 : index
    %get3A_21 = vector.load %arg1[%get3A_19, %get3A_20] : memref<2000x32xf32, #tpu.memory_space<vmem>>, vector<2000x32xf32>
    %get3A_22 = arith.constant 0 : index
    %get3A_23 = arith.constant 0 : index
    %get3A_24 = arith.constant 0 : index
    %get3A_25 = vector.load %arg2[%get3A_22, %get3A_23, %get3A_24] : memref<1x2000x32xf32, #tpu.memory_space<vmem>>, vector<1x2000x32xf32>
    %get3A_26 = vector.shape_cast %get3A_25 : vector<1x2000x32xf32> to vector<2000x32xf32>
    %add3A = arith.addf %get3A_21, %get3A_26 : vector<2000x32xf32>
    %get3A_27 = arith.constant 0 : index
    %get3A_28 = arith.constant 0 : index
    %get3A_29 = arith.constant 0 : index
    %get3A_30 = vector.load %arg3[%get3A_27, %get3A_28, %get3A_29] : memref<1x2000x32xf32, #tpu.memory_space<vmem>>, vector<1x2000x32xf32>
    %get3A_31 = vector.shape_cast %get3A_30 : vector<1x2000x32xf32> to vector<2000x32xf32>
    %add3A_32 = arith.addf %add3A, %get3A_31 : vector<2000x32xf32>
    %broadcast_in_dim3A = vector.shape_cast %get3A_2 : vector<32xf32> to vector<1x32xf32>
    %add3A_33 = vector.broadcast %broadcast_in_dim3A : vector<1x32xf32> to vector<2000x32xf32>
    %add3A_34 = arith.addf %add3A_32, %add3A_33 : vector<2000x32xf32>
    %max3A = arith.constant 0.000000e+00 : f32
    %max3A_35 = vector.broadcast %max3A : f32 to vector<2000x32xf32>
    %max3A_36 = arith.maximumf %add3A_34, %max3A_35 : vector<2000x32xf32>
    %get3A_37 = arith.constant 0 : index
    %get3A_38 = arith.constant 0 : index
    %get3A_39 = vector.load %arg4[%get3A_37, %get3A_38] : memref<32x32xf32, #tpu.memory_space<vmem>>, vector<32x32xf32>
    %dot_general3A = arith.constant dense<0.000000e+00> : vector<2000x32xf32>
    %dot_general3A_40 = tpu.matmul %max3A_36, %get3A_39, %dot_general3A {dimension_numbers = #tpu.dot_dimension_numbers<[1], [0], [0], [1], [0, 0, 1, 1], [], []>, transpose_lhs_hint = false} : vector<2000x32xf32>, vector<32x32xf32>, vector<2000x32xf32> -> vector<2000x32xf32>
    %broadcast_in_dim3A_41 = vector.shape_cast %get3A_6 : vector<32xf32> to vector<1x32xf32>
    %add3A_42 = vector.broadcast %broadcast_in_dim3A_41 : vector<1x32xf32> to vector<2000x32xf32>
    %add3A_43 = arith.addf %dot_general3A_40, %add3A_42 : vector<2000x32xf32>
    %broadcast_in_dim3A_44 = vector.shape_cast %get3A_10 : vector<32xf32> to vector<1x32xf32>
    %mul3A = vector.broadcast %broadcast_in_dim3A_44 : vector<1x32xf32> to vector<2000x32xf32>
    %mul3A_45 = arith.mulf %add3A_43, %mul3A : vector<2000x32xf32>
    %broadcast_in_dim3A_46 = vector.shape_cast %get3A_14 : vector<32xf32> to vector<1x32xf32>
    %add3A_47 = vector.broadcast %broadcast_in_dim3A_46 : vector<1x32xf32> to vector<2000x32xf32>
    %add3A_48 = arith.addf %mul3A_45, %add3A_47 : vector<2000x32xf32>
    %get3A_49 = arith.constant 0 : index
    %get3A_50 = arith.constant 0 : index
    %get3A_51 = vector.load %arg5[%get3A_49, %get3A_50] : memref<32x32xf32, #tpu.memory_space<vmem>>, vector<32x32xf32>
    %dot_general3A_52 = arith.constant dense<0.000000e+00> : vector<2000x32xf32>
    %dot_general3A_53 = tpu.matmul %add3A_48, %get3A_51, %dot_general3A_52 {dimension_numbers = #tpu.dot_dimension_numbers<[1], [0], [0], [1], [0, 0, 1, 1], [], []>, transpose_lhs_hint = false} : vector<2000x32xf32>, vector<32x32xf32>, vector<2000x32xf32> -> vector<2000x32xf32>
    %broadcast_in_dim3A_54 = vector.shape_cast %get3A_18 : vector<32xf32> to vector<1x32xf32>
    %add3A_55 = vector.broadcast %broadcast_in_dim3A_54 : vector<1x32xf32> to vector<2000x32xf32>
    %add3A_56 = arith.addf %dot_general3A_53, %add3A_55 : vector<2000x32xf32>
    %max3A_57 = arith.constant 0.000000e+00 : f32
    %max3A_58 = vector.broadcast %max3A_57 : f32 to vector<2000x32xf32>
    %max3A_59 = arith.maximumf %add3A_56, %max3A_58 : vector<2000x32xf32>
    %get3A_60 = arith.constant 0 : index
    %get3A_61 = arith.constant 0 : index
    %get3A_62 = vector.load %arg6[%get3A_60, %get3A_61] : memref<32x40xf32, #tpu.memory_space<vmem>>, vector<32x40xf32>
    %dot_general3A_63 = arith.constant dense<0.000000e+00> : vector<2000x40xf32>
    %dot_general3A_64 = tpu.matmul %max3A_59, %get3A_62, %dot_general3A_63 {dimension_numbers = #tpu.dot_dimension_numbers<[1], [0], [0], [1], [0, 0, 1, 1], [], []>, transpose_lhs_hint = false} : vector<2000x32xf32>, vector<32x40xf32>, vector<2000x40xf32> -> vector<2000x40xf32>
    %get3A_65 = arith.constant 0 : index
    %get3A_66 = arith.constant 0 : index
    %get3A_67 = vector.load %arg8[%get3A_65, %get3A_66] : memref<1x40xf32, #tpu.memory_space<vmem>>, vector<1x40xf32>
    %get3A_68 = vector.shape_cast %get3A_67 : vector<1x40xf32> to vector<40xf32>
    %broadcast_in_dim3A_69 = vector.shape_cast %get3A_68 : vector<40xf32> to vector<1x40xf32>
    %add3A_70 = vector.broadcast %broadcast_in_dim3A_69 : vector<1x40xf32> to vector<2000x40xf32>
    %add3A_71 = arith.addf %dot_general3A_64, %add3A_70 : vector<2000x40xf32>
    %reduce_max3A = arith.constant dense<0xFF800000> : vector<2000xf32>
    %reduce_max3A_72 = vector.multi_reduction <maximumf>, %add3A_71, %reduce_max3A [1] : vector<2000x40xf32> to vector<2000xf32>
    %broadcast_in_dim3A_73 = vector.shape_cast %reduce_max3A_72 : vector<2000xf32> to vector<2000x1xf32>
    %sub3A = vector.broadcast %broadcast_in_dim3A_73 : vector<2000x1xf32> to vector<2000x40xf32>
    %sub3A_74 = arith.subf %add3A_71, %sub3A : vector<2000x40xf32>
    %exp3A = math.exp %sub3A_74 : vector<2000x40xf32>
    %reduce_sum3A = arith.constant dense<0.000000e+00> : vector<2000xf32>
    %reduce_sum3A_75 = vector.multi_reduction <add>, %exp3A, %reduce_sum3A [1] : vector<2000x40xf32> to vector<2000xf32>
    %broadcast_in_dim3A_76 = vector.shape_cast %reduce_sum3A_75 : vector<2000xf32> to vector<2000x1xf32>
    %log3A = math.log %broadcast_in_dim3A_76 : vector<2000x1xf32>
    %add3A_77 = arith.addf %broadcast_in_dim3A_73, %log3A : vector<2000x1xf32>
    %sub3A_78 = vector.broadcast %add3A_77 : vector<2000x1xf32> to vector<2000x40xf32>
    %sub3A_79 = arith.subf %add3A_71, %sub3A_78 : vector<2000x40xf32>
    %swap3A = arith.constant 0 : index
    %swap3A_80 = arith.constant 0 : index
    %swap3A_81 = vector.load %arg9[%swap3A, %swap3A_80] : memref<2000x40xf32, #tpu.memory_space<vmem>>, vector<2000x40xf32>
    tpu.vector_store %arg9[%swap3A, %swap3A_80], %sub3A_79 {strides = array<i32>} : memref<2000x40xf32, #tpu.memory_space<vmem>>, vector<2000x40xf32>,
    return
  }
  func.func @transform_0(%arg0: i32) -> (i32, i32) {
    %c0_i32 = arith.constant 0 : i32
    %c0_i32_0 = arith.constant 0 : i32
    return %arg0, %c0_i32 : i32, i32
  }
  func.func @transform_1(%arg0: i32) -> (i32, i32, i32) {
    %c0_i32 = arith.constant 0 : i32
    %c0_i32_0 = arith.constant 0 : i32
    %c0_i32_1 = arith.constant 0 : i32
    return %c0_i32, %arg0, %c0_i32_0 : i32, i32, i32
  }
  func.func @transform_2(%arg0: i32) -> (i32, i32, i32) {
    %c1_i32 = arith.constant 1 : i32
    %c0_i32 = arith.constant 0 : i32
    %c0_i32_0 = arith.constant 0 : i32
    return %c1_i32, %arg0, %c0_i32 : i32, i32, i32
  }
  func.func @transform_3(%arg0: i32) -> (i32, i32) {
    %c0_i32 = arith.constant 0 : i32
    %c0_i32_0 = arith.constant 0 : i32
    %c0_i32_1 = arith.constant 0 : i32
    return %c0_i32, %c0_i32_0 : i32, i32
  }
  func.func @transform_4(%arg0: i32) -> (i32, i32) {
    %c0_i32 = arith.constant 0 : i32
    %c0_i32_0 = arith.constant 0 : i32
    %c0_i32_1 = arith.constant 0 : i32
    return %c0_i32, %c0_i32_0 : i32, i32
  }
  func.func @transform_5(%arg0: i32) -> (i32, i32) {
    %c0_i32 = arith.constant 0 : i32
    %c0_i32_0 = arith.constant 0 : i32
    %c0_i32_1 = arith.constant 0 : i32
    return %c0_i32, %c0_i32_0 : i32, i32
  }
  func.func @transform_6(%arg0: i32) -> (i32, i32) {
    %c0_i32 = arith.constant 0 : i32
    %c0_i32_0 = arith.constant 0 : i32
    %c0_i32_1 = arith.constant 0 : i32
    return %c0_i32, %c0_i32_0 : i32, i32
  }
  func.func @transform_7(%arg0: i32) -> (i32, i32) {
    %c0_i32 = arith.constant 0 : i32
    %c0_i32_0 = arith.constant 0 : i32
    %c0_i32_1 = arith.constant 0 : i32
    return %c0_i32, %c0_i32_0 : i32, i32
  }
  func.func @transform_8(%arg0: i32) -> (i32, i32) {
    %c0_i32 = arith.constant 0 : i32
    %c0_i32_0 = arith.constant 0 : i32
    return %arg0, %c0_i32 : i32, i32
  }
}

</mosaic_0001>

<sc_bundles>
// kernel: kernel.10.cloned.1.call-start
scs
__scs_entry_jumppad:
0x0: {  	(pc) =	sbr.rel $0x88, $3  }
0x1: {  	(tag) =	ssettag $0x0;
	lr =	simm.s32 $0x1  }
0x2: {  	[smem:$0x3F8F] =	sst lr;
	_ =	strace $0xD0000000  }
0x3: {  	_ = 	snop  }
0x4: {  	_ = 	snop  }
0x5: {  	_ = 	snop  }
0x6: {  	_ = 	snop  }
0x7: {  	_ = 	snop  }
__scs_overlays_trampoline_lowered:
0x8: {  	[smem:$0x3F9E] =	sst s0  }
0x9: {  	[smem:$0x3F9F] =	sst s1  }
0xa: {  	[smem:$0x3FA0] =	sst s2  }
0xb: {  	[smem:$0x3FA1] =	sst s3  }
0xc: {  	[smem:$0x3FA2] =	sst s4  }
0xd: {  	[smem:$0x3FA3] =	sst s5  }
0xe: {  	[smem:$0x3FA4] =	sst s6  }
0xf: {  	[smem:$0x3FA5] =	sst s7  }
0x10: {  	[smem:$0x3FA6] =	sst s8  }
0x11: {  	[smem:$0x3FA7] =	sst s9;
	s0 =	simm.s32 @!p0 $0x0  }
0x12: {  	s1 =	sld [smem:$0x3F8D];
	s0 =	simm.s32 @p0 $0x1  }
0x13: {  	[smem:$0x3FA8] =	sst s0;
	s0 =	simm.s32 @!p1 $0x0  }
0x14: {  	s2 =	sld [smem:$0x3F8C];
	s0 =	simm.s32 @p1 $0x1  }
0x15: {  	[smem:$0x3FA9] =	sst s0;
	s0 =	simm.s32 @!p2 $0x0  }
0x16: {  	s3 =	sld [smem:$0x3FDB];
	s0 =	simm.s32 @p2 $0x1  }
0x17: {  	s4 =	simm.s32 $0x1BF5;
	[smem:$0x3FAB] =	sst s0  }
0x18: {  	s0 =	sld [smem:$0x3F8E];
	_ =	swait.ge [sflag:s4], $0x0  }
0x19: {  	s7 =	sld [smem:$0x3F8F]  }
0x1a: {  	s8 =	sadd.s32 $0xFFFFE003, lr  }
0x1b: {  	s9 =	sadd.s32 $0xFFFFFEF7, lr;
	s5 =	simm.s32 $0xFFFFFFFF;
	p2 =	slt.u32 s8, $0xFFFFF086  }
0x1c: {  	p1 =	slt.u32 s9, $0xF7A;
	s5 =	simm.s32 @!p2 $0x0  }
0x1d: {  	s5 =	simm.s32 @p1 $0x1;
	p0 =	seq.s32 s7, s2  }
0x1e: {  	s7 =	smul.u32 @!p0 $0xF7A, s2;
	p2 =	seq.s32 @!p0 s5, $0x0  }
0x1f: {  	s9 =	smul.u32 $0xF7A, s1;
	s8 =	simm.s32 @!p0 $0x1BF5;
	p2 =	por !p2, p0  }
0x20: {  	[sflag:s8] =	ssyncset.s32 @!p0 $0xFFFFF086;
	s6 =	sadd.s32 @!p0 s3, s7;
	s7 =	simm.s32 @!p0 $0x108  }
0x21: {  	s3 =	sadd.s32 s3, s9;
	s6 =	sadd.s32 @!p0 $0x88, s6;
	s7 =	simm.s32 @p2 $0x1082  }
0x22: {  	[simem:s7], [sflag:s8] =	dma.local @!p0 [hbm:s6], $0xF7A  }
0x23: {  	s9 =	sor.u32 $0xD0000000, s2;
	s6 =	simm.s32 $0x108;
	_ =	swait.ge @!p0 [sflag:s8], $0x0  }
0x24: {  	s3 =	sadd.s32 $0x88, s3;
	s6 =	simm.s32 @!p1 $0x1082;
	[sflag:s4] =	ssyncset.s32 $0xFFFFF086  }
0x25: {  	[simem:s6], [sflag:s4] =	dma.local [hbm:s3], $0xF7A  }
0x26: {  	[smem:$0x3F8F] =	sst s1;
	(tag) =	ssettag s2;
	_ =	strace s9  }
0x27: {  	s1 =	sld [smem:$0x3F9F]  }
0x28: {  	s2 =	sld [smem:$0x3FA0]  }
0x29: {  	s4 =	sld [smem:$0x3FA2]  }
0x2a: {  	p0 =	seq.s32 s5, $0x0;
	s5 =	sld [smem:$0x3FA3]  }
0x2b: {  	s6 =	sld [smem:$0x3FA4]  }
0x2c: {  	s7 =	sld [smem:$0x3FA5]  }
0x2d: {  	s3 =	simm.s32 $0x108;
	s8 =	sld [smem:$0x3FA6]  }
0x2e: {  	s3 =	simm.s32 @!p0 $0x1082;
	s9 =	sld [smem:$0x3FA7]  }
0x2f: {  	lr =	sadd.s32 s0, s3;
	s0 =	sld [smem:$0x3F9E]  }
0x30: {  	s3 =	sld [smem:$0x3FA1]  }
0x31: {  	[smem:$0x3FAA] =	sst s10  }
0x32: {  	s10 =	sld [smem:$0x3FA8];
	_ =	sdelay $0x3  }
0x33: {  	p0 =	seq.s32 s10, $0x1;
	s10 =	sld [smem:$0x3FAA];
	_ =	sdelay $0x3  }
0x34: {  	[smem:$0x3FAA] =	sst s10  }
0x35: {  	s10 =	sld [smem:$0x3FA9];
	_ =	sdelay $0x3  }
0x36: {  	p1 =	seq.s32 s10, $0x1;
	s10 =	sld [smem:$0x3FAA];
	_ =	sdelay $0x3  }
0x37: {  	[smem:$0x3FAA] =	sst s10  }
0x38: {  	s10 =	sld [smem:$0x3FAB]  }
0x39: {  	_ = 	snop;
	(pc) =	sbr.ind lr, $3  }
0x3a: {  	_ = 	snop  }
0x3b: {  	_ = 	snop  }
0x3c: {  	p2 =	seq.s32 s10, $0x1;
	s10 =	sld [smem:$0x3FAA]  }
0x3d: {  	_ =	shalt  }
0x3e: {  	_ =	shalt  }
0x3f: {  	_ =	shalt  }
0x40: {  	_ =	shalt  }
0x41: {  	_ =	shalt  }
0x42: {  	_ =	shalt  }
0x43: {  	_ =	shalt  }
0x44: {  	_ =	shalt  }
0x45: {  	_ =	shalt  }
0x46: {  	_ =	shalt  }
0x47: {  	_ =	shalt  }
0x48: {  	_ =	shalt  }
0x49: {  	_ =	shalt  }
0x4a: {  	_ =	shalt  }
0x4b: {  	_ =	shalt  }
0x4c: {  	_ =	shalt  }
0x4d: {  	_ =	shalt  }
0x4e: {  	_ =	shalt  }
0x4f: {  	_ =	shalt  }
0x50: {  	_ =	shalt  }
0x51: {  	_ =	shalt  }
0x52: {  	_ =	shalt  }
0x53: {  	_ =	shalt  }
0x54: {  	_ =	shalt  }
0x55: {  	_ =	shalt  }
0x56: {  	_ =	shalt  }
0x57: {  	_ =	shalt  }
0x58: {  	_ =	shalt  }
0x59: {  	_ =	shalt  }
0x5a: {  	_ =	shalt  }
0x5b: {  	_ =	shalt  }
0x5c: {  	_ =	shalt  }
0x5d: {  	_ =	shalt  }
0x5e: {  	_ =	shalt  }
0x5f: {  	_ =	shalt  }
0x60: {  	_ =	shalt  }
0x61: {  	_ =	shalt  }
0x62: {  	_ =	shalt  }
0x63: {  	_ =	shalt  }
0x64: {  	_ =	shalt  }
0x65: {  	_ =	shalt  }
0x66: {  	_ =	shalt  }
0x67: {  	_ =	shalt  }
0x68: {  	_ =	shalt  }
0x69: {  	_ =	shalt  }
0x6a: {  	_ =	shalt  }
0x6b: {  	_ =	shalt  }
0x6c: {  	_ =	shalt  }
0x6d: {  	_ =	shalt  }
0x6e: {  	_ =	shalt  }
0x6f: {  	_ =	shalt  }
0x70: {  	_ =	shalt  }
0x71: {  	_ =	shalt  }
0x72: {  	_ =	shalt  }
0x73: {  	_ =	shalt  }
0x74: {  	_ =	shalt  }
0x75: {  	_ =	shalt  }
0x76: {  	_ =	shalt  }
0x77: {  	_ =	shalt  }
0x78: {  	_ =	shalt  }
0x79: {  	_ =	shalt  }
0x7a: {  	_ =	shalt  }
0x7b: {  	_ =	shalt  }
0x7c: {  	_ =	shalt  }
0x7d: {  	_ =	shalt  }
0x7e: {  	_ =	shalt  }
0x7f: {  	_ =	shalt  }
0x80: {  	_ =	shalt  }
0x81: {  	_ =	shalt  }
0x82: {  	_ =	shalt  }
0x83: {  	_ =	shalt  }
0x84: {  	_ =	shalt  }
0x85: {  	_ =	shalt  }
0x86: {  	_ =	shalt  }
0x87: {  	_ =	shalt  }
.Lfunc_end0:
.L_simem_size_0:
called_computation.1_lowered:
.L_overlay_start_0:
0x88: {  	s2 =	sld [smem:$0x3FD9]  }
0x89: {  	s3 =	sld [smem:$0x3FFE];
	_ =	sdelay $0x1  }
0x8a: {  	s1 =	srdreg.scid  }
0x8b: {  	s0 =	sand.u32 $0x1, s1  }
0x8c: {  	s17 =	sshll.u32 s0, $0xA;
	s2 =	sadd.s32 s3, s2  }
0x8d: {  	s2 =	sadd.s32 s2, s17  }
0x8e: {  	[smem:$0x3FB6] =	sst s2  }
0x8f: {  	_ = 	snop  }
0x90: {  	s2 =	sld [smem:$0x3FD0];
	(tm) =	ssettm $0x1  }
0x91: {  	s18 =	sld [smem:$0x3FFB];
	_ =	sdelay $0x3  }
0x92: {  	_ =	strace s18  }
0x93: {  	s3 =	sld [smem:$0x3FFC];
	_ =	sdelay $0x3  }
0x94: {  	_ =	strace s3  }
0x95: {  	s3 =	sld [smem:$0x3FFD];
	_ =	sdelay $0x3  }
0x96: {  	_ =	strace s3  }
0x97: {  	_ =	strace $0x8FFFFFFF  }
0x98: {  	s19 =	sld [smem:$0x3FDB];
	_ =	sdelay $0x1  }
0x99: {  	s4 =	simm.s32 $_scs_section_size  }
0x9a: {  	s5 =	simm.s32 $_size__tile_overlayer_lowered;
	s6 =	simm.s32 $_tile_overlayer_lowered  }
0x9b: {  	s22 =	simm.s32 $0x1BFF;
	s21 =	sshll.u32 s6, $0x1;
	s3 =	sadd.s32 s4, s19  }
0x9c: {  	s7 =	simm.s32 $0x0;
	s20 =	sshll.u32 s5, $0x1;
	s5 =	sadd.s32 s21, s3  }
0x9d: {  	[timem:s7], [sflag:s22] =	dma.local [hbm:s5], s20  }
0x9e: {  	_ =	swait.ge [sflag:s22], s20  }
0x9f: {  	s4 =	ssub.s32 $0x0, s20;
	[sflag:s22] =	ssyncset.done $0x0  }
0xa0: {  	[sflag:s22] =	ssyncadd.s32 s4;
	_ =	sdelay $0x1  }
0xa1: {  	s23 =	simm.s32 $0x1B8B  }
0xa2: {  	_ =	swait.ge [sflag:s23], $0x1  }
0xa3: {  	[sflag:s23] =	ssyncset.done $0x0  }
0xa4: {  	s25 =	simm.s32 $0x1B8E;
	s24 =	sld [smem:$0x3FFE];
	[sflag:s23] =	ssyncadd.s32 $0xFFFFFFFF  }
0xa5: {  	s26 =	simm.s32 $execute0_lowered;
	[smem:$0x3FD2] =	sst s25  }
0xa6: {  	s5 =	sshll.u32 s26, $0x1;
	_ =	strace $0x80000049;
	[dreg:$0x1] =	wrdreg $0xFFFFFFFF  }
0xa7: {  	s28 =	simm.s32 $_size_execute0_lowered;
	s3 =	sadd.s32 s3, s5;
	[dreg:$0x0] =	wrdreg $0x0  }
0xa8: {  	s5 =	sshll.u32 s28, $0x1;
	[dreg:$0x2] =	wrdreg s3  }
0xa9: {  	[dreg:$0x3] =	wrdreg s5  }
0xaa: {  	[dreg:$0x4] =	wrdreg $0xC0  }
0xab: {  	_ =	task [dreg:s7], $0x5FFFF  }
0xac: {  	[dreg:$0x1] =	wrdreg $0xFFFFFFFF  }
0xad: {  	[dreg:$0x0] =	wrdreg $0x60  }
0xae: {  	[dreg:$0x2] =	wrdreg s2  }
0xaf: {  	[dreg:$0x3] =	wrdreg s24  }
0xb0: {  	[dreg:$0x4] =	wrdreg $0x19F000  }
0xb1: {  	[dreg:$0x5] =	wrdreg $0x150000  }
0xb2: {  	[dreg:$0x6] =	wrdreg $0x9  }
0xb3: {  	_ =	task.clear_ibuf [dreg:s7], $0x7FFFF;
	_ =	strace $0x90000049  }
0xb4: {  	s29 =	simm.s32 $0x9;
	_ =	strace $0x8000004B  }
0xb5: {  	_ =	swait.ge [sflag:s29], $0x1  }
0xb6: {  	[sflag:s29] =	ssyncadd.s32 $0xFFFFFFFF  }
0xb7: {  	_ =	strace $0x9000004B  }
0xb8: {  	_ =	sfence  }
0xb9: {  	s30 =	sld [smem:$0x0];
	_ =	sdelay $0x2  }
0xba: {  	s31 =	sshll.u32 s1, $0xD;
	s1 =	sshrl.u32 s1, $0x2  }
0xbb: {  	s3 =	sand.u32 $0x4000, s31;
	s1 =	sadd.s32 s1, s30  }
0xbc: {  	s0 =	sor.u32 s3, s0;
	s1 =	sshll.u32 s1, $0x11  }
0xbd: {  	s0 =	sor.u32 s1, s0  }
0xbe: {  	s0 =	sadd.s32 $0x8F2B, s0  }
0xbf: {  	[sflag:s0] =	ssyncadd.remote.s32 $0x1  }
0xc0: {  	_ =	sfence.sel $0xFFFF  }
0xc1: {  	[dreg:$0x0] =	wrdreg $0xFFFFFFFF;
	(pc) =	sbr.abs _section_cstart, $3  }
0xc2: {  	[dreg:$0x1] =	wrdreg $0xFFFFFFFF  }
0xc3: {  	_ =	task.clear_ibuf [dreg:s7], $0x2FFFF;
	_ =	strace $0x9FFFFFFF  }
0xc4: {  	(tm) =	ssettm $0x7FFFFFFF  }
0xc5: {  	_ =	shalt  }
tec
execute0_lowered:
.L_overlay_start_1:
0x0: {  	(tag) =	ssettag $0x1  }
0x1: {  	s0 =	rddreg [dreg:$0x0]  }
0x2: {  	s5 =	rddreg [dreg:$0x1]  }
0x3: {  	s1 =	srdreg.scid;
	s2 =	rddreg [dreg:$0x2]  }
0x4: {  	s14 =	stileid.u32;
	s3 =	rddreg [dreg:$0x3]  }
0x5: {  	s17 =	simm.s32 $0x5000;
	s18 =	simm.s32 $0x9;
	s23 =	simm.s32 $0xD000  }
0x6: {  	s19 =	simm.s32 $0xA;
	s24 =	simm.s32 $0xF000;
	s20 =	simm.s32 $0x1  }
0x7: {  	s25 =	simm.s32 $0x11000;
	s21 =	simm.s32 $0x100;
	s28 =	simm.s32 $0xB000  }
0x8: {  	s29 =	simm.s32 $0x2;
	s30 =	simm.s32 $0x3;
	s9 =	smul.u32 $0x4F00, s14  }
0x9: {  	s31 =	simm.s32 $0x4;
	s1 =	sand.u32 $0x1, s1;
	s12 =	smul.u32 $0x13C00, s14  }
0xa: {  	s26 =	sshll.u32 s14, $0x6;
	s4 =	sshll.u32 s1, $0x4;
	s8 =	smul.u32 $0x9E00, s1  }
0xb: {  	s1 =	ssub.s32 $0x2, s1;
	s6 =	sor.u32 s14, s4;
	s4 =	simm.s32 $0x0  }
0xc: {  	s11 =	sshrl.u32 s1, $0x1;
	s13 =	sadd.s32 s9, s2;
	s14 =	sshrl.u32 s12, $0x2  }
0xd: {  	s12 =	sadd.s32 $0xC640, s5;
	s7 =	smul.u32 $0x500, s6;
	[smem:$0x7FF] =	sst s4  }
0xe: {  	s22 =	sshrl.u32 s13, $0x3;
	_ =	strace $0x8000004A;
	[dreg:$0xb] =	wrdreg s26  }
0xf: {  	s8 =	sadd.s32 s8, s5;
	s1 =	ssub.s32 s1, s11;
	[dreg:$0x12] =	wrdreg s22  }
0x10: {  	s11 =	sshrl.u32 s9, $0x3;
	p0 =	sne.s32 s6, $0x1F;
	[dreg:$0x6] =	wrdreg s23  }
0x11: {  	s6 =	simm.s32 $0x11;
	s0 =	sadd.s32 s0, s11;
	[dreg:$0x7] =	wrdreg s24  }
0x12: {  	s16 =	sadd.s32 $0x16400, s8;
	s1 =	smax.u32 s1, $0x1;
	[dreg:$0x8] =	wrdreg s25  }
0x13: {  	s22 =	simm.s32 $0x7000;
	s25 =	simm.s32 $0x9000;
	[dreg:$0xa] =	wrdreg s0  }
0x14: {  	s23 =	simm.s32 $0x7;
	s0 =	sor.u32 $0x1C01, s26;
	[dreg:$0x11] =	wrdreg s1  }
0x15: {  	s10 =	sadd.s32 s7, s5;
	s5 =	sadd.s32 $0xC500, s5;
	[dreg:$0xc] =	wrdreg s0  }
0x16: {  	s8 =	simm.s32 $0xD;
	s1 =	sadd.s32 @p0 s7, s12;
	[dreg:$0xe] =	wrdreg s5  }
0x17: {  	s26 =	simm.s32 $0x13000;
	s10 =	sadd.s32 $0x2A00, s10;
	[dreg:$0x13] =	wrdreg s1  }
0x18: {  	s0 =	sadd.s32 s14, s3;
	s1 =	sadd.s32 @!p0 $0x9B00, s12;
	[dreg:$0x9] =	wrdreg s26  }
0x19: {  	s26 =	simm.s32 $0x8;
	s12 =	simm.s32 $0x10;
	[dreg:$0xd] =	wrdreg s10  }
0x1a: {  	s10 =	sadd.s32 s9, s3;
	s15 =	sadd.s32 $0x2000, s0;
	[dreg:$0x14] =	wrdreg s1  }
0x1b: {  	s0 =	sadd.s32 $0x4000, s0;
	s1 =	simm.s32 $0x5;
	[dreg:$0xf] =	wrdreg s15  }
0x1c: {  	s9 =	simm.s32 $0xE;
	[dreg:$0x10] =	wrdreg s0;
	s0 =	sadd.s32 s11, s16  }
0x1d: {  	v0 =	vimm.f32 $0.0e+00;
	s11 =	simm.s32 $0xF;
	[dreg:$0x15] =	wrdreg s0;
	s0 =	simm.s32 $0x6  }
.LBB2_1:
0x1e: {  	s5 =	rddreg [dreg:$0xa]  }
0x1f: {  	s7 =	rddreg [dreg:$0xc]  }
0x20: {  	s13 =	rddreg [dreg:$0x12]  }
0x21: {  	[spmem:s13], [sflag:s7] =	dma.local [hbm:s5], $0x9E0  }
0x22: {  	s14 =	simm.s32 $0x0;
	s13 =	simm.s32 $0x80  }
.LBB2_2:
0x23: {  	p1 =	sne.s32 s13, $0x7F80;
	[tilespmem:s14+$0x5000] =	vst v0;
	s15 =	smov.u32 s13;
	s13 =	sadd.s32 $0x80, s13  }
.Ltmp0:
0x24: {  	[tilespmem:s14+$0x5010] =	vst v0;
	(pc) =	sbr.rel @p1 .LBB2_2-.Ltmp0, $2  }
0x25: {  	_ =	sdelay $0x2  }
0x26: {  	s14 =	sshra.s32 s15, $0x2  }
0x27: {  	[tilespmem:s14+$0x5000] =	vst v0  }
0x28: {  	[tilespmem:s14+$0x5010] =	vst v0;
	s13 =	simm.s32 @p0 $0x0;
	s5 =	rddreg [dreg:$0xd];
	s14 =	simm.s32 @p0 $0x11  }
0x29: {  	[tilespmem:s13], [sflag:$0x11] =	stream.linear.gather @p0 [hbm4b:s5+s13], $0x2800, $0x38;
	[tilespmem:$0x1EE00] =	vst v63  }
0x2a: {  	_ =	swait.ge @p0 [sflag:s14], $0x2800  }
0x2b: {  	[sflag:s14] =	ssyncset.done @p0 $0x0  }
0x2c: {  	s15 =	simm.s32 @p0 $0x2800;
	s5 =	rddreg [dreg:$0x13];
	[sflag:s14] =	ssyncadd.s32 @p0 $0xFFFFD800  }
0x2d: {  	[tilespmem:s15], [sflag:$0x11] =	stream.linear.gather @p0 [hbm4b:s5+s13], $0x2800, $0x38;
	[tilespmem:$0x1EE00] =	vst v63  }
0x2e: {  	_ =	swait.ge @p0 [sflag:s14], $0x2800  }
0x2f: {  	s13 =	simm.s32 @!p0 $0x0;
	[sflag:s14] =	ssyncset.done @p0 $0x0  }
0x30: {  	s5 =	rddreg [dreg:$0xe];
	[sflag:s14] =	ssyncadd.s32 @p0 $0xFFFFD800;
	s14 =	simm.s32 @!p0 $0x11  }
0x31: {  	[tilespmem:s13], [sflag:$0x11] =	stream.linear.gather @!p0 [hbm4b:s5+s13], $0xA00, $0x38;
	[tilespmem:$0x1EE00] =	vst v63  }
0x32: {  	_ =	swait.ge @!p0 [sflag:s14], $0xA00  }
0x33: {  	[sflag:s14] =	ssyncset.done @!p0 $0x0  }
0x34: {  	s15 =	simm.s32 @!p0 $0x2800;
	s5 =	rddreg [dreg:$0x14];
	[sflag:s14] =	ssyncadd.s32 @!p0 $0xFFFFF600  }
0x35: {  	[tilespmem:s15], [sflag:$0x11] =	stream.linear.gather @!p0 [hbm4b:s5+s13], $0xA00, $0x38;
	[tilespmem:$0x1EE00] =	vst v63  }
0x36: {  	_ =	swait.ge @!p0 [sflag:s14], $0xA00  }
0x37: {  	[sflag:s14] =	ssyncset.done @!p0 $0x0  }
0x38: {  	[sflag:s14] =	ssyncadd.s32 @!p0 $0xFFFFF600  }
0x39: {  	[spmem:s10] =	stream.linear.scatter [tilespmem:s17], [sflag:$0x9], $0x2000, $0x38;
	[tilespmem:$0x1EE00] =	vst v63  }
0x3a: {  	s14 =	rddreg [dreg:$0xf]  }
0x3b: {  	[spmem:s14] =	stream.linear.scatter [tilespmem:s17], [sflag:$0xA], $0x2000, $0x38;
	[tilespmem:$0x1EE00] =	vst v63  }
0x3c: {  	s15 =	rddreg [dreg:$0x10]  }
0x3d: {  	[spmem:s15] =	stream.linear.scatter [tilespmem:s17], [sflag:$0xB], $0xF00, $0x38;
	[tilespmem:$0x1EE00] =	vst v63  }
0x3e: {  	_ =	swait.ge [sflag:s18], $0x2000  }
0x3f: {  	[sflag:s18] =	ssyncset.done $0x0  }
0x40: {  	[sflag:s18] =	ssyncadd.s32 $0xFFFFE000  }
0x41: {  	_ =	swait.ge [sflag:s19], $0x2000  }
0x42: {  	[sflag:s19] =	ssyncset.done $0x0  }
0x43: {  	s13 =	simm.s32 $0xB;
	[sflag:s19] =	ssyncadd.s32 $0xFFFFE000  }
0x44: {  	_ =	swait.ge [sflag:s13], $0xF00  }
0x45: {  	[sflag:s13] =	ssyncset.done $0x0  }
0x46: {  	[sflag:s13] =	ssyncadd.s32 $0xFFFFF100  }
0x47: {  	_ =	swait.ge [sflag:s20], $0x9E0  }
0x48: {  	[sflag:s20] =	ssyncset.done $0x0  }
0x49: {  	[sflag:s20] =	ssyncadd.s32 $0xFFFFF620  }
0x4a: {  	s14 =	simm.s32 $0x0;
	[bflag:$0x0] =	sbarrier.arrive $0xFFFF  }
0x4b: {  	[tilespmem:s17], [sflag:$0x1] =	stream.indirect.gather [spmem:s2], $0x20, s14, s21, $0xb8;
	[tilespmem:$0x1EE00] =	vst v63  }
0x4c: {  	s15 =	simm.s32 @!p0 $0x1  }
0x4d: {  	[tilespmem:s22], [sflag:$0x2] =	stream.indirect.gather [spmem:s2], $0x20, s21, s21, $0xb8;
	[tilespmem:$0x1EE00] =	vst v63  }
0x4e: {  	s16 =	simm.s32 $0x200;
	s15 =	simm.s32 @p0 $0x5  }
0x4f: {  	[tilespmem:s25], [sflag:$0x3] =	stream.indirect.gather [spmem:s2], $0x20, s16, s21, $0xb8;
	[tilespmem:$0x1EE00] =	vst v63  }
0x50: {  	s16 =	sshll.u32 s15, $0xD  }
0x51: {  	s24 =	simm.s32 $0x300;
	s15 =	sshll.u32 s15, $0x3;
	[dreg:$0x5] =	wrdreg s16  }
0x52: {  	[tilespmem:s28], [sflag:$0x4] =	stream.indirect.gather [spmem:s2], $0x20, s24, s21, $0xb8;
	[tilespmem:$0x1EE00] =	vst v63  }
.LBB2_4:
0x53: {  	_ =	swait.ge [sflag:s20], $0x2000;
	s5 =	sadd.s32 $0xFFFFFFF9, s13  }
0x54: {  	s16 =	sshra.s32 s14, $0x2;
	[sflag:s20] =	ssyncset.done $0x0;
	p1 =	sge.u32 s5, s15  }
0x55: {  	s24 =	sadd.s32 $0x2800, s16;
	[sflag:s20] =	ssyncadd.s32 $0xFFFFE000;
	p2 =	seq.s32 @!p1 s14, $0x0  }
0x56: {  	[spmem:s3] =	stream.indirect.scatter.add.f32 [tilespmem:s17], [sflag:$0x9], $0x20, s24, s21, $0xb8;
	[tilespmem:$0x1EE00] =	vst v63  }
0x57: {  	p2 =	por p2, p1  }
0x58: {  	s24 =	simm.s32 @!p2 $0xD  }
0x59: {  	_ =	swait.ge @!p2 [sflag:s24], $0x2000  }
0x5a: {  	[sflag:s24] =	ssyncset.done @!p2 $0x0  }
0x5b: {  	[sflag:s24] =	ssyncadd.s32 @!p2 $0xFFFFE000;
	s24 =	sshra.s32 @!p1 s14, $0x2  }
0x5c: {  	s5 =	simm.s32 @!p1 $0x100;
	s7 =	simm.s32 @!p1 $0xD000;
	s24 =	sadd.s32 @!p1 $0x400, s24  }
0x5d: {  	[tilespmem:s7], [sflag:$0x5] =	stream.indirect.gather @!p1 [spmem:s2], $0x20, s24, s5, $0xb8;
	[tilespmem:$0x1EE00] =	vst v63  }
0x5e: {  	s24 =	sadd.s32 $0xFFFFFFFA, s13  }
0x5f: {  	_ =	swait.ge [sflag:s29], $0x2000;
	p1 =	sge.u32 s24, s15  }
0x60: {  	[sflag:s29] =	ssyncset.done $0x0;
	p2 =	seq.s32 @!p1 s14, $0x0  }
0x61: {  	s7 =	sadd.s32 $0x2900, s16;
	[sflag:s29] =	ssyncadd.s32 $0xFFFFE000;
	p2 =	por p2, p1  }
0x62: {  	[spmem:s3] =	stream.indirect.scatter.add.f32 [tilespmem:s22], [sflag:$0xA], $0x20, s7, s21, $0xb8;
	[tilespmem:$0x1EE00] =	vst v63  }
0x63: {  	s5 =	simm.s32 @!p2 $0xE  }
0x64: {  	_ =	swait.ge @!p2 [sflag:s5], $0x2000  }
0x65: {  	[sflag:s5] =	ssyncset.done @!p2 $0x0  }
0x66: {  	[sflag:s5] =	ssyncadd.s32 @!p2 $0xFFFFE000;
	s5 =	sshra.s32 @!p1 s14, $0x2  }
0x67: {  	s24 =	simm.s32 @!p1 $0xF000;
	s7 =	simm.s32 @!p1 $0x100;
	s5 =	sadd.s32 @!p1 $0x500, s5  }
0x68: {  	[tilespmem:s24], [sflag:$0x6] =	stream.indirect.gather @!p1 [spmem:s2], $0x20, s5, s7, $0xb8;
	[tilespmem:$0x1EE00] =	vst v63  }
0x69: {  	s24 =	sadd.s32 $0xFFFFFFFB, s13  }
0x6a: {  	_ =	swait.ge [sflag:s30], $0x2000;
	p1 =	sge.u32 s24, s15  }
0x6b: {  	[sflag:s30] =	ssyncset.done $0x0;
	p2 =	seq.s32 @!p1 s14, $0x0  }
0x6c: {  	s7 =	sadd.s32 $0x2A00, s16;
	[sflag:s30] =	ssyncadd.s32 $0xFFFFE000;
	p2 =	por p2, p1  }
0x6d: {  	[spmem:s3] =	stream.indirect.scatter.add.f32 [tilespmem:s25], [sflag:$0xB], $0x20, s7, s21, $0xb8;
	[tilespmem:$0x1EE00] =	vst v63  }
0x6e: {  	s5 =	simm.s32 @!p2 $0xF  }
0x6f: {  	_ =	swait.ge @!p2 [sflag:s5], $0x2000  }
0x70: {  	[sflag:s5] =	ssyncset.done @!p2 $0x0  }
0x71: {  	[sflag:s5] =	ssyncadd.s32 @!p2 $0xFFFFE000;
	s5 =	sshra.s32 @!p1 s14, $0x2  }
0x72: {  	s24 =	simm.s32 @!p1 $0x11000;
	s7 =	simm.s32 @!p1 $0x100;
	s5 =	sadd.s32 @!p1 $0x600, s5  }
0x73: {  	[tilespmem:s24], [sflag:$0x7] =	stream.indirect.gather @!p1 [spmem:s2], $0x20, s5, s7, $0xb8;
	[tilespmem:$0x1EE00] =	vst v63  }
0x74: {  	s24 =	sadd.s32 $0xFFFFFFFC, s13  }
0x75: {  	_ =	swait.ge [sflag:s31], $0x2000;
	p1 =	sge.u32 s24, s15  }
0x76: {  	[sflag:s31] =	ssyncset.done $0x0;
	p2 =	seq.s32 @!p1 s14, $0x0  }
0x77: {  	s7 =	sadd.s32 $0x2B00, s16;
	[sflag:s31] =	ssyncadd.s32 $0xFFFFE000;
	p2 =	por p2, p1  }
0x78: {  	[spmem:s3] =	stream.indirect.scatter.add.f32 [tilespmem:s28], [sflag:$0xC], $0x20, s7, s21, $0xb8;
	[tilespmem:$0x1EE00] =	vst v63  }
0x79: {  	s5 =	simm.s32 @!p2 $0x10  }
0x7a: {  	_ =	swait.ge @!p2 [sflag:s5], $0x2000  }
0x7b: {  	[sflag:s5] =	ssyncset.done @!p2 $0x0  }
0x7c: {  	[sflag:s5] =	ssyncadd.s32 @!p2 $0xFFFFE000;
	s5 =	sshra.s32 @!p1 s14, $0x2  }
0x7d: {  	s24 =	simm.s32 @!p1 $0x13000;
	s7 =	simm.s32 @!p1 $0x100;
	s5 =	sadd.s32 @!p1 $0x700, s5  }
0x7e: {  	[tilespmem:s24], [sflag:$0x8] =	stream.indirect.gather @!p1 [spmem:s2], $0x20, s5, s7, $0xb8;
	[tilespmem:$0x1EE00] =	vst v63  }
0x7f: {  	_ =	swait.ge [sflag:s1], $0x2000  }
0x80: {  	[sflag:s1] =	ssyncset.done $0x0  }
0x81: {  	s24 =	sadd.s32 $0x2C00, s16;
	s7 =	rddreg [dreg:$0x6];
	[sflag:s1] =	ssyncadd.s32 $0xFFFFE000  }
0x82: {  	[spmem:s3] =	stream.indirect.scatter.add.f32 [tilespmem:s7], [sflag:$0xD], $0x20, s24, s21, $0xb8;
	[tilespmem:$0x1EE00] =	vst v63  }
0x83: {  	s24 =	sadd.s32 $0xFFFFFFFD, s13  }
0x84: {  	p1 =	sge.u32 s24, s15  }
0x85: {  	s5 =	simm.s32 @!p1 $0x9  }
0x86: {  	_ =	swait.ge @!p1 [sflag:s5], $0x2000  }
0x87: {  	[sflag:s5] =	ssyncset.done @!p1 $0x0  }
0x88: {  	[sflag:s5] =	ssyncadd.s32 @!p1 $0xFFFFE000;
	s5 =	sshra.s32 @!p1 s14, $0x2  }
0x89: {  	s7 =	simm.s32 @!p1 $0x100;
	s24 =	simm.s32 @!p1 $0x5000;
	s5 =	sadd.s32 @!p1 $0x800, s5  }
0x8a: {  	[tilespmem:s24], [sflag:$0x1] =	stream.indirect.gather @!p1 [spmem:s2], $0x20, s5, s7, $0xb8;
	[tilespmem:$0x1EE00] =	vst v63  }
0x8b: {  	_ =	swait.ge [sflag:s0], $0x2000  }
0x8c: {  	[sflag:s0] =	ssyncset.done $0x0  }
0x8d: {  	s24 =	sadd.s32 $0x2D00, s16;
	s7 =	rddreg [dreg:$0x7];
	[sflag:s0] =	ssyncadd.s32 $0xFFFFE000  }
0x8e: {  	[spmem:s3] =	stream.indirect.scatter.add.f32 [tilespmem:s7], [sflag:$0xE], $0x20, s24, s21, $0xb8;
	[tilespmem:$0x1EE00] =	vst v63  }
0x8f: {  	s24 =	sadd.s32 $0xFFFFFFFE, s13  }
0x90: {  	p1 =	sge.u32 s24, s15  }
0x91: {  	s5 =	simm.s32 @!p1 $0xA  }
0x92: {  	_ =	swait.ge @!p1 [sflag:s5], $0x2000  }
0x93: {  	[sflag:s5] =	ssyncset.done @!p1 $0x0  }
0x94: {  	[sflag:s5] =	ssyncadd.s32 @!p1 $0xFFFFE000;
	s5 =	sshra.s32 @!p1 s14, $0x2  }
0x95: {  	s7 =	simm.s32 @!p1 $0x100;
	s24 =	simm.s32 @!p1 $0x7000;
	s5 =	sadd.s32 @!p1 $0x900, s5  }
0x96: {  	[tilespmem:s24], [sflag:$0x2] =	stream.indirect.gather @!p1 [spmem:s2], $0x20, s5, s7, $0xb8;
	[tilespmem:$0x1EE00] =	vst v63  }
0x97: {  	_ =	swait.ge [sflag:s23], $0x2000  }
0x98: {  	[sflag:s23] =	ssyncset.done $0x0  }
0x99: {  	s24 =	sadd.s32 $0x2E00, s16;
	s7 =	rddreg [dreg:$0x8];
	[sflag:s23] =	ssyncadd.s32 $0xFFFFE000  }
0x9a: {  	[spmem:s3] =	stream.indirect.scatter.add.f32 [tilespmem:s7], [sflag:$0xF], $0x20, s24, s21, $0xb8;
	[tilespmem:$0x1EE00] =	vst v63  }
0x9b: {  	s24 =	sadd.s32 $0xFFFFFFFF, s13  }
0x9c: {  	p1 =	sge.u32 s24, s15  }
0x9d: {  	s5 =	simm.s32 @!p1 $0xB  }
0x9e: {  	_ =	swait.ge @!p1 [sflag:s5], $0x2000  }
0x9f: {  	[sflag:s5] =	ssyncset.done @!p1 $0x0  }
0xa0: {  	[sflag:s5] =	ssyncadd.s32 @!p1 $0xFFFFE000;
	s5 =	sshra.s32 @!p1 s14, $0x2  }
0xa1: {  	s7 =	simm.s32 @!p1 $0x100;
	s24 =	simm.s32 @!p1 $0x9000;
	s5 =	sadd.s32 @!p1 $0xA00, s5  }
0xa2: {  	[tilespmem:s24], [sflag:$0x3] =	stream.indirect.gather @!p1 [spmem:s2], $0x20, s5, s7, $0xb8;
	[tilespmem:$0x1EE00] =	vst v63  }
0xa3: {  	_ =	swait.ge [sflag:s26], $0x2000  }
0xa4: {  	s24 =	sadd.s32 $0x2F00, s16;
	p1 =	sge.u32 s13, s15;
	[sflag:s26] =	ssyncset.done $0x0  }
0xa5: {  	s5 =	simm.s32 @!p1 $0xC;
	s7 =	rddreg [dreg:$0x9];
	[sflag:s26] =	ssyncadd.s32 $0xFFFFE000  }
0xa6: {  	[spmem:s3] =	stream.indirect.scatter.add.f32 [tilespmem:s7], [sflag:$0x10], $0x20, s24, s21, $0xb8;
	[tilespmem:$0x1EE00] =	vst v63  }
0xa7: {  	s16 =	simm.s32 @!p1 $0xB000;
	s7 =	sshra.s32 @!p1 s14, $0x2;
	_ =	swait.ge @!p1 [sflag:s5], $0x2000  }
0xa8: {  	s14 =	sadd.s32 $0x2000, s14;
	[sflag:s5] =	ssyncset.done @!p1 $0x0;
	s24 =	rddreg [dreg:$0x5]  }
0xa9: {  	[sflag:s5] =	ssyncadd.s32 @!p1 $0xFFFFE000;
	s5 =	sadd.s32 @!p1 $0xB00, s7;
	s7 =	simm.s32 @!p1 $0x100  }
0xaa: {  	[tilespmem:s16], [sflag:$0x4] =	stream.indirect.gather @!p1 [spmem:s2], $0x20, s5, s7, $0xb8;
	[tilespmem:$0x1EE00] =	vst v63  }
0xab: {  	p1 =	sne.s32 s24, s14  }
.Ltmp1:
0xac: {  	_ = 	snop;
	(pc) =	sbr.rel @p1 .LBB2_4-.Ltmp1, $2  }
0xad: {  	_ =	sdelay $0x2  }
0xae: {  	s13 =	sadd.s32 $0x8, s13  }
0xaf: {  	_ =	swait.ge [sflag:s18], $0x2000  }
0xb0: {  	[sflag:s18] =	ssyncset.done $0x0  }
0xb1: {  	[sflag:s18] =	ssyncadd.s32 $0xFFFFE000  }
0xb2: {  	_ =	swait.ge [sflag:s19], $0x2000  }
0xb3: {  	[sflag:s19] =	ssyncset.done $0x0  }
0xb4: {  	s5 =	simm.s32 $0xB;
	[sflag:s19] =	ssyncadd.s32 $0xFFFFE000  }
0xb5: {  	_ =	swait.ge [sflag:s5], $0x2000  }
0xb6: {  	[sflag:s5] =	ssyncset.done $0x0  }
0xb7: {  	s13 =	simm.s32 $0xC;
	[sflag:s5] =	ssyncadd.s32 $0xFFFFE000  }
0xb8: {  	_ =	swait.ge [sflag:s13], $0x2000  }
0xb9: {  	[sflag:s13] =	ssyncset.done $0x0  }
0xba: {  	[sflag:s13] =	ssyncadd.s32 $0xFFFFE000  }
0xbb: {  	_ =	swait.ge [sflag:s8], $0x2000  }
0xbc: {  	[sflag:s8] =	ssyncset.done $0x0  }
0xbd: {  	[sflag:s8] =	ssyncadd.s32 $0xFFFFE000  }
0xbe: {  	_ =	swait.ge [sflag:s9], $0x2000  }
0xbf: {  	[sflag:s9] =	ssyncset.done $0x0  }
0xc0: {  	[sflag:s9] =	ssyncadd.s32 $0xFFFFE000  }
0xc1: {  	_ =	swait.ge [sflag:s11], $0x2000  }
0xc2: {  	[sflag:s11] =	ssyncset.done $0x0  }
0xc3: {  	[sflag:s11] =	ssyncadd.s32 $0xFFFFE000  }
0xc4: {  	_ =	swait.ge [sflag:s12], $0x2000  }
0xc5: {  	s7 =	simm.s32 @!p0 $0x800;
	[sflag:s12] =	ssyncset.done $0x0  }
0xc6: {  	s5 =	simm.s32 @!p0 $0x100;
	s13 =	simm.s32 @!p0 $0x5000;
	[sflag:s12] =	ssyncadd.s32 $0xFFFFE000  }
0xc7: {  	[tilespmem:s13], [sflag:$0x11] =	stream.indirect.gather @!p0 [spmem:s2], $0x20, s7, s5, $0xb8;
	[tilespmem:$0x1EE00] =	vst v63  }
0xc8: {  	s7 =	simm.s32 @!p0 $0x11  }
0xc9: {  	_ =	swait.ge @!p0 [sflag:s7], $0x2000  }
0xca: {  	[sflag:s7] =	ssyncset.done @!p0 $0x0  }
0xcb: {  	s14 =	simm.s32 @!p0 $0x3000;
	[sflag:s7] =	ssyncadd.s32 @!p0 $0xFFFFE000  }
0xcc: {  	[spmem:s3] =	stream.indirect.scatter.add.f32 @!p0 [tilespmem:s13], [sflag:$0x11], $0x20, s14, s5, $0xb8;
	[tilespmem:$0x1EE00] =	vst v63  }
0xcd: {  	_ =	swait.ge @!p0 [sflag:s7], $0x2000  }
0xce: {  	[sflag:s7] =	ssyncset.done @!p0 $0x0  }
0xcf: {  	s13 =	simm.s32 @!p0 $0x900;
	s14 =	simm.s32 @!p0 $0x7000;
	[sflag:s7] =	ssyncadd.s32 @!p0 $0xFFFFE000  }
0xd0: {  	[tilespmem:s14], [sflag:$0x11] =	stream.indirect.gather @!p0 [spmem:s2], $0x20, s13, s5, $0xb8;
	[tilespmem:$0x1EE00] =	vst v63  }
0xd1: {  	_ =	swait.ge @!p0 [sflag:s7], $0x2000  }
0xd2: {  	[sflag:s7] =	ssyncset.done @!p0 $0x0  }
0xd3: {  	s13 =	simm.s32 @!p0 $0x3100;
	[sflag:s7] =	ssyncadd.s32 @!p0 $0xFFFFE000  }
0xd4: {  	[spmem:s3] =	stream.indirect.scatter.add.f32 @!p0 [tilespmem:s14], [sflag:$0x11], $0x20, s13, s5, $0xb8;
	[tilespmem:$0x1EE00] =	vst v63  }
0xd5: {  	_ =	swait.ge @!p0 [sflag:s7], $0x2000  }
0xd6: {  	[sflag:s7] =	ssyncset.done @!p0 $0x0  }
0xd7: {  	[sflag:s7] =	ssyncadd.s32 @!p0 $0xFFFFE000  }
0xd8: {  	[bflag:$0x0] =	sbarrier.arrive $0xFFFF  }
0xd9: {  	s14 =	rddreg [dreg:$0xb]  }
0xda: {  	s15 =	sshrl.u32 s10, $0x3;
	s16 =	rddreg [dreg:$0x15];
	s5 =	sor.u32 $0x1C11, s14  }
0xdb: {  	[hbm:s16], [sflag:s5] =	dma.local [spmem:s15], $0x9E0  }
0xdc: {  	_ =	swait.ge [sflag:s6], $0x9E0  }
0xdd: {  	s4 =	sadd.s32 $0x1, s4;
	s24 =	rddreg [dreg:$0x11]  }
0xde: {  	p1 =	sne.s32 s4, s24  }
.Ltmp2:
0xdf: {  	_ = 	snop;
	(pc) =	sbr.rel @p1 .LBB2_1-.Ltmp2, $3  }
0xe0: {  	_ =	sdelay $0x1  }
0xe1: {  	[sflag:s6] =	ssyncset.done $0x0  }
0xe2: {  	[sflag:s6] =	ssyncadd.s32 $0xFFFFF620  }
0xe3: {  	_ =	sfence.sel $0x180000  }
0xe4: {  	[bflag:$0x0] =	sbarrier.arrive $0xFFFF  }
0xe5: {  	_ =	strace $0x9000004A  }
0xe6: {  	s0 =	stileid.u32;
	[bflag:$0x2] =	sbarrier.arrive $0xFFFF  }
0xe7: {  	p0 =	sne.s32 s0, $0x0;
	s0 =	rddreg [dreg:$0x4]  }
0xe8: {  	s0 =	sadd.s32 @!p0 $0x100000, s0  }
0xe9: {  	[sflag:s0] =	ssyncadd.tile.s32 @!p0 $0x1;
	_ =	shalt  }
.Lfunc_end2:
_tile_overlayer_lowered:
.L_overlay_start_2:
0xea: {  	(tag) =	ssettag $0x2  }
0xeb: {  	s0 =	rddreg [dreg:$0x0];
	s2 =	stileid.u32  }
0xec: {  	s1 =	rddreg [dreg:$0x1];
	p0 =	sne.s32 s2, $0x0  }
0xed: {  	s3 =	rddreg [dreg:$0x2];
	[bflag:$0x3] =	sbarrier.arrive $0xFFFF;
	s2 =	simm.s32 @!p0 $0x1C11  }
0xee: {  	[timem:s3], [sflag:s2] =	dma.local @!p0 [hbm:s0], s1  }
0xef: {  	s0 =	simm.s32 @!p0 $0x11  }
0xf0: {  	_ =	swait.ge @!p0 [sflag:s0], s1  }
0xf1: {  	s1 =	ssub.s32 @!p0 $0x0, s1;
	[sflag:s0] =	ssyncset.done @!p0 $0x0  }
0xf2: {  	[sflag:s0] =	ssyncadd.s32 @!p0 s1  }
0xf3: {  	[bflag:$0x3] =	sbarrier.arrive $0xFFFF  }
0xf4: {  	_ =	shalt  }

// kernel: kernel.7.cloned.1.call-start
scs
__scs_entry_jumppad:
0x0: {  	(pc) =	sbr.rel $0x88, $3  }
0x1: {  	(tag) =	ssettag $0x0;
	lr =	simm.s32 $0x1  }
0x2: {  	[smem:$0x3F8F] =	sst lr;
	_ =	strace $0xD0000000  }
0x3: {  	_ = 	snop  }
0x4: {  	_ = 	snop  }
0x5: {  	_ = 	snop  }
0x6: {  	_ = 	snop  }
0x7: {  	_ = 	snop  }
__scs_overlays_trampoline_lowered:
0x8: {  	[smem:$0x3F9E] =	sst s0  }
0x9: {  	[smem:$0x3F9F] =	sst s1  }
0xa: {  	[smem:$0x3FA0] =	sst s2  }
0xb: {  	[smem:$0x3FA1] =	sst s3  }
0xc: {  	[smem:$0x3FA2] =	sst s4  }
0xd: {  	[smem:$0x3FA3] =	sst s5  }
0xe: {  	[smem:$0x3FA4] =	sst s6  }
0xf: {  	[smem:$0x3FA5] =	sst s7  }
0x10: {  	[smem:$0x3FA6] =	sst s8  }
0x11: {  	[smem:$0x3FA7] =	sst s9;
	s0 =	simm.s32 @!p0 $0x0  }
0x12: {  	s1 =	sld [smem:$0x3F8D];
	s0 =	simm.s32 @p0 $0x1  }
0x13: {  	[smem:$0x3FA8] =	sst s0;
	s0 =	simm.s32 @!p1 $0x0  }
0x14: {  	s2 =	sld [smem:$0x3F8C];
	s0 =	simm.s32 @p1 $0x1  }
0x15: {  	[smem:$0x3FA9] =	sst s0;
	s0 =	simm.s32 @!p2 $0x0  }
0x16: {  	s3 =	sld [smem:$0x3FDB];
	s0 =	simm.s32 @p2 $0x1  }
0x17: {  	s4 =	simm.s32 $0x1BF5;
	[smem:$0x3FAB] =	sst s0  }
0x18: {  	s0 =	sld [smem:$0x3F8E];
	_ =	swait.ge [sflag:s4], $0x0  }
0x19: {  	s7 =	sld [smem:$0x3F8F]  }
0x1a: {  	s8 =	sadd.s32 $0xFFFFE003, lr  }
0x1b: {  	s9 =	sadd.s32 $0xFFFFFEF7, lr;
	s5 =	simm.s32 $0xFFFFFFFF;
	p2 =	slt.u32 s8, $0xFFFFF086  }
0x1c: {  	p1 =	slt.u32 s9, $0xF7A;
	s5 =	simm.s32 @!p2 $0x0  }
0x1d: {  	s5 =	simm.s32 @p1 $0x1;
	p0 =	seq.s32 s7, s2  }
0x1e: {  	s7 =	smul.u32 @!p0 $0xF7A, s2;
	p2 =	seq.s32 @!p0 s5, $0x0  }
0x1f: {  	s9 =	smul.u32 $0xF7A, s1;
	s8 =	simm.s32 @!p0 $0x1BF5;
	p2 =	por !p2, p0  }
0x20: {  	[sflag:s8] =	ssyncset.s32 @!p0 $0xFFFFF086;
	s6 =	sadd.s32 @!p0 s3, s7;
	s7 =	simm.s32 @!p0 $0x108  }
0x21: {  	s3 =	sadd.s32 s3, s9;
	s6 =	sadd.s32 @!p0 $0x88, s6;
	s7 =	simm.s32 @p2 $0x1082  }
0x22: {  	[simem:s7], [sflag:s8] =	dma.local @!p0 [hbm:s6], $0xF7A  }
0x23: {  	s9 =	sor.u32 $0xD0000000, s2;
	s6 =	simm.s32 $0x108;
	_ =	swait.ge @!p0 [sflag:s8], $0x0  }
0x24: {  	s3 =	sadd.s32 $0x88, s3;
	s6 =	simm.s32 @!p1 $0x1082;
	[sflag:s4] =	ssyncset.s32 $0xFFFFF086  }
0x25: {  	[simem:s6], [sflag:s4] =	dma.local [hbm:s3], $0xF7A  }
0x26: {  	[smem:$0x3F8F] =	sst s1;
	(tag) =	ssettag s2;
	_ =	strace s9  }
0x27: {  	s1 =	sld [smem:$0x3F9F]  }
0x28: {  	s2 =	sld [smem:$0x3FA0]  }
0x29: {  	s4 =	sld [smem:$0x3FA2]  }
0x2a: {  	p0 =	seq.s32 s5, $0x0;
	s5 =	sld [smem:$0x3FA3]  }
0x2b: {  	s6 =	sld [smem:$0x3FA4]  }
0x2c: {  	s7 =	sld [smem:$0x3FA5]  }
0x2d: {  	s3 =	simm.s32 $0x108;
	s8 =	sld [smem:$0x3FA6]  }
0x2e: {  	s3 =	simm.s32 @!p0 $0x1082;
	s9 =	sld [smem:$0x3FA7]  }
0x2f: {  	lr =	sadd.s32 s0, s3;
	s0 =	sld [smem:$0x3F9E]  }
0x30: {  	s3 =	sld [smem:$0x3FA1]  }
0x31: {  	[smem:$0x3FAA] =	sst s10  }
0x32: {  	s10 =	sld [smem:$0x3FA8];
	_ =	sdelay $0x3  }
0x33: {  	p0 =	seq.s32 s10, $0x1;
	s10 =	sld [smem:$0x3FAA];
	_ =	sdelay $0x3  }
0x34: {  	[smem:$0x3FAA] =	sst s10  }
0x35: {  	s10 =	sld [smem:$0x3FA9];
	_ =	sdelay $0x3  }
0x36: {  	p1 =	seq.s32 s10, $0x1;
	s10 =	sld [smem:$0x3FAA];
	_ =	sdelay $0x3  }
0x37: {  	[smem:$0x3FAA] =	sst s10  }
0x38: {  	s10 =	sld [smem:$0x3FAB]  }
0x39: {  	_ = 	snop;
	(pc) =	sbr.ind lr, $3  }
0x3a: {  	_ = 	snop  }
0x3b: {  	_ = 	snop  }
0x3c: {  	p2 =	seq.s32 s10, $0x1;
	s10 =	sld [smem:$0x3FAA]  }
0x3d: {  	_ =	shalt  }
0x3e: {  	_ =	shalt  }
0x3f: {  	_ =	shalt  }
0x40: {  	_ =	shalt  }
0x41: {  	_ =	shalt  }
0x42: {  	_ =	shalt  }
0x43: {  	_ =	shalt  }
0x44: {  	_ =	shalt  }
0x45: {  	_ =	shalt  }
0x46: {  	_ =	shalt  }
0x47: {  	_ =	shalt  }
0x48: {  	_ =	shalt  }
0x49: {  	_ =	shalt  }
0x4a: {  	_ =	shalt  }
0x4b: {  	_ =	shalt  }
0x4c: {  	_ =	shalt  }
0x4d: {  	_ =	shalt  }
0x4e: {  	_ =	shalt  }
0x4f: {  	_ =	shalt  }
0x50: {  	_ =	shalt  }
0x51: {  	_ =	shalt  }
0x52: {  	_ =	shalt  }
0x53: {  	_ =	shalt  }
0x54: {  	_ =	shalt  }
0x55: {  	_ =	shalt  }
0x56: {  	_ =	shalt  }
0x57: {  	_ =	shalt  }
0x58: {  	_ =	shalt  }
0x59: {  	_ =	shalt  }
0x5a: {  	_ =	shalt  }
0x5b: {  	_ =	shalt  }
0x5c: {  	_ =	shalt  }
0x5d: {  	_ =	shalt  }
0x5e: {  	_ =	shalt  }
0x5f: {  	_ =	shalt  }
0x60: {  	_ =	shalt  }
0x61: {  	_ =	shalt  }
0x62: {  	_ =	shalt  }
0x63: {  	_ =	shalt  }
0x64: {  	_ =	shalt  }
0x65: {  	_ =	shalt  }
0x66: {  	_ =	shalt  }
0x67: {  	_ =	shalt  }
0x68: {  	_ =	shalt  }
0x69: {  	_ =	shalt  }
0x6a: {  	_ =	shalt  }
0x6b: {  	_ =	shalt  }
0x6c: {  	_ =	shalt  }
0x6d: {  	_ =	shalt  }
0x6e: {  	_ =	shalt  }
0x6f: {  	_ =	shalt  }
0x70: {  	_ =	shalt  }
0x71: {  	_ =	shalt  }
0x72: {  	_ =	shalt  }
0x73: {  	_ =	shalt  }
0x74: {  	_ =	shalt  }
0x75: {  	_ =	shalt  }
0x76: {  	_ =	shalt  }
0x77: {  	_ =	shalt  }
0x78: {  	_ =	shalt  }
0x79: {  	_ =	shalt  }
0x7a: {  	_ =	shalt  }
0x7b: {  	_ =	shalt  }
0x7c: {  	_ =	shalt  }
0x7d: {  	_ =	shalt  }
0x7e: {  	_ =	shalt  }
0x7f: {  	_ =	shalt  }
0x80: {  	_ =	shalt  }
0x81: {  	_ =	shalt  }
0x82: {  	_ =	shalt  }
0x83: {  	_ =	shalt  }
0x84: {  	_ =	shalt  }
0x85: {  	_ =	shalt  }
0x86: {  	_ =	shalt  }
0x87: {  	_ =	shalt  }
.Lfunc_end0:
.L_simem_size_0:
called_computation_lowered:
.L_overlay_start_0:
0x88: {  	s2 =	sld [smem:$0x3FD9]  }
0x89: {  	s3 =	sld [smem:$0x3FFE];
	_ =	sdelay $0x1  }
0x8a: {  	s1 =	srdreg.scid  }
0x8b: {  	s0 =	sand.u32 $0x1, s1  }
0x8c: {  	s17 =	sshll.u32 s0, $0xA;
	s2 =	sadd.s32 s3, s2  }
0x8d: {  	s2 =	sadd.s32 s2, s17  }
0x8e: {  	[smem:$0x3FB6] =	sst s2  }
0x8f: {  	_ = 	snop  }
0x90: {  	s2 =	sld [smem:$0x3FD0];
	(tm) =	ssettm $0x1  }
0x91: {  	s18 =	sld [smem:$0x3FFB];
	_ =	sdelay $0x3  }
0x92: {  	_ =	strace s18  }
0x93: {  	s3 =	sld [smem:$0x3FFC];
	_ =	sdelay $0x3  }
0x94: {  	_ =	strace s3  }
0x95: {  	s3 =	sld [smem:$0x3FFD];
	_ =	sdelay $0x3  }
0x96: {  	_ =	strace s3  }
0x97: {  	_ =	strace $0x8FFFFFFF  }
0x98: {  	s19 =	sld [smem:$0x3FDB];
	_ =	sdelay $0x1  }
0x99: {  	s4 =	simm.s32 $_scs_section_size  }
0x9a: {  	s5 =	simm.s32 $_size__tile_overlayer_lowered;
	s6 =	simm.s32 $_tile_overlayer_lowered  }
0x9b: {  	s22 =	simm.s32 $0x1BFF;
	s21 =	sshll.u32 s6, $0x1;
	s3 =	sadd.s32 s4, s19  }
0x9c: {  	s7 =	simm.s32 $0x0;
	s20 =	sshll.u32 s5, $0x1;
	s5 =	sadd.s32 s21, s3  }
0x9d: {  	[timem:s7], [sflag:s22] =	dma.local [hbm:s5], s20  }
0x9e: {  	_ =	swait.ge [sflag:s22], s20  }
0x9f: {  	s4 =	ssub.s32 $0x0, s20;
	[sflag:s22] =	ssyncset.done $0x0  }
0xa0: {  	[sflag:s22] =	ssyncadd.s32 s4;
	_ =	sdelay $0x1  }
0xa1: {  	s23 =	simm.s32 $0x1B8B  }
0xa2: {  	_ =	swait.ge [sflag:s23], $0x1  }
0xa3: {  	[sflag:s23] =	ssyncset.done $0x0  }
0xa4: {  	s25 =	simm.s32 $0x1B8E;
	s24 =	sld [smem:$0x3FFE];
	[sflag:s23] =	ssyncadd.s32 $0xFFFFFFFF  }
0xa5: {  	s26 =	simm.s32 $execute0_lowered;
	[smem:$0x3FD2] =	sst s25  }
0xa6: {  	s5 =	sshll.u32 s26, $0x1;
	_ =	strace $0x80000046;
	[dreg:$0x1] =	wrdreg $0xFFFFFFFF  }
0xa7: {  	s28 =	simm.s32 $_size_execute0_lowered;
	s3 =	sadd.s32 s3, s5;
	[dreg:$0x0] =	wrdreg $0x0  }
0xa8: {  	s5 =	sshll.u32 s28, $0x1;
	[dreg:$0x2] =	wrdreg s3  }
0xa9: {  	[dreg:$0x3] =	wrdreg s5  }
0xaa: {  	[dreg:$0x4] =	wrdreg $0xC0  }
0xab: {  	_ =	task [dreg:s7], $0x5FFFF  }
0xac: {  	[dreg:$0x1] =	wrdreg $0xFFFFFFFF  }
0xad: {  	[dreg:$0x0] =	wrdreg $0x60  }
0xae: {  	[dreg:$0x2] =	wrdreg s2  }
0xaf: {  	[dreg:$0x3] =	wrdreg s24  }
0xb0: {  	[dreg:$0x4] =	wrdreg $0x19F000  }
0xb1: {  	[dreg:$0x5] =	wrdreg $0x150000  }
0xb2: {  	[dreg:$0x6] =	wrdreg $0x9  }
0xb3: {  	_ =	task.clear_ibuf [dreg:s7], $0x7FFFF;
	_ =	strace $0x90000046  }
0xb4: {  	s29 =	simm.s32 $0x9;
	_ =	strace $0x80000048  }
0xb5: {  	_ =	swait.ge [sflag:s29], $0x1  }
0xb6: {  	[sflag:s29] =	ssyncadd.s32 $0xFFFFFFFF  }
0xb7: {  	_ =	strace $0x90000048  }
0xb8: {  	_ =	sfence  }
0xb9: {  	s30 =	sld [smem:$0x0];
	_ =	sdelay $0x2  }
0xba: {  	s31 =	sshll.u32 s1, $0xD;
	s1 =	sshrl.u32 s1, $0x2  }
0xbb: {  	s3 =	sand.u32 $0x4000, s31;
	s1 =	sadd.s32 s1, s30  }
0xbc: {  	s0 =	sor.u32 s3, s0;
	s1 =	sshll.u32 s1, $0x11  }
0xbd: {  	s0 =	sor.u32 s1, s0  }
0xbe: {  	s0 =	sadd.s32 $0x8F2B, s0  }
0xbf: {  	[sflag:s0] =	ssyncadd.remote.s32 $0x1  }
0xc0: {  	_ =	sfence.sel $0xFFFF  }
0xc1: {  	[dreg:$0x0] =	wrdreg $0xFFFFFFFF;
	(pc) =	sbr.abs _section_cstart, $3  }
0xc2: {  	[dreg:$0x1] =	wrdreg $0xFFFFFFFF  }
0xc3: {  	_ =	task.clear_ibuf [dreg:s7], $0x2FFFF;
	_ =	strace $0x9FFFFFFF  }
0xc4: {  	(tm) =	ssettm $0x7FFFFFFF  }
0xc5: {  	_ =	shalt  }
tec
execute0_lowered:
.L_overlay_start_1:
0x0: {  	(tag) =	ssettag $0x1  }
0x1: {  	s0 =	rddreg [dreg:$0x0]  }
0x2: {  	s5 =	rddreg [dreg:$0x1]  }
0x3: {  	s1 =	srdreg.scid;
	s2 =	rddreg [dreg:$0x2]  }
0x4: {  	s14 =	stileid.u32;
	s3 =	rddreg [dreg:$0x3]  }
0x5: {  	s17 =	simm.s32 $0x5000;
	s18 =	simm.s32 $0x9;
	s23 =	simm.s32 $0xD000  }
0x6: {  	s19 =	simm.s32 $0xA;
	s24 =	simm.s32 $0xF000;
	s20 =	simm.s32 $0x1  }
0x7: {  	s25 =	simm.s32 $0x11000;
	s21 =	simm.s32 $0x100;
	s28 =	simm.s32 $0xB000  }
0x8: {  	s29 =	simm.s32 $0x2;
	s30 =	simm.s32 $0x3;
	s9 =	smul.u32 $0x4F00, s14  }
0x9: {  	s31 =	simm.s32 $0x4;
	s1 =	sand.u32 $0x1, s1;
	s12 =	smul.u32 $0x13C00, s14  }
0xa: {  	s26 =	sshll.u32 s14, $0x6;
	s4 =	sshll.u32 s1, $0x4;
	s8 =	smul.u32 $0x9E00, s1  }
0xb: {  	s1 =	ssub.s32 $0x2, s1;
	s6 =	sor.u32 s14, s4;
	s4 =	simm.s32 $0x0  }
0xc: {  	s11 =	sshrl.u32 s1, $0x1;
	s13 =	sadd.s32 s9, s2;
	s14 =	sshrl.u32 s12, $0x2  }
0xd: {  	s12 =	sadd.s32 $0xC640, s5;
	s7 =	smul.u32 $0x500, s6;
	[smem:$0x7FF] =	sst s4  }
0xe: {  	s22 =	sshrl.u32 s13, $0x3;
	_ =	strace $0x80000047;
	[dreg:$0xb] =	wrdreg s26  }
0xf: {  	s8 =	sadd.s32 s8, s5;
	s1 =	ssub.s32 s1, s11;
	[dreg:$0x12] =	wrdreg s22  }
0x10: {  	s11 =	sshrl.u32 s9, $0x3;
	p0 =	sne.s32 s6, $0x1F;
	[dreg:$0x6] =	wrdreg s23  }
0x11: {  	s6 =	simm.s32 $0x11;
	s0 =	sadd.s32 s0, s11;
	[dreg:$0x7] =	wrdreg s24  }
0x12: {  	s16 =	sadd.s32 $0x16400, s8;
	s1 =	smax.u32 s1, $0x1;
	[dreg:$0x8] =	wrdreg s25  }
0x13: {  	s22 =	simm.s32 $0x7000;
	s25 =	simm.s32 $0x9000;
	[dreg:$0xa] =	wrdreg s0  }
0x14: {  	s23 =	simm.s32 $0x7;
	s0 =	sor.u32 $0x1C01, s26;
	[dreg:$0x11] =	wrdreg s1  }
0x15: {  	s10 =	sadd.s32 s7, s5;
	s5 =	sadd.s32 $0xC500, s5;
	[dreg:$0xc] =	wrdreg s0  }
0x16: {  	s8 =	simm.s32 $0xD;
	s1 =	sadd.s32 @p0 s7, s12;
	[dreg:$0xe] =	wrdreg s5  }
0x17: {  	s26 =	simm.s32 $0x13000;
	s10 =	sadd.s32 $0x2A00, s10;
	[dreg:$0x13] =	wrdreg s1  }
0x18: {  	s0 =	sadd.s32 s14, s3;
	s1 =	sadd.s32 @!p0 $0x9B00, s12;
	[dreg:$0x9] =	wrdreg s26  }
0x19: {  	s26 =	simm.s32 $0x8;
	s12 =	simm.s32 $0x10;
	[dreg:$0xd] =	wrdreg s10  }
0x1a: {  	s10 =	sadd.s32 s9, s3;
	s15 =	sadd.s32 $0x2000, s0;
	[dreg:$0x14] =	wrdreg s1  }
0x1b: {  	s0 =	sadd.s32 $0x4000, s0;
	s1 =	simm.s32 $0x5;
	[dreg:$0xf] =	wrdreg s15  }
0x1c: {  	s9 =	simm.s32 $0xE;
	[dreg:$0x10] =	wrdreg s0;
	s0 =	sadd.s32 s11, s16  }
0x1d: {  	v0 =	vimm.f32 $0.0e+00;
	s11 =	simm.s32 $0xF;
	[dreg:$0x15] =	wrdreg s0;
	s0 =	simm.s32 $0x6  }
.LBB2_1:
0x1e: {  	s5 =	rddreg [dreg:$0xa]  }
0x1f: {  	s7 =	rddreg [dreg:$0xc]  }
0x20: {  	s13 =	rddreg [dreg:$0x12]  }
0x21: {  	[spmem:s13], [sflag:s7] =	dma.local [hbm:s5], $0x9E0  }
0x22: {  	s14 =	simm.s32 $0x0;
	s13 =	simm.s32 $0x80  }
.LBB2_2:
0x23: {  	p1 =	sne.s32 s13, $0x7F80;
	[tilespmem:s14+$0x5000] =	vst v0;
	s15 =	smov.u32 s13;
	s13 =	sadd.s32 $0x80, s13  }
.Ltmp0:
0x24: {  	[tilespmem:s14+$0x5010] =	vst v0;
	(pc) =	sbr.rel @p1 .LBB2_2-.Ltmp0, $2  }
0x25: {  	_ =	sdelay $0x2  }
0x26: {  	s14 =	sshra.s32 s15, $0x2  }
0x27: {  	[tilespmem:s14+$0x5000] =	vst v0  }
0x28: {  	[tilespmem:s14+$0x5010] =	vst v0;
	s13 =	simm.s32 @p0 $0x0;
	s5 =	rddreg [dreg:$0xd];
	s14 =	simm.s32 @p0 $0x11  }
0x29: {  	[tilespmem:s13], [sflag:$0x11] =	stream.linear.gather @p0 [hbm4b:s5+s13], $0x2800, $0x38;
	[tilespmem:$0x1EE00] =	vst v63  }
0x2a: {  	_ =	swait.ge @p0 [sflag:s14], $0x2800  }
0x2b: {  	[sflag:s14] =	ssyncset.done @p0 $0x0  }
0x2c: {  	s15 =	simm.s32 @p0 $0x2800;
	s5 =	rddreg [dreg:$0x13];
	[sflag:s14] =	ssyncadd.s32 @p0 $0xFFFFD800  }
0x2d: {  	[tilespmem:s15], [sflag:$0x11] =	stream.linear.gather @p0 [hbm4b:s5+s13], $0x2800, $0x38;
	[tilespmem:$0x1EE00] =	vst v63  }
0x2e: {  	_ =	swait.ge @p0 [sflag:s14], $0x2800  }
0x2f: {  	s13 =	simm.s32 @!p0 $0x0;
	[sflag:s14] =	ssyncset.done @p0 $0x0  }
0x30: {  	s5 =	rddreg [dreg:$0xe];
	[sflag:s14] =	ssyncadd.s32 @p0 $0xFFFFD800;
	s14 =	simm.s32 @!p0 $0x11  }
0x31: {  	[tilespmem:s13], [sflag:$0x11] =	stream.linear.gather @!p0 [hbm4b:s5+s13], $0xA00, $0x38;
	[tilespmem:$0x1EE00] =	vst v63  }
0x32: {  	_ =	swait.ge @!p0 [sflag:s14], $0xA00  }
0x33: {  	[sflag:s14] =	ssyncset.done @!p0 $0x0  }
0x34: {  	s15 =	simm.s32 @!p0 $0x2800;
	s5 =	rddreg [dreg:$0x14];
	[sflag:s14] =	ssyncadd.s32 @!p0 $0xFFFFF600  }
0x35: {  	[tilespmem:s15], [sflag:$0x11] =	stream.linear.gather @!p0 [hbm4b:s5+s13], $0xA00, $0x38;
	[tilespmem:$0x1EE00] =	vst v63  }
0x36: {  	_ =	swait.ge @!p0 [sflag:s14], $0xA00  }
0x37: {  	[sflag:s14] =	ssyncset.done @!p0 $0x0  }
0x38: {  	[sflag:s14] =	ssyncadd.s32 @!p0 $0xFFFFF600  }
0x39: {  	[spmem:s10] =	stream.linear.scatter [tilespmem:s17], [sflag:$0x9], $0x2000, $0x38;
	[tilespmem:$0x1EE00] =	vst v63  }
0x3a: {  	s14 =	rddreg [dreg:$0xf]  }
0x3b: {  	[spmem:s14] =	stream.linear.scatter [tilespmem:s17], [sflag:$0xA], $0x2000, $0x38;
	[tilespmem:$0x1EE00] =	vst v63  }
0x3c: {  	s15 =	rddreg [dreg:$0x10]  }
0x3d: {  	[spmem:s15] =	stream.linear.scatter [tilespmem:s17], [sflag:$0xB], $0xF00, $0x38;
	[tilespmem:$0x1EE00] =	vst v63  }
0x3e: {  	_ =	swait.ge [sflag:s18], $0x2000  }
0x3f: {  	[sflag:s18] =	ssyncset.done $0x0  }
0x40: {  	[sflag:s18] =	ssyncadd.s32 $0xFFFFE000  }
0x41: {  	_ =	swait.ge [sflag:s19], $0x2000  }
0x42: {  	[sflag:s19] =	ssyncset.done $0x0  }
0x43: {  	s13 =	simm.s32 $0xB;
	[sflag:s19] =	ssyncadd.s32 $0xFFFFE000  }
0x44: {  	_ =	swait.ge [sflag:s13], $0xF00  }
0x45: {  	[sflag:s13] =	ssyncset.done $0x0  }
0x46: {  	[sflag:s13] =	ssyncadd.s32 $0xFFFFF100  }
0x47: {  	_ =	swait.ge [sflag:s20], $0x9E0  }
0x48: {  	[sflag:s20] =	ssyncset.done $0x0  }
0x49: {  	[sflag:s20] =	ssyncadd.s32 $0xFFFFF620  }
0x4a: {  	s14 =	simm.s32 $0x0;
	[bflag:$0x0] =	sbarrier.arrive $0xFFFF  }
0x4b: {  	[tilespmem:s17], [sflag:$0x1] =	stream.indirect.gather [spmem:s2], $0x20, s14, s21, $0xb8;
	[tilespmem:$0x1EE00] =	vst v63  }
0x4c: {  	s15 =	simm.s32 @!p0 $0x1  }
0x4d: {  	[tilespmem:s22], [sflag:$0x2] =	stream.indirect.gather [spmem:s2], $0x20, s21, s21, $0xb8;
	[tilespmem:$0x1EE00] =	vst v63  }
0x4e: {  	s16 =	simm.s32 $0x200;
	s15 =	simm.s32 @p0 $0x5  }
0x4f: {  	[tilespmem:s25], [sflag:$0x3] =	stream.indirect.gather [spmem:s2], $0x20, s16, s21, $0xb8;
	[tilespmem:$0x1EE00] =	vst v63  }
0x50: {  	s16 =	sshll.u32 s15, $0xD  }
0x51: {  	s24 =	simm.s32 $0x300;
	s15 =	sshll.u32 s15, $0x3;
	[dreg:$0x5] =	wrdreg s16  }
0x52: {  	[tilespmem:s28], [sflag:$0x4] =	stream.indirect.gather [spmem:s2], $0x20, s24, s21, $0xb8;
	[tilespmem:$0x1EE00] =	vst v63  }
.LBB2_4:
0x53: {  	_ =	swait.ge [sflag:s20], $0x2000;
	s5 =	sadd.s32 $0xFFFFFFF9, s13  }
0x54: {  	s16 =	sshra.s32 s14, $0x2;
	[sflag:s20] =	ssyncset.done $0x0;
	p1 =	sge.u32 s5, s15  }
0x55: {  	s24 =	sadd.s32 $0x2800, s16;
	[sflag:s20] =	ssyncadd.s32 $0xFFFFE000;
	p2 =	seq.s32 @!p1 s14, $0x0  }
0x56: {  	[spmem:s3] =	stream.indirect.scatter.add.f32 [tilespmem:s17], [sflag:$0x9], $0x20, s24, s21, $0xb8;
	[tilespmem:$0x1EE00] =	vst v63  }
0x57: {  	p2 =	por p2, p1  }
0x58: {  	s24 =	simm.s32 @!p2 $0xD  }
0x59: {  	_ =	swait.ge @!p2 [sflag:s24], $0x2000  }
0x5a: {  	[sflag:s24] =	ssyncset.done @!p2 $0x0  }
0x5b: {  	[sflag:s24] =	ssyncadd.s32 @!p2 $0xFFFFE000;
	s24 =	sshra.s32 @!p1 s14, $0x2  }
0x5c: {  	s5 =	simm.s32 @!p1 $0x100;
	s7 =	simm.s32 @!p1 $0xD000;
	s24 =	sadd.s32 @!p1 $0x400, s24  }
0x5d: {  	[tilespmem:s7], [sflag:$0x5] =	stream.indirect.gather @!p1 [spmem:s2], $0x20, s24, s5, $0xb8;
	[tilespmem:$0x1EE00] =	vst v63  }
0x5e: {  	s24 =	sadd.s32 $0xFFFFFFFA, s13  }
0x5f: {  	_ =	swait.ge [sflag:s29], $0x2000;
	p1 =	sge.u32 s24, s15  }
0x60: {  	[sflag:s29] =	ssyncset.done $0x0;
	p2 =	seq.s32 @!p1 s14, $0x0  }
0x61: {  	s7 =	sadd.s32 $0x2900, s16;
	[sflag:s29] =	ssyncadd.s32 $0xFFFFE000;
	p2 =	por p2, p1  }
0x62: {  	[spmem:s3] =	stream.indirect.scatter.add.f32 [tilespmem:s22], [sflag:$0xA], $0x20, s7, s21, $0xb8;
	[tilespmem:$0x1EE00] =	vst v63  }
0x63: {  	s5 =	simm.s32 @!p2 $0xE  }
0x64: {  	_ =	swait.ge @!p2 [sflag:s5], $0x2000  }
0x65: {  	[sflag:s5] =	ssyncset.done @!p2 $0x0  }
0x66: {  	[sflag:s5] =	ssyncadd.s32 @!p2 $0xFFFFE000;
	s5 =	sshra.s32 @!p1 s14, $0x2  }
0x67: {  	s24 =	simm.s32 @!p1 $0xF000;
	s7 =	simm.s32 @!p1 $0x100;
	s5 =	sadd.s32 @!p1 $0x500, s5  }
0x68: {  	[tilespmem:s24], [sflag:$0x6] =	stream.indirect.gather @!p1 [spmem:s2], $0x20, s5, s7, $0xb8;
	[tilespmem:$0x1EE00] =	vst v63  }
0x69: {  	s24 =	sadd.s32 $0xFFFFFFFB, s13  }
0x6a: {  	_ =	swait.ge [sflag:s30], $0x2000;
	p1 =	sge.u32 s24, s15  }
0x6b: {  	[sflag:s30] =	ssyncset.done $0x0;
	p2 =	seq.s32 @!p1 s14, $0x0  }
0x6c: {  	s7 =	sadd.s32 $0x2A00, s16;
	[sflag:s30] =	ssyncadd.s32 $0xFFFFE000;
	p2 =	por p2, p1  }
0x6d: {  	[spmem:s3] =	stream.indirect.scatter.add.f32 [tilespmem:s25], [sflag:$0xB], $0x20, s7, s21, $0xb8;
	[tilespmem:$0x1EE00] =	vst v63  }
0x6e: {  	s5 =	simm.s32 @!p2 $0xF  }
0x6f: {  	_ =	swait.ge @!p2 [sflag:s5], $0x2000  }
0x70: {  	[sflag:s5] =	ssyncset.done @!p2 $0x0  }
0x71: {  	[sflag:s5] =	ssyncadd.s32 @!p2 $0xFFFFE000;
	s5 =	sshra.s32 @!p1 s14, $0x2  }
0x72: {  	s24 =	simm.s32 @!p1 $0x11000;
	s7 =	simm.s32 @!p1 $0x100;
	s5 =	sadd.s32 @!p1 $0x600, s5  }
0x73: {  	[tilespmem:s24], [sflag:$0x7] =	stream.indirect.gather @!p1 [spmem:s2], $0x20, s5, s7, $0xb8;
	[tilespmem:$0x1EE00] =	vst v63  }
0x74: {  	s24 =	sadd.s32 $0xFFFFFFFC, s13  }
0x75: {  	_ =	swait.ge [sflag:s31], $0x2000;
	p1 =	sge.u32 s24, s15  }
0x76: {  	[sflag:s31] =	ssyncset.done $0x0;
	p2 =	seq.s32 @!p1 s14, $0x0  }
0x77: {  	s7 =	sadd.s32 $0x2B00, s16;
	[sflag:s31] =	ssyncadd.s32 $0xFFFFE000;
	p2 =	por p2, p1  }
0x78: {  	[spmem:s3] =	stream.indirect.scatter.add.f32 [tilespmem:s28], [sflag:$0xC], $0x20, s7, s21, $0xb8;
	[tilespmem:$0x1EE00] =	vst v63  }
0x79: {  	s5 =	simm.s32 @!p2 $0x10  }
0x7a: {  	_ =	swait.ge @!p2 [sflag:s5], $0x2000  }
0x7b: {  	[sflag:s5] =	ssyncset.done @!p2 $0x0  }
0x7c: {  	[sflag:s5] =	ssyncadd.s32 @!p2 $0xFFFFE000;
	s5 =	sshra.s32 @!p1 s14, $0x2  }
0x7d: {  	s24 =	simm.s32 @!p1 $0x13000;
	s7 =	simm.s32 @!p1 $0x100;
	s5 =	sadd.s32 @!p1 $0x700, s5  }
0x7e: {  	[tilespmem:s24], [sflag:$0x8] =	stream.indirect.gather @!p1 [spmem:s2], $0x20, s5, s7, $0xb8;
	[tilespmem:$0x1EE00] =	vst v63  }
0x7f: {  	_ =	swait.ge [sflag:s1], $0x2000  }
0x80: {  	[sflag:s1] =	ssyncset.done $0x0  }
0x81: {  	s24 =	sadd.s32 $0x2C00, s16;
	s7 =	rddreg [dreg:$0x6];
	[sflag:s1] =	ssyncadd.s32 $0xFFFFE000  }
0x82: {  	[spmem:s3] =	stream.indirect.scatter.add.f32 [tilespmem:s7], [sflag:$0xD], $0x20, s24, s21, $0xb8;
	[tilespmem:$0x1EE00] =	vst v63  }
0x83: {  	s24 =	sadd.s32 $0xFFFFFFFD, s13  }
0x84: {  	p1 =	sge.u32 s24, s15  }
0x85: {  	s5 =	simm.s32 @!p1 $0x9  }
0x86: {  	_ =	swait.ge @!p1 [sflag:s5], $0x2000  }
0x87: {  	[sflag:s5] =	ssyncset.done @!p1 $0x0  }
0x88: {  	[sflag:s5] =	ssyncadd.s32 @!p1 $0xFFFFE000;
	s5 =	sshra.s32 @!p1 s14, $0x2  }
0x89: {  	s7 =	simm.s32 @!p1 $0x100;
	s24 =	simm.s32 @!p1 $0x5000;
	s5 =	sadd.s32 @!p1 $0x800, s5  }
0x8a: {  	[tilespmem:s24], [sflag:$0x1] =	stream.indirect.gather @!p1 [spmem:s2], $0x20, s5, s7, $0xb8;
	[tilespmem:$0x1EE00] =	vst v63  }
0x8b: {  	_ =	swait.ge [sflag:s0], $0x2000  }
0x8c: {  	[sflag:s0] =	ssyncset.done $0x0  }
0x8d: {  	s24 =	sadd.s32 $0x2D00, s16;
	s7 =	rddreg [dreg:$0x7];
	[sflag:s0] =	ssyncadd.s32 $0xFFFFE000  }
0x8e: {  	[spmem:s3] =	stream.indirect.scatter.add.f32 [tilespmem:s7], [sflag:$0xE], $0x20, s24, s21, $0xb8;
	[tilespmem:$0x1EE00] =	vst v63  }
0x8f: {  	s24 =	sadd.s32 $0xFFFFFFFE, s13  }
0x90: {  	p1 =	sge.u32 s24, s15  }
0x91: {  	s5 =	simm.s32 @!p1 $0xA  }
0x92: {  	_ =	swait.ge @!p1 [sflag:s5], $0x2000  }
0x93: {  	[sflag:s5] =	ssyncset.done @!p1 $0x0  }
0x94: {  	[sflag:s5] =	ssyncadd.s32 @!p1 $0xFFFFE000;
	s5 =	sshra.s32 @!p1 s14, $0x2  }
0x95: {  	s7 =	simm.s32 @!p1 $0x100;
	s24 =	simm.s32 @!p1 $0x7000;
	s5 =	sadd.s32 @!p1 $0x900, s5  }
0x96: {  	[tilespmem:s24], [sflag:$0x2] =	stream.indirect.gather @!p1 [spmem:s2], $0x20, s5, s7, $0xb8;
	[tilespmem:$0x1EE00] =	vst v63  }
0x97: {  	_ =	swait.ge [sflag:s23], $0x2000  }
0x98: {  	[sflag:s23] =	ssyncset.done $0x0  }
0x99: {  	s24 =	sadd.s32 $0x2E00, s16;
	s7 =	rddreg [dreg:$0x8];
	[sflag:s23] =	ssyncadd.s32 $0xFFFFE000  }
0x9a: {  	[spmem:s3] =	stream.indirect.scatter.add.f32 [tilespmem:s7], [sflag:$0xF], $0x20, s24, s21, $0xb8;
	[tilespmem:$0x1EE00] =	vst v63  }
0x9b: {  	s24 =	sadd.s32 $0xFFFFFFFF, s13  }
0x9c: {  	p1 =	sge.u32 s24, s15  }
0x9d: {  	s5 =	simm.s32 @!p1 $0xB  }
0x9e: {  	_ =	swait.ge @!p1 [sflag:s5], $0x2000  }
0x9f: {  	[sflag:s5] =	ssyncset.done @!p1 $0x0  }
0xa0: {  	[sflag:s5] =	ssyncadd.s32 @!p1 $0xFFFFE000;
	s5 =	sshra.s32 @!p1 s14, $0x2  }
0xa1: {  	s7 =	simm.s32 @!p1 $0x100;
	s24 =	simm.s32 @!p1 $0x9000;
	s5 =	sadd.s32 @!p1 $0xA00, s5  }
0xa2: {  	[tilespmem:s24], [sflag:$0x3] =	stream.indirect.gather @!p1 [spmem:s2], $0x20, s5, s7, $0xb8;
	[tilespmem:$0x1EE00] =	vst v63  }
0xa3: {  	_ =	swait.ge [sflag:s26], $0x2000  }
0xa4: {  	s24 =	sadd.s32 $0x2F00, s16;
	p1 =	sge.u32 s13, s15;
	[sflag:s26] =	ssyncset.done $0x0  }
0xa5: {  	s5 =	simm.s32 @!p1 $0xC;
	s7 =	rddreg [dreg:$0x9];
	[sflag:s26] =	ssyncadd.s32 $0xFFFFE000  }
0xa6: {  	[spmem:s3] =	stream.indirect.scatter.add.f32 [tilespmem:s7], [sflag:$0x10], $0x20, s24, s21, $0xb8;
	[tilespmem:$0x1EE00] =	vst v63  }
0xa7: {  	s16 =	simm.s32 @!p1 $0xB000;
	s7 =	sshra.s32 @!p1 s14, $0x2;
	_ =	swait.ge @!p1 [sflag:s5], $0x2000  }
0xa8: {  	s14 =	sadd.s32 $0x2000, s14;
	[sflag:s5] =	ssyncset.done @!p1 $0x0;
	s24 =	rddreg [dreg:$0x5]  }
0xa9: {  	[sflag:s5] =	ssyncadd.s32 @!p1 $0xFFFFE000;
	s5 =	sadd.s32 @!p1 $0xB00, s7;
	s7 =	simm.s32 @!p1 $0x100  }
0xaa: {  	[tilespmem:s16], [sflag:$0x4] =	stream.indirect.gather @!p1 [spmem:s2], $0x20, s5, s7, $0xb8;
	[tilespmem:$0x1EE00] =	vst v63  }
0xab: {  	p1 =	sne.s32 s24, s14  }
.Ltmp1:
0xac: {  	_ = 	snop;
	(pc) =	sbr.rel @p1 .LBB2_4-.Ltmp1, $2  }
0xad: {  	_ =	sdelay $0x2  }
0xae: {  	s13 =	sadd.s32 $0x8, s13  }
0xaf: {  	_ =	swait.ge [sflag:s18], $0x2000  }
0xb0: {  	[sflag:s18] =	ssyncset.done $0x0  }
0xb1: {  	[sflag:s18] =	ssyncadd.s32 $0xFFFFE000  }
0xb2: {  	_ =	swait.ge [sflag:s19], $0x2000  }
0xb3: {  	[sflag:s19] =	ssyncset.done $0x0  }
0xb4: {  	s5 =	simm.s32 $0xB;
	[sflag:s19] =	ssyncadd.s32 $0xFFFFE000  }
0xb5: {  	_ =	swait.ge [sflag:s5], $0x2000  }
0xb6: {  	[sflag:s5] =	ssyncset.done $0x0  }
0xb7: {  	s13 =	simm.s32 $0xC;
	[sflag:s5] =	ssyncadd.s32 $0xFFFFE000  }
0xb8: {  	_ =	swait.ge [sflag:s13], $0x2000  }
0xb9: {  	[sflag:s13] =	ssyncset.done $0x0  }
0xba: {  	[sflag:s13] =	ssyncadd.s32 $0xFFFFE000  }
0xbb: {  	_ =	swait.ge [sflag:s8], $0x2000  }
0xbc: {  	[sflag:s8] =	ssyncset.done $0x0  }
0xbd: {  	[sflag:s8] =	ssyncadd.s32 $0xFFFFE000  }
0xbe: {  	_ =	swait.ge [sflag:s9], $0x2000  }
0xbf: {  	[sflag:s9] =	ssyncset.done $0x0  }
0xc0: {  	[sflag:s9] =	ssyncadd.s32 $0xFFFFE000  }
0xc1: {  	_ =	swait.ge [sflag:s11], $0x2000  }
0xc2: {  	[sflag:s11] =	ssyncset.done $0x0  }
0xc3: {  	[sflag:s11] =	ssyncadd.s32 $0xFFFFE000  }
0xc4: {  	_ =	swait.ge [sflag:s12], $0x2000  }
0xc5: {  	s7 =	simm.s32 @!p0 $0x800;
	[sflag:s12] =	ssyncset.done $0x0  }
0xc6: {  	s5 =	simm.s32 @!p0 $0x100;
	s13 =	simm.s32 @!p0 $0x5000;
	[sflag:s12] =	ssyncadd.s32 $0xFFFFE000  }
0xc7: {  	[tilespmem:s13], [sflag:$0x11] =	stream.indirect.gather @!p0 [spmem:s2], $0x20, s7, s5, $0xb8;
	[tilespmem:$0x1EE00] =	vst v63  }
0xc8: {  	s7 =	simm.s32 @!p0 $0x11  }
0xc9: {  	_ =	swait.ge @!p0 [sflag:s7], $0x2000  }
0xca: {  	[sflag:s7] =	ssyncset.done @!p0 $0x0  }
0xcb: {  	s14 =	simm.s32 @!p0 $0x3000;
	[sflag:s7] =	ssyncadd.s32 @!p0 $0xFFFFE000  }
0xcc: {  	[spmem:s3] =	stream.indirect.scatter.add.f32 @!p0 [tilespmem:s13], [sflag:$0x11], $0x20, s14, s5, $0xb8;
	[tilespmem:$0x1EE00] =	vst v63  }
0xcd: {  	_ =	swait.ge @!p0 [sflag:s7], $0x2000  }
0xce: {  	[sflag:s7] =	ssyncset.done @!p0 $0x0  }
0xcf: {  	s13 =	simm.s32 @!p0 $0x900;
	s14 =	simm.s32 @!p0 $0x7000;
	[sflag:s7] =	ssyncadd.s32 @!p0 $0xFFFFE000  }
0xd0: {  	[tilespmem:s14], [sflag:$0x11] =	stream.indirect.gather @!p0 [spmem:s2], $0x20, s13, s5, $0xb8;
	[tilespmem:$0x1EE00] =	vst v63  }
0xd1: {  	_ =	swait.ge @!p0 [sflag:s7], $0x2000  }
0xd2: {  	[sflag:s7] =	ssyncset.done @!p0 $0x0  }
0xd3: {  	s13 =	simm.s32 @!p0 $0x3100;
	[sflag:s7] =	ssyncadd.s32 @!p0 $0xFFFFE000  }
0xd4: {  	[spmem:s3] =	stream.indirect.scatter.add.f32 @!p0 [tilespmem:s14], [sflag:$0x11], $0x20, s13, s5, $0xb8;
	[tilespmem:$0x1EE00] =	vst v63  }
0xd5: {  	_ =	swait.ge @!p0 [sflag:s7], $0x2000  }
0xd6: {  	[sflag:s7] =	ssyncset.done @!p0 $0x0  }
0xd7: {  	[sflag:s7] =	ssyncadd.s32 @!p0 $0xFFFFE000  }
0xd8: {  	[bflag:$0x0] =	sbarrier.arrive $0xFFFF  }
0xd9: {  	s14 =	rddreg [dreg:$0xb]  }
0xda: {  	s15 =	sshrl.u32 s10, $0x3;
	s16 =	rddreg [dreg:$0x15];
	s5 =	sor.u32 $0x1C11, s14  }
0xdb: {  	[hbm:s16], [sflag:s5] =	dma.local [spmem:s15], $0x9E0  }
0xdc: {  	_ =	swait.ge [sflag:s6], $0x9E0  }
0xdd: {  	s4 =	sadd.s32 $0x1, s4;
	s24 =	rddreg [dreg:$0x11]  }
0xde: {  	p1 =	sne.s32 s4, s24  }
.Ltmp2:
0xdf: {  	_ = 	snop;
	(pc) =	sbr.rel @p1 .LBB2_1-.Ltmp2, $3  }
0xe0: {  	_ =	sdelay $0x1  }
0xe1: {  	[sflag:s6] =	ssyncset.done $0x0  }
0xe2: {  	[sflag:s6] =	ssyncadd.s32 $0xFFFFF620  }
0xe3: {  	_ =	sfence.sel $0x180000  }
0xe4: {  	[bflag:$0x0] =	sbarrier.arrive $0xFFFF  }
0xe5: {  	_ =	strace $0x90000047  }
0xe6: {  	s0 =	stileid.u32;
	[bflag:$0x2] =	sbarrier.arrive $0xFFFF  }
0xe7: {  	p0 =	sne.s32 s0, $0x0;
	s0 =	rddreg [dreg:$0x4]  }
0xe8: {  	s0 =	sadd.s32 @!p0 $0x100000, s0  }
0xe9: {  	[sflag:s0] =	ssyncadd.tile.s32 @!p0 $0x1;
	_ =	shalt  }
.Lfunc_end2:
_tile_overlayer_lowered:
.L_overlay_start_2:
0xea: {  	(tag) =	ssettag $0x2  }
0xeb: {  	s0 =	rddreg [dreg:$0x0];
	s2 =	stileid.u32  }
0xec: {  	s1 =	rddreg [dreg:$0x1];
	p0 =	sne.s32 s2, $0x0  }
0xed: {  	s3 =	rddreg [dreg:$0x2];
	[bflag:$0x3] =	sbarrier.arrive $0xFFFF;
	s2 =	simm.s32 @!p0 $0x1C11  }
0xee: {  	[timem:s3], [sflag:s2] =	dma.local @!p0 [hbm:s0], s1  }
0xef: {  	s0 =	simm.s32 @!p0 $0x11  }
0xf0: {  	_ =	swait.ge @!p0 [sflag:s0], s1  }
0xf1: {  	s1 =	ssub.s32 @!p0 $0x0, s1;
	[sflag:s0] =	ssyncset.done @!p0 $0x0  }
0xf2: {  	[sflag:s0] =	ssyncadd.s32 @!p0 s1  }
0xf3: {  	[bflag:$0x3] =	sbarrier.arrive $0xFFFF  }
0xf4: {  	_ =	shalt  }

</sc_bundles>
